<compile_context>
chip_gen: v7x
topology: tpu7x:2x2x1
jax: 0.10.2.dev20260603
libtpu: 0.0.44.dev20260713+nightly
codegen_flags: <defaults>
</compile_context>

<pallas_src>
import numpy as np
import jax
import jax.numpy as jnp
from jax import lax
from jax.experimental import pallas as pl
from jax.experimental.pallas import tpu as pltpu
from jax.experimental.pallas import tpu_sc as plsc

_B = 4
_S = 4096
_C = 1024
_K = 512
_L = 16
_NC, _NS = 2, 16
_NW = _NC * _NS
_NG = _C // _L
_NTASK = _B * _NG
_TPW = _NTASK // _NW

_SIGN = np.int32(-2**31)


def _key_tf(kb):
    return kb ^ (lax.shift_right_arithmetic(kb, 31) & np.int32(0x7FFFFFFF))


def _digit(k, shift):
    if shift == 24:
        return lax.shift_right_logical(k ^ _SIGN, 24)
    return lax.shift_right_logical(k, shift) & np.int32(0xFF)


def _sc_body(inp, out, buf, hist, offs, outb, sem_in):
    wid = lax.axis_index("s") * _NC + lax.axis_index("c")
    lane = lax.iota(jnp.int32, _L)
    zeros = jnp.zeros((_L,), jnp.int32)
    ones = jnp.ones((_L,), jnp.int32)

    def _in_slice(task):
        b = task // _NG
        c0 = (task % _NG) * _L
        return inp.at[b, :, pl.ds(c0, _L)]

    pltpu.async_copy(_in_slice(wid * _TPW), buf.at[pl.ds(0, _S)], sem_in)

    @plsc.parallel_loop(0, 512, unroll=4)
    def _zero(i):
        hist[i, :] = zeros

    def _scan_hist(rank, dual=False):
        @plsc.parallel_loop(0, 256, unroll=4, carry=(zeros, zeros, zeros))
        def scan(i, carry):
            cum, bsel, rnew = carry
            b_ = 255 - i
            h = hist[b_, :]
            hist[b_, :] = zeros
            if dual:
                h = h + hist[b_ + 256, :]
                hist[b_ + 256, :] = zeros
            cumh = cum + h
            cond = (cum < rank) & (cumh >= rank)
            bvec = lax.broadcast(b_, (_L,)).astype(jnp.int32)
            bsel = jnp.where(cond, bvec, bsel)
            rnew = jnp.where(cond, rank - cum, rnew)
            return (cumh, bsel, rnew)
        _, bsel, rnew = scan
        return bsel, rnew

    def _task(t, carry):
        task = wid * _TPW + t
        b = task // _NG
        c0 = (task % _NG) * _L
        pltpu.make_async_copy(_in_slice(task), buf.at[pl.ds(0, _S)],
                              sem_in).wait()

        @plsc.parallel_loop(0, _S, unroll=8)
        def p1(r):
            kb = plsc.bitcast(buf[r, :], jnp.int32)
            plsc.addupdate_scatter(
                hist, [_digit(_key_tf(kb), 24) + (r & 1) * 256, lane], ones)
        b1, rank = _scan_hist(jnp.full((_L,), _K, jnp.int32), dual=True)

        def classify(n_rows, bsel, shift, co, cc_bound, raw):
            def body(r, carry):
                co_, cc_ = carry
                kf = buf[r, :]
                k = plsc.bitcast(kf, jnp.int32)
                if raw:
                    k = _key_tf(k)
                    kf = plsc.bitcast(k, jnp.float32)
                d = _digit(k, shift)
                if cc_bound is None:
                    m_gt = d > bsel
                    m_eq = d == bsel
                else:
                    valid = lax.broadcast(r, (_L,)) < cc_bound
                    m_gt = valid & (d > bsel)
                    m_eq = valid & (d == bsel)
                idx = jnp.where(m_gt, co_ + _S, cc_)
                plsc.store_scatter(buf, [idx, lane], kf, mask=m_gt | m_eq)
                co_ = co_ + jnp.where(m_gt, ones, zeros)
                cc_ = cc_ + jnp.where(m_eq, ones, zeros)
                return (co_, cc_)
            return plsc.parallel_loop(0, n_rows,
                                      unroll=8 if cc_bound is None else 4,
                                      carry=(co, zeros))(body)

        def cand_hist(cc, shift):
            @plsc.parallel_loop(0, jnp.max(cc), unroll=4)
            def h(r):
                k = plsc.bitcast(buf[r, :], jnp.int32)
                plsc.addupdate_scatter(hist, [_digit(k, shift), lane], ones,
                                       mask=lax.broadcast(r, (_L,)) < cc)

        co, cc = classify(_S, b1, 24, zeros, None, True)
        cand_hist(cc, 16)
        b2, rank = _scan_hist(rank)
        co, cc = classify(jnp.max(cc), b2, 16, co, cc, False)
        cand_hist(cc, 8)
        b3, rank = _scan_hist(rank)
        co, cc = classify(jnp.max(cc), b3, 8, co, cc, False)
        cand_hist(cc, 0)
        b4, rank = _scan_hist(rank)
        co, cc = classify(jnp.max(cc), b4, 0, co, cc, False)

        tkey = ((b1 * 16777216) + (b2 * 65536) + (b3 * 256) + b4) ^ _SIGN
        tf = plsc.bitcast(tkey, jnp.float32)

        @plsc.parallel_loop(jnp.min(co), _K)
        def fill(r):
            rv = lax.broadcast(r, (_L,))
            plsc.store_scatter(buf, [rv + _S, lane], tf, mask=rv >= co)

        nxt = jnp.minimum(t + 1, _TPW - 1) + wid * _TPW
        pltpu.async_copy(_in_slice(nxt), buf.at[pl.ds(0, _S)], sem_in)

        def sort_pass(src, dst, shift, last):
            @plsc.parallel_loop(0, _K, unroll=8)
            def h_(r):
                if src == 0:
                    k = plsc.bitcast(buf[r + _S, :], jnp.int32)
                else:
                    k = plsc.bitcast(outb[r, :], jnp.int32)
                plsc.addupdate_scatter(hist, [_digit(k, shift), lane], ones)

            @plsc.parallel_loop(0, 256, unroll=4, carry=zeros)
            def o_(i, cum):
                b_ = 255 - i
                h = hist[b_, :]
                hist[b_, :] = zeros
                offs[b_, :] = cum
                return cum + h

            def r_(g, c):
                r0 = g * 8
                kf, k, d, pos = [], [], [], []
                for i in range(8):
                    if src == 0:
                        kfi = buf[r0 + i + _S, :]
                    else:
                        kfi = outb[r0 + i, :]
                    ki = plsc.bitcast(kfi, jnp.int32)
                    kf.append(kfi)
                    k.append(ki)
                    d.append(_digit(ki, shift))
                    pos.append(plsc.load_gather(offs, [d[i], lane]))
                for i in range(1, 8):
                    adj = zeros
                    for j in range(i):
                        adj = adj + jnp.where(d[i] == d[j], ones, zeros)
                    pos[i] = pos[i] + adj
                for i in range(8):
                    val = (plsc.bitcast(_key_tf(k[i]), jnp.float32)
                           if last else kf[i])
                    if dst == 0:
                        plsc.store_scatter(buf, [pos[i] + _S, lane], val)
                    else:
                        plsc.store_scatter(outb, [pos[i], lane], val)
                for i in range(8):
                    plsc.store_scatter(offs, [d[i], lane], pos[i] + ones)
                return c
            lax.fori_loop(0, _K // 8, r_, 0)

        sort_pass(0, 1, 0, False)
        sort_pass(1, 0, 8, False)
        sort_pass(0, 1, 16, False)
        sort_pass(1, 0, 24, True)

        pltpu.sync_copy(buf.at[pl.ds(_S, _K)], out.at[b, :, pl.ds(c0, _L)])
        return carry

    lax.fori_loop(0, _TPW, _task, 0)
    pltpu.make_async_copy(_in_slice(wid * _TPW + _TPW - 1),
                          buf.at[pl.ds(0, _S)], sem_in).wait()


def kernel(inputs):
    mesh = plsc.VectorSubcoreMesh(core_axis_name="c", subcore_axis_name="s",
                                  num_cores=_NC, num_subcores=_NS)
    f = pl.kernel(
        _sc_body,
        out_type=jax.ShapeDtypeStruct((_B, _K, _C), jnp.float32),
        mesh=mesh,
        compiler_params=pltpu.CompilerParams(use_tc_tiling_on_sc=False,
                                             needs_layout_passes=False),
        scratch_types=[
            pltpu.VMEM((_S + _K, _L), jnp.float32),
            pltpu.VMEM((512, _L), jnp.int32),
            pltpu.VMEM((256, _L), jnp.int32),
            pltpu.VMEM((_K, _L), jnp.float32),
            pltpu.SemaphoreType.DMA,
        ],
    )
    return f(inputs)

# --- scband reference (transcript-rebuilt; emitter-appended) ---
"""Pipeline reference for scband-kmax-pooling-85744727097766 (READ-ONLY COPY).

The authoritative reference and input builder live on the scoring server;
editing this copy changes nothing except your own understanding.
"""

import jax, jax.numpy as jnp
import numpy as np

K = 512

def setup_inputs(seed: int = 0) -> dict:
    key = jax.random.key(seed)
    inputs = jax.random.normal(key, (4, 4096, 1024), dtype=jnp.float32)
    return {"inputs": inputs}

def reference(inputs):
    # KMaxPooling: top-k activations along the sequence (2nd) dimension, per channel.
    # transpose [B, S, C] -> [B, C, S], top_k along last dim, transpose back -> [B, k, C]
    shifted = jnp.transpose(inputs, (0, 2, 1))
    top_k_vals, _ = jax.lax.top_k(shifted, K)
    return jnp.transpose(top_k_vals, (0, 2, 1))

if __name__ == "__main__":
    import jax
    _d = setup_inputs()
    print(jax.jit(kernel)(*tuple(_d.values())))

</pallas_src>

<mosaic_0001>
#map = affine_map<(d0, d1) -> (0, 0, 0)>
module attributes {stable_mosaic.version = 14 : i64} {
  func.func @_sc_body(%arg0: i32, %arg1: i32, %arg2: memref<4x4096x1024xf32, #tpu.memory_space<hbm>>, %arg3: memref<4x512x1024xf32, #tpu.memory_space<hbm>>, %arg4: memref<4608x16xf32, #tpu.memory_space<vmem>>, %arg5: memref<512x16xi32, #tpu.memory_space<vmem>>, %arg6: memref<256x16xi32, #tpu.memory_space<vmem>>, %arg7: memref<512x16xf32, #tpu.memory_space<vmem>>, %arg8: memref<!tpu.dma_semaphore, #tpu.memory_space<semaphore_mem>>) attributes {dimension_semantics = [#tpu.dimension_semantics<core_parallel>, #tpu.dimension_semantics<subcore_parallel>], iteration_bounds = array<i64: 2, 16>, scalar_prefetch = 0 : i64, scratch_operands = 5 : i64, tpu.core_type = #tpu.core_type<sc_vector_subcore>, window_params = [{transform_indices = #map}, {transform_indices = #map}]} {
    %mul3A = arith.constant 2 : i32
    %mul3A_0 = arith.muli %arg1, %mul3A : i32
    %add3A = arith.addi %mul3A_0, %arg0 : i32
    %iota3A = tpu.iota {dimensions = array<i32: 0>} : vector<16xi32>
    %broadcast_in_dim3A = arith.constant 0 : i32
    %broadcast_in_dim3A_1 = vector.broadcast %broadcast_in_dim3A : i32 to vector<16xi32>
    %broadcast_in_dim3A_2 = arith.constant 1 : i32
    %broadcast_in_dim3A_3 = vector.broadcast %broadcast_in_dim3A_2 : i32 to vector<16xi32>
    %mul3A_4 = arith.constant 8 : i32
    %mul3A_5 = arith.muli %add3A, %mul3A_4 : i32
    %jit3A = arith.constant 64 : i32
    %div3A = arith.divsi %mul3A_5, %jit3A : i32
    %sign3A = arith.constant 0 : i32
    %sign3A_6 = arith.cmpi sgt, %mul3A_5, %sign3A : i32
    %sign3A_7 = arith.extui %sign3A_6 : i1 to i32
    %sign3A_8 = arith.constant 0 : i32
    %sign3A_9 = arith.cmpi slt, %mul3A_5, %sign3A_8 : i32
    %sign3A_10 = arith.extui %sign3A_9 : i1 to i32
    %sign3A_11 = arith.subi %sign3A_7, %sign3A_10 : i32
    %sign3A_12 = arith.constant 0 : i32
    %sign3A_13 = arith.cmpi sgt, %jit3A, %sign3A_12 : i32
    %sign3A_14 = arith.extui %sign3A_13 : i1 to i32
    %sign3A_15 = arith.constant 0 : i32
    %sign3A_16 = arith.cmpi slt, %jit3A, %sign3A_15 : i32
    %sign3A_17 = arith.extui %sign3A_16 : i1 to i32
    %sign3A_18 = arith.subi %sign3A_14, %sign3A_17 : i32
    %ne3A = arith.cmpi ne, %sign3A_11, %sign3A_18 : i32
    %rem3A = arith.remsi %mul3A_5, %jit3A : i32
    %ne3A_19 = arith.constant 0 : i32
    %ne3A_20 = arith.cmpi ne, %rem3A, %ne3A_19 : i32
    %and3A = arith.andi %ne3A, %ne3A_20 : i1
    %sub3A = arith.constant 1 : i32
    %sub3A_21 = arith.subi %div3A, %sub3A : i32
    %select_n3A = arith.select %and3A, %sub3A_21, %div3A : i32
    %jit3A_22 = arith.constant 64 : i32
    %eq3A = arith.constant 0 : i32
    %eq3A_23 = arith.cmpi eq, %jit3A_22, %eq3A : i32
    %jit3A_24 = arith.constant 1 : i32
    %select_n3A_25 = arith.select %eq3A_23, %jit3A_24, %jit3A_22 : i32
    %rem3A_26 = arith.remsi %mul3A_5, %select_n3A_25 : i32
    %ne3A_27 = arith.constant 0 : i32
    %ne3A_28 = arith.cmpi ne, %rem3A_26, %ne3A_27 : i32
    %lt3A = arith.constant 0 : i32
    %lt3A_29 = arith.cmpi slt, %rem3A_26, %lt3A : i32
    %lt3A_30 = arith.constant 0 : i32
    %lt3A_31 = arith.cmpi slt, %select_n3A_25, %lt3A_30 : i32
    %ne3A_32 = arith.xori %lt3A_29, %lt3A_31 : i1
    %and3A_33 = arith.andi %ne3A_32, %ne3A_28 : i1
    %add3A_34 = arith.addi %rem3A_26, %select_n3A_25 : i32
    %select_n3A_35 = arith.select %and3A_33, %add3A_34, %rem3A_26 : i32
    %mul3A_36 = arith.constant 16 : i32
    %mul3A_37 = arith.muli %select_n3A_35, %mul3A_36 : i32
    %dma_start3A = arith.constant 0 : i32
    %dma_start3A_38 = arith.constant 0 : i32
    %dma_start3A_39 = tpu.memref_slice %arg4[%dma_start3A, %dma_start3A_38] : memref<4608x16xf32, #tpu.memory_space<vmem>> -> memref<4096x16xf32, #tpu.memory_space<vmem>>
    %dma_start3A_40 = arith.constant 0 : i32
    %dma_start3A_41 = tpu.memref_slice %arg2[%select_n3A, %dma_start3A_40, %mul3A_37] : memref<4x4096x1024xf32, #tpu.memory_space<hbm>> -> memref<1x4096x16xf32, #tpu.memory_space<hbm>>
    %dma_start3A_42 = tpu.memref_squeeze %dma_start3A_41 : memref<1x4096x16xf32, #tpu.memory_space<hbm>> -> memref<4096x16xf32, #tpu.memory_space<hbm>>
    %dma_start3A_43 = arith.constant 0 : i32
    %dma_start3A_44 = arith.constant 0 : i32
    %dma_start3A_45 = tpu.memref_slice %arg4[%dma_start3A_43, %dma_start3A_44] : memref<4608x16xf32, #tpu.memory_space<vmem>> -> memref<4096x16xf32, #tpu.memory_space<vmem>>
    %dma_start3A_46 = arith.constant 0 : i32
    %dma_start3A_47 = tpu.memref_slice %arg2[%select_n3A, %dma_start3A_46, %mul3A_37] : memref<4x4096x1024xf32, #tpu.memory_space<hbm>> -> memref<1x4096x16xf32, #tpu.memory_space<hbm>>
    %dma_start3A_48 = tpu.memref_squeeze %dma_start3A_47 : memref<1x4096x16xf32, #tpu.memory_space<hbm>> -> memref<4096x16xf32, #tpu.memory_space<hbm>>
    tpu.enqueue_dma source(%dma_start3A_48 : memref<4096x16xf32, #tpu.memory_space<hbm>>) target(%dma_start3A_45 : memref<4096x16xf32, #tpu.memory_space<vmem>>) target_semaphore(%arg8 : memref<!tpu.dma_semaphore, #tpu.memory_space<semaphore_mem>>)
    %parallel_loop3A = arith.constant 0 : i32
    %parallel_loop3A_49 = arith.constant 512 : i32
    %parallel_loop3A_50 = arith.constant 1 : i32
    scf.for %parallel_loop3A_115 = %parallel_loop3A to %parallel_loop3A_49 step %parallel_loop3A_50  : i32 {
      %parallel_loop3A_116 = arith.index_cast %parallel_loop3A_115 : i32 to index
      %parallel_loop3A_117 = arith.constant 0 : index
      %parallel_loop3A_118 = tpu.vector_load %arg5[%parallel_loop3A_116, %parallel_loop3A_117] {strides = array<i32>} : memref<512x16xi32, #tpu.memory_space<vmem>>, vector<16xi32>,
      tpu.vector_store %arg5[%parallel_loop3A_116, %parallel_loop3A_117], %broadcast_in_dim3A_1 {strides = array<i32>} : memref<512x16xi32, #tpu.memory_space<vmem>>, vector<16xi32>,
    } {sc.loop_unroll_factor = 4 : i64, sc.parallel_access}
    %scan3A = arith.constant 0 : i32
    %scan3A_51 = arith.constant 0 : i32
    %scan3A_52 = arith.constant 8 : i32
    %scan3A_53 = arith.addi %scan3A_51, %scan3A_52 : i32
    %scan3A_54 = arith.constant 1 : i32
    scf.for %scan3A_115 = %scan3A_51 to %scan3A_53 step %scan3A_54  : i32 {
      %mul3A_116 = arith.constant 8 : i32
      %mul3A_117 = arith.muli %add3A, %mul3A_116 : i32
      %add3A_118 = arith.addi %mul3A_117, %scan3A_115 : i32
      %jit3A_119 = arith.constant 64 : i32
      %div3A_120 = arith.divsi %add3A_118, %jit3A_119 : i32
      %sign3A_121 = arith.constant 0 : i32
      %sign3A_122 = arith.cmpi sgt, %add3A_118, %sign3A_121 : i32
      %sign3A_123 = arith.extui %sign3A_122 : i1 to i32
      %sign3A_124 = arith.constant 0 : i32
      %sign3A_125 = arith.cmpi slt, %add3A_118, %sign3A_124 : i32
      %sign3A_126 = arith.extui %sign3A_125 : i1 to i32
      %sign3A_127 = arith.subi %sign3A_123, %sign3A_126 : i32
      %sign3A_128 = arith.constant 0 : i32
      %sign3A_129 = arith.cmpi sgt, %jit3A_119, %sign3A_128 : i32
      %sign3A_130 = arith.extui %sign3A_129 : i1 to i32
      %sign3A_131 = arith.constant 0 : i32
      %sign3A_132 = arith.cmpi slt, %jit3A_119, %sign3A_131 : i32
      %sign3A_133 = arith.extui %sign3A_132 : i1 to i32
      %sign3A_134 = arith.subi %sign3A_130, %sign3A_133 : i32
      %ne3A_135 = arith.cmpi ne, %sign3A_127, %sign3A_134 : i32
      %rem3A_136 = arith.remsi %add3A_118, %jit3A_119 : i32
      %ne3A_137 = arith.constant 0 : i32
      %ne3A_138 = arith.cmpi ne, %rem3A_136, %ne3A_137 : i32
      %and3A_139 = arith.andi %ne3A_135, %ne3A_138 : i1
      %sub3A_140 = arith.constant 1 : i32
      %sub3A_141 = arith.subi %div3A_120, %sub3A_140 : i32
      %select_n3A_142 = arith.select %and3A_139, %sub3A_141, %div3A_120 : i32
      %jit3A_143 = arith.constant 64 : i32
      %eq3A_144 = arith.constant 0 : i32
      %eq3A_145 = arith.cmpi eq, %jit3A_143, %eq3A_144 : i32
      %jit3A_146 = arith.constant 1 : i32
      %select_n3A_147 = arith.select %eq3A_145, %jit3A_146, %jit3A_143 : i32
      %rem3A_148 = arith.remsi %add3A_118, %select_n3A_147 : i32
      %ne3A_149 = arith.constant 0 : i32
      %ne3A_150 = arith.cmpi ne, %rem3A_148, %ne3A_149 : i32
      %lt3A_151 = arith.constant 0 : i32
      %lt3A_152 = arith.cmpi slt, %rem3A_148, %lt3A_151 : i32
      %lt3A_153 = arith.constant 0 : i32
      %lt3A_154 = arith.cmpi slt, %select_n3A_147, %lt3A_153 : i32
      %ne3A_155 = arith.xori %lt3A_152, %lt3A_154 : i1
      %and3A_156 = arith.andi %ne3A_155, %ne3A_150 : i1
      %add3A_157 = arith.addi %rem3A_148, %select_n3A_147 : i32
      %select_n3A_158 = arith.select %and3A_156, %add3A_157, %rem3A_148 : i32
      %mul3A_159 = arith.constant 16 : i32
      %mul3A_160 = arith.muli %select_n3A_158, %mul3A_159 : i32
      %jit3A_161 = arith.constant 64 : i32
      %div3A_162 = arith.divsi %add3A_118, %jit3A_161 : i32
      %sign3A_163 = arith.constant 0 : i32
      %sign3A_164 = arith.cmpi sgt, %add3A_118, %sign3A_163 : i32
      %sign3A_165 = arith.extui %sign3A_164 : i1 to i32
      %sign3A_166 = arith.constant 0 : i32
      %sign3A_167 = arith.cmpi slt, %add3A_118, %sign3A_166 : i32
      %sign3A_168 = arith.extui %sign3A_167 : i1 to i32
      %sign3A_169 = arith.subi %sign3A_165, %sign3A_168 : i32
      %sign3A_170 = arith.constant 0 : i32
      %sign3A_171 = arith.cmpi sgt, %jit3A_161, %sign3A_170 : i32
      %sign3A_172 = arith.extui %sign3A_171 : i1 to i32
      %sign3A_173 = arith.constant 0 : i32
      %sign3A_174 = arith.cmpi slt, %jit3A_161, %sign3A_173 : i32
      %sign3A_175 = arith.extui %sign3A_174 : i1 to i32
      %sign3A_176 = arith.subi %sign3A_172, %sign3A_175 : i32
      %ne3A_177 = arith.cmpi ne, %sign3A_169, %sign3A_176 : i32
      %rem3A_178 = arith.remsi %add3A_118, %jit3A_161 : i32
      %ne3A_179 = arith.constant 0 : i32
      %ne3A_180 = arith.cmpi ne, %rem3A_178, %ne3A_179 : i32
      %and3A_181 = arith.andi %ne3A_177, %ne3A_180 : i1
      %sub3A_182 = arith.constant 1 : i32
      %sub3A_183 = arith.subi %div3A_162, %sub3A_182 : i32
      %select_n3A_184 = arith.select %and3A_181, %sub3A_183, %div3A_162 : i32
      %jit3A_185 = arith.constant 64 : i32
      %eq3A_186 = arith.constant 0 : i32
      %eq3A_187 = arith.cmpi eq, %jit3A_185, %eq3A_186 : i32
      %jit3A_188 = arith.constant 1 : i32
      %select_n3A_189 = arith.select %eq3A_187, %jit3A_188, %jit3A_185 : i32
      %rem3A_190 = arith.remsi %add3A_118, %select_n3A_189 : i32
      %ne3A_191 = arith.constant 0 : i32
      %ne3A_192 = arith.cmpi ne, %rem3A_190, %ne3A_191 : i32
      %lt3A_193 = arith.constant 0 : i32
      %lt3A_194 = arith.cmpi slt, %rem3A_190, %lt3A_193 : i32
      %lt3A_195 = arith.constant 0 : i32
      %lt3A_196 = arith.cmpi slt, %select_n3A_189, %lt3A_195 : i32
      %ne3A_197 = arith.xori %lt3A_194, %lt3A_196 : i1
      %and3A_198 = arith.andi %ne3A_197, %ne3A_192 : i1
      %add3A_199 = arith.addi %rem3A_190, %select_n3A_189 : i32
      %select_n3A_200 = arith.select %and3A_198, %add3A_199, %rem3A_190 : i32
      %mul3A_201 = arith.constant 16 : i32
      %mul3A_202 = arith.muli %select_n3A_200, %mul3A_201 : i32
      %dma_wait3A_203 = arith.constant 0 : i32
      %dma_wait3A_204 = arith.constant 0 : i32
      %dma_wait3A_205 = tpu.memref_slice %arg4[%dma_wait3A_203, %dma_wait3A_204] : memref<4608x16xf32, #tpu.memory_space<vmem>> -> memref<4096x16xf32, #tpu.memory_space<vmem>>
      %dma_wait3A_206 = arith.constant 0 : i32
      %dma_wait3A_207 = tpu.memref_slice %arg2[%select_n3A_184, %dma_wait3A_206, %mul3A_202] : memref<4x4096x1024xf32, #tpu.memory_space<hbm>> -> memref<1x4096x16xf32, #tpu.memory_space<hbm>>
      %dma_wait3A_208 = tpu.memref_squeeze %dma_wait3A_207 : memref<1x4096x16xf32, #tpu.memory_space<hbm>> -> memref<4096x16xf32, #tpu.memory_space<hbm>>
      %dma_wait3A_209 = arith.constant 0 : i32
      %dma_wait3A_210 = arith.constant 0 : i32
      %dma_wait3A_211 = tpu.memref_slice %arg4[%dma_wait3A_209, %dma_wait3A_210] : memref<4608x16xf32, #tpu.memory_space<vmem>> -> memref<4096x16xf32, #tpu.memory_space<vmem>>
      %dma_wait3A_212 = arith.constant 0 : i32
      %dma_wait3A_213 = tpu.memref_slice %arg2[%select_n3A_184, %dma_wait3A_212, %mul3A_202] : memref<4x4096x1024xf32, #tpu.memory_space<hbm>> -> memref<1x4096x16xf32, #tpu.memory_space<hbm>>
      %dma_wait3A_214 = tpu.memref_squeeze %dma_wait3A_213 : memref<1x4096x16xf32, #tpu.memory_space<hbm>> -> memref<4096x16xf32, #tpu.memory_space<hbm>>
      tpu.wait_dma2 semaphore(%arg8 : memref<!tpu.dma_semaphore, #tpu.memory_space<semaphore_mem>>) src(%dma_wait3A_214 : memref<4096x16xf32, #tpu.memory_space<hbm>>) dst(%dma_wait3A_211 : memref<4096x16xf32, #tpu.memory_space<vmem>>)
      %parallel_loop3A_215 = arith.constant 0 : i32
      %parallel_loop3A_216 = arith.constant 4096 : i32
      %parallel_loop3A_217 = arith.constant 1 : i32
      scf.for %parallel_loop3A_437 = %parallel_loop3A_215 to %parallel_loop3A_216 step %parallel_loop3A_217  : i32 {
        %parallel_loop3A_438 = arith.index_cast %parallel_loop3A_437 : i32 to index
        %parallel_loop3A_439 = arith.constant 0 : index
        %parallel_loop3A_440 = tpu.vector_load %arg4[%parallel_loop3A_438, %parallel_loop3A_439] {strides = array<i32>} : memref<4608x16xf32, #tpu.memory_space<vmem>>, vector<16xf32>,
        %parallel_loop3A_441 = vector.bitcast %parallel_loop3A_440 : vector<16xf32> to vector<16xi32>
        %parallel_loop3A_442 = arith.constant 31 : i32
        %parallel_loop3A_443 = vector.broadcast %parallel_loop3A_442 : i32 to vector<16xi32>
        %parallel_loop3A_444 = arith.shrsi %parallel_loop3A_441, %parallel_loop3A_443 : vector<16xi32>
        %parallel_loop3A_445 = arith.constant 2147483647 : i32
        %parallel_loop3A_446 = vector.broadcast %parallel_loop3A_445 : i32 to vector<16xi32>
        %parallel_loop3A_447 = arith.andi %parallel_loop3A_444, %parallel_loop3A_446 : vector<16xi32>
        %parallel_loop3A_448 = arith.xori %parallel_loop3A_441, %parallel_loop3A_447 : vector<16xi32>
        %parallel_loop3A_449 = arith.constant -2147483648 : i32
        %parallel_loop3A_450 = vector.broadcast %parallel_loop3A_449 : i32 to vector<16xi32>
        %parallel_loop3A_451 = arith.xori %parallel_loop3A_448, %parallel_loop3A_450 : vector<16xi32>
        %parallel_loop3A_452 = arith.constant 24 : i32
        %parallel_loop3A_453 = vector.broadcast %parallel_loop3A_452 : i32 to vector<16xi32>
        %parallel_loop3A_454 = arith.shrui %parallel_loop3A_451, %parallel_loop3A_453 : vector<16xi32>
        %parallel_loop3A_455 = arith.constant 1 : i32
        %parallel_loop3A_456 = arith.andi %parallel_loop3A_437, %parallel_loop3A_455 : i32
        %parallel_loop3A_457 = arith.constant 256 : i32
        %parallel_loop3A_458 = arith.muli %parallel_loop3A_456, %parallel_loop3A_457 : i32
        %parallel_loop3A_459 = vector.broadcast %parallel_loop3A_458 : i32 to vector<16xi32>
        %parallel_loop3A_460 = arith.addi %parallel_loop3A_454, %parallel_loop3A_459 : vector<16xi32>
        tpu.vector_store_idx %arg5[%parallel_loop3A_460, %iota3A], %broadcast_in_dim3A_3 {add = true} : memref<512x16xi32, #tpu.memory_space<vmem>>[vector<16xi32>, vector<16xi32>], vector<16xi32>,
      } {sc.loop_unroll_factor = 8 : i64, sc.parallel_access}
      %broadcast_in_dim3A_218 = arith.constant 512 : i32
      %broadcast_in_dim3A_219 = vector.broadcast %broadcast_in_dim3A_218 : i32 to vector<16xi32>
      %parallel_loop3A_220 = arith.constant 0 : i32
      %parallel_loop3A_221 = arith.constant 256 : i32
      %parallel_loop3A_222 = arith.constant 1 : i32
      %parallel_loop3A_223:3 = scf.for %parallel_loop3A_437 = %parallel_loop3A_220 to %parallel_loop3A_221 step %parallel_loop3A_222 iter_args(%parallel_loop3A_438 = %broadcast_in_dim3A_1, %parallel_loop3A_439 = %broadcast_in_dim3A_1, %parallel_loop3A_440 = %broadcast_in_dim3A_1) -> (vector<16xi32>, vector<16xi32>, vector<16xi32>)  : i32 {
        %parallel_loop3A_441 = arith.constant 255 : i32
        %parallel_loop3A_442 = arith.subi %parallel_loop3A_441, %parallel_loop3A_437 : i32
        %parallel_loop3A_443 = arith.index_cast %parallel_loop3A_442 : i32 to index
        %parallel_loop3A_444 = arith.constant 0 : index
        %parallel_loop3A_445 = tpu.vector_load %arg5[%parallel_loop3A_443, %parallel_loop3A_444] {strides = array<i32>} : memref<512x16xi32, #tpu.memory_space<vmem>>, vector<16xi32>,
        %parallel_loop3A_446 = arith.index_cast %parallel_loop3A_442 : i32 to index
        %parallel_loop3A_447 = arith.constant 0 : index
        %parallel_loop3A_448 = tpu.vector_load %arg5[%parallel_loop3A_446, %parallel_loop3A_447] {strides = array<i32>} : memref<512x16xi32, #tpu.memory_space<vmem>>, vector<16xi32>,
        tpu.vector_store %arg5[%parallel_loop3A_446, %parallel_loop3A_447], %broadcast_in_dim3A_1 {strides = array<i32>} : memref<512x16xi32, #tpu.memory_space<vmem>>, vector<16xi32>,
        %parallel_loop3A_449 = arith.constant 256 : i32
        %parallel_loop3A_450 = arith.addi %parallel_loop3A_442, %parallel_loop3A_449 : i32
        %parallel_loop3A_451 = arith.index_cast %parallel_loop3A_450 : i32 to index
        %parallel_loop3A_452 = arith.constant 0 : index
        %parallel_loop3A_453 = tpu.vector_load %arg5[%parallel_loop3A_451, %parallel_loop3A_452] {strides = array<i32>} : memref<512x16xi32, #tpu.memory_space<vmem>>, vector<16xi32>,
        %parallel_loop3A_454 = arith.addi %parallel_loop3A_445, %parallel_loop3A_453 : vector<16xi32>
        %parallel_loop3A_455 = arith.constant 256 : i32
        %parallel_loop3A_456 = arith.addi %parallel_loop3A_442, %parallel_loop3A_455 : i32
        %parallel_loop3A_457 = arith.index_cast %parallel_loop3A_456 : i32 to index
        %parallel_loop3A_458 = arith.constant 0 : index
        %parallel_loop3A_459 = tpu.vector_load %arg5[%parallel_loop3A_457, %parallel_loop3A_458] {strides = array<i32>} : memref<512x16xi32, #tpu.memory_space<vmem>>, vector<16xi32>,
        tpu.vector_store %arg5[%parallel_loop3A_457, %parallel_loop3A_458], %broadcast_in_dim3A_1 {strides = array<i32>} : memref<512x16xi32, #tpu.memory_space<vmem>>, vector<16xi32>,
        %parallel_loop3A_460 = arith.addi %parallel_loop3A_438, %parallel_loop3A_454 : vector<16xi32>
        %parallel_loop3A_461 = arith.cmpi slt, %parallel_loop3A_438, %broadcast_in_dim3A_219 : vector<16xi32>
        %parallel_loop3A_462 = arith.cmpi sge, %parallel_loop3A_460, %broadcast_in_dim3A_219 : vector<16xi32>
        %parallel_loop3A_463 = arith.andi %parallel_loop3A_461, %parallel_loop3A_462 : vector<16xi1>
        %parallel_loop3A_464 = vector.broadcast %parallel_loop3A_442 : i32 to vector<16xi32>
        %parallel_loop3A_465 = arith.select %parallel_loop3A_463, %parallel_loop3A_464, %parallel_loop3A_439 : vector<16xi1>, vector<16xi32>
        %parallel_loop3A_466 = arith.subi %broadcast_in_dim3A_219, %parallel_loop3A_438 : vector<16xi32>
        %parallel_loop3A_467 = arith.select %parallel_loop3A_463, %parallel_loop3A_466, %parallel_loop3A_440 : vector<16xi1>, vector<16xi32>
        scf.yield %parallel_loop3A_460, %parallel_loop3A_465, %parallel_loop3A_467 : vector<16xi32>, vector<16xi32>, vector<16xi32>
      } {sc.loop_unroll_factor = 4 : i64, sc.parallel_access}
      %parallel_loop3A_224 = arith.constant 0 : i32
      %parallel_loop3A_225 = arith.constant 4096 : i32
      %parallel_loop3A_226 = arith.constant 1 : i32
      %parallel_loop3A_227:2 = scf.for %parallel_loop3A_437 = %parallel_loop3A_224 to %parallel_loop3A_225 step %parallel_loop3A_226 iter_args(%parallel_loop3A_438 = %broadcast_in_dim3A_1, %parallel_loop3A_439 = %broadcast_in_dim3A_1) -> (vector<16xi32>, vector<16xi32>)  : i32 {
        %parallel_loop3A_440 = arith.index_cast %parallel_loop3A_437 : i32 to index
        %parallel_loop3A_441 = arith.constant 0 : index
        %parallel_loop3A_442 = tpu.vector_load %arg4[%parallel_loop3A_440, %parallel_loop3A_441] {strides = array<i32>} : memref<4608x16xf32, #tpu.memory_space<vmem>>, vector<16xf32>,
        %parallel_loop3A_443 = vector.bitcast %parallel_loop3A_442 : vector<16xf32> to vector<16xi32>
        %parallel_loop3A_444 = arith.constant 31 : i32
        %parallel_loop3A_445 = vector.broadcast %parallel_loop3A_444 : i32 to vector<16xi32>
        %parallel_loop3A_446 = arith.shrsi %parallel_loop3A_443, %parallel_loop3A_445 : vector<16xi32>
        %parallel_loop3A_447 = arith.constant 2147483647 : i32
        %parallel_loop3A_448 = vector.broadcast %parallel_loop3A_447 : i32 to vector<16xi32>
        %parallel_loop3A_449 = arith.andi %parallel_loop3A_446, %parallel_loop3A_448 : vector<16xi32>
        %parallel_loop3A_450 = arith.xori %parallel_loop3A_443, %parallel_loop3A_449 : vector<16xi32>
        %parallel_loop3A_451 = vector.bitcast %parallel_loop3A_450 : vector<16xi32> to vector<16xf32>
        %parallel_loop3A_452 = arith.constant -2147483648 : i32
        %parallel_loop3A_453 = vector.broadcast %parallel_loop3A_452 : i32 to vector<16xi32>
        %parallel_loop3A_454 = arith.xori %parallel_loop3A_450, %parallel_loop3A_453 : vector<16xi32>
        %parallel_loop3A_455 = arith.constant 24 : i32
        %parallel_loop3A_456 = vector.broadcast %parallel_loop3A_455 : i32 to vector<16xi32>
        %parallel_loop3A_457 = arith.shrui %parallel_loop3A_454, %parallel_loop3A_456 : vector<16xi32>
        %parallel_loop3A_458 = arith.cmpi sgt, %parallel_loop3A_457, %parallel_loop3A_223#1 : vector<16xi32>
        %parallel_loop3A_459 = arith.cmpi eq, %parallel_loop3A_457, %parallel_loop3A_223#1 : vector<16xi32>
        %parallel_loop3A_460 = arith.constant 4096 : i32
        %parallel_loop3A_461 = vector.broadcast %parallel_loop3A_460 : i32 to vector<16xi32>
        %parallel_loop3A_462 = arith.addi %parallel_loop3A_438, %parallel_loop3A_461 : vector<16xi32>
        %parallel_loop3A_463 = arith.select %parallel_loop3A_458, %parallel_loop3A_462, %parallel_loop3A_439 : vector<16xi1>, vector<16xi32>
        %parallel_loop3A_464 = arith.ori %parallel_loop3A_458, %parallel_loop3A_459 : vector<16xi1>
        tpu.vector_store_idx %arg4[%parallel_loop3A_463, %iota3A], %parallel_loop3A_451 masked %parallel_loop3A_464 : memref<4608x16xf32, #tpu.memory_space<vmem>>[vector<16xi32>, vector<16xi32>], vector<16xf32>, vector<16xi1>
        %parallel_loop3A_465 = arith.select %parallel_loop3A_458, %broadcast_in_dim3A_3, %broadcast_in_dim3A_1 : vector<16xi1>, vector<16xi32>
        %parallel_loop3A_466 = arith.addi %parallel_loop3A_438, %parallel_loop3A_465 : vector<16xi32>
        %parallel_loop3A_467 = arith.select %parallel_loop3A_459, %broadcast_in_dim3A_3, %broadcast_in_dim3A_1 : vector<16xi1>, vector<16xi32>
        %parallel_loop3A_468 = arith.addi %parallel_loop3A_439, %parallel_loop3A_467 : vector<16xi32>
        scf.yield %parallel_loop3A_466, %parallel_loop3A_468 : vector<16xi32>, vector<16xi32>
      } {sc.loop_unroll_factor = 8 : i64, sc.parallel_access}
      %reduce_max3A = arith.constant true
      %reduce_max3A_228 = vector.broadcast %reduce_max3A : i1 to vector<16xi1>
      %reduce_max3A_229 = arith.constant -2147483648 : i32
      %reduce_max3A_230 = vector.broadcast %reduce_max3A_229 : i32 to vector<16xi32>
      %reduce_max3A_231 = arith.xori %parallel_loop3A_227#1, %reduce_max3A_230 : vector<16xi32>
      %reduce_max3A_232 = tpu.scan <max>, %reduce_max3A_231 masked %reduce_max3A_228 : vector<16xi32>, vector<16xi1> -> vector<16xi32>
      %reduce_max3A_233 = arith.xori %reduce_max3A_232, %reduce_max3A_230 : vector<16xi32>
      %reduce_max3A_234 = vector.extract %reduce_max3A_233[15] : i32 from vector<16xi32>
      %parallel_loop3A_235 = arith.constant 0 : i32
      %parallel_loop3A_236 = arith.constant 1 : i32
      scf.for %parallel_loop3A_437 = %parallel_loop3A_235 to %reduce_max3A_234 step %parallel_loop3A_236  : i32 {
        %parallel_loop3A_438 = arith.index_cast %parallel_loop3A_437 : i32 to index
        %parallel_loop3A_439 = arith.constant 0 : index
        %parallel_loop3A_440 = tpu.vector_load %arg4[%parallel_loop3A_438, %parallel_loop3A_439] {strides = array<i32>} : memref<4608x16xf32, #tpu.memory_space<vmem>>, vector<16xf32>,
        %parallel_loop3A_441 = vector.bitcast %parallel_loop3A_440 : vector<16xf32> to vector<16xi32>
        %parallel_loop3A_442 = arith.constant 16 : i32
        %parallel_loop3A_443 = vector.broadcast %parallel_loop3A_442 : i32 to vector<16xi32>
        %parallel_loop3A_444 = arith.shrui %parallel_loop3A_441, %parallel_loop3A_443 : vector<16xi32>
        %parallel_loop3A_445 = arith.constant 255 : i32
        %parallel_loop3A_446 = vector.broadcast %parallel_loop3A_445 : i32 to vector<16xi32>
        %parallel_loop3A_447 = arith.andi %parallel_loop3A_444, %parallel_loop3A_446 : vector<16xi32>
        %parallel_loop3A_448 = vector.broadcast %parallel_loop3A_437 : i32 to vector<16xi32>
        %parallel_loop3A_449 = arith.cmpi slt, %parallel_loop3A_448, %parallel_loop3A_227#1 : vector<16xi32>
        tpu.vector_store_idx %arg5[%parallel_loop3A_447, %iota3A], %broadcast_in_dim3A_3 masked %parallel_loop3A_449 {add = true} : memref<512x16xi32, #tpu.memory_space<vmem>>[vector<16xi32>, vector<16xi32>], vector<16xi32>, vector<16xi1>
      } {sc.loop_unroll_factor = 4 : i64, sc.parallel_access}
      %parallel_loop3A_237 = arith.constant 0 : i32
      %parallel_loop3A_238 = arith.constant 256 : i32
      %parallel_loop3A_239 = arith.constant 1 : i32
      %parallel_loop3A_240:3 = scf.for %parallel_loop3A_437 = %parallel_loop3A_237 to %parallel_loop3A_238 step %parallel_loop3A_239 iter_args(%parallel_loop3A_438 = %broadcast_in_dim3A_1, %parallel_loop3A_439 = %broadcast_in_dim3A_1, %parallel_loop3A_440 = %broadcast_in_dim3A_1) -> (vector<16xi32>, vector<16xi32>, vector<16xi32>)  : i32 {
        %parallel_loop3A_441 = arith.constant 255 : i32
        %parallel_loop3A_442 = arith.subi %parallel_loop3A_441, %parallel_loop3A_437 : i32
        %parallel_loop3A_443 = arith.index_cast %parallel_loop3A_442 : i32 to index
        %parallel_loop3A_444 = arith.constant 0 : index
        %parallel_loop3A_445 = tpu.vector_load %arg5[%parallel_loop3A_443, %parallel_loop3A_444] {strides = array<i32>} : memref<512x16xi32, #tpu.memory_space<vmem>>, vector<16xi32>,
        %parallel_loop3A_446 = arith.index_cast %parallel_loop3A_442 : i32 to index
        %parallel_loop3A_447 = arith.constant 0 : index
        %parallel_loop3A_448 = tpu.vector_load %arg5[%parallel_loop3A_446, %parallel_loop3A_447] {strides = array<i32>} : memref<512x16xi32, #tpu.memory_space<vmem>>, vector<16xi32>,
        tpu.vector_store %arg5[%parallel_loop3A_446, %parallel_loop3A_447], %broadcast_in_dim3A_1 {strides = array<i32>} : memref<512x16xi32, #tpu.memory_space<vmem>>, vector<16xi32>,
        %parallel_loop3A_449 = arith.addi %parallel_loop3A_438, %parallel_loop3A_445 : vector<16xi32>
        %parallel_loop3A_450 = arith.cmpi slt, %parallel_loop3A_438, %parallel_loop3A_223#2 : vector<16xi32>
        %parallel_loop3A_451 = arith.cmpi sge, %parallel_loop3A_449, %parallel_loop3A_223#2 : vector<16xi32>
        %parallel_loop3A_452 = arith.andi %parallel_loop3A_450, %parallel_loop3A_451 : vector<16xi1>
        %parallel_loop3A_453 = vector.broadcast %parallel_loop3A_442 : i32 to vector<16xi32>
        %parallel_loop3A_454 = arith.select %parallel_loop3A_452, %parallel_loop3A_453, %parallel_loop3A_439 : vector<16xi1>, vector<16xi32>
        %parallel_loop3A_455 = arith.subi %parallel_loop3A_223#2, %parallel_loop3A_438 : vector<16xi32>
        %parallel_loop3A_456 = arith.select %parallel_loop3A_452, %parallel_loop3A_455, %parallel_loop3A_440 : vector<16xi1>, vector<16xi32>
        scf.yield %parallel_loop3A_449, %parallel_loop3A_454, %parallel_loop3A_456 : vector<16xi32>, vector<16xi32>, vector<16xi32>
      } {sc.loop_unroll_factor = 4 : i64, sc.parallel_access}
      %reduce_max3A_241 = arith.constant true
      %reduce_max3A_242 = vector.broadcast %reduce_max3A_241 : i1 to vector<16xi1>
      %reduce_max3A_243 = arith.constant -2147483648 : i32
      %reduce_max3A_244 = vector.broadcast %reduce_max3A_243 : i32 to vector<16xi32>
      %reduce_max3A_245 = arith.xori %parallel_loop3A_227#1, %reduce_max3A_244 : vector<16xi32>
      %reduce_max3A_246 = tpu.scan <max>, %reduce_max3A_245 masked %reduce_max3A_242 : vector<16xi32>, vector<16xi1> -> vector<16xi32>
      %reduce_max3A_247 = arith.xori %reduce_max3A_246, %reduce_max3A_244 : vector<16xi32>
      %reduce_max3A_248 = vector.extract %reduce_max3A_247[15] : i32 from vector<16xi32>
      %parallel_loop3A_249 = arith.constant 0 : i32
      %parallel_loop3A_250 = arith.constant 1 : i32
      %parallel_loop3A_251:2 = scf.for %parallel_loop3A_437 = %parallel_loop3A_249 to %reduce_max3A_248 step %parallel_loop3A_250 iter_args(%parallel_loop3A_438 = %parallel_loop3A_227#0, %parallel_loop3A_439 = %broadcast_in_dim3A_1) -> (vector<16xi32>, vector<16xi32>)  : i32 {
        %parallel_loop3A_440 = arith.index_cast %parallel_loop3A_437 : i32 to index
        %parallel_loop3A_441 = arith.constant 0 : index
        %parallel_loop3A_442 = tpu.vector_load %arg4[%parallel_loop3A_440, %parallel_loop3A_441] {strides = array<i32>} : memref<4608x16xf32, #tpu.memory_space<vmem>>, vector<16xf32>,
        %parallel_loop3A_443 = vector.bitcast %parallel_loop3A_442 : vector<16xf32> to vector<16xi32>
        %parallel_loop3A_444 = arith.constant 16 : i32
        %parallel_loop3A_445 = vector.broadcast %parallel_loop3A_444 : i32 to vector<16xi32>
        %parallel_loop3A_446 = arith.shrui %parallel_loop3A_443, %parallel_loop3A_445 : vector<16xi32>
        %parallel_loop3A_447 = arith.constant 255 : i32
        %parallel_loop3A_448 = vector.broadcast %parallel_loop3A_447 : i32 to vector<16xi32>
        %parallel_loop3A_449 = arith.andi %parallel_loop3A_446, %parallel_loop3A_448 : vector<16xi32>
        %parallel_loop3A_450 = vector.broadcast %parallel_loop3A_437 : i32 to vector<16xi32>
        %parallel_loop3A_451 = arith.cmpi slt, %parallel_loop3A_450, %parallel_loop3A_227#1 : vector<16xi32>
        %parallel_loop3A_452 = arith.cmpi sgt, %parallel_loop3A_449, %parallel_loop3A_240#1 : vector<16xi32>
        %parallel_loop3A_453 = arith.andi %parallel_loop3A_451, %parallel_loop3A_452 : vector<16xi1>
        %parallel_loop3A_454 = arith.cmpi eq, %parallel_loop3A_449, %parallel_loop3A_240#1 : vector<16xi32>
        %parallel_loop3A_455 = arith.andi %parallel_loop3A_451, %parallel_loop3A_454 : vector<16xi1>
        %parallel_loop3A_456 = arith.constant 4096 : i32
        %parallel_loop3A_457 = vector.broadcast %parallel_loop3A_456 : i32 to vector<16xi32>
        %parallel_loop3A_458 = arith.addi %parallel_loop3A_438, %parallel_loop3A_457 : vector<16xi32>
        %parallel_loop3A_459 = arith.select %parallel_loop3A_453, %parallel_loop3A_458, %parallel_loop3A_439 : vector<16xi1>, vector<16xi32>
        %parallel_loop3A_460 = arith.ori %parallel_loop3A_453, %parallel_loop3A_455 : vector<16xi1>
        tpu.vector_store_idx %arg4[%parallel_loop3A_459, %iota3A], %parallel_loop3A_442 masked %parallel_loop3A_460 : memref<4608x16xf32, #tpu.memory_space<vmem>>[vector<16xi32>, vector<16xi32>], vector<16xf32>, vector<16xi1>
        %parallel_loop3A_461 = arith.select %parallel_loop3A_453, %broadcast_in_dim3A_3, %broadcast_in_dim3A_1 : vector<16xi1>, vector<16xi32>
        %parallel_loop3A_462 = arith.addi %parallel_loop3A_438, %parallel_loop3A_461 : vector<16xi32>
        %parallel_loop3A_463 = arith.select %parallel_loop3A_455, %broadcast_in_dim3A_3, %broadcast_in_dim3A_1 : vector<16xi1>, vector<16xi32>
        %parallel_loop3A_464 = arith.addi %parallel_loop3A_439, %parallel_loop3A_463 : vector<16xi32>
        scf.yield %parallel_loop3A_462, %parallel_loop3A_464 : vector<16xi32>, vector<16xi32>
      } {sc.loop_unroll_factor = 4 : i64, sc.parallel_access}
      %reduce_max3A_252 = arith.constant true
      %reduce_max3A_253 = vector.broadcast %reduce_max3A_252 : i1 to vector<16xi1>
      %reduce_max3A_254 = arith.constant -2147483648 : i32
      %reduce_max3A_255 = vector.broadcast %reduce_max3A_254 : i32 to vector<16xi32>
      %reduce_max3A_256 = arith.xori %parallel_loop3A_251#1, %reduce_max3A_255 : vector<16xi32>
      %reduce_max3A_257 = tpu.scan <max>, %reduce_max3A_256 masked %reduce_max3A_253 : vector<16xi32>, vector<16xi1> -> vector<16xi32>
      %reduce_max3A_258 = arith.xori %reduce_max3A_257, %reduce_max3A_255 : vector<16xi32>
      %reduce_max3A_259 = vector.extract %reduce_max3A_258[15] : i32 from vector<16xi32>
      %parallel_loop3A_260 = arith.constant 0 : i32
      %parallel_loop3A_261 = arith.constant 1 : i32
      scf.for %parallel_loop3A_437 = %parallel_loop3A_260 to %reduce_max3A_259 step %parallel_loop3A_261  : i32 {
        %parallel_loop3A_438 = arith.index_cast %parallel_loop3A_437 : i32 to index
        %parallel_loop3A_439 = arith.constant 0 : index
        %parallel_loop3A_440 = tpu.vector_load %arg4[%parallel_loop3A_438, %parallel_loop3A_439] {strides = array<i32>} : memref<4608x16xf32, #tpu.memory_space<vmem>>, vector<16xf32>,
        %parallel_loop3A_441 = vector.bitcast %parallel_loop3A_440 : vector<16xf32> to vector<16xi32>
        %parallel_loop3A_442 = arith.constant 8 : i32
        %parallel_loop3A_443 = vector.broadcast %parallel_loop3A_442 : i32 to vector<16xi32>
        %parallel_loop3A_444 = arith.shrui %parallel_loop3A_441, %parallel_loop3A_443 : vector<16xi32>
        %parallel_loop3A_445 = arith.constant 255 : i32
        %parallel_loop3A_446 = vector.broadcast %parallel_loop3A_445 : i32 to vector<16xi32>
        %parallel_loop3A_447 = arith.andi %parallel_loop3A_444, %parallel_loop3A_446 : vector<16xi32>
        %parallel_loop3A_448 = vector.broadcast %parallel_loop3A_437 : i32 to vector<16xi32>
        %parallel_loop3A_449 = arith.cmpi slt, %parallel_loop3A_448, %parallel_loop3A_251#1 : vector<16xi32>
        tpu.vector_store_idx %arg5[%parallel_loop3A_447, %iota3A], %broadcast_in_dim3A_3 masked %parallel_loop3A_449 {add = true} : memref<512x16xi32, #tpu.memory_space<vmem>>[vector<16xi32>, vector<16xi32>], vector<16xi32>, vector<16xi1>
      } {sc.loop_unroll_factor = 4 : i64, sc.parallel_access}
      %parallel_loop3A_262 = arith.constant 0 : i32
      %parallel_loop3A_263 = arith.constant 256 : i32
      %parallel_loop3A_264 = arith.constant 1 : i32
      %parallel_loop3A_265:3 = scf.for %parallel_loop3A_437 = %parallel_loop3A_262 to %parallel_loop3A_263 step %parallel_loop3A_264 iter_args(%parallel_loop3A_438 = %broadcast_in_dim3A_1, %parallel_loop3A_439 = %broadcast_in_dim3A_1, %parallel_loop3A_440 = %broadcast_in_dim3A_1) -> (vector<16xi32>, vector<16xi32>, vector<16xi32>)  : i32 {
        %parallel_loop3A_441 = arith.constant 255 : i32
        %parallel_loop3A_442 = arith.subi %parallel_loop3A_441, %parallel_loop3A_437 : i32
        %parallel_loop3A_443 = arith.index_cast %parallel_loop3A_442 : i32 to index
        %parallel_loop3A_444 = arith.constant 0 : index
        %parallel_loop3A_445 = tpu.vector_load %arg5[%parallel_loop3A_443, %parallel_loop3A_444] {strides = array<i32>} : memref<512x16xi32, #tpu.memory_space<vmem>>, vector<16xi32>,
        %parallel_loop3A_446 = arith.index_cast %parallel_loop3A_442 : i32 to index
        %parallel_loop3A_447 = arith.constant 0 : index
        %parallel_loop3A_448 = tpu.vector_load %arg5[%parallel_loop3A_446, %parallel_loop3A_447] {strides = array<i32>} : memref<512x16xi32, #tpu.memory_space<vmem>>, vector<16xi32>,
        tpu.vector_store %arg5[%parallel_loop3A_446, %parallel_loop3A_447], %broadcast_in_dim3A_1 {strides = array<i32>} : memref<512x16xi32, #tpu.memory_space<vmem>>, vector<16xi32>,
        %parallel_loop3A_449 = arith.addi %parallel_loop3A_438, %parallel_loop3A_445 : vector<16xi32>
        %parallel_loop3A_450 = arith.cmpi slt, %parallel_loop3A_438, %parallel_loop3A_240#2 : vector<16xi32>
        %parallel_loop3A_451 = arith.cmpi sge, %parallel_loop3A_449, %parallel_loop3A_240#2 : vector<16xi32>
        %parallel_loop3A_452 = arith.andi %parallel_loop3A_450, %parallel_loop3A_451 : vector<16xi1>
        %parallel_loop3A_453 = vector.broadcast %parallel_loop3A_442 : i32 to vector<16xi32>
        %parallel_loop3A_454 = arith.select %parallel_loop3A_452, %parallel_loop3A_453, %parallel_loop3A_439 : vector<16xi1>, vector<16xi32>
        %parallel_loop3A_455 = arith.subi %parallel_loop3A_240#2, %parallel_loop3A_438 : vector<16xi32>
        %parallel_loop3A_456 = arith.select %parallel_loop3A_452, %parallel_loop3A_455, %parallel_loop3A_440 : vector<16xi1>, vector<16xi32>
        scf.yield %parallel_loop3A_449, %parallel_loop3A_454, %parallel_loop3A_456 : vector<16xi32>, vector<16xi32>, vector<16xi32>
      } {sc.loop_unroll_factor = 4 : i64, sc.parallel_access}
      %reduce_max3A_266 = arith.constant true
      %reduce_max3A_267 = vector.broadcast %reduce_max3A_266 : i1 to vector<16xi1>
      %reduce_max3A_268 = arith.constant -2147483648 : i32
      %reduce_max3A_269 = vector.broadcast %reduce_max3A_268 : i32 to vector<16xi32>
      %reduce_max3A_270 = arith.xori %parallel_loop3A_251#1, %reduce_max3A_269 : vector<16xi32>
      %reduce_max3A_271 = tpu.scan <max>, %reduce_max3A_270 masked %reduce_max3A_267 : vector<16xi32>, vector<16xi1> -> vector<16xi32>
      %reduce_max3A_272 = arith.xori %reduce_max3A_271, %reduce_max3A_269 : vector<16xi32>
      %reduce_max3A_273 = vector.extract %reduce_max3A_272[15] : i32 from vector<16xi32>
      %parallel_loop3A_274 = arith.constant 0 : i32
      %parallel_loop3A_275 = arith.constant 1 : i32
      %parallel_loop3A_276:2 = scf.for %parallel_loop3A_437 = %parallel_loop3A_274 to %reduce_max3A_273 step %parallel_loop3A_275 iter_args(%parallel_loop3A_438 = %parallel_loop3A_251#0, %parallel_loop3A_439 = %broadcast_in_dim3A_1) -> (vector<16xi32>, vector<16xi32>)  : i32 {
        %parallel_loop3A_440 = arith.index_cast %parallel_loop3A_437 : i32 to index
        %parallel_loop3A_441 = arith.constant 0 : index
        %parallel_loop3A_442 = tpu.vector_load %arg4[%parallel_loop3A_440, %parallel_loop3A_441] {strides = array<i32>} : memref<4608x16xf32, #tpu.memory_space<vmem>>, vector<16xf32>,
        %parallel_loop3A_443 = vector.bitcast %parallel_loop3A_442 : vector<16xf32> to vector<16xi32>
        %parallel_loop3A_444 = arith.constant 8 : i32
        %parallel_loop3A_445 = vector.broadcast %parallel_loop3A_444 : i32 to vector<16xi32>
        %parallel_loop3A_446 = arith.shrui %parallel_loop3A_443, %parallel_loop3A_445 : vector<16xi32>
        %parallel_loop3A_447 = arith.constant 255 : i32
        %parallel_loop3A_448 = vector.broadcast %parallel_loop3A_447 : i32 to vector<16xi32>
        %parallel_loop3A_449 = arith.andi %parallel_loop3A_446, %parallel_loop3A_448 : vector<16xi32>
        %parallel_loop3A_450 = vector.broadcast %parallel_loop3A_437 : i32 to vector<16xi32>
        %parallel_loop3A_451 = arith.cmpi slt, %parallel_loop3A_450, %parallel_loop3A_251#1 : vector<16xi32>
        %parallel_loop3A_452 = arith.cmpi sgt, %parallel_loop3A_449, %parallel_loop3A_265#1 : vector<16xi32>
        %parallel_loop3A_453 = arith.andi %parallel_loop3A_451, %parallel_loop3A_452 : vector<16xi1>
        %parallel_loop3A_454 = arith.cmpi eq, %parallel_loop3A_449, %parallel_loop3A_265#1 : vector<16xi32>
        %parallel_loop3A_455 = arith.andi %parallel_loop3A_451, %parallel_loop3A_454 : vector<16xi1>
        %parallel_loop3A_456 = arith.constant 4096 : i32
        %parallel_loop3A_457 = vector.broadcast %parallel_loop3A_456 : i32 to vector<16xi32>
        %parallel_loop3A_458 = arith.addi %parallel_loop3A_438, %parallel_loop3A_457 : vector<16xi32>
        %parallel_loop3A_459 = arith.select %parallel_loop3A_453, %parallel_loop3A_458, %parallel_loop3A_439 : vector<16xi1>, vector<16xi32>
        %parallel_loop3A_460 = arith.ori %parallel_loop3A_453, %parallel_loop3A_455 : vector<16xi1>
        tpu.vector_store_idx %arg4[%parallel_loop3A_459, %iota3A], %parallel_loop3A_442 masked %parallel_loop3A_460 : memref<4608x16xf32, #tpu.memory_space<vmem>>[vector<16xi32>, vector<16xi32>], vector<16xf32>, vector<16xi1>
        %parallel_loop3A_461 = arith.select %parallel_loop3A_453, %broadcast_in_dim3A_3, %broadcast_in_dim3A_1 : vector<16xi1>, vector<16xi32>
        %parallel_loop3A_462 = arith.addi %parallel_loop3A_438, %parallel_loop3A_461 : vector<16xi32>
        %parallel_loop3A_463 = arith.select %parallel_loop3A_455, %broadcast_in_dim3A_3, %broadcast_in_dim3A_1 : vector<16xi1>, vector<16xi32>
        %parallel_loop3A_464 = arith.addi %parallel_loop3A_439, %parallel_loop3A_463 : vector<16xi32>
        scf.yield %parallel_loop3A_462, %parallel_loop3A_464 : vector<16xi32>, vector<16xi32>
      } {sc.loop_unroll_factor = 4 : i64, sc.parallel_access}
      %reduce_max3A_277 = arith.constant true
      %reduce_max3A_278 = vector.broadcast %reduce_max3A_277 : i1 to vector<16xi1>
      %reduce_max3A_279 = arith.constant -2147483648 : i32
      %reduce_max3A_280 = vector.broadcast %reduce_max3A_279 : i32 to vector<16xi32>
      %reduce_max3A_281 = arith.xori %parallel_loop3A_276#1, %reduce_max3A_280 : vector<16xi32>
      %reduce_max3A_282 = tpu.scan <max>, %reduce_max3A_281 masked %reduce_max3A_278 : vector<16xi32>, vector<16xi1> -> vector<16xi32>
      %reduce_max3A_283 = arith.xori %reduce_max3A_282, %reduce_max3A_280 : vector<16xi32>
      %reduce_max3A_284 = vector.extract %reduce_max3A_283[15] : i32 from vector<16xi32>
      %parallel_loop3A_285 = arith.constant 0 : i32
      %parallel_loop3A_286 = arith.constant 1 : i32
      scf.for %parallel_loop3A_437 = %parallel_loop3A_285 to %reduce_max3A_284 step %parallel_loop3A_286  : i32 {
        %parallel_loop3A_438 = arith.index_cast %parallel_loop3A_437 : i32 to index
        %parallel_loop3A_439 = arith.constant 0 : index
        %parallel_loop3A_440 = tpu.vector_load %arg4[%parallel_loop3A_438, %parallel_loop3A_439] {strides = array<i32>} : memref<4608x16xf32, #tpu.memory_space<vmem>>, vector<16xf32>,
        %parallel_loop3A_441 = vector.bitcast %parallel_loop3A_440 : vector<16xf32> to vector<16xi32>
        %parallel_loop3A_442 = arith.constant 0 : i32
        %parallel_loop3A_443 = vector.broadcast %parallel_loop3A_442 : i32 to vector<16xi32>
        %parallel_loop3A_444 = arith.shrui %parallel_loop3A_441, %parallel_loop3A_443 : vector<16xi32>
        %parallel_loop3A_445 = arith.constant 255 : i32
        %parallel_loop3A_446 = vector.broadcast %parallel_loop3A_445 : i32 to vector<16xi32>
        %parallel_loop3A_447 = arith.andi %parallel_loop3A_444, %parallel_loop3A_446 : vector<16xi32>
        %parallel_loop3A_448 = vector.broadcast %parallel_loop3A_437 : i32 to vector<16xi32>
        %parallel_loop3A_449 = arith.cmpi slt, %parallel_loop3A_448, %parallel_loop3A_276#1 : vector<16xi32>
        tpu.vector_store_idx %arg5[%parallel_loop3A_447, %iota3A], %broadcast_in_dim3A_3 masked %parallel_loop3A_449 {add = true} : memref<512x16xi32, #tpu.memory_space<vmem>>[vector<16xi32>, vector<16xi32>], vector<16xi32>, vector<16xi1>
      } {sc.loop_unroll_factor = 4 : i64, sc.parallel_access}
      %parallel_loop3A_287 = arith.constant 0 : i32
      %parallel_loop3A_288 = arith.constant 256 : i32
      %parallel_loop3A_289 = arith.constant 1 : i32
      %parallel_loop3A_290:3 = scf.for %parallel_loop3A_437 = %parallel_loop3A_287 to %parallel_loop3A_288 step %parallel_loop3A_289 iter_args(%parallel_loop3A_438 = %broadcast_in_dim3A_1, %parallel_loop3A_439 = %broadcast_in_dim3A_1, %parallel_loop3A_440 = %broadcast_in_dim3A_1) -> (vector<16xi32>, vector<16xi32>, vector<16xi32>)  : i32 {
        %parallel_loop3A_441 = arith.constant 255 : i32
        %parallel_loop3A_442 = arith.subi %parallel_loop3A_441, %parallel_loop3A_437 : i32
        %parallel_loop3A_443 = arith.index_cast %parallel_loop3A_442 : i32 to index
        %parallel_loop3A_444 = arith.constant 0 : index
        %parallel_loop3A_445 = tpu.vector_load %arg5[%parallel_loop3A_443, %parallel_loop3A_444] {strides = array<i32>} : memref<512x16xi32, #tpu.memory_space<vmem>>, vector<16xi32>,
        %parallel_loop3A_446 = arith.index_cast %parallel_loop3A_442 : i32 to index
        %parallel_loop3A_447 = arith.constant 0 : index
        %parallel_loop3A_448 = tpu.vector_load %arg5[%parallel_loop3A_446, %parallel_loop3A_447] {strides = array<i32>} : memref<512x16xi32, #tpu.memory_space<vmem>>, vector<16xi32>,
        tpu.vector_store %arg5[%parallel_loop3A_446, %parallel_loop3A_447], %broadcast_in_dim3A_1 {strides = array<i32>} : memref<512x16xi32, #tpu.memory_space<vmem>>, vector<16xi32>,
        %parallel_loop3A_449 = arith.addi %parallel_loop3A_438, %parallel_loop3A_445 : vector<16xi32>
        %parallel_loop3A_450 = arith.cmpi slt, %parallel_loop3A_438, %parallel_loop3A_265#2 : vector<16xi32>
        %parallel_loop3A_451 = arith.cmpi sge, %parallel_loop3A_449, %parallel_loop3A_265#2 : vector<16xi32>
        %parallel_loop3A_452 = arith.andi %parallel_loop3A_450, %parallel_loop3A_451 : vector<16xi1>
        %parallel_loop3A_453 = vector.broadcast %parallel_loop3A_442 : i32 to vector<16xi32>
        %parallel_loop3A_454 = arith.select %parallel_loop3A_452, %parallel_loop3A_453, %parallel_loop3A_439 : vector<16xi1>, vector<16xi32>
        %parallel_loop3A_455 = arith.subi %parallel_loop3A_265#2, %parallel_loop3A_438 : vector<16xi32>
        %parallel_loop3A_456 = arith.select %parallel_loop3A_452, %parallel_loop3A_455, %parallel_loop3A_440 : vector<16xi1>, vector<16xi32>
        scf.yield %parallel_loop3A_449, %parallel_loop3A_454, %parallel_loop3A_456 : vector<16xi32>, vector<16xi32>, vector<16xi32>
      } {sc.loop_unroll_factor = 4 : i64, sc.parallel_access}
      %reduce_max3A_291 = arith.constant true
      %reduce_max3A_292 = vector.broadcast %reduce_max3A_291 : i1 to vector<16xi1>
      %reduce_max3A_293 = arith.constant -2147483648 : i32
      %reduce_max3A_294 = vector.broadcast %reduce_max3A_293 : i32 to vector<16xi32>
      %reduce_max3A_295 = arith.xori %parallel_loop3A_276#1, %reduce_max3A_294 : vector<16xi32>
      %reduce_max3A_296 = tpu.scan <max>, %reduce_max3A_295 masked %reduce_max3A_292 : vector<16xi32>, vector<16xi1> -> vector<16xi32>
      %reduce_max3A_297 = arith.xori %reduce_max3A_296, %reduce_max3A_294 : vector<16xi32>
      %reduce_max3A_298 = vector.extract %reduce_max3A_297[15] : i32 from vector<16xi32>
      %parallel_loop3A_299 = arith.constant 0 : i32
      %parallel_loop3A_300 = arith.constant 1 : i32
      %parallel_loop3A_301:2 = scf.for %parallel_loop3A_437 = %parallel_loop3A_299 to %reduce_max3A_298 step %parallel_loop3A_300 iter_args(%parallel_loop3A_438 = %parallel_loop3A_276#0, %parallel_loop3A_439 = %broadcast_in_dim3A_1) -> (vector<16xi32>, vector<16xi32>)  : i32 {
        %parallel_loop3A_440 = arith.index_cast %parallel_loop3A_437 : i32 to index
        %parallel_loop3A_441 = arith.constant 0 : index
        %parallel_loop3A_442 = tpu.vector_load %arg4[%parallel_loop3A_440, %parallel_loop3A_441] {strides = array<i32>} : memref<4608x16xf32, #tpu.memory_space<vmem>>, vector<16xf32>,
        %parallel_loop3A_443 = vector.bitcast %parallel_loop3A_442 : vector<16xf32> to vector<16xi32>
        %parallel_loop3A_444 = arith.constant 0 : i32
        %parallel_loop3A_445 = vector.broadcast %parallel_loop3A_444 : i32 to vector<16xi32>
        %parallel_loop3A_446 = arith.shrui %parallel_loop3A_443, %parallel_loop3A_445 : vector<16xi32>
        %parallel_loop3A_447 = arith.constant 255 : i32
        %parallel_loop3A_448 = vector.broadcast %parallel_loop3A_447 : i32 to vector<16xi32>
        %parallel_loop3A_449 = arith.andi %parallel_loop3A_446, %parallel_loop3A_448 : vector<16xi32>
        %parallel_loop3A_450 = vector.broadcast %parallel_loop3A_437 : i32 to vector<16xi32>
        %parallel_loop3A_451 = arith.cmpi slt, %parallel_loop3A_450, %parallel_loop3A_276#1 : vector<16xi32>
        %parallel_loop3A_452 = arith.cmpi sgt, %parallel_loop3A_449, %parallel_loop3A_290#1 : vector<16xi32>
        %parallel_loop3A_453 = arith.andi %parallel_loop3A_451, %parallel_loop3A_452 : vector<16xi1>
        %parallel_loop3A_454 = arith.cmpi eq, %parallel_loop3A_449, %parallel_loop3A_290#1 : vector<16xi32>
        %parallel_loop3A_455 = arith.andi %parallel_loop3A_451, %parallel_loop3A_454 : vector<16xi1>
        %parallel_loop3A_456 = arith.constant 4096 : i32
        %parallel_loop3A_457 = vector.broadcast %parallel_loop3A_456 : i32 to vector<16xi32>
        %parallel_loop3A_458 = arith.addi %parallel_loop3A_438, %parallel_loop3A_457 : vector<16xi32>
        %parallel_loop3A_459 = arith.select %parallel_loop3A_453, %parallel_loop3A_458, %parallel_loop3A_439 : vector<16xi1>, vector<16xi32>
        %parallel_loop3A_460 = arith.ori %parallel_loop3A_453, %parallel_loop3A_455 : vector<16xi1>
        tpu.vector_store_idx %arg4[%parallel_loop3A_459, %iota3A], %parallel_loop3A_442 masked %parallel_loop3A_460 : memref<4608x16xf32, #tpu.memory_space<vmem>>[vector<16xi32>, vector<16xi32>], vector<16xf32>, vector<16xi1>
        %parallel_loop3A_461 = arith.select %parallel_loop3A_453, %broadcast_in_dim3A_3, %broadcast_in_dim3A_1 : vector<16xi1>, vector<16xi32>
        %parallel_loop3A_462 = arith.addi %parallel_loop3A_438, %parallel_loop3A_461 : vector<16xi32>
        %parallel_loop3A_463 = arith.select %parallel_loop3A_455, %broadcast_in_dim3A_3, %broadcast_in_dim3A_1 : vector<16xi1>, vector<16xi32>
        %parallel_loop3A_464 = arith.addi %parallel_loop3A_439, %parallel_loop3A_463 : vector<16xi32>
        scf.yield %parallel_loop3A_462, %parallel_loop3A_464 : vector<16xi32>, vector<16xi32>
      } {sc.loop_unroll_factor = 4 : i64, sc.parallel_access}
      %mul3A_302 = arith.constant 16777216 : i32
      %mul3A_303 = vector.broadcast %mul3A_302 : i32 to vector<16xi32>
      %mul3A_304 = arith.muli %parallel_loop3A_223#1, %mul3A_303 : vector<16xi32>
      %mul3A_305 = arith.constant 65536 : i32
      %mul3A_306 = vector.broadcast %mul3A_305 : i32 to vector<16xi32>
      %mul3A_307 = arith.muli %parallel_loop3A_240#1, %mul3A_306 : vector<16xi32>
      %add3A_308 = arith.addi %mul3A_304, %mul3A_307 : vector<16xi32>
      %mul3A_309 = arith.constant 256 : i32
      %mul3A_310 = vector.broadcast %mul3A_309 : i32 to vector<16xi32>
      %mul3A_311 = arith.muli %parallel_loop3A_265#1, %mul3A_310 : vector<16xi32>
      %add3A_312 = arith.addi %add3A_308, %mul3A_311 : vector<16xi32>
      %add3A_313 = arith.addi %add3A_312, %parallel_loop3A_290#1 : vector<16xi32>
      %xor3A = arith.constant -2147483648 : i32
      %xor3A_314 = vector.broadcast %xor3A : i32 to vector<16xi32>
      %xor3A_315 = arith.xori %add3A_313, %xor3A_314 : vector<16xi32>
      %bitcast3A = vector.bitcast %xor3A_315 : vector<16xi32> to vector<16xf32>
      %reduce_min3A = arith.constant true
      %reduce_min3A_316 = vector.broadcast %reduce_min3A : i1 to vector<16xi1>
      %reduce_min3A_317 = arith.constant -2147483648 : i32
      %reduce_min3A_318 = vector.broadcast %reduce_min3A_317 : i32 to vector<16xi32>
      %reduce_min3A_319 = arith.xori %parallel_loop3A_301#0, %reduce_min3A_318 : vector<16xi32>
      %reduce_min3A_320 = tpu.scan <min>, %reduce_min3A_319 masked %reduce_min3A_316 : vector<16xi32>, vector<16xi1> -> vector<16xi32>
      %reduce_min3A_321 = arith.xori %reduce_min3A_320, %reduce_min3A_318 : vector<16xi32>
      %reduce_min3A_322 = vector.extract %reduce_min3A_321[15] : i32 from vector<16xi32>
      %parallel_loop3A_323 = arith.constant 512 : i32
      %parallel_loop3A_324 = arith.constant 1 : i32
      scf.for %parallel_loop3A_437 = %reduce_min3A_322 to %parallel_loop3A_323 step %parallel_loop3A_324  : i32 {
        %parallel_loop3A_438 = vector.broadcast %parallel_loop3A_437 : i32 to vector<16xi32>
        %parallel_loop3A_439 = arith.constant 4096 : i32
        %parallel_loop3A_440 = vector.broadcast %parallel_loop3A_439 : i32 to vector<16xi32>
        %parallel_loop3A_441 = arith.addi %parallel_loop3A_438, %parallel_loop3A_440 : vector<16xi32>
        %parallel_loop3A_442 = arith.cmpi sge, %parallel_loop3A_438, %parallel_loop3A_301#0 : vector<16xi32>
        tpu.vector_store_idx %arg4[%parallel_loop3A_441, %iota3A], %bitcast3A masked %parallel_loop3A_442 : memref<4608x16xf32, #tpu.memory_space<vmem>>[vector<16xi32>, vector<16xi32>], vector<16xf32>, vector<16xi1>
      } {sc.loop_unroll_factor = 1 : i64, sc.parallel_access}
      %add3A_325 = arith.constant 1 : i32
      %add3A_326 = arith.addi %scan3A_115, %add3A_325 : i32
      %min3A = arith.constant 7 : i32
      %min3A_327 = arith.minsi %add3A_326, %min3A : i32
      %mul3A_328 = arith.constant 8 : i32
      %mul3A_329 = arith.muli %add3A, %mul3A_328 : i32
      %add3A_330 = arith.addi %min3A_327, %mul3A_329 : i32
      %jit3A_331 = arith.constant 64 : i32
      %div3A_332 = arith.divsi %add3A_330, %jit3A_331 : i32
      %sign3A_333 = arith.constant 0 : i32
      %sign3A_334 = arith.cmpi sgt, %add3A_330, %sign3A_333 : i32
      %sign3A_335 = arith.extui %sign3A_334 : i1 to i32
      %sign3A_336 = arith.constant 0 : i32
      %sign3A_337 = arith.cmpi slt, %add3A_330, %sign3A_336 : i32
      %sign3A_338 = arith.extui %sign3A_337 : i1 to i32
      %sign3A_339 = arith.subi %sign3A_335, %sign3A_338 : i32
      %sign3A_340 = arith.constant 0 : i32
      %sign3A_341 = arith.cmpi sgt, %jit3A_331, %sign3A_340 : i32
      %sign3A_342 = arith.extui %sign3A_341 : i1 to i32
      %sign3A_343 = arith.constant 0 : i32
      %sign3A_344 = arith.cmpi slt, %jit3A_331, %sign3A_343 : i32
      %sign3A_345 = arith.extui %sign3A_344 : i1 to i32
      %sign3A_346 = arith.subi %sign3A_342, %sign3A_345 : i32
      %ne3A_347 = arith.cmpi ne, %sign3A_339, %sign3A_346 : i32
      %rem3A_348 = arith.remsi %add3A_330, %jit3A_331 : i32
      %ne3A_349 = arith.constant 0 : i32
      %ne3A_350 = arith.cmpi ne, %rem3A_348, %ne3A_349 : i32
      %and3A_351 = arith.andi %ne3A_347, %ne3A_350 : i1
      %sub3A_352 = arith.constant 1 : i32
      %sub3A_353 = arith.subi %div3A_332, %sub3A_352 : i32
      %select_n3A_354 = arith.select %and3A_351, %sub3A_353, %div3A_332 : i32
      %jit3A_355 = arith.constant 64 : i32
      %eq3A_356 = arith.constant 0 : i32
      %eq3A_357 = arith.cmpi eq, %jit3A_355, %eq3A_356 : i32
      %jit3A_358 = arith.constant 1 : i32
      %select_n3A_359 = arith.select %eq3A_357, %jit3A_358, %jit3A_355 : i32
      %rem3A_360 = arith.remsi %add3A_330, %select_n3A_359 : i32
      %ne3A_361 = arith.constant 0 : i32
      %ne3A_362 = arith.cmpi ne, %rem3A_360, %ne3A_361 : i32
      %lt3A_363 = arith.constant 0 : i32
      %lt3A_364 = arith.cmpi slt, %rem3A_360, %lt3A_363 : i32
      %lt3A_365 = arith.constant 0 : i32
      %lt3A_366 = arith.cmpi slt, %select_n3A_359, %lt3A_365 : i32
      %ne3A_367 = arith.xori %lt3A_364, %lt3A_366 : i1
      %and3A_368 = arith.andi %ne3A_367, %ne3A_362 : i1
      %add3A_369 = arith.addi %rem3A_360, %select_n3A_359 : i32
      %select_n3A_370 = arith.select %and3A_368, %add3A_369, %rem3A_360 : i32
      %mul3A_371 = arith.constant 16 : i32
      %mul3A_372 = arith.muli %select_n3A_370, %mul3A_371 : i32
      %dma_start3A_373 = arith.constant 0 : i32
      %dma_start3A_374 = arith.constant 0 : i32
      %dma_start3A_375 = tpu.memref_slice %arg4[%dma_start3A_373, %dma_start3A_374] : memref<4608x16xf32, #tpu.memory_space<vmem>> -> memref<4096x16xf32, #tpu.memory_space<vmem>>
      %dma_start3A_376 = arith.constant 0 : i32
      %dma_start3A_377 = tpu.memref_slice %arg2[%select_n3A_354, %dma_start3A_376, %mul3A_372] : memref<4x4096x1024xf32, #tpu.memory_space<hbm>> -> memref<1x4096x16xf32, #tpu.memory_space<hbm>>
      %dma_start3A_378 = tpu.memref_squeeze %dma_start3A_377 : memref<1x4096x16xf32, #tpu.memory_space<hbm>> -> memref<4096x16xf32, #tpu.memory_space<hbm>>
      %dma_start3A_379 = arith.constant 0 : i32
      %dma_start3A_380 = arith.constant 0 : i32
      %dma_start3A_381 = tpu.memref_slice %arg4[%dma_start3A_379, %dma_start3A_380] : memref<4608x16xf32, #tpu.memory_space<vmem>> -> memref<4096x16xf32, #tpu.memory_space<vmem>>
      %dma_start3A_382 = arith.constant 0 : i32
      %dma_start3A_383 = tpu.memref_slice %arg2[%select_n3A_354, %dma_start3A_382, %mul3A_372] : memref<4x4096x1024xf32, #tpu.memory_space<hbm>> -> memref<1x4096x16xf32, #tpu.memory_space<hbm>>
      %dma_start3A_384 = tpu.memref_squeeze %dma_start3A_383 : memref<1x4096x16xf32, #tpu.memory_space<hbm>> -> memref<4096x16xf32, #tpu.memory_space<hbm>>
      tpu.enqueue_dma source(%dma_start3A_384 : memref<4096x16xf32, #tpu.memory_space<hbm>>) target(%dma_start3A_381 : memref<4096x16xf32, #tpu.memory_space<vmem>>) target_semaphore(%arg8 : memref<!tpu.dma_semaphore, #tpu.memory_space<semaphore_mem>>)
      %parallel_loop3A_385 = arith.constant 0 : i32
      %parallel_loop3A_386 = arith.constant 512 : i32
      %parallel_loop3A_387 = arith.constant 1 : i32
      scf.for %parallel_loop3A_437 = %parallel_loop3A_385 to %parallel_loop3A_386 step %parallel_loop3A_387  : i32 {
        %parallel_loop3A_438 = arith.constant 4096 : i32
        %parallel_loop3A_439 = arith.addi %parallel_loop3A_437, %parallel_loop3A_438 : i32
        %parallel_loop3A_440 = arith.index_cast %parallel_loop3A_439 : i32 to index
        %parallel_loop3A_441 = arith.constant 0 : index
        %parallel_loop3A_442 = tpu.vector_load %arg4[%parallel_loop3A_440, %parallel_loop3A_441] {strides = array<i32>} : memref<4608x16xf32, #tpu.memory_space<vmem>>, vector<16xf32>,
        %parallel_loop3A_443 = vector.bitcast %parallel_loop3A_442 : vector<16xf32> to vector<16xi32>
        %parallel_loop3A_444 = arith.constant 0 : i32
        %parallel_loop3A_445 = vector.broadcast %parallel_loop3A_444 : i32 to vector<16xi32>
        %parallel_loop3A_446 = arith.shrui %parallel_loop3A_443, %parallel_loop3A_445 : vector<16xi32>
        %parallel_loop3A_447 = arith.constant 255 : i32
        %parallel_loop3A_448 = vector.broadcast %parallel_loop3A_447 : i32 to vector<16xi32>
        %parallel_loop3A_449 = arith.andi %parallel_loop3A_446, %parallel_loop3A_448 : vector<16xi32>
        tpu.vector_store_idx %arg5[%parallel_loop3A_449, %iota3A], %broadcast_in_dim3A_3 {add = true} : memref<512x16xi32, #tpu.memory_space<vmem>>[vector<16xi32>, vector<16xi32>], vector<16xi32>,
      } {sc.loop_unroll_factor = 8 : i64, sc.parallel_access}
      %parallel_loop3A_388 = arith.constant 0 : i32
      %parallel_loop3A_389 = arith.constant 256 : i32
      %parallel_loop3A_390 = arith.constant 1 : i32
      %parallel_loop3A_391 = scf.for %parallel_loop3A_437 = %parallel_loop3A_388 to %parallel_loop3A_389 step %parallel_loop3A_390 iter_args(%parallel_loop3A_438 = %broadcast_in_dim3A_1) -> (vector<16xi32>)  : i32 {
        %parallel_loop3A_439 = arith.constant 255 : i32
        %parallel_loop3A_440 = arith.subi %parallel_loop3A_439, %parallel_loop3A_437 : i32
        %parallel_loop3A_441 = arith.index_cast %parallel_loop3A_440 : i32 to index
        %parallel_loop3A_442 = arith.constant 0 : index
        %parallel_loop3A_443 = tpu.vector_load %arg5[%parallel_loop3A_441, %parallel_loop3A_442] {strides = array<i32>} : memref<512x16xi32, #tpu.memory_space<vmem>>, vector<16xi32>,
        %parallel_loop3A_444 = arith.index_cast %parallel_loop3A_440 : i32 to index
        %parallel_loop3A_445 = arith.constant 0 : index
        %parallel_loop3A_446 = tpu.vector_load %arg5[%parallel_loop3A_444, %parallel_loop3A_445] {strides = array<i32>} : memref<512x16xi32, #tpu.memory_space<vmem>>, vector<16xi32>,
        tpu.vector_store %arg5[%parallel_loop3A_444, %parallel_loop3A_445], %broadcast_in_dim3A_1 {strides = array<i32>} : memref<512x16xi32, #tpu.memory_space<vmem>>, vector<16xi32>,
        %parallel_loop3A_447 = arith.index_cast %parallel_loop3A_440 : i32 to index
        %parallel_loop3A_448 = arith.constant 0 : index
        %parallel_loop3A_449 = tpu.vector_load %arg6[%parallel_loop3A_447, %parallel_loop3A_448] {strides = array<i32>} : memref<256x16xi32, #tpu.memory_space<vmem>>, vector<16xi32>,
        tpu.vector_store %arg6[%parallel_loop3A_447, %parallel_loop3A_448], %parallel_loop3A_438 {strides = array<i32>} : memref<256x16xi32, #tpu.memory_space<vmem>>, vector<16xi32>,
        %parallel_loop3A_450 = arith.addi %parallel_loop3A_438, %parallel_loop3A_443 : vector<16xi32>
        scf.yield %parallel_loop3A_450 : vector<16xi32>
      } {sc.loop_unroll_factor = 4 : i64, sc.parallel_access}
      %scan3A_392 = arith.constant 0 : i32
      %scan3A_393 = arith.constant 0 : i32
      %scan3A_394 = arith.constant 64 : i32
      %scan3A_395 = arith.addi %scan3A_393, %scan3A_394 : i32
      %scan3A_396 = arith.constant 1 : i32
      scf.for %scan3A_437 = %scan3A_393 to %scan3A_395 step %scan3A_396  : i32 {
        %mul3A_438 = arith.constant 8 : i32
        %mul3A_439 = arith.muli %scan3A_437, %mul3A_438 : i32
        %add3A_440 = arith.constant 0 : i32
        %add3A_441 = arith.addi %mul3A_439, %add3A_440 : i32
        %add3A_442 = arith.constant 4096 : i32
        %add3A_443 = arith.addi %add3A_441, %add3A_442 : i32
        %get3A = arith.index_cast %add3A_443 : i32 to index
        %get3A_444 = arith.constant 0 : index
        %get3A_445 = tpu.vector_load %arg4[%get3A, %get3A_444] {strides = array<i32>} : memref<4608x16xf32, #tpu.memory_space<vmem>>, vector<16xf32>,
        %bitcast3A_446 = vector.bitcast %get3A_445 : vector<16xf32> to vector<16xi32>
        %shift_right_logical3A = arith.constant 0 : i32
        %shift_right_logical3A_447 = vector.broadcast %shift_right_logical3A : i32 to vector<16xi32>
        %shift_right_logical3A_448 = arith.shrui %bitcast3A_446, %shift_right_logical3A_447 : vector<16xi32>
        %and3A_449 = arith.constant 255 : i32
        %and3A_450 = vector.broadcast %and3A_449 : i32 to vector<16xi32>
        %and3A_451 = arith.andi %shift_right_logical3A_448, %and3A_450 : vector<16xi32>
        %gather3A = tpu.vector_load_idx %arg6[%and3A_451, %iota3A] : memref<256x16xi32, #tpu.memory_space<vmem>>[vector<16xi32>, vector<16xi32>], vector<16xi32>,
        %add3A_452 = arith.constant 1 : i32
        %add3A_453 = arith.addi %mul3A_439, %add3A_452 : i32
        %add3A_454 = arith.constant 4096 : i32
        %add3A_455 = arith.addi %add3A_453, %add3A_454 : i32
        %get3A_456 = arith.index_cast %add3A_455 : i32 to index
        %get3A_457 = arith.constant 0 : index
        %get3A_458 = tpu.vector_load %arg4[%get3A_456, %get3A_457] {strides = array<i32>} : memref<4608x16xf32, #tpu.memory_space<vmem>>, vector<16xf32>,
        %bitcast3A_459 = vector.bitcast %get3A_458 : vector<16xf32> to vector<16xi32>
        %shift_right_logical3A_460 = arith.constant 0 : i32
        %shift_right_logical3A_461 = vector.broadcast %shift_right_logical3A_460 : i32 to vector<16xi32>
        %shift_right_logical3A_462 = arith.shrui %bitcast3A_459, %shift_right_logical3A_461 : vector<16xi32>
        %and3A_463 = arith.constant 255 : i32
        %and3A_464 = vector.broadcast %and3A_463 : i32 to vector<16xi32>
        %and3A_465 = arith.andi %shift_right_logical3A_462, %and3A_464 : vector<16xi32>
        %gather3A_466 = tpu.vector_load_idx %arg6[%and3A_465, %iota3A] : memref<256x16xi32, #tpu.memory_space<vmem>>[vector<16xi32>, vector<16xi32>], vector<16xi32>,
        %add3A_467 = arith.constant 2 : i32
        %add3A_468 = arith.addi %mul3A_439, %add3A_467 : i32
        %add3A_469 = arith.constant 4096 : i32
        %add3A_470 = arith.addi %add3A_468, %add3A_469 : i32
        %get3A_471 = arith.index_cast %add3A_470 : i32 to index
        %get3A_472 = arith.constant 0 : index
        %get3A_473 = tpu.vector_load %arg4[%get3A_471, %get3A_472] {strides = array<i32>} : memref<4608x16xf32, #tpu.memory_space<vmem>>, vector<16xf32>,
        %bitcast3A_474 = vector.bitcast %get3A_473 : vector<16xf32> to vector<16xi32>
        %shift_right_logical3A_475 = arith.constant 0 : i32
        %shift_right_logical3A_476 = vector.broadcast %shift_right_logical3A_475 : i32 to vector<16xi32>
        %shift_right_logical3A_477 = arith.shrui %bitcast3A_474, %shift_right_logical3A_476 : vector<16xi32>
        %and3A_478 = arith.constant 255 : i32
        %and3A_479 = vector.broadcast %and3A_478 : i32 to vector<16xi32>
        %and3A_480 = arith.andi %shift_right_logical3A_477, %and3A_479 : vector<16xi32>
        %gather3A_481 = tpu.vector_load_idx %arg6[%and3A_480, %iota3A] : memref<256x16xi32, #tpu.memory_space<vmem>>[vector<16xi32>, vector<16xi32>], vector<16xi32>,
        %add3A_482 = arith.constant 3 : i32
        %add3A_483 = arith.addi %mul3A_439, %add3A_482 : i32
        %add3A_484 = arith.constant 4096 : i32
        %add3A_485 = arith.addi %add3A_483, %add3A_484 : i32
        %get3A_486 = arith.index_cast %add3A_485 : i32 to index
        %get3A_487 = arith.constant 0 : index
        %get3A_488 = tpu.vector_load %arg4[%get3A_486, %get3A_487] {strides = array<i32>} : memref<4608x16xf32, #tpu.memory_space<vmem>>, vector<16xf32>,
        %bitcast3A_489 = vector.bitcast %get3A_488 : vector<16xf32> to vector<16xi32>
        %shift_right_logical3A_490 = arith.constant 0 : i32
        %shift_right_logical3A_491 = vector.broadcast %shift_right_logical3A_490 : i32 to vector<16xi32>
        %shift_right_logical3A_492 = arith.shrui %bitcast3A_489, %shift_right_logical3A_491 : vector<16xi32>
        %and3A_493 = arith.constant 255 : i32
        %and3A_494 = vector.broadcast %and3A_493 : i32 to vector<16xi32>
        %and3A_495 = arith.andi %shift_right_logical3A_492, %and3A_494 : vector<16xi32>
        %gather3A_496 = tpu.vector_load_idx %arg6[%and3A_495, %iota3A] : memref<256x16xi32, #tpu.memory_space<vmem>>[vector<16xi32>, vector<16xi32>], vector<16xi32>,
        %add3A_497 = arith.constant 4 : i32
        %add3A_498 = arith.addi %mul3A_439, %add3A_497 : i32
        %add3A_499 = arith.constant 4096 : i32
        %add3A_500 = arith.addi %add3A_498, %add3A_499 : i32
        %get3A_501 = arith.index_cast %add3A_500 : i32 to index
        %get3A_502 = arith.constant 0 : index
        %get3A_503 = tpu.vector_load %arg4[%get3A_501, %get3A_502] {strides = array<i32>} : memref<4608x16xf32, #tpu.memory_space<vmem>>, vector<16xf32>,
        %bitcast3A_504 = vector.bitcast %get3A_503 : vector<16xf32> to vector<16xi32>
        %shift_right_logical3A_505 = arith.constant 0 : i32
        %shift_right_logical3A_506 = vector.broadcast %shift_right_logical3A_505 : i32 to vector<16xi32>
        %shift_right_logical3A_507 = arith.shrui %bitcast3A_504, %shift_right_logical3A_506 : vector<16xi32>
        %and3A_508 = arith.constant 255 : i32
        %and3A_509 = vector.broadcast %and3A_508 : i32 to vector<16xi32>
        %and3A_510 = arith.andi %shift_right_logical3A_507, %and3A_509 : vector<16xi32>
        %gather3A_511 = tpu.vector_load_idx %arg6[%and3A_510, %iota3A] : memref<256x16xi32, #tpu.memory_space<vmem>>[vector<16xi32>, vector<16xi32>], vector<16xi32>,
        %add3A_512 = arith.constant 5 : i32
        %add3A_513 = arith.addi %mul3A_439, %add3A_512 : i32
        %add3A_514 = arith.constant 4096 : i32
        %add3A_515 = arith.addi %add3A_513, %add3A_514 : i32
        %get3A_516 = arith.index_cast %add3A_515 : i32 to index
        %get3A_517 = arith.constant 0 : index
        %get3A_518 = tpu.vector_load %arg4[%get3A_516, %get3A_517] {strides = array<i32>} : memref<4608x16xf32, #tpu.memory_space<vmem>>, vector<16xf32>,
        %bitcast3A_519 = vector.bitcast %get3A_518 : vector<16xf32> to vector<16xi32>
        %shift_right_logical3A_520 = arith.constant 0 : i32
        %shift_right_logical3A_521 = vector.broadcast %shift_right_logical3A_520 : i32 to vector<16xi32>
        %shift_right_logical3A_522 = arith.shrui %bitcast3A_519, %shift_right_logical3A_521 : vector<16xi32>
        %and3A_523 = arith.constant 255 : i32
        %and3A_524 = vector.broadcast %and3A_523 : i32 to vector<16xi32>
        %and3A_525 = arith.andi %shift_right_logical3A_522, %and3A_524 : vector<16xi32>
        %gather3A_526 = tpu.vector_load_idx %arg6[%and3A_525, %iota3A] : memref<256x16xi32, #tpu.memory_space<vmem>>[vector<16xi32>, vector<16xi32>], vector<16xi32>,
        %add3A_527 = arith.constant 6 : i32
        %add3A_528 = arith.addi %mul3A_439, %add3A_527 : i32
        %add3A_529 = arith.constant 4096 : i32
        %add3A_530 = arith.addi %add3A_528, %add3A_529 : i32
        %get3A_531 = arith.index_cast %add3A_530 : i32 to index
        %get3A_532 = arith.constant 0 : index
        %get3A_533 = tpu.vector_load %arg4[%get3A_531, %get3A_532] {strides = array<i32>} : memref<4608x16xf32, #tpu.memory_space<vmem>>, vector<16xf32>,
        %bitcast3A_534 = vector.bitcast %get3A_533 : vector<16xf32> to vector<16xi32>
        %shift_right_logical3A_535 = arith.constant 0 : i32
        %shift_right_logical3A_536 = vector.broadcast %shift_right_logical3A_535 : i32 to vector<16xi32>
        %shift_right_logical3A_537 = arith.shrui %bitcast3A_534, %shift_right_logical3A_536 : vector<16xi32>
        %and3A_538 = arith.constant 255 : i32
        %and3A_539 = vector.broadcast %and3A_538 : i32 to vector<16xi32>
        %and3A_540 = arith.andi %shift_right_logical3A_537, %and3A_539 : vector<16xi32>
        %gather3A_541 = tpu.vector_load_idx %arg6[%and3A_540, %iota3A] : memref<256x16xi32, #tpu.memory_space<vmem>>[vector<16xi32>, vector<16xi32>], vector<16xi32>,
        %add3A_542 = arith.constant 7 : i32
        %add3A_543 = arith.addi %mul3A_439, %add3A_542 : i32
        %add3A_544 = arith.constant 4096 : i32
        %add3A_545 = arith.addi %add3A_543, %add3A_544 : i32
        %get3A_546 = arith.index_cast %add3A_545 : i32 to index
        %get3A_547 = arith.constant 0 : index
        %get3A_548 = tpu.vector_load %arg4[%get3A_546, %get3A_547] {strides = array<i32>} : memref<4608x16xf32, #tpu.memory_space<vmem>>, vector<16xf32>,
        %bitcast3A_549 = vector.bitcast %get3A_548 : vector<16xf32> to vector<16xi32>
        %shift_right_logical3A_550 = arith.constant 0 : i32
        %shift_right_logical3A_551 = vector.broadcast %shift_right_logical3A_550 : i32 to vector<16xi32>
        %shift_right_logical3A_552 = arith.shrui %bitcast3A_549, %shift_right_logical3A_551 : vector<16xi32>
        %and3A_553 = arith.constant 255 : i32
        %and3A_554 = vector.broadcast %and3A_553 : i32 to vector<16xi32>
        %and3A_555 = arith.andi %shift_right_logical3A_552, %and3A_554 : vector<16xi32>
        %gather3A_556 = tpu.vector_load_idx %arg6[%and3A_555, %iota3A] : memref<256x16xi32, #tpu.memory_space<vmem>>[vector<16xi32>, vector<16xi32>], vector<16xi32>,
        %eq3A_557 = arith.cmpi eq, %and3A_465, %and3A_451 : vector<16xi32>
        %select_n3A_558 = arith.select %eq3A_557, %broadcast_in_dim3A_3, %broadcast_in_dim3A_1 : vector<16xi1>, vector<16xi32>
        %add3A_559 = arith.addi %broadcast_in_dim3A_1, %select_n3A_558 : vector<16xi32>
        %add3A_560 = arith.addi %gather3A_466, %add3A_559 : vector<16xi32>
        %eq3A_561 = arith.cmpi eq, %and3A_480, %and3A_451 : vector<16xi32>
        %select_n3A_562 = arith.select %eq3A_561, %broadcast_in_dim3A_3, %broadcast_in_dim3A_1 : vector<16xi1>, vector<16xi32>
        %add3A_563 = arith.addi %broadcast_in_dim3A_1, %select_n3A_562 : vector<16xi32>
        %eq3A_564 = arith.cmpi eq, %and3A_480, %and3A_465 : vector<16xi32>
        %select_n3A_565 = arith.select %eq3A_564, %broadcast_in_dim3A_3, %broadcast_in_dim3A_1 : vector<16xi1>, vector<16xi32>
        %add3A_566 = arith.addi %add3A_563, %select_n3A_565 : vector<16xi32>
        %add3A_567 = arith.addi %gather3A_481, %add3A_566 : vector<16xi32>
        %eq3A_568 = arith.cmpi eq, %and3A_495, %and3A_451 : vector<16xi32>
        %select_n3A_569 = arith.select %eq3A_568, %broadcast_in_dim3A_3, %broadcast_in_dim3A_1 : vector<16xi1>, vector<16xi32>
        %add3A_570 = arith.addi %broadcast_in_dim3A_1, %select_n3A_569 : vector<16xi32>
        %eq3A_571 = arith.cmpi eq, %and3A_495, %and3A_465 : vector<16xi32>
        %select_n3A_572 = arith.select %eq3A_571, %broadcast_in_dim3A_3, %broadcast_in_dim3A_1 : vector<16xi1>, vector<16xi32>
        %add3A_573 = arith.addi %add3A_570, %select_n3A_572 : vector<16xi32>
        %eq3A_574 = arith.cmpi eq, %and3A_495, %and3A_480 : vector<16xi32>
        %select_n3A_575 = arith.select %eq3A_574, %broadcast_in_dim3A_3, %broadcast_in_dim3A_1 : vector<16xi1>, vector<16xi32>
        %add3A_576 = arith.addi %add3A_573, %select_n3A_575 : vector<16xi32>
        %add3A_577 = arith.addi %gather3A_496, %add3A_576 : vector<16xi32>
        %eq3A_578 = arith.cmpi eq, %and3A_510, %and3A_451 : vector<16xi32>
        %select_n3A_579 = arith.select %eq3A_578, %broadcast_in_dim3A_3, %broadcast_in_dim3A_1 : vector<16xi1>, vector<16xi32>
        %add3A_580 = arith.addi %broadcast_in_dim3A_1, %select_n3A_579 : vector<16xi32>
        %eq3A_581 = arith.cmpi eq, %and3A_510, %and3A_465 : vector<16xi32>
        %select_n3A_582 = arith.select %eq3A_581, %broadcast_in_dim3A_3, %broadcast_in_dim3A_1 : vector<16xi1>, vector<16xi32>
        %add3A_583 = arith.addi %add3A_580, %select_n3A_582 : vector<16xi32>
        %eq3A_584 = arith.cmpi eq, %and3A_510, %and3A_480 : vector<16xi32>
        %select_n3A_585 = arith.select %eq3A_584, %broadcast_in_dim3A_3, %broadcast_in_dim3A_1 : vector<16xi1>, vector<16xi32>
        %add3A_586 = arith.addi %add3A_583, %select_n3A_585 : vector<16xi32>
        %eq3A_587 = arith.cmpi eq, %and3A_510, %and3A_495 : vector<16xi32>
        %select_n3A_588 = arith.select %eq3A_587, %broadcast_in_dim3A_3, %broadcast_in_dim3A_1 : vector<16xi1>, vector<16xi32>
        %add3A_589 = arith.addi %add3A_586, %select_n3A_588 : vector<16xi32>
        %add3A_590 = arith.addi %gather3A_511, %add3A_589 : vector<16xi32>
        %eq3A_591 = arith.cmpi eq, %and3A_525, %and3A_451 : vector<16xi32>
        %select_n3A_592 = arith.select %eq3A_591, %broadcast_in_dim3A_3, %broadcast_in_dim3A_1 : vector<16xi1>, vector<16xi32>
        %add3A_593 = arith.addi %broadcast_in_dim3A_1, %select_n3A_592 : vector<16xi32>
        %eq3A_594 = arith.cmpi eq, %and3A_525, %and3A_465 : vector<16xi32>
        %select_n3A_595 = arith.select %eq3A_594, %broadcast_in_dim3A_3, %broadcast_in_dim3A_1 : vector<16xi1>, vector<16xi32>
        %add3A_596 = arith.addi %add3A_593, %select_n3A_595 : vector<16xi32>
        %eq3A_597 = arith.cmpi eq, %and3A_525, %and3A_480 : vector<16xi32>
        %select_n3A_598 = arith.select %eq3A_597, %broadcast_in_dim3A_3, %broadcast_in_dim3A_1 : vector<16xi1>, vector<16xi32>
        %add3A_599 = arith.addi %add3A_596, %select_n3A_598 : vector<16xi32>
        %eq3A_600 = arith.cmpi eq, %and3A_525, %and3A_495 : vector<16xi32>
        %select_n3A_601 = arith.select %eq3A_600, %broadcast_in_dim3A_3, %broadcast_in_dim3A_1 : vector<16xi1>, vector<16xi32>
        %add3A_602 = arith.addi %add3A_599, %select_n3A_601 : vector<16xi32>
        %eq3A_603 = arith.cmpi eq, %and3A_525, %and3A_510 : vector<16xi32>
        %select_n3A_604 = arith.select %eq3A_603, %broadcast_in_dim3A_3, %broadcast_in_dim3A_1 : vector<16xi1>, vector<16xi32>
        %add3A_605 = arith.addi %add3A_602, %select_n3A_604 : vector<16xi32>
        %add3A_606 = arith.addi %gather3A_526, %add3A_605 : vector<16xi32>
        %eq3A_607 = arith.cmpi eq, %and3A_540, %and3A_451 : vector<16xi32>
        %select_n3A_608 = arith.select %eq3A_607, %broadcast_in_dim3A_3, %broadcast_in_dim3A_1 : vector<16xi1>, vector<16xi32>
        %add3A_609 = arith.addi %broadcast_in_dim3A_1, %select_n3A_608 : vector<16xi32>
        %eq3A_610 = arith.cmpi eq, %and3A_540, %and3A_465 : vector<16xi32>
        %select_n3A_611 = arith.select %eq3A_610, %broadcast_in_dim3A_3, %broadcast_in_dim3A_1 : vector<16xi1>, vector<16xi32>
        %add3A_612 = arith.addi %add3A_609, %select_n3A_611 : vector<16xi32>
        %eq3A_613 = arith.cmpi eq, %and3A_540, %and3A_480 : vector<16xi32>
        %select_n3A_614 = arith.select %eq3A_613, %broadcast_in_dim3A_3, %broadcast_in_dim3A_1 : vector<16xi1>, vector<16xi32>
        %add3A_615 = arith.addi %add3A_612, %select_n3A_614 : vector<16xi32>
        %eq3A_616 = arith.cmpi eq, %and3A_540, %and3A_495 : vector<16xi32>
        %select_n3A_617 = arith.select %eq3A_616, %broadcast_in_dim3A_3, %broadcast_in_dim3A_1 : vector<16xi1>, vector<16xi32>
        %add3A_618 = arith.addi %add3A_615, %select_n3A_617 : vector<16xi32>
        %eq3A_619 = arith.cmpi eq, %and3A_540, %and3A_510 : vector<16xi32>
        %select_n3A_620 = arith.select %eq3A_619, %broadcast_in_dim3A_3, %broadcast_in_dim3A_1 : vector<16xi1>, vector<16xi32>
        %add3A_621 = arith.addi %add3A_618, %select_n3A_620 : vector<16xi32>
        %eq3A_622 = arith.cmpi eq, %and3A_540, %and3A_525 : vector<16xi32>
        %select_n3A_623 = arith.select %eq3A_622, %broadcast_in_dim3A_3, %broadcast_in_dim3A_1 : vector<16xi1>, vector<16xi32>
        %add3A_624 = arith.addi %add3A_621, %select_n3A_623 : vector<16xi32>
        %add3A_625 = arith.addi %gather3A_541, %add3A_624 : vector<16xi32>
        %eq3A_626 = arith.cmpi eq, %and3A_555, %and3A_451 : vector<16xi32>
        %select_n3A_627 = arith.select %eq3A_626, %broadcast_in_dim3A_3, %broadcast_in_dim3A_1 : vector<16xi1>, vector<16xi32>
        %add3A_628 = arith.addi %broadcast_in_dim3A_1, %select_n3A_627 : vector<16xi32>
        %eq3A_629 = arith.cmpi eq, %and3A_555, %and3A_465 : vector<16xi32>
        %select_n3A_630 = arith.select %eq3A_629, %broadcast_in_dim3A_3, %broadcast_in_dim3A_1 : vector<16xi1>, vector<16xi32>
        %add3A_631 = arith.addi %add3A_628, %select_n3A_630 : vector<16xi32>
        %eq3A_632 = arith.cmpi eq, %and3A_555, %and3A_480 : vector<16xi32>
        %select_n3A_633 = arith.select %eq3A_632, %broadcast_in_dim3A_3, %broadcast_in_dim3A_1 : vector<16xi1>, vector<16xi32>
        %add3A_634 = arith.addi %add3A_631, %select_n3A_633 : vector<16xi32>
        %eq3A_635 = arith.cmpi eq, %and3A_555, %and3A_495 : vector<16xi32>
        %select_n3A_636 = arith.select %eq3A_635, %broadcast_in_dim3A_3, %broadcast_in_dim3A_1 : vector<16xi1>, vector<16xi32>
        %add3A_637 = arith.addi %add3A_634, %select_n3A_636 : vector<16xi32>
        %eq3A_638 = arith.cmpi eq, %and3A_555, %and3A_510 : vector<16xi32>
        %select_n3A_639 = arith.select %eq3A_638, %broadcast_in_dim3A_3, %broadcast_in_dim3A_1 : vector<16xi1>, vector<16xi32>
        %add3A_640 = arith.addi %add3A_637, %select_n3A_639 : vector<16xi32>
        %eq3A_641 = arith.cmpi eq, %and3A_555, %and3A_525 : vector<16xi32>
        %select_n3A_642 = arith.select %eq3A_641, %broadcast_in_dim3A_3, %broadcast_in_dim3A_1 : vector<16xi1>, vector<16xi32>
        %add3A_643 = arith.addi %add3A_640, %select_n3A_642 : vector<16xi32>
        %eq3A_644 = arith.cmpi eq, %and3A_555, %and3A_540 : vector<16xi32>
        %select_n3A_645 = arith.select %eq3A_644, %broadcast_in_dim3A_3, %broadcast_in_dim3A_1 : vector<16xi1>, vector<16xi32>
        %add3A_646 = arith.addi %add3A_643, %select_n3A_645 : vector<16xi32>
        %add3A_647 = arith.addi %gather3A_556, %add3A_646 : vector<16xi32>
        tpu.vector_store_idx %arg7[%gather3A, %iota3A], %get3A_445 : memref<512x16xf32, #tpu.memory_space<vmem>>[vector<16xi32>, vector<16xi32>], vector<16xf32>,
        tpu.vector_store_idx %arg7[%add3A_560, %iota3A], %get3A_458 : memref<512x16xf32, #tpu.memory_space<vmem>>[vector<16xi32>, vector<16xi32>], vector<16xf32>,
        tpu.vector_store_idx %arg7[%add3A_567, %iota3A], %get3A_473 : memref<512x16xf32, #tpu.memory_space<vmem>>[vector<16xi32>, vector<16xi32>], vector<16xf32>,
        tpu.vector_store_idx %arg7[%add3A_577, %iota3A], %get3A_488 : memref<512x16xf32, #tpu.memory_space<vmem>>[vector<16xi32>, vector<16xi32>], vector<16xf32>,
        tpu.vector_store_idx %arg7[%add3A_590, %iota3A], %get3A_503 : memref<512x16xf32, #tpu.memory_space<vmem>>[vector<16xi32>, vector<16xi32>], vector<16xf32>,
        tpu.vector_store_idx %arg7[%add3A_606, %iota3A], %get3A_518 : memref<512x16xf32, #tpu.memory_space<vmem>>[vector<16xi32>, vector<16xi32>], vector<16xf32>,
        tpu.vector_store_idx %arg7[%add3A_625, %iota3A], %get3A_533 : memref<512x16xf32, #tpu.memory_space<vmem>>[vector<16xi32>, vector<16xi32>], vector<16xf32>,
        tpu.vector_store_idx %arg7[%add3A_647, %iota3A], %get3A_548 : memref<512x16xf32, #tpu.memory_space<vmem>>[vector<16xi32>, vector<16xi32>], vector<16xf32>,
        %add3A_648 = arith.addi %gather3A, %broadcast_in_dim3A_3 : vector<16xi32>
        tpu.vector_store_idx %arg6[%and3A_451, %iota3A], %add3A_648 : memref<256x16xi32, #tpu.memory_space<vmem>>[vector<16xi32>, vector<16xi32>], vector<16xi32>,
        %add3A_649 = arith.addi %add3A_560, %broadcast_in_dim3A_3 : vector<16xi32>
        tpu.vector_store_idx %arg6[%and3A_465, %iota3A], %add3A_649 : memref<256x16xi32, #tpu.memory_space<vmem>>[vector<16xi32>, vector<16xi32>], vector<16xi32>,
        %add3A_650 = arith.addi %add3A_567, %broadcast_in_dim3A_3 : vector<16xi32>
        tpu.vector_store_idx %arg6[%and3A_480, %iota3A], %add3A_650 : memref<256x16xi32, #tpu.memory_space<vmem>>[vector<16xi32>, vector<16xi32>], vector<16xi32>,
        %add3A_651 = arith.addi %add3A_577, %broadcast_in_dim3A_3 : vector<16xi32>
        tpu.vector_store_idx %arg6[%and3A_495, %iota3A], %add3A_651 : memref<256x16xi32, #tpu.memory_space<vmem>>[vector<16xi32>, vector<16xi32>], vector<16xi32>,
        %add3A_652 = arith.addi %add3A_590, %broadcast_in_dim3A_3 : vector<16xi32>
        tpu.vector_store_idx %arg6[%and3A_510, %iota3A], %add3A_652 : memref<256x16xi32, #tpu.memory_space<vmem>>[vector<16xi32>, vector<16xi32>], vector<16xi32>,
        %add3A_653 = arith.addi %add3A_606, %broadcast_in_dim3A_3 : vector<16xi32>
        tpu.vector_store_idx %arg6[%and3A_525, %iota3A], %add3A_653 : memref<256x16xi32, #tpu.memory_space<vmem>>[vector<16xi32>, vector<16xi32>], vector<16xi32>,
        %add3A_654 = arith.addi %add3A_625, %broadcast_in_dim3A_3 : vector<16xi32>
        tpu.vector_store_idx %arg6[%and3A_540, %iota3A], %add3A_654 : memref<256x16xi32, #tpu.memory_space<vmem>>[vector<16xi32>, vector<16xi32>], vector<16xi32>,
        %add3A_655 = arith.addi %add3A_647, %broadcast_in_dim3A_3 : vector<16xi32>
        tpu.vector_store_idx %arg6[%and3A_555, %iota3A], %add3A_655 : memref<256x16xi32, #tpu.memory_space<vmem>>[vector<16xi32>, vector<16xi32>], vector<16xi32>,
      }
      %scan3A_397 = arith.constant 64 : i32
      %parallel_loop3A_398 = arith.constant 0 : i32
      %parallel_loop3A_399 = arith.constant 512 : i32
      %parallel_loop3A_400 = arith.constant 1 : i32
      scf.for %parallel_loop3A_437 = %parallel_loop3A_398 to %parallel_loop3A_399 step %parallel_loop3A_400  : i32 {
        %parallel_loop3A_438 = arith.index_cast %parallel_loop3A_437 : i32 to index
        %parallel_loop3A_439 = arith.constant 0 : index
        %parallel_loop3A_440 = tpu.vector_load %arg7[%parallel_loop3A_438, %parallel_loop3A_439] {strides = array<i32>} : memref<512x16xf32, #tpu.memory_space<vmem>>, vector<16xf32>,
        %parallel_loop3A_441 = vector.bitcast %parallel_loop3A_440 : vector<16xf32> to vector<16xi32>
        %parallel_loop3A_442 = arith.constant 8 : i32
        %parallel_loop3A_443 = vector.broadcast %parallel_loop3A_442 : i32 to vector<16xi32>
        %parallel_loop3A_444 = arith.shrui %parallel_loop3A_441, %parallel_loop3A_443 : vector<16xi32>
        %parallel_loop3A_445 = arith.constant 255 : i32
        %parallel_loop3A_446 = vector.broadcast %parallel_loop3A_445 : i32 to vector<16xi32>
        %parallel_loop3A_447 = arith.andi %parallel_loop3A_444, %parallel_loop3A_446 : vector<16xi32>
        tpu.vector_store_idx %arg5[%parallel_loop3A_447, %iota3A], %broadcast_in_dim3A_3 {add = true} : memref<512x16xi32, #tpu.memory_space<vmem>>[vector<16xi32>, vector<16xi32>], vector<16xi32>,
      } {sc.loop_unroll_factor = 8 : i64, sc.parallel_access}
      %parallel_loop3A_401 = arith.constant 0 : i32
      %parallel_loop3A_402 = arith.constant 256 : i32
      %parallel_loop3A_403 = arith.constant 1 : i32
      %parallel_loop3A_404 = scf.for %parallel_loop3A_437 = %parallel_loop3A_401 to %parallel_loop3A_402 step %parallel_loop3A_403 iter_args(%parallel_loop3A_438 = %broadcast_in_dim3A_1) -> (vector<16xi32>)  : i32 {
        %parallel_loop3A_439 = arith.constant 255 : i32
        %parallel_loop3A_440 = arith.subi %parallel_loop3A_439, %parallel_loop3A_437 : i32
        %parallel_loop3A_441 = arith.index_cast %parallel_loop3A_440 : i32 to index
        %parallel_loop3A_442 = arith.constant 0 : index
        %parallel_loop3A_443 = tpu.vector_load %arg5[%parallel_loop3A_441, %parallel_loop3A_442] {strides = array<i32>} : memref<512x16xi32, #tpu.memory_space<vmem>>, vector<16xi32>,
        %parallel_loop3A_444 = arith.index_cast %parallel_loop3A_440 : i32 to index
        %parallel_loop3A_445 = arith.constant 0 : index
        %parallel_loop3A_446 = tpu.vector_load %arg5[%parallel_loop3A_444, %parallel_loop3A_445] {strides = array<i32>} : memref<512x16xi32, #tpu.memory_space<vmem>>, vector<16xi32>,
        tpu.vector_store %arg5[%parallel_loop3A_444, %parallel_loop3A_445], %broadcast_in_dim3A_1 {strides = array<i32>} : memref<512x16xi32, #tpu.memory_space<vmem>>, vector<16xi32>,
        %parallel_loop3A_447 = arith.index_cast %parallel_loop3A_440 : i32 to index
        %parallel_loop3A_448 = arith.constant 0 : index
        %parallel_loop3A_449 = tpu.vector_load %arg6[%parallel_loop3A_447, %parallel_loop3A_448] {strides = array<i32>} : memref<256x16xi32, #tpu.memory_space<vmem>>, vector<16xi32>,
        tpu.vector_store %arg6[%parallel_loop3A_447, %parallel_loop3A_448], %parallel_loop3A_438 {strides = array<i32>} : memref<256x16xi32, #tpu.memory_space<vmem>>, vector<16xi32>,
        %parallel_loop3A_450 = arith.addi %parallel_loop3A_438, %parallel_loop3A_443 : vector<16xi32>
        scf.yield %parallel_loop3A_450 : vector<16xi32>
      } {sc.loop_unroll_factor = 4 : i64, sc.parallel_access}
      %scan3A_405 = arith.constant 0 : i32
      %scan3A_406 = arith.constant 0 : i32
      %scan3A_407 = arith.constant 64 : i32
      %scan3A_408 = arith.addi %scan3A_406, %scan3A_407 : i32
      %scan3A_409 = arith.constant 1 : i32
      scf.for %scan3A_437 = %scan3A_406 to %scan3A_408 step %scan3A_409  : i32 {
        %mul3A_438 = arith.constant 8 : i32
        %mul3A_439 = arith.muli %scan3A_437, %mul3A_438 : i32
        %add3A_440 = arith.constant 0 : i32
        %add3A_441 = arith.addi %mul3A_439, %add3A_440 : i32
        %get3A = arith.index_cast %add3A_441 : i32 to index
        %get3A_442 = arith.constant 0 : index
        %get3A_443 = tpu.vector_load %arg7[%get3A, %get3A_442] {strides = array<i32>} : memref<512x16xf32, #tpu.memory_space<vmem>>, vector<16xf32>,
        %bitcast3A_444 = vector.bitcast %get3A_443 : vector<16xf32> to vector<16xi32>
        %shift_right_logical3A = arith.constant 8 : i32
        %shift_right_logical3A_445 = vector.broadcast %shift_right_logical3A : i32 to vector<16xi32>
        %shift_right_logical3A_446 = arith.shrui %bitcast3A_444, %shift_right_logical3A_445 : vector<16xi32>
        %and3A_447 = arith.constant 255 : i32
        %and3A_448 = vector.broadcast %and3A_447 : i32 to vector<16xi32>
        %and3A_449 = arith.andi %shift_right_logical3A_446, %and3A_448 : vector<16xi32>
        %gather3A = tpu.vector_load_idx %arg6[%and3A_449, %iota3A] : memref<256x16xi32, #tpu.memory_space<vmem>>[vector<16xi32>, vector<16xi32>], vector<16xi32>,
        %add3A_450 = arith.constant 1 : i32
        %add3A_451 = arith.addi %mul3A_439, %add3A_450 : i32
        %get3A_452 = arith.index_cast %add3A_451 : i32 to index
        %get3A_453 = arith.constant 0 : index
        %get3A_454 = tpu.vector_load %arg7[%get3A_452, %get3A_453] {strides = array<i32>} : memref<512x16xf32, #tpu.memory_space<vmem>>, vector<16xf32>,
        %bitcast3A_455 = vector.bitcast %get3A_454 : vector<16xf32> to vector<16xi32>
        %shift_right_logical3A_456 = arith.constant 8 : i32
        %shift_right_logical3A_457 = vector.broadcast %shift_right_logical3A_456 : i32 to vector<16xi32>
        %shift_right_logical3A_458 = arith.shrui %bitcast3A_455, %shift_right_logical3A_457 : vector<16xi32>
        %and3A_459 = arith.constant 255 : i32
        %and3A_460 = vector.broadcast %and3A_459 : i32 to vector<16xi32>
        %and3A_461 = arith.andi %shift_right_logical3A_458, %and3A_460 : vector<16xi32>
        %gather3A_462 = tpu.vector_load_idx %arg6[%and3A_461, %iota3A] : memref<256x16xi32, #tpu.memory_space<vmem>>[vector<16xi32>, vector<16xi32>], vector<16xi32>,
        %add3A_463 = arith.constant 2 : i32
        %add3A_464 = arith.addi %mul3A_439, %add3A_463 : i32
        %get3A_465 = arith.index_cast %add3A_464 : i32 to index
        %get3A_466 = arith.constant 0 : index
        %get3A_467 = tpu.vector_load %arg7[%get3A_465, %get3A_466] {strides = array<i32>} : memref<512x16xf32, #tpu.memory_space<vmem>>, vector<16xf32>,
        %bitcast3A_468 = vector.bitcast %get3A_467 : vector<16xf32> to vector<16xi32>
        %shift_right_logical3A_469 = arith.constant 8 : i32
        %shift_right_logical3A_470 = vector.broadcast %shift_right_logical3A_469 : i32 to vector<16xi32>
        %shift_right_logical3A_471 = arith.shrui %bitcast3A_468, %shift_right_logical3A_470 : vector<16xi32>
        %and3A_472 = arith.constant 255 : i32
        %and3A_473 = vector.broadcast %and3A_472 : i32 to vector<16xi32>
        %and3A_474 = arith.andi %shift_right_logical3A_471, %and3A_473 : vector<16xi32>
        %gather3A_475 = tpu.vector_load_idx %arg6[%and3A_474, %iota3A] : memref<256x16xi32, #tpu.memory_space<vmem>>[vector<16xi32>, vector<16xi32>], vector<16xi32>,
        %add3A_476 = arith.constant 3 : i32
        %add3A_477 = arith.addi %mul3A_439, %add3A_476 : i32
        %get3A_478 = arith.index_cast %add3A_477 : i32 to index
        %get3A_479 = arith.constant 0 : index
        %get3A_480 = tpu.vector_load %arg7[%get3A_478, %get3A_479] {strides = array<i32>} : memref<512x16xf32, #tpu.memory_space<vmem>>, vector<16xf32>,
        %bitcast3A_481 = vector.bitcast %get3A_480 : vector<16xf32> to vector<16xi32>
        %shift_right_logical3A_482 = arith.constant 8 : i32
        %shift_right_logical3A_483 = vector.broadcast %shift_right_logical3A_482 : i32 to vector<16xi32>
        %shift_right_logical3A_484 = arith.shrui %bitcast3A_481, %shift_right_logical3A_483 : vector<16xi32>
        %and3A_485 = arith.constant 255 : i32
        %and3A_486 = vector.broadcast %and3A_485 : i32 to vector<16xi32>
        %and3A_487 = arith.andi %shift_right_logical3A_484, %and3A_486 : vector<16xi32>
        %gather3A_488 = tpu.vector_load_idx %arg6[%and3A_487, %iota3A] : memref<256x16xi32, #tpu.memory_space<vmem>>[vector<16xi32>, vector<16xi32>], vector<16xi32>,
        %add3A_489 = arith.constant 4 : i32
        %add3A_490 = arith.addi %mul3A_439, %add3A_489 : i32
        %get3A_491 = arith.index_cast %add3A_490 : i32 to index
        %get3A_492 = arith.constant 0 : index
        %get3A_493 = tpu.vector_load %arg7[%get3A_491, %get3A_492] {strides = array<i32>} : memref<512x16xf32, #tpu.memory_space<vmem>>, vector<16xf32>,
        %bitcast3A_494 = vector.bitcast %get3A_493 : vector<16xf32> to vector<16xi32>
        %shift_right_logical3A_495 = arith.constant 8 : i32
        %shift_right_logical3A_496 = vector.broadcast %shift_right_logical3A_495 : i32 to vector<16xi32>
        %shift_right_logical3A_497 = arith.shrui %bitcast3A_494, %shift_right_logical3A_496 : vector<16xi32>
        %and3A_498 = arith.constant 255 : i32
        %and3A_499 = vector.broadcast %and3A_498 : i32 to vector<16xi32>
        %and3A_500 = arith.andi %shift_right_logical3A_497, %and3A_499 : vector<16xi32>
        %gather3A_501 = tpu.vector_load_idx %arg6[%and3A_500, %iota3A] : memref<256x16xi32, #tpu.memory_space<vmem>>[vector<16xi32>, vector<16xi32>], vector<16xi32>,
        %add3A_502 = arith.constant 5 : i32
        %add3A_503 = arith.addi %mul3A_439, %add3A_502 : i32
        %get3A_504 = arith.index_cast %add3A_503 : i32 to index
        %get3A_505 = arith.constant 0 : index
        %get3A_506 = tpu.vector_load %arg7[%get3A_504, %get3A_505] {strides = array<i32>} : memref<512x16xf32, #tpu.memory_space<vmem>>, vector<16xf32>,
        %bitcast3A_507 = vector.bitcast %get3A_506 : vector<16xf32> to vector<16xi32>
        %shift_right_logical3A_508 = arith.constant 8 : i32
        %shift_right_logical3A_509 = vector.broadcast %shift_right_logical3A_508 : i32 to vector<16xi32>
        %shift_right_logical3A_510 = arith.shrui %bitcast3A_507, %shift_right_logical3A_509 : vector<16xi32>
        %and3A_511 = arith.constant 255 : i32
        %and3A_512 = vector.broadcast %and3A_511 : i32 to vector<16xi32>
        %and3A_513 = arith.andi %shift_right_logical3A_510, %and3A_512 : vector<16xi32>
        %gather3A_514 = tpu.vector_load_idx %arg6[%and3A_513, %iota3A] : memref<256x16xi32, #tpu.memory_space<vmem>>[vector<16xi32>, vector<16xi32>], vector<16xi32>,
        %add3A_515 = arith.constant 6 : i32
        %add3A_516 = arith.addi %mul3A_439, %add3A_515 : i32
        %get3A_517 = arith.index_cast %add3A_516 : i32 to index
        %get3A_518 = arith.constant 0 : index
        %get3A_519 = tpu.vector_load %arg7[%get3A_517, %get3A_518] {strides = array<i32>} : memref<512x16xf32, #tpu.memory_space<vmem>>, vector<16xf32>,
        %bitcast3A_520 = vector.bitcast %get3A_519 : vector<16xf32> to vector<16xi32>
        %shift_right_logical3A_521 = arith.constant 8 : i32
        %shift_right_logical3A_522 = vector.broadcast %shift_right_logical3A_521 : i32 to vector<16xi32>
        %shift_right_logical3A_523 = arith.shrui %bitcast3A_520, %shift_right_logical3A_522 : vector<16xi32>
        %and3A_524 = arith.constant 255 : i32
        %and3A_525 = vector.broadcast %and3A_524 : i32 to vector<16xi32>
        %and3A_526 = arith.andi %shift_right_logical3A_523, %and3A_525 : vector<16xi32>
        %gather3A_527 = tpu.vector_load_idx %arg6[%and3A_526, %iota3A] : memref<256x16xi32, #tpu.memory_space<vmem>>[vector<16xi32>, vector<16xi32>], vector<16xi32>,
        %add3A_528 = arith.constant 7 : i32
        %add3A_529 = arith.addi %mul3A_439, %add3A_528 : i32
        %get3A_530 = arith.index_cast %add3A_529 : i32 to index
        %get3A_531 = arith.constant 0 : index
        %get3A_532 = tpu.vector_load %arg7[%get3A_530, %get3A_531] {strides = array<i32>} : memref<512x16xf32, #tpu.memory_space<vmem>>, vector<16xf32>,
        %bitcast3A_533 = vector.bitcast %get3A_532 : vector<16xf32> to vector<16xi32>
        %shift_right_logical3A_534 = arith.constant 8 : i32
        %shift_right_logical3A_535 = vector.broadcast %shift_right_logical3A_534 : i32 to vector<16xi32>
        %shift_right_logical3A_536 = arith.shrui %bitcast3A_533, %shift_right_logical3A_535 : vector<16xi32>
        %and3A_537 = arith.constant 255 : i32
        %and3A_538 = vector.broadcast %and3A_537 : i32 to vector<16xi32>
        %and3A_539 = arith.andi %shift_right_logical3A_536, %and3A_538 : vector<16xi32>
        %gather3A_540 = tpu.vector_load_idx %arg6[%and3A_539, %iota3A] : memref<256x16xi32, #tpu.memory_space<vmem>>[vector<16xi32>, vector<16xi32>], vector<16xi32>,
        %eq3A_541 = arith.cmpi eq, %and3A_461, %and3A_449 : vector<16xi32>
        %select_n3A_542 = arith.select %eq3A_541, %broadcast_in_dim3A_3, %broadcast_in_dim3A_1 : vector<16xi1>, vector<16xi32>
        %add3A_543 = arith.addi %broadcast_in_dim3A_1, %select_n3A_542 : vector<16xi32>
        %add3A_544 = arith.addi %gather3A_462, %add3A_543 : vector<16xi32>
        %eq3A_545 = arith.cmpi eq, %and3A_474, %and3A_449 : vector<16xi32>
        %select_n3A_546 = arith.select %eq3A_545, %broadcast_in_dim3A_3, %broadcast_in_dim3A_1 : vector<16xi1>, vector<16xi32>
        %add3A_547 = arith.addi %broadcast_in_dim3A_1, %select_n3A_546 : vector<16xi32>
        %eq3A_548 = arith.cmpi eq, %and3A_474, %and3A_461 : vector<16xi32>
        %select_n3A_549 = arith.select %eq3A_548, %broadcast_in_dim3A_3, %broadcast_in_dim3A_1 : vector<16xi1>, vector<16xi32>
        %add3A_550 = arith.addi %add3A_547, %select_n3A_549 : vector<16xi32>
        %add3A_551 = arith.addi %gather3A_475, %add3A_550 : vector<16xi32>
        %eq3A_552 = arith.cmpi eq, %and3A_487, %and3A_449 : vector<16xi32>
        %select_n3A_553 = arith.select %eq3A_552, %broadcast_in_dim3A_3, %broadcast_in_dim3A_1 : vector<16xi1>, vector<16xi32>
        %add3A_554 = arith.addi %broadcast_in_dim3A_1, %select_n3A_553 : vector<16xi32>
        %eq3A_555 = arith.cmpi eq, %and3A_487, %and3A_461 : vector<16xi32>
        %select_n3A_556 = arith.select %eq3A_555, %broadcast_in_dim3A_3, %broadcast_in_dim3A_1 : vector<16xi1>, vector<16xi32>
        %add3A_557 = arith.addi %add3A_554, %select_n3A_556 : vector<16xi32>
        %eq3A_558 = arith.cmpi eq, %and3A_487, %and3A_474 : vector<16xi32>
        %select_n3A_559 = arith.select %eq3A_558, %broadcast_in_dim3A_3, %broadcast_in_dim3A_1 : vector<16xi1>, vector<16xi32>
        %add3A_560 = arith.addi %add3A_557, %select_n3A_559 : vector<16xi32>
        %add3A_561 = arith.addi %gather3A_488, %add3A_560 : vector<16xi32>
        %eq3A_562 = arith.cmpi eq, %and3A_500, %and3A_449 : vector<16xi32>
        %select_n3A_563 = arith.select %eq3A_562, %broadcast_in_dim3A_3, %broadcast_in_dim3A_1 : vector<16xi1>, vector<16xi32>
        %add3A_564 = arith.addi %broadcast_in_dim3A_1, %select_n3A_563 : vector<16xi32>
        %eq3A_565 = arith.cmpi eq, %and3A_500, %and3A_461 : vector<16xi32>
        %select_n3A_566 = arith.select %eq3A_565, %broadcast_in_dim3A_3, %broadcast_in_dim3A_1 : vector<16xi1>, vector<16xi32>
        %add3A_567 = arith.addi %add3A_564, %select_n3A_566 : vector<16xi32>
        %eq3A_568 = arith.cmpi eq, %and3A_500, %and3A_474 : vector<16xi32>
        %select_n3A_569 = arith.select %eq3A_568, %broadcast_in_dim3A_3, %broadcast_in_dim3A_1 : vector<16xi1>, vector<16xi32>
        %add3A_570 = arith.addi %add3A_567, %select_n3A_569 : vector<16xi32>
        %eq3A_571 = arith.cmpi eq, %and3A_500, %and3A_487 : vector<16xi32>
        %select_n3A_572 = arith.select %eq3A_571, %broadcast_in_dim3A_3, %broadcast_in_dim3A_1 : vector<16xi1>, vector<16xi32>
        %add3A_573 = arith.addi %add3A_570, %select_n3A_572 : vector<16xi32>
        %add3A_574 = arith.addi %gather3A_501, %add3A_573 : vector<16xi32>
        %eq3A_575 = arith.cmpi eq, %and3A_513, %and3A_449 : vector<16xi32>
        %select_n3A_576 = arith.select %eq3A_575, %broadcast_in_dim3A_3, %broadcast_in_dim3A_1 : vector<16xi1>, vector<16xi32>
        %add3A_577 = arith.addi %broadcast_in_dim3A_1, %select_n3A_576 : vector<16xi32>
        %eq3A_578 = arith.cmpi eq, %and3A_513, %and3A_461 : vector<16xi32>
        %select_n3A_579 = arith.select %eq3A_578, %broadcast_in_dim3A_3, %broadcast_in_dim3A_1 : vector<16xi1>, vector<16xi32>
        %add3A_580 = arith.addi %add3A_577, %select_n3A_579 : vector<16xi32>
        %eq3A_581 = arith.cmpi eq, %and3A_513, %and3A_474 : vector<16xi32>
        %select_n3A_582 = arith.select %eq3A_581, %broadcast_in_dim3A_3, %broadcast_in_dim3A_1 : vector<16xi1>, vector<16xi32>
        %add3A_583 = arith.addi %add3A_580, %select_n3A_582 : vector<16xi32>
        %eq3A_584 = arith.cmpi eq, %and3A_513, %and3A_487 : vector<16xi32>
        %select_n3A_585 = arith.select %eq3A_584, %broadcast_in_dim3A_3, %broadcast_in_dim3A_1 : vector<16xi1>, vector<16xi32>
        %add3A_586 = arith.addi %add3A_583, %select_n3A_585 : vector<16xi32>
        %eq3A_587 = arith.cmpi eq, %and3A_513, %and3A_500 : vector<16xi32>
        %select_n3A_588 = arith.select %eq3A_587, %broadcast_in_dim3A_3, %broadcast_in_dim3A_1 : vector<16xi1>, vector<16xi32>
        %add3A_589 = arith.addi %add3A_586, %select_n3A_588 : vector<16xi32>
        %add3A_590 = arith.addi %gather3A_514, %add3A_589 : vector<16xi32>
        %eq3A_591 = arith.cmpi eq, %and3A_526, %and3A_449 : vector<16xi32>
        %select_n3A_592 = arith.select %eq3A_591, %broadcast_in_dim3A_3, %broadcast_in_dim3A_1 : vector<16xi1>, vector<16xi32>
        %add3A_593 = arith.addi %broadcast_in_dim3A_1, %select_n3A_592 : vector<16xi32>
        %eq3A_594 = arith.cmpi eq, %and3A_526, %and3A_461 : vector<16xi32>
        %select_n3A_595 = arith.select %eq3A_594, %broadcast_in_dim3A_3, %broadcast_in_dim3A_1 : vector<16xi1>, vector<16xi32>
        %add3A_596 = arith.addi %add3A_593, %select_n3A_595 : vector<16xi32>
        %eq3A_597 = arith.cmpi eq, %and3A_526, %and3A_474 : vector<16xi32>
        %select_n3A_598 = arith.select %eq3A_597, %broadcast_in_dim3A_3, %broadcast_in_dim3A_1 : vector<16xi1>, vector<16xi32>
        %add3A_599 = arith.addi %add3A_596, %select_n3A_598 : vector<16xi32>
        %eq3A_600 = arith.cmpi eq, %and3A_526, %and3A_487 : vector<16xi32>
        %select_n3A_601 = arith.select %eq3A_600, %broadcast_in_dim3A_3, %broadcast_in_dim3A_1 : vector<16xi1>, vector<16xi32>
        %add3A_602 = arith.addi %add3A_599, %select_n3A_601 : vector<16xi32>
        %eq3A_603 = arith.cmpi eq, %and3A_526, %and3A_500 : vector<16xi32>
        %select_n3A_604 = arith.select %eq3A_603, %broadcast_in_dim3A_3, %broadcast_in_dim3A_1 : vector<16xi1>, vector<16xi32>
        %add3A_605 = arith.addi %add3A_602, %select_n3A_604 : vector<16xi32>
        %eq3A_606 = arith.cmpi eq, %and3A_526, %and3A_513 : vector<16xi32>
        %select_n3A_607 = arith.select %eq3A_606, %broadcast_in_dim3A_3, %broadcast_in_dim3A_1 : vector<16xi1>, vector<16xi32>
        %add3A_608 = arith.addi %add3A_605, %select_n3A_607 : vector<16xi32>
        %add3A_609 = arith.addi %gather3A_527, %add3A_608 : vector<16xi32>
        %eq3A_610 = arith.cmpi eq, %and3A_539, %and3A_449 : vector<16xi32>
        %select_n3A_611 = arith.select %eq3A_610, %broadcast_in_dim3A_3, %broadcast_in_dim3A_1 : vector<16xi1>, vector<16xi32>
        %add3A_612 = arith.addi %broadcast_in_dim3A_1, %select_n3A_611 : vector<16xi32>
        %eq3A_613 = arith.cmpi eq, %and3A_539, %and3A_461 : vector<16xi32>
        %select_n3A_614 = arith.select %eq3A_613, %broadcast_in_dim3A_3, %broadcast_in_dim3A_1 : vector<16xi1>, vector<16xi32>
        %add3A_615 = arith.addi %add3A_612, %select_n3A_614 : vector<16xi32>
        %eq3A_616 = arith.cmpi eq, %and3A_539, %and3A_474 : vector<16xi32>
        %select_n3A_617 = arith.select %eq3A_616, %broadcast_in_dim3A_3, %broadcast_in_dim3A_1 : vector<16xi1>, vector<16xi32>
        %add3A_618 = arith.addi %add3A_615, %select_n3A_617 : vector<16xi32>
        %eq3A_619 = arith.cmpi eq, %and3A_539, %and3A_487 : vector<16xi32>
        %select_n3A_620 = arith.select %eq3A_619, %broadcast_in_dim3A_3, %broadcast_in_dim3A_1 : vector<16xi1>, vector<16xi32>
        %add3A_621 = arith.addi %add3A_618, %select_n3A_620 : vector<16xi32>
        %eq3A_622 = arith.cmpi eq, %and3A_539, %and3A_500 : vector<16xi32>
        %select_n3A_623 = arith.select %eq3A_622, %broadcast_in_dim3A_3, %broadcast_in_dim3A_1 : vector<16xi1>, vector<16xi32>
        %add3A_624 = arith.addi %add3A_621, %select_n3A_623 : vector<16xi32>
        %eq3A_625 = arith.cmpi eq, %and3A_539, %and3A_513 : vector<16xi32>
        %select_n3A_626 = arith.select %eq3A_625, %broadcast_in_dim3A_3, %broadcast_in_dim3A_1 : vector<16xi1>, vector<16xi32>
        %add3A_627 = arith.addi %add3A_624, %select_n3A_626 : vector<16xi32>
        %eq3A_628 = arith.cmpi eq, %and3A_539, %and3A_526 : vector<16xi32>
        %select_n3A_629 = arith.select %eq3A_628, %broadcast_in_dim3A_3, %broadcast_in_dim3A_1 : vector<16xi1>, vector<16xi32>
        %add3A_630 = arith.addi %add3A_627, %select_n3A_629 : vector<16xi32>
        %add3A_631 = arith.addi %gather3A_540, %add3A_630 : vector<16xi32>
        %add3A_632 = arith.constant 4096 : i32
        %add3A_633 = vector.broadcast %add3A_632 : i32 to vector<16xi32>
        %add3A_634 = arith.addi %gather3A, %add3A_633 : vector<16xi32>
        tpu.vector_store_idx %arg4[%add3A_634, %iota3A], %get3A_443 : memref<4608x16xf32, #tpu.memory_space<vmem>>[vector<16xi32>, vector<16xi32>], vector<16xf32>,
        %add3A_635 = arith.constant 4096 : i32
        %add3A_636 = vector.broadcast %add3A_635 : i32 to vector<16xi32>
        %add3A_637 = arith.addi %add3A_544, %add3A_636 : vector<16xi32>
        tpu.vector_store_idx %arg4[%add3A_637, %iota3A], %get3A_454 : memref<4608x16xf32, #tpu.memory_space<vmem>>[vector<16xi32>, vector<16xi32>], vector<16xf32>,
        %add3A_638 = arith.constant 4096 : i32
        %add3A_639 = vector.broadcast %add3A_638 : i32 to vector<16xi32>
        %add3A_640 = arith.addi %add3A_551, %add3A_639 : vector<16xi32>
        tpu.vector_store_idx %arg4[%add3A_640, %iota3A], %get3A_467 : memref<4608x16xf32, #tpu.memory_space<vmem>>[vector<16xi32>, vector<16xi32>], vector<16xf32>,
        %add3A_641 = arith.constant 4096 : i32
        %add3A_642 = vector.broadcast %add3A_641 : i32 to vector<16xi32>
        %add3A_643 = arith.addi %add3A_561, %add3A_642 : vector<16xi32>
        tpu.vector_store_idx %arg4[%add3A_643, %iota3A], %get3A_480 : memref<4608x16xf32, #tpu.memory_space<vmem>>[vector<16xi32>, vector<16xi32>], vector<16xf32>,
        %add3A_644 = arith.constant 4096 : i32
        %add3A_645 = vector.broadcast %add3A_644 : i32 to vector<16xi32>
        %add3A_646 = arith.addi %add3A_574, %add3A_645 : vector<16xi32>
        tpu.vector_store_idx %arg4[%add3A_646, %iota3A], %get3A_493 : memref<4608x16xf32, #tpu.memory_space<vmem>>[vector<16xi32>, vector<16xi32>], vector<16xf32>,
        %add3A_647 = arith.constant 4096 : i32
        %add3A_648 = vector.broadcast %add3A_647 : i32 to vector<16xi32>
        %add3A_649 = arith.addi %add3A_590, %add3A_648 : vector<16xi32>
        tpu.vector_store_idx %arg4[%add3A_649, %iota3A], %get3A_506 : memref<4608x16xf32, #tpu.memory_space<vmem>>[vector<16xi32>, vector<16xi32>], vector<16xf32>,
        %add3A_650 = arith.constant 4096 : i32
        %add3A_651 = vector.broadcast %add3A_650 : i32 to vector<16xi32>
        %add3A_652 = arith.addi %add3A_609, %add3A_651 : vector<16xi32>
        tpu.vector_store_idx %arg4[%add3A_652, %iota3A], %get3A_519 : memref<4608x16xf32, #tpu.memory_space<vmem>>[vector<16xi32>, vector<16xi32>], vector<16xf32>,
        %add3A_653 = arith.constant 4096 : i32
        %add3A_654 = vector.broadcast %add3A_653 : i32 to vector<16xi32>
        %add3A_655 = arith.addi %add3A_631, %add3A_654 : vector<16xi32>
        tpu.vector_store_idx %arg4[%add3A_655, %iota3A], %get3A_532 : memref<4608x16xf32, #tpu.memory_space<vmem>>[vector<16xi32>, vector<16xi32>], vector<16xf32>,
        %add3A_656 = arith.addi %gather3A, %broadcast_in_dim3A_3 : vector<16xi32>
        tpu.vector_store_idx %arg6[%and3A_449, %iota3A], %add3A_656 : memref<256x16xi32, #tpu.memory_space<vmem>>[vector<16xi32>, vector<16xi32>], vector<16xi32>,
        %add3A_657 = arith.addi %add3A_544, %broadcast_in_dim3A_3 : vector<16xi32>
        tpu.vector_store_idx %arg6[%and3A_461, %iota3A], %add3A_657 : memref<256x16xi32, #tpu.memory_space<vmem>>[vector<16xi32>, vector<16xi32>], vector<16xi32>,
        %add3A_658 = arith.addi %add3A_551, %broadcast_in_dim3A_3 : vector<16xi32>
        tpu.vector_store_idx %arg6[%and3A_474, %iota3A], %add3A_658 : memref<256x16xi32, #tpu.memory_space<vmem>>[vector<16xi32>, vector<16xi32>], vector<16xi32>,
        %add3A_659 = arith.addi %add3A_561, %broadcast_in_dim3A_3 : vector<16xi32>
        tpu.vector_store_idx %arg6[%and3A_487, %iota3A], %add3A_659 : memref<256x16xi32, #tpu.memory_space<vmem>>[vector<16xi32>, vector<16xi32>], vector<16xi32>,
        %add3A_660 = arith.addi %add3A_574, %broadcast_in_dim3A_3 : vector<16xi32>
        tpu.vector_store_idx %arg6[%and3A_500, %iota3A], %add3A_660 : memref<256x16xi32, #tpu.memory_space<vmem>>[vector<16xi32>, vector<16xi32>], vector<16xi32>,
        %add3A_661 = arith.addi %add3A_590, %broadcast_in_dim3A_3 : vector<16xi32>
        tpu.vector_store_idx %arg6[%and3A_513, %iota3A], %add3A_661 : memref<256x16xi32, #tpu.memory_space<vmem>>[vector<16xi32>, vector<16xi32>], vector<16xi32>,
        %add3A_662 = arith.addi %add3A_609, %broadcast_in_dim3A_3 : vector<16xi32>
        tpu.vector_store_idx %arg6[%and3A_526, %iota3A], %add3A_662 : memref<256x16xi32, #tpu.memory_space<vmem>>[vector<16xi32>, vector<16xi32>], vector<16xi32>,
        %add3A_663 = arith.addi %add3A_631, %broadcast_in_dim3A_3 : vector<16xi32>
        tpu.vector_store_idx %arg6[%and3A_539, %iota3A], %add3A_663 : memref<256x16xi32, #tpu.memory_space<vmem>>[vector<16xi32>, vector<16xi32>], vector<16xi32>,
      }
      %scan3A_410 = arith.constant 64 : i32
      %parallel_loop3A_411 = arith.constant 0 : i32
      %parallel_loop3A_412 = arith.constant 512 : i32
      %parallel_loop3A_413 = arith.constant 1 : i32
      scf.for %parallel_loop3A_437 = %parallel_loop3A_411 to %parallel_loop3A_412 step %parallel_loop3A_413  : i32 {
        %parallel_loop3A_438 = arith.constant 4096 : i32
        %parallel_loop3A_439 = arith.addi %parallel_loop3A_437, %parallel_loop3A_438 : i32
        %parallel_loop3A_440 = arith.index_cast %parallel_loop3A_439 : i32 to index
        %parallel_loop3A_441 = arith.constant 0 : index
        %parallel_loop3A_442 = tpu.vector_load %arg4[%parallel_loop3A_440, %parallel_loop3A_441] {strides = array<i32>} : memref<4608x16xf32, #tpu.memory_space<vmem>>, vector<16xf32>,
        %parallel_loop3A_443 = vector.bitcast %parallel_loop3A_442 : vector<16xf32> to vector<16xi32>
        %parallel_loop3A_444 = arith.constant 16 : i32
        %parallel_loop3A_445 = vector.broadcast %parallel_loop3A_444 : i32 to vector<16xi32>
        %parallel_loop3A_446 = arith.shrui %parallel_loop3A_443, %parallel_loop3A_445 : vector<16xi32>
        %parallel_loop3A_447 = arith.constant 255 : i32
        %parallel_loop3A_448 = vector.broadcast %parallel_loop3A_447 : i32 to vector<16xi32>
        %parallel_loop3A_449 = arith.andi %parallel_loop3A_446, %parallel_loop3A_448 : vector<16xi32>
        tpu.vector_store_idx %arg5[%parallel_loop3A_449, %iota3A], %broadcast_in_dim3A_3 {add = true} : memref<512x16xi32, #tpu.memory_space<vmem>>[vector<16xi32>, vector<16xi32>], vector<16xi32>,
      } {sc.loop_unroll_factor = 8 : i64, sc.parallel_access}
      %parallel_loop3A_414 = arith.constant 0 : i32
      %parallel_loop3A_415 = arith.constant 256 : i32
      %parallel_loop3A_416 = arith.constant 1 : i32
      %parallel_loop3A_417 = scf.for %parallel_loop3A_437 = %parallel_loop3A_414 to %parallel_loop3A_415 step %parallel_loop3A_416 iter_args(%parallel_loop3A_438 = %broadcast_in_dim3A_1) -> (vector<16xi32>)  : i32 {
        %parallel_loop3A_439 = arith.constant 255 : i32
        %parallel_loop3A_440 = arith.subi %parallel_loop3A_439, %parallel_loop3A_437 : i32
        %parallel_loop3A_441 = arith.index_cast %parallel_loop3A_440 : i32 to index
        %parallel_loop3A_442 = arith.constant 0 : index
        %parallel_loop3A_443 = tpu.vector_load %arg5[%parallel_loop3A_441, %parallel_loop3A_442] {strides = array<i32>} : memref<512x16xi32, #tpu.memory_space<vmem>>, vector<16xi32>,
        %parallel_loop3A_444 = arith.index_cast %parallel_loop3A_440 : i32 to index
        %parallel_loop3A_445 = arith.constant 0 : index
        %parallel_loop3A_446 = tpu.vector_load %arg5[%parallel_loop3A_444, %parallel_loop3A_445] {strides = array<i32>} : memref<512x16xi32, #tpu.memory_space<vmem>>, vector<16xi32>,
        tpu.vector_store %arg5[%parallel_loop3A_444, %parallel_loop3A_445], %broadcast_in_dim3A_1 {strides = array<i32>} : memref<512x16xi32, #tpu.memory_space<vmem>>, vector<16xi32>,
        %parallel_loop3A_447 = arith.index_cast %parallel_loop3A_440 : i32 to index
        %parallel_loop3A_448 = arith.constant 0 : index
        %parallel_loop3A_449 = tpu.vector_load %arg6[%parallel_loop3A_447, %parallel_loop3A_448] {strides = array<i32>} : memref<256x16xi32, #tpu.memory_space<vmem>>, vector<16xi32>,
        tpu.vector_store %arg6[%parallel_loop3A_447, %parallel_loop3A_448], %parallel_loop3A_438 {strides = array<i32>} : memref<256x16xi32, #tpu.memory_space<vmem>>, vector<16xi32>,
        %parallel_loop3A_450 = arith.addi %parallel_loop3A_438, %parallel_loop3A_443 : vector<16xi32>
        scf.yield %parallel_loop3A_450 : vector<16xi32>
      } {sc.loop_unroll_factor = 4 : i64, sc.parallel_access}
      %scan3A_418 = arith.constant 0 : i32
      %scan3A_419 = arith.constant 0 : i32
      %scan3A_420 = arith.constant 64 : i32
      %scan3A_421 = arith.addi %scan3A_419, %scan3A_420 : i32
      %scan3A_422 = arith.constant 1 : i32
      scf.for %scan3A_437 = %scan3A_419 to %scan3A_421 step %scan3A_422  : i32 {
        %mul3A_438 = arith.constant 8 : i32
        %mul3A_439 = arith.muli %scan3A_437, %mul3A_438 : i32
        %add3A_440 = arith.constant 0 : i32
        %add3A_441 = arith.addi %mul3A_439, %add3A_440 : i32
        %add3A_442 = arith.constant 4096 : i32
        %add3A_443 = arith.addi %add3A_441, %add3A_442 : i32
        %get3A = arith.index_cast %add3A_443 : i32 to index
        %get3A_444 = arith.constant 0 : index
        %get3A_445 = tpu.vector_load %arg4[%get3A, %get3A_444] {strides = array<i32>} : memref<4608x16xf32, #tpu.memory_space<vmem>>, vector<16xf32>,
        %bitcast3A_446 = vector.bitcast %get3A_445 : vector<16xf32> to vector<16xi32>
        %shift_right_logical3A = arith.constant 16 : i32
        %shift_right_logical3A_447 = vector.broadcast %shift_right_logical3A : i32 to vector<16xi32>
        %shift_right_logical3A_448 = arith.shrui %bitcast3A_446, %shift_right_logical3A_447 : vector<16xi32>
        %and3A_449 = arith.constant 255 : i32
        %and3A_450 = vector.broadcast %and3A_449 : i32 to vector<16xi32>
        %and3A_451 = arith.andi %shift_right_logical3A_448, %and3A_450 : vector<16xi32>
        %gather3A = tpu.vector_load_idx %arg6[%and3A_451, %iota3A] : memref<256x16xi32, #tpu.memory_space<vmem>>[vector<16xi32>, vector<16xi32>], vector<16xi32>,
        %add3A_452 = arith.constant 1 : i32
        %add3A_453 = arith.addi %mul3A_439, %add3A_452 : i32
        %add3A_454 = arith.constant 4096 : i32
        %add3A_455 = arith.addi %add3A_453, %add3A_454 : i32
        %get3A_456 = arith.index_cast %add3A_455 : i32 to index
        %get3A_457 = arith.constant 0 : index
        %get3A_458 = tpu.vector_load %arg4[%get3A_456, %get3A_457] {strides = array<i32>} : memref<4608x16xf32, #tpu.memory_space<vmem>>, vector<16xf32>,
        %bitcast3A_459 = vector.bitcast %get3A_458 : vector<16xf32> to vector<16xi32>
        %shift_right_logical3A_460 = arith.constant 16 : i32
        %shift_right_logical3A_461 = vector.broadcast %shift_right_logical3A_460 : i32 to vector<16xi32>
        %shift_right_logical3A_462 = arith.shrui %bitcast3A_459, %shift_right_logical3A_461 : vector<16xi32>
        %and3A_463 = arith.constant 255 : i32
        %and3A_464 = vector.broadcast %and3A_463 : i32 to vector<16xi32>
        %and3A_465 = arith.andi %shift_right_logical3A_462, %and3A_464 : vector<16xi32>
        %gather3A_466 = tpu.vector_load_idx %arg6[%and3A_465, %iota3A] : memref<256x16xi32, #tpu.memory_space<vmem>>[vector<16xi32>, vector<16xi32>], vector<16xi32>,
        %add3A_467 = arith.constant 2 : i32
        %add3A_468 = arith.addi %mul3A_439, %add3A_467 : i32
        %add3A_469 = arith.constant 4096 : i32
        %add3A_470 = arith.addi %add3A_468, %add3A_469 : i32
        %get3A_471 = arith.index_cast %add3A_470 : i32 to index
        %get3A_472 = arith.constant 0 : index
        %get3A_473 = tpu.vector_load %arg4[%get3A_471, %get3A_472] {strides = array<i32>} : memref<4608x16xf32, #tpu.memory_space<vmem>>, vector<16xf32>,
        %bitcast3A_474 = vector.bitcast %get3A_473 : vector<16xf32> to vector<16xi32>
        %shift_right_logical3A_475 = arith.constant 16 : i32
        %shift_right_logical3A_476 = vector.broadcast %shift_right_logical3A_475 : i32 to vector<16xi32>
        %shift_right_logical3A_477 = arith.shrui %bitcast3A_474, %shift_right_logical3A_476 : vector<16xi32>
        %and3A_478 = arith.constant 255 : i32
        %and3A_479 = vector.broadcast %and3A_478 : i32 to vector<16xi32>
        %and3A_480 = arith.andi %shift_right_logical3A_477, %and3A_479 : vector<16xi32>
        %gather3A_481 = tpu.vector_load_idx %arg6[%and3A_480, %iota3A] : memref<256x16xi32, #tpu.memory_space<vmem>>[vector<16xi32>, vector<16xi32>], vector<16xi32>,
        %add3A_482 = arith.constant 3 : i32
        %add3A_483 = arith.addi %mul3A_439, %add3A_482 : i32
        %add3A_484 = arith.constant 4096 : i32
        %add3A_485 = arith.addi %add3A_483, %add3A_484 : i32
        %get3A_486 = arith.index_cast %add3A_485 : i32 to index
        %get3A_487 = arith.constant 0 : index
        %get3A_488 = tpu.vector_load %arg4[%get3A_486, %get3A_487] {strides = array<i32>} : memref<4608x16xf32, #tpu.memory_space<vmem>>, vector<16xf32>,
        %bitcast3A_489 = vector.bitcast %get3A_488 : vector<16xf32> to vector<16xi32>
        %shift_right_logical3A_490 = arith.constant 16 : i32
        %shift_right_logical3A_491 = vector.broadcast %shift_right_logical3A_490 : i32 to vector<16xi32>
        %shift_right_logical3A_492 = arith.shrui %bitcast3A_489, %shift_right_logical3A_491 : vector<16xi32>
        %and3A_493 = arith.constant 255 : i32
        %and3A_494 = vector.broadcast %and3A_493 : i32 to vector<16xi32>
        %and3A_495 = arith.andi %shift_right_logical3A_492, %and3A_494 : vector<16xi32>
        %gather3A_496 = tpu.vector_load_idx %arg6[%and3A_495, %iota3A] : memref<256x16xi32, #tpu.memory_space<vmem>>[vector<16xi32>, vector<16xi32>], vector<16xi32>,
        %add3A_497 = arith.constant 4 : i32
        %add3A_498 = arith.addi %mul3A_439, %add3A_497 : i32
        %add3A_499 = arith.constant 4096 : i32
        %add3A_500 = arith.addi %add3A_498, %add3A_499 : i32
        %get3A_501 = arith.index_cast %add3A_500 : i32 to index
        %get3A_502 = arith.constant 0 : index
        %get3A_503 = tpu.vector_load %arg4[%get3A_501, %get3A_502] {strides = array<i32>} : memref<4608x16xf32, #tpu.memory_space<vmem>>, vector<16xf32>,
        %bitcast3A_504 = vector.bitcast %get3A_503 : vector<16xf32> to vector<16xi32>
        %shift_right_logical3A_505 = arith.constant 16 : i32
        %shift_right_logical3A_506 = vector.broadcast %shift_right_logical3A_505 : i32 to vector<16xi32>
        %shift_right_logical3A_507 = arith.shrui %bitcast3A_504, %shift_right_logical3A_506 : vector<16xi32>
        %and3A_508 = arith.constant 255 : i32
        %and3A_509 = vector.broadcast %and3A_508 : i32 to vector<16xi32>
        %and3A_510 = arith.andi %shift_right_logical3A_507, %and3A_509 : vector<16xi32>
        %gather3A_511 = tpu.vector_load_idx %arg6[%and3A_510, %iota3A] : memref<256x16xi32, #tpu.memory_space<vmem>>[vector<16xi32>, vector<16xi32>], vector<16xi32>,
        %add3A_512 = arith.constant 5 : i32
        %add3A_513 = arith.addi %mul3A_439, %add3A_512 : i32
        %add3A_514 = arith.constant 4096 : i32
        %add3A_515 = arith.addi %add3A_513, %add3A_514 : i32
        %get3A_516 = arith.index_cast %add3A_515 : i32 to index
        %get3A_517 = arith.constant 0 : index
        %get3A_518 = tpu.vector_load %arg4[%get3A_516, %get3A_517] {strides = array<i32>} : memref<4608x16xf32, #tpu.memory_space<vmem>>, vector<16xf32>,
        %bitcast3A_519 = vector.bitcast %get3A_518 : vector<16xf32> to vector<16xi32>
        %shift_right_logical3A_520 = arith.constant 16 : i32
        %shift_right_logical3A_521 = vector.broadcast %shift_right_logical3A_520 : i32 to vector<16xi32>
        %shift_right_logical3A_522 = arith.shrui %bitcast3A_519, %shift_right_logical3A_521 : vector<16xi32>
        %and3A_523 = arith.constant 255 : i32
        %and3A_524 = vector.broadcast %and3A_523 : i32 to vector<16xi32>
        %and3A_525 = arith.andi %shift_right_logical3A_522, %and3A_524 : vector<16xi32>
        %gather3A_526 = tpu.vector_load_idx %arg6[%and3A_525, %iota3A] : memref<256x16xi32, #tpu.memory_space<vmem>>[vector<16xi32>, vector<16xi32>], vector<16xi32>,
        %add3A_527 = arith.constant 6 : i32
        %add3A_528 = arith.addi %mul3A_439, %add3A_527 : i32
        %add3A_529 = arith.constant 4096 : i32
        %add3A_530 = arith.addi %add3A_528, %add3A_529 : i32
        %get3A_531 = arith.index_cast %add3A_530 : i32 to index
        %get3A_532 = arith.constant 0 : index
        %get3A_533 = tpu.vector_load %arg4[%get3A_531, %get3A_532] {strides = array<i32>} : memref<4608x16xf32, #tpu.memory_space<vmem>>, vector<16xf32>,
        %bitcast3A_534 = vector.bitcast %get3A_533 : vector<16xf32> to vector<16xi32>
        %shift_right_logical3A_535 = arith.constant 16 : i32
        %shift_right_logical3A_536 = vector.broadcast %shift_right_logical3A_535 : i32 to vector<16xi32>
        %shift_right_logical3A_537 = arith.shrui %bitcast3A_534, %shift_right_logical3A_536 : vector<16xi32>
        %and3A_538 = arith.constant 255 : i32
        %and3A_539 = vector.broadcast %and3A_538 : i32 to vector<16xi32>
        %and3A_540 = arith.andi %shift_right_logical3A_537, %and3A_539 : vector<16xi32>
        %gather3A_541 = tpu.vector_load_idx %arg6[%and3A_540, %iota3A] : memref<256x16xi32, #tpu.memory_space<vmem>>[vector<16xi32>, vector<16xi32>], vector<16xi32>,
        %add3A_542 = arith.constant 7 : i32
        %add3A_543 = arith.addi %mul3A_439, %add3A_542 : i32
        %add3A_544 = arith.constant 4096 : i32
        %add3A_545 = arith.addi %add3A_543, %add3A_544 : i32
        %get3A_546 = arith.index_cast %add3A_545 : i32 to index
        %get3A_547 = arith.constant 0 : index
        %get3A_548 = tpu.vector_load %arg4[%get3A_546, %get3A_547] {strides = array<i32>} : memref<4608x16xf32, #tpu.memory_space<vmem>>, vector<16xf32>,
        %bitcast3A_549 = vector.bitcast %get3A_548 : vector<16xf32> to vector<16xi32>
        %shift_right_logical3A_550 = arith.constant 16 : i32
        %shift_right_logical3A_551 = vector.broadcast %shift_right_logical3A_550 : i32 to vector<16xi32>
        %shift_right_logical3A_552 = arith.shrui %bitcast3A_549, %shift_right_logical3A_551 : vector<16xi32>
        %and3A_553 = arith.constant 255 : i32
        %and3A_554 = vector.broadcast %and3A_553 : i32 to vector<16xi32>
        %and3A_555 = arith.andi %shift_right_logical3A_552, %and3A_554 : vector<16xi32>
        %gather3A_556 = tpu.vector_load_idx %arg6[%and3A_555, %iota3A] : memref<256x16xi32, #tpu.memory_space<vmem>>[vector<16xi32>, vector<16xi32>], vector<16xi32>,
        %eq3A_557 = arith.cmpi eq, %and3A_465, %and3A_451 : vector<16xi32>
        %select_n3A_558 = arith.select %eq3A_557, %broadcast_in_dim3A_3, %broadcast_in_dim3A_1 : vector<16xi1>, vector<16xi32>
        %add3A_559 = arith.addi %broadcast_in_dim3A_1, %select_n3A_558 : vector<16xi32>
        %add3A_560 = arith.addi %gather3A_466, %add3A_559 : vector<16xi32>
        %eq3A_561 = arith.cmpi eq, %and3A_480, %and3A_451 : vector<16xi32>
        %select_n3A_562 = arith.select %eq3A_561, %broadcast_in_dim3A_3, %broadcast_in_dim3A_1 : vector<16xi1>, vector<16xi32>
        %add3A_563 = arith.addi %broadcast_in_dim3A_1, %select_n3A_562 : vector<16xi32>
        %eq3A_564 = arith.cmpi eq, %and3A_480, %and3A_465 : vector<16xi32>
        %select_n3A_565 = arith.select %eq3A_564, %broadcast_in_dim3A_3, %broadcast_in_dim3A_1 : vector<16xi1>, vector<16xi32>
        %add3A_566 = arith.addi %add3A_563, %select_n3A_565 : vector<16xi32>
        %add3A_567 = arith.addi %gather3A_481, %add3A_566 : vector<16xi32>
        %eq3A_568 = arith.cmpi eq, %and3A_495, %and3A_451 : vector<16xi32>
        %select_n3A_569 = arith.select %eq3A_568, %broadcast_in_dim3A_3, %broadcast_in_dim3A_1 : vector<16xi1>, vector<16xi32>
        %add3A_570 = arith.addi %broadcast_in_dim3A_1, %select_n3A_569 : vector<16xi32>
        %eq3A_571 = arith.cmpi eq, %and3A_495, %and3A_465 : vector<16xi32>
        %select_n3A_572 = arith.select %eq3A_571, %broadcast_in_dim3A_3, %broadcast_in_dim3A_1 : vector<16xi1>, vector<16xi32>
        %add3A_573 = arith.addi %add3A_570, %select_n3A_572 : vector<16xi32>
        %eq3A_574 = arith.cmpi eq, %and3A_495, %and3A_480 : vector<16xi32>
        %select_n3A_575 = arith.select %eq3A_574, %broadcast_in_dim3A_3, %broadcast_in_dim3A_1 : vector<16xi1>, vector<16xi32>
        %add3A_576 = arith.addi %add3A_573, %select_n3A_575 : vector<16xi32>
        %add3A_577 = arith.addi %gather3A_496, %add3A_576 : vector<16xi32>
        %eq3A_578 = arith.cmpi eq, %and3A_510, %and3A_451 : vector<16xi32>
        %select_n3A_579 = arith.select %eq3A_578, %broadcast_in_dim3A_3, %broadcast_in_dim3A_1 : vector<16xi1>, vector<16xi32>
        %add3A_580 = arith.addi %broadcast_in_dim3A_1, %select_n3A_579 : vector<16xi32>
        %eq3A_581 = arith.cmpi eq, %and3A_510, %and3A_465 : vector<16xi32>
        %select_n3A_582 = arith.select %eq3A_581, %broadcast_in_dim3A_3, %broadcast_in_dim3A_1 : vector<16xi1>, vector<16xi32>
        %add3A_583 = arith.addi %add3A_580, %select_n3A_582 : vector<16xi32>
        %eq3A_584 = arith.cmpi eq, %and3A_510, %and3A_480 : vector<16xi32>
        %select_n3A_585 = arith.select %eq3A_584, %broadcast_in_dim3A_3, %broadcast_in_dim3A_1 : vector<16xi1>, vector<16xi32>
        %add3A_586 = arith.addi %add3A_583, %select_n3A_585 : vector<16xi32>
        %eq3A_587 = arith.cmpi eq, %and3A_510, %and3A_495 : vector<16xi32>
        %select_n3A_588 = arith.select %eq3A_587, %broadcast_in_dim3A_3, %broadcast_in_dim3A_1 : vector<16xi1>, vector<16xi32>
        %add3A_589 = arith.addi %add3A_586, %select_n3A_588 : vector<16xi32>
        %add3A_590 = arith.addi %gather3A_511, %add3A_589 : vector<16xi32>
        %eq3A_591 = arith.cmpi eq, %and3A_525, %and3A_451 : vector<16xi32>
        %select_n3A_592 = arith.select %eq3A_591, %broadcast_in_dim3A_3, %broadcast_in_dim3A_1 : vector<16xi1>, vector<16xi32>
        %add3A_593 = arith.addi %broadcast_in_dim3A_1, %select_n3A_592 : vector<16xi32>
        %eq3A_594 = arith.cmpi eq, %and3A_525, %and3A_465 : vector<16xi32>
        %select_n3A_595 = arith.select %eq3A_594, %broadcast_in_dim3A_3, %broadcast_in_dim3A_1 : vector<16xi1>, vector<16xi32>
        %add3A_596 = arith.addi %add3A_593, %select_n3A_595 : vector<16xi32>
        %eq3A_597 = arith.cmpi eq, %and3A_525, %and3A_480 : vector<16xi32>
        %select_n3A_598 = arith.select %eq3A_597, %broadcast_in_dim3A_3, %broadcast_in_dim3A_1 : vector<16xi1>, vector<16xi32>
        %add3A_599 = arith.addi %add3A_596, %select_n3A_598 : vector<16xi32>
        %eq3A_600 = arith.cmpi eq, %and3A_525, %and3A_495 : vector<16xi32>
        %select_n3A_601 = arith.select %eq3A_600, %broadcast_in_dim3A_3, %broadcast_in_dim3A_1 : vector<16xi1>, vector<16xi32>
        %add3A_602 = arith.addi %add3A_599, %select_n3A_601 : vector<16xi32>
        %eq3A_603 = arith.cmpi eq, %and3A_525, %and3A_510 : vector<16xi32>
        %select_n3A_604 = arith.select %eq3A_603, %broadcast_in_dim3A_3, %broadcast_in_dim3A_1 : vector<16xi1>, vector<16xi32>
        %add3A_605 = arith.addi %add3A_602, %select_n3A_604 : vector<16xi32>
        %add3A_606 = arith.addi %gather3A_526, %add3A_605 : vector<16xi32>
        %eq3A_607 = arith.cmpi eq, %and3A_540, %and3A_451 : vector<16xi32>
        %select_n3A_608 = arith.select %eq3A_607, %broadcast_in_dim3A_3, %broadcast_in_dim3A_1 : vector<16xi1>, vector<16xi32>
        %add3A_609 = arith.addi %broadcast_in_dim3A_1, %select_n3A_608 : vector<16xi32>
        %eq3A_610 = arith.cmpi eq, %and3A_540, %and3A_465 : vector<16xi32>
        %select_n3A_611 = arith.select %eq3A_610, %broadcast_in_dim3A_3, %broadcast_in_dim3A_1 : vector<16xi1>, vector<16xi32>
        %add3A_612 = arith.addi %add3A_609, %select_n3A_611 : vector<16xi32>
        %eq3A_613 = arith.cmpi eq, %and3A_540, %and3A_480 : vector<16xi32>
        %select_n3A_614 = arith.select %eq3A_613, %broadcast_in_dim3A_3, %broadcast_in_dim3A_1 : vector<16xi1>, vector<16xi32>
        %add3A_615 = arith.addi %add3A_612, %select_n3A_614 : vector<16xi32>
        %eq3A_616 = arith.cmpi eq, %and3A_540, %and3A_495 : vector<16xi32>
        %select_n3A_617 = arith.select %eq3A_616, %broadcast_in_dim3A_3, %broadcast_in_dim3A_1 : vector<16xi1>, vector<16xi32>
        %add3A_618 = arith.addi %add3A_615, %select_n3A_617 : vector<16xi32>
        %eq3A_619 = arith.cmpi eq, %and3A_540, %and3A_510 : vector<16xi32>
        %select_n3A_620 = arith.select %eq3A_619, %broadcast_in_dim3A_3, %broadcast_in_dim3A_1 : vector<16xi1>, vector<16xi32>
        %add3A_621 = arith.addi %add3A_618, %select_n3A_620 : vector<16xi32>
        %eq3A_622 = arith.cmpi eq, %and3A_540, %and3A_525 : vector<16xi32>
        %select_n3A_623 = arith.select %eq3A_622, %broadcast_in_dim3A_3, %broadcast_in_dim3A_1 : vector<16xi1>, vector<16xi32>
        %add3A_624 = arith.addi %add3A_621, %select_n3A_623 : vector<16xi32>
        %add3A_625 = arith.addi %gather3A_541, %add3A_624 : vector<16xi32>
        %eq3A_626 = arith.cmpi eq, %and3A_555, %and3A_451 : vector<16xi32>
        %select_n3A_627 = arith.select %eq3A_626, %broadcast_in_dim3A_3, %broadcast_in_dim3A_1 : vector<16xi1>, vector<16xi32>
        %add3A_628 = arith.addi %broadcast_in_dim3A_1, %select_n3A_627 : vector<16xi32>
        %eq3A_629 = arith.cmpi eq, %and3A_555, %and3A_465 : vector<16xi32>
        %select_n3A_630 = arith.select %eq3A_629, %broadcast_in_dim3A_3, %broadcast_in_dim3A_1 : vector<16xi1>, vector<16xi32>
        %add3A_631 = arith.addi %add3A_628, %select_n3A_630 : vector<16xi32>
        %eq3A_632 = arith.cmpi eq, %and3A_555, %and3A_480 : vector<16xi32>
        %select_n3A_633 = arith.select %eq3A_632, %broadcast_in_dim3A_3, %broadcast_in_dim3A_1 : vector<16xi1>, vector<16xi32>
        %add3A_634 = arith.addi %add3A_631, %select_n3A_633 : vector<16xi32>
        %eq3A_635 = arith.cmpi eq, %and3A_555, %and3A_495 : vector<16xi32>
        %select_n3A_636 = arith.select %eq3A_635, %broadcast_in_dim3A_3, %broadcast_in_dim3A_1 : vector<16xi1>, vector<16xi32>
        %add3A_637 = arith.addi %add3A_634, %select_n3A_636 : vector<16xi32>
        %eq3A_638 = arith.cmpi eq, %and3A_555, %and3A_510 : vector<16xi32>
        %select_n3A_639 = arith.select %eq3A_638, %broadcast_in_dim3A_3, %broadcast_in_dim3A_1 : vector<16xi1>, vector<16xi32>
        %add3A_640 = arith.addi %add3A_637, %select_n3A_639 : vector<16xi32>
        %eq3A_641 = arith.cmpi eq, %and3A_555, %and3A_525 : vector<16xi32>
        %select_n3A_642 = arith.select %eq3A_641, %broadcast_in_dim3A_3, %broadcast_in_dim3A_1 : vector<16xi1>, vector<16xi32>
        %add3A_643 = arith.addi %add3A_640, %select_n3A_642 : vector<16xi32>
        %eq3A_644 = arith.cmpi eq, %and3A_555, %and3A_540 : vector<16xi32>
        %select_n3A_645 = arith.select %eq3A_644, %broadcast_in_dim3A_3, %broadcast_in_dim3A_1 : vector<16xi1>, vector<16xi32>
        %add3A_646 = arith.addi %add3A_643, %select_n3A_645 : vector<16xi32>
        %add3A_647 = arith.addi %gather3A_556, %add3A_646 : vector<16xi32>
        tpu.vector_store_idx %arg7[%gather3A, %iota3A], %get3A_445 : memref<512x16xf32, #tpu.memory_space<vmem>>[vector<16xi32>, vector<16xi32>], vector<16xf32>,
        tpu.vector_store_idx %arg7[%add3A_560, %iota3A], %get3A_458 : memref<512x16xf32, #tpu.memory_space<vmem>>[vector<16xi32>, vector<16xi32>], vector<16xf32>,
        tpu.vector_store_idx %arg7[%add3A_567, %iota3A], %get3A_473 : memref<512x16xf32, #tpu.memory_space<vmem>>[vector<16xi32>, vector<16xi32>], vector<16xf32>,
        tpu.vector_store_idx %arg7[%add3A_577, %iota3A], %get3A_488 : memref<512x16xf32, #tpu.memory_space<vmem>>[vector<16xi32>, vector<16xi32>], vector<16xf32>,
        tpu.vector_store_idx %arg7[%add3A_590, %iota3A], %get3A_503 : memref<512x16xf32, #tpu.memory_space<vmem>>[vector<16xi32>, vector<16xi32>], vector<16xf32>,
        tpu.vector_store_idx %arg7[%add3A_606, %iota3A], %get3A_518 : memref<512x16xf32, #tpu.memory_space<vmem>>[vector<16xi32>, vector<16xi32>], vector<16xf32>,
        tpu.vector_store_idx %arg7[%add3A_625, %iota3A], %get3A_533 : memref<512x16xf32, #tpu.memory_space<vmem>>[vector<16xi32>, vector<16xi32>], vector<16xf32>,
        tpu.vector_store_idx %arg7[%add3A_647, %iota3A], %get3A_548 : memref<512x16xf32, #tpu.memory_space<vmem>>[vector<16xi32>, vector<16xi32>], vector<16xf32>,
        %add3A_648 = arith.addi %gather3A, %broadcast_in_dim3A_3 : vector<16xi32>
        tpu.vector_store_idx %arg6[%and3A_451, %iota3A], %add3A_648 : memref<256x16xi32, #tpu.memory_space<vmem>>[vector<16xi32>, vector<16xi32>], vector<16xi32>,
        %add3A_649 = arith.addi %add3A_560, %broadcast_in_dim3A_3 : vector<16xi32>
        tpu.vector_store_idx %arg6[%and3A_465, %iota3A], %add3A_649 : memref<256x16xi32, #tpu.memory_space<vmem>>[vector<16xi32>, vector<16xi32>], vector<16xi32>,
        %add3A_650 = arith.addi %add3A_567, %broadcast_in_dim3A_3 : vector<16xi32>
        tpu.vector_store_idx %arg6[%and3A_480, %iota3A], %add3A_650 : memref<256x16xi32, #tpu.memory_space<vmem>>[vector<16xi32>, vector<16xi32>], vector<16xi32>,
        %add3A_651 = arith.addi %add3A_577, %broadcast_in_dim3A_3 : vector<16xi32>
        tpu.vector_store_idx %arg6[%and3A_495, %iota3A], %add3A_651 : memref<256x16xi32, #tpu.memory_space<vmem>>[vector<16xi32>, vector<16xi32>], vector<16xi32>,
        %add3A_652 = arith.addi %add3A_590, %broadcast_in_dim3A_3 : vector<16xi32>
        tpu.vector_store_idx %arg6[%and3A_510, %iota3A], %add3A_652 : memref<256x16xi32, #tpu.memory_space<vmem>>[vector<16xi32>, vector<16xi32>], vector<16xi32>,
        %add3A_653 = arith.addi %add3A_606, %broadcast_in_dim3A_3 : vector<16xi32>
        tpu.vector_store_idx %arg6[%and3A_525, %iota3A], %add3A_653 : memref<256x16xi32, #tpu.memory_space<vmem>>[vector<16xi32>, vector<16xi32>], vector<16xi32>,
        %add3A_654 = arith.addi %add3A_625, %broadcast_in_dim3A_3 : vector<16xi32>
        tpu.vector_store_idx %arg6[%and3A_540, %iota3A], %add3A_654 : memref<256x16xi32, #tpu.memory_space<vmem>>[vector<16xi32>, vector<16xi32>], vector<16xi32>,
        %add3A_655 = arith.addi %add3A_647, %broadcast_in_dim3A_3 : vector<16xi32>
        tpu.vector_store_idx %arg6[%and3A_555, %iota3A], %add3A_655 : memref<256x16xi32, #tpu.memory_space<vmem>>[vector<16xi32>, vector<16xi32>], vector<16xi32>,
      }
      %scan3A_423 = arith.constant 64 : i32
      %parallel_loop3A_424 = arith.constant 0 : i32
      %parallel_loop3A_425 = arith.constant 512 : i32
      %parallel_loop3A_426 = arith.constant 1 : i32
      scf.for %parallel_loop3A_437 = %parallel_loop3A_424 to %parallel_loop3A_425 step %parallel_loop3A_426  : i32 {
        %parallel_loop3A_438 = arith.index_cast %parallel_loop3A_437 : i32 to index
        %parallel_loop3A_439 = arith.constant 0 : index
        %parallel_loop3A_440 = tpu.vector_load %arg7[%parallel_loop3A_438, %parallel_loop3A_439] {strides = array<i32>} : memref<512x16xf32, #tpu.memory_space<vmem>>, vector<16xf32>,
        %parallel_loop3A_441 = vector.bitcast %parallel_loop3A_440 : vector<16xf32> to vector<16xi32>
        %parallel_loop3A_442 = arith.constant -2147483648 : i32
        %parallel_loop3A_443 = vector.broadcast %parallel_loop3A_442 : i32 to vector<16xi32>
        %parallel_loop3A_444 = arith.xori %parallel_loop3A_441, %parallel_loop3A_443 : vector<16xi32>
        %parallel_loop3A_445 = arith.constant 24 : i32
        %parallel_loop3A_446 = vector.broadcast %parallel_loop3A_445 : i32 to vector<16xi32>
        %parallel_loop3A_447 = arith.shrui %parallel_loop3A_444, %parallel_loop3A_446 : vector<16xi32>
        tpu.vector_store_idx %arg5[%parallel_loop3A_447, %iota3A], %broadcast_in_dim3A_3 {add = true} : memref<512x16xi32, #tpu.memory_space<vmem>>[vector<16xi32>, vector<16xi32>], vector<16xi32>,
      } {sc.loop_unroll_factor = 8 : i64, sc.parallel_access}
      %parallel_loop3A_427 = arith.constant 0 : i32
      %parallel_loop3A_428 = arith.constant 256 : i32
      %parallel_loop3A_429 = arith.constant 1 : i32
      %parallel_loop3A_430 = scf.for %parallel_loop3A_437 = %parallel_loop3A_427 to %parallel_loop3A_428 step %parallel_loop3A_429 iter_args(%parallel_loop3A_438 = %broadcast_in_dim3A_1) -> (vector<16xi32>)  : i32 {
        %parallel_loop3A_439 = arith.constant 255 : i32
        %parallel_loop3A_440 = arith.subi %parallel_loop3A_439, %parallel_loop3A_437 : i32
        %parallel_loop3A_441 = arith.index_cast %parallel_loop3A_440 : i32 to index
        %parallel_loop3A_442 = arith.constant 0 : index
        %parallel_loop3A_443 = tpu.vector_load %arg5[%parallel_loop3A_441, %parallel_loop3A_442] {strides = array<i32>} : memref<512x16xi32, #tpu.memory_space<vmem>>, vector<16xi32>,
        %parallel_loop3A_444 = arith.index_cast %parallel_loop3A_440 : i32 to index
        %parallel_loop3A_445 = arith.constant 0 : index
        %parallel_loop3A_446 = tpu.vector_load %arg5[%parallel_loop3A_444, %parallel_loop3A_445] {strides = array<i32>} : memref<512x16xi32, #tpu.memory_space<vmem>>, vector<16xi32>,
        tpu.vector_store %arg5[%parallel_loop3A_444, %parallel_loop3A_445], %broadcast_in_dim3A_1 {strides = array<i32>} : memref<512x16xi32, #tpu.memory_space<vmem>>, vector<16xi32>,
        %parallel_loop3A_447 = arith.index_cast %parallel_loop3A_440 : i32 to index
        %parallel_loop3A_448 = arith.constant 0 : index
        %parallel_loop3A_449 = tpu.vector_load %arg6[%parallel_loop3A_447, %parallel_loop3A_448] {strides = array<i32>} : memref<256x16xi32, #tpu.memory_space<vmem>>, vector<16xi32>,
        tpu.vector_store %arg6[%parallel_loop3A_447, %parallel_loop3A_448], %parallel_loop3A_438 {strides = array<i32>} : memref<256x16xi32, #tpu.memory_space<vmem>>, vector<16xi32>,
        %parallel_loop3A_450 = arith.addi %parallel_loop3A_438, %parallel_loop3A_443 : vector<16xi32>
        scf.yield %parallel_loop3A_450 : vector<16xi32>
      } {sc.loop_unroll_factor = 4 : i64, sc.parallel_access}
      %scan3A_431 = arith.constant 0 : i32
      %scan3A_432 = arith.constant 0 : i32
      %scan3A_433 = arith.constant 64 : i32
      %scan3A_434 = arith.addi %scan3A_432, %scan3A_433 : i32
      %scan3A_435 = arith.constant 1 : i32
      scf.for %scan3A_437 = %scan3A_432 to %scan3A_434 step %scan3A_435  : i32 {
        %mul3A_438 = arith.constant 8 : i32
        %mul3A_439 = arith.muli %scan3A_437, %mul3A_438 : i32
        %add3A_440 = arith.constant 0 : i32
        %add3A_441 = arith.addi %mul3A_439, %add3A_440 : i32
        %get3A = arith.index_cast %add3A_441 : i32 to index
        %get3A_442 = arith.constant 0 : index
        %get3A_443 = tpu.vector_load %arg7[%get3A, %get3A_442] {strides = array<i32>} : memref<512x16xf32, #tpu.memory_space<vmem>>, vector<16xf32>,
        %bitcast3A_444 = vector.bitcast %get3A_443 : vector<16xf32> to vector<16xi32>
        %xor3A_445 = arith.constant -2147483648 : i32
        %xor3A_446 = vector.broadcast %xor3A_445 : i32 to vector<16xi32>
        %xor3A_447 = arith.xori %bitcast3A_444, %xor3A_446 : vector<16xi32>
        %shift_right_logical3A = arith.constant 24 : i32
        %shift_right_logical3A_448 = vector.broadcast %shift_right_logical3A : i32 to vector<16xi32>
        %shift_right_logical3A_449 = arith.shrui %xor3A_447, %shift_right_logical3A_448 : vector<16xi32>
        %gather3A = tpu.vector_load_idx %arg6[%shift_right_logical3A_449, %iota3A] : memref<256x16xi32, #tpu.memory_space<vmem>>[vector<16xi32>, vector<16xi32>], vector<16xi32>,
        %add3A_450 = arith.constant 1 : i32
        %add3A_451 = arith.addi %mul3A_439, %add3A_450 : i32
        %get3A_452 = arith.index_cast %add3A_451 : i32 to index
        %get3A_453 = arith.constant 0 : index
        %get3A_454 = tpu.vector_load %arg7[%get3A_452, %get3A_453] {strides = array<i32>} : memref<512x16xf32, #tpu.memory_space<vmem>>, vector<16xf32>,
        %bitcast3A_455 = vector.bitcast %get3A_454 : vector<16xf32> to vector<16xi32>
        %xor3A_456 = arith.constant -2147483648 : i32
        %xor3A_457 = vector.broadcast %xor3A_456 : i32 to vector<16xi32>
        %xor3A_458 = arith.xori %bitcast3A_455, %xor3A_457 : vector<16xi32>
        %shift_right_logical3A_459 = arith.constant 24 : i32
        %shift_right_logical3A_460 = vector.broadcast %shift_right_logical3A_459 : i32 to vector<16xi32>
        %shift_right_logical3A_461 = arith.shrui %xor3A_458, %shift_right_logical3A_460 : vector<16xi32>
        %gather3A_462 = tpu.vector_load_idx %arg6[%shift_right_logical3A_461, %iota3A] : memref<256x16xi32, #tpu.memory_space<vmem>>[vector<16xi32>, vector<16xi32>], vector<16xi32>,
        %add3A_463 = arith.constant 2 : i32
        %add3A_464 = arith.addi %mul3A_439, %add3A_463 : i32
        %get3A_465 = arith.index_cast %add3A_464 : i32 to index
        %get3A_466 = arith.constant 0 : index
        %get3A_467 = tpu.vector_load %arg7[%get3A_465, %get3A_466] {strides = array<i32>} : memref<512x16xf32, #tpu.memory_space<vmem>>, vector<16xf32>,
        %bitcast3A_468 = vector.bitcast %get3A_467 : vector<16xf32> to vector<16xi32>
        %xor3A_469 = arith.constant -2147483648 : i32
        %xor3A_470 = vector.broadcast %xor3A_469 : i32 to vector<16xi32>
        %xor3A_471 = arith.xori %bitcast3A_468, %xor3A_470 : vector<16xi32>
        %shift_right_logical3A_472 = arith.constant 24 : i32
        %shift_right_logical3A_473 = vector.broadcast %shift_right_logical3A_472 : i32 to vector<16xi32>
        %shift_right_logical3A_474 = arith.shrui %xor3A_471, %shift_right_logical3A_473 : vector<16xi32>
        %gather3A_475 = tpu.vector_load_idx %arg6[%shift_right_logical3A_474, %iota3A] : memref<256x16xi32, #tpu.memory_space<vmem>>[vector<16xi32>, vector<16xi32>], vector<16xi32>,
        %add3A_476 = arith.constant 3 : i32
        %add3A_477 = arith.addi %mul3A_439, %add3A_476 : i32
        %get3A_478 = arith.index_cast %add3A_477 : i32 to index
        %get3A_479 = arith.constant 0 : index
        %get3A_480 = tpu.vector_load %arg7[%get3A_478, %get3A_479] {strides = array<i32>} : memref<512x16xf32, #tpu.memory_space<vmem>>, vector<16xf32>,
        %bitcast3A_481 = vector.bitcast %get3A_480 : vector<16xf32> to vector<16xi32>
        %xor3A_482 = arith.constant -2147483648 : i32
        %xor3A_483 = vector.broadcast %xor3A_482 : i32 to vector<16xi32>
        %xor3A_484 = arith.xori %bitcast3A_481, %xor3A_483 : vector<16xi32>
        %shift_right_logical3A_485 = arith.constant 24 : i32
        %shift_right_logical3A_486 = vector.broadcast %shift_right_logical3A_485 : i32 to vector<16xi32>
        %shift_right_logical3A_487 = arith.shrui %xor3A_484, %shift_right_logical3A_486 : vector<16xi32>
        %gather3A_488 = tpu.vector_load_idx %arg6[%shift_right_logical3A_487, %iota3A] : memref<256x16xi32, #tpu.memory_space<vmem>>[vector<16xi32>, vector<16xi32>], vector<16xi32>,
        %add3A_489 = arith.constant 4 : i32
        %add3A_490 = arith.addi %mul3A_439, %add3A_489 : i32
        %get3A_491 = arith.index_cast %add3A_490 : i32 to index
        %get3A_492 = arith.constant 0 : index
        %get3A_493 = tpu.vector_load %arg7[%get3A_491, %get3A_492] {strides = array<i32>} : memref<512x16xf32, #tpu.memory_space<vmem>>, vector<16xf32>,
        %bitcast3A_494 = vector.bitcast %get3A_493 : vector<16xf32> to vector<16xi32>
        %xor3A_495 = arith.constant -2147483648 : i32
        %xor3A_496 = vector.broadcast %xor3A_495 : i32 to vector<16xi32>
        %xor3A_497 = arith.xori %bitcast3A_494, %xor3A_496 : vector<16xi32>
        %shift_right_logical3A_498 = arith.constant 24 : i32
        %shift_right_logical3A_499 = vector.broadcast %shift_right_logical3A_498 : i32 to vector<16xi32>
        %shift_right_logical3A_500 = arith.shrui %xor3A_497, %shift_right_logical3A_499 : vector<16xi32>
        %gather3A_501 = tpu.vector_load_idx %arg6[%shift_right_logical3A_500, %iota3A] : memref<256x16xi32, #tpu.memory_space<vmem>>[vector<16xi32>, vector<16xi32>], vector<16xi32>,
        %add3A_502 = arith.constant 5 : i32
        %add3A_503 = arith.addi %mul3A_439, %add3A_502 : i32
        %get3A_504 = arith.index_cast %add3A_503 : i32 to index
        %get3A_505 = arith.constant 0 : index
        %get3A_506 = tpu.vector_load %arg7[%get3A_504, %get3A_505] {strides = array<i32>} : memref<512x16xf32, #tpu.memory_space<vmem>>, vector<16xf32>,
        %bitcast3A_507 = vector.bitcast %get3A_506 : vector<16xf32> to vector<16xi32>
        %xor3A_508 = arith.constant -2147483648 : i32
        %xor3A_509 = vector.broadcast %xor3A_508 : i32 to vector<16xi32>
        %xor3A_510 = arith.xori %bitcast3A_507, %xor3A_509 : vector<16xi32>
        %shift_right_logical3A_511 = arith.constant 24 : i32
        %shift_right_logical3A_512 = vector.broadcast %shift_right_logical3A_511 : i32 to vector<16xi32>
        %shift_right_logical3A_513 = arith.shrui %xor3A_510, %shift_right_logical3A_512 : vector<16xi32>
        %gather3A_514 = tpu.vector_load_idx %arg6[%shift_right_logical3A_513, %iota3A] : memref<256x16xi32, #tpu.memory_space<vmem>>[vector<16xi32>, vector<16xi32>], vector<16xi32>,
        %add3A_515 = arith.constant 6 : i32
        %add3A_516 = arith.addi %mul3A_439, %add3A_515 : i32
        %get3A_517 = arith.index_cast %add3A_516 : i32 to index
        %get3A_518 = arith.constant 0 : index
        %get3A_519 = tpu.vector_load %arg7[%get3A_517, %get3A_518] {strides = array<i32>} : memref<512x16xf32, #tpu.memory_space<vmem>>, vector<16xf32>,
        %bitcast3A_520 = vector.bitcast %get3A_519 : vector<16xf32> to vector<16xi32>
        %xor3A_521 = arith.constant -2147483648 : i32
        %xor3A_522 = vector.broadcast %xor3A_521 : i32 to vector<16xi32>
        %xor3A_523 = arith.xori %bitcast3A_520, %xor3A_522 : vector<16xi32>
        %shift_right_logical3A_524 = arith.constant 24 : i32
        %shift_right_logical3A_525 = vector.broadcast %shift_right_logical3A_524 : i32 to vector<16xi32>
        %shift_right_logical3A_526 = arith.shrui %xor3A_523, %shift_right_logical3A_525 : vector<16xi32>
        %gather3A_527 = tpu.vector_load_idx %arg6[%shift_right_logical3A_526, %iota3A] : memref<256x16xi32, #tpu.memory_space<vmem>>[vector<16xi32>, vector<16xi32>], vector<16xi32>,
        %add3A_528 = arith.constant 7 : i32
        %add3A_529 = arith.addi %mul3A_439, %add3A_528 : i32
        %get3A_530 = arith.index_cast %add3A_529 : i32 to index
        %get3A_531 = arith.constant 0 : index
        %get3A_532 = tpu.vector_load %arg7[%get3A_530, %get3A_531] {strides = array<i32>} : memref<512x16xf32, #tpu.memory_space<vmem>>, vector<16xf32>,
        %bitcast3A_533 = vector.bitcast %get3A_532 : vector<16xf32> to vector<16xi32>
        %xor3A_534 = arith.constant -2147483648 : i32
        %xor3A_535 = vector.broadcast %xor3A_534 : i32 to vector<16xi32>
        %xor3A_536 = arith.xori %bitcast3A_533, %xor3A_535 : vector<16xi32>
        %shift_right_logical3A_537 = arith.constant 24 : i32
        %shift_right_logical3A_538 = vector.broadcast %shift_right_logical3A_537 : i32 to vector<16xi32>
        %shift_right_logical3A_539 = arith.shrui %xor3A_536, %shift_right_logical3A_538 : vector<16xi32>
        %gather3A_540 = tpu.vector_load_idx %arg6[%shift_right_logical3A_539, %iota3A] : memref<256x16xi32, #tpu.memory_space<vmem>>[vector<16xi32>, vector<16xi32>], vector<16xi32>,
        %eq3A_541 = arith.cmpi eq, %shift_right_logical3A_461, %shift_right_logical3A_449 : vector<16xi32>
        %select_n3A_542 = arith.select %eq3A_541, %broadcast_in_dim3A_3, %broadcast_in_dim3A_1 : vector<16xi1>, vector<16xi32>
        %add3A_543 = arith.addi %broadcast_in_dim3A_1, %select_n3A_542 : vector<16xi32>
        %add3A_544 = arith.addi %gather3A_462, %add3A_543 : vector<16xi32>
        %eq3A_545 = arith.cmpi eq, %shift_right_logical3A_474, %shift_right_logical3A_449 : vector<16xi32>
        %select_n3A_546 = arith.select %eq3A_545, %broadcast_in_dim3A_3, %broadcast_in_dim3A_1 : vector<16xi1>, vector<16xi32>
        %add3A_547 = arith.addi %broadcast_in_dim3A_1, %select_n3A_546 : vector<16xi32>
        %eq3A_548 = arith.cmpi eq, %shift_right_logical3A_474, %shift_right_logical3A_461 : vector<16xi32>
        %select_n3A_549 = arith.select %eq3A_548, %broadcast_in_dim3A_3, %broadcast_in_dim3A_1 : vector<16xi1>, vector<16xi32>
        %add3A_550 = arith.addi %add3A_547, %select_n3A_549 : vector<16xi32>
        %add3A_551 = arith.addi %gather3A_475, %add3A_550 : vector<16xi32>
        %eq3A_552 = arith.cmpi eq, %shift_right_logical3A_487, %shift_right_logical3A_449 : vector<16xi32>
        %select_n3A_553 = arith.select %eq3A_552, %broadcast_in_dim3A_3, %broadcast_in_dim3A_1 : vector<16xi1>, vector<16xi32>
        %add3A_554 = arith.addi %broadcast_in_dim3A_1, %select_n3A_553 : vector<16xi32>
        %eq3A_555 = arith.cmpi eq, %shift_right_logical3A_487, %shift_right_logical3A_461 : vector<16xi32>
        %select_n3A_556 = arith.select %eq3A_555, %broadcast_in_dim3A_3, %broadcast_in_dim3A_1 : vector<16xi1>, vector<16xi32>
        %add3A_557 = arith.addi %add3A_554, %select_n3A_556 : vector<16xi32>
        %eq3A_558 = arith.cmpi eq, %shift_right_logical3A_487, %shift_right_logical3A_474 : vector<16xi32>
        %select_n3A_559 = arith.select %eq3A_558, %broadcast_in_dim3A_3, %broadcast_in_dim3A_1 : vector<16xi1>, vector<16xi32>
        %add3A_560 = arith.addi %add3A_557, %select_n3A_559 : vector<16xi32>
        %add3A_561 = arith.addi %gather3A_488, %add3A_560 : vector<16xi32>
        %eq3A_562 = arith.cmpi eq, %shift_right_logical3A_500, %shift_right_logical3A_449 : vector<16xi32>
        %select_n3A_563 = arith.select %eq3A_562, %broadcast_in_dim3A_3, %broadcast_in_dim3A_1 : vector<16xi1>, vector<16xi32>
        %add3A_564 = arith.addi %broadcast_in_dim3A_1, %select_n3A_563 : vector<16xi32>
        %eq3A_565 = arith.cmpi eq, %shift_right_logical3A_500, %shift_right_logical3A_461 : vector<16xi32>
        %select_n3A_566 = arith.select %eq3A_565, %broadcast_in_dim3A_3, %broadcast_in_dim3A_1 : vector<16xi1>, vector<16xi32>
        %add3A_567 = arith.addi %add3A_564, %select_n3A_566 : vector<16xi32>
        %eq3A_568 = arith.cmpi eq, %shift_right_logical3A_500, %shift_right_logical3A_474 : vector<16xi32>
        %select_n3A_569 = arith.select %eq3A_568, %broadcast_in_dim3A_3, %broadcast_in_dim3A_1 : vector<16xi1>, vector<16xi32>
        %add3A_570 = arith.addi %add3A_567, %select_n3A_569 : vector<16xi32>
        %eq3A_571 = arith.cmpi eq, %shift_right_logical3A_500, %shift_right_logical3A_487 : vector<16xi32>
        %select_n3A_572 = arith.select %eq3A_571, %broadcast_in_dim3A_3, %broadcast_in_dim3A_1 : vector<16xi1>, vector<16xi32>
        %add3A_573 = arith.addi %add3A_570, %select_n3A_572 : vector<16xi32>
        %add3A_574 = arith.addi %gather3A_501, %add3A_573 : vector<16xi32>
        %eq3A_575 = arith.cmpi eq, %shift_right_logical3A_513, %shift_right_logical3A_449 : vector<16xi32>
        %select_n3A_576 = arith.select %eq3A_575, %broadcast_in_dim3A_3, %broadcast_in_dim3A_1 : vector<16xi1>, vector<16xi32>
        %add3A_577 = arith.addi %broadcast_in_dim3A_1, %select_n3A_576 : vector<16xi32>
        %eq3A_578 = arith.cmpi eq, %shift_right_logical3A_513, %shift_right_logical3A_461 : vector<16xi32>
        %select_n3A_579 = arith.select %eq3A_578, %broadcast_in_dim3A_3, %broadcast_in_dim3A_1 : vector<16xi1>, vector<16xi32>
        %add3A_580 = arith.addi %add3A_577, %select_n3A_579 : vector<16xi32>
        %eq3A_581 = arith.cmpi eq, %shift_right_logical3A_513, %shift_right_logical3A_474 : vector<16xi32>
        %select_n3A_582 = arith.select %eq3A_581, %broadcast_in_dim3A_3, %broadcast_in_dim3A_1 : vector<16xi1>, vector<16xi32>
        %add3A_583 = arith.addi %add3A_580, %select_n3A_582 : vector<16xi32>
        %eq3A_584 = arith.cmpi eq, %shift_right_logical3A_513, %shift_right_logical3A_487 : vector<16xi32>
        %select_n3A_585 = arith.select %eq3A_584, %broadcast_in_dim3A_3, %broadcast_in_dim3A_1 : vector<16xi1>, vector<16xi32>
        %add3A_586 = arith.addi %add3A_583, %select_n3A_585 : vector<16xi32>
        %eq3A_587 = arith.cmpi eq, %shift_right_logical3A_513, %shift_right_logical3A_500 : vector<16xi32>
        %select_n3A_588 = arith.select %eq3A_587, %broadcast_in_dim3A_3, %broadcast_in_dim3A_1 : vector<16xi1>, vector<16xi32>
        %add3A_589 = arith.addi %add3A_586, %select_n3A_588 : vector<16xi32>
        %add3A_590 = arith.addi %gather3A_514, %add3A_589 : vector<16xi32>
        %eq3A_591 = arith.cmpi eq, %shift_right_logical3A_526, %shift_right_logical3A_449 : vector<16xi32>
        %select_n3A_592 = arith.select %eq3A_591, %broadcast_in_dim3A_3, %broadcast_in_dim3A_1 : vector<16xi1>, vector<16xi32>
        %add3A_593 = arith.addi %broadcast_in_dim3A_1, %select_n3A_592 : vector<16xi32>
        %eq3A_594 = arith.cmpi eq, %shift_right_logical3A_526, %shift_right_logical3A_461 : vector<16xi32>
        %select_n3A_595 = arith.select %eq3A_594, %broadcast_in_dim3A_3, %broadcast_in_dim3A_1 : vector<16xi1>, vector<16xi32>
        %add3A_596 = arith.addi %add3A_593, %select_n3A_595 : vector<16xi32>
        %eq3A_597 = arith.cmpi eq, %shift_right_logical3A_526, %shift_right_logical3A_474 : vector<16xi32>
        %select_n3A_598 = arith.select %eq3A_597, %broadcast_in_dim3A_3, %broadcast_in_dim3A_1 : vector<16xi1>, vector<16xi32>
        %add3A_599 = arith.addi %add3A_596, %select_n3A_598 : vector<16xi32>
        %eq3A_600 = arith.cmpi eq, %shift_right_logical3A_526, %shift_right_logical3A_487 : vector<16xi32>
        %select_n3A_601 = arith.select %eq3A_600, %broadcast_in_dim3A_3, %broadcast_in_dim3A_1 : vector<16xi1>, vector<16xi32>
        %add3A_602 = arith.addi %add3A_599, %select_n3A_601 : vector<16xi32>
        %eq3A_603 = arith.cmpi eq, %shift_right_logical3A_526, %shift_right_logical3A_500 : vector<16xi32>
        %select_n3A_604 = arith.select %eq3A_603, %broadcast_in_dim3A_3, %broadcast_in_dim3A_1 : vector<16xi1>, vector<16xi32>
        %add3A_605 = arith.addi %add3A_602, %select_n3A_604 : vector<16xi32>
        %eq3A_606 = arith.cmpi eq, %shift_right_logical3A_526, %shift_right_logical3A_513 : vector<16xi32>
        %select_n3A_607 = arith.select %eq3A_606, %broadcast_in_dim3A_3, %broadcast_in_dim3A_1 : vector<16xi1>, vector<16xi32>
        %add3A_608 = arith.addi %add3A_605, %select_n3A_607 : vector<16xi32>
        %add3A_609 = arith.addi %gather3A_527, %add3A_608 : vector<16xi32>
        %eq3A_610 = arith.cmpi eq, %shift_right_logical3A_539, %shift_right_logical3A_449 : vector<16xi32>
        %select_n3A_611 = arith.select %eq3A_610, %broadcast_in_dim3A_3, %broadcast_in_dim3A_1 : vector<16xi1>, vector<16xi32>
        %add3A_612 = arith.addi %broadcast_in_dim3A_1, %select_n3A_611 : vector<16xi32>
        %eq3A_613 = arith.cmpi eq, %shift_right_logical3A_539, %shift_right_logical3A_461 : vector<16xi32>
        %select_n3A_614 = arith.select %eq3A_613, %broadcast_in_dim3A_3, %broadcast_in_dim3A_1 : vector<16xi1>, vector<16xi32>
        %add3A_615 = arith.addi %add3A_612, %select_n3A_614 : vector<16xi32>
        %eq3A_616 = arith.cmpi eq, %shift_right_logical3A_539, %shift_right_logical3A_474 : vector<16xi32>
        %select_n3A_617 = arith.select %eq3A_616, %broadcast_in_dim3A_3, %broadcast_in_dim3A_1 : vector<16xi1>, vector<16xi32>
        %add3A_618 = arith.addi %add3A_615, %select_n3A_617 : vector<16xi32>
        %eq3A_619 = arith.cmpi eq, %shift_right_logical3A_539, %shift_right_logical3A_487 : vector<16xi32>
        %select_n3A_620 = arith.select %eq3A_619, %broadcast_in_dim3A_3, %broadcast_in_dim3A_1 : vector<16xi1>, vector<16xi32>
        %add3A_621 = arith.addi %add3A_618, %select_n3A_620 : vector<16xi32>
        %eq3A_622 = arith.cmpi eq, %shift_right_logical3A_539, %shift_right_logical3A_500 : vector<16xi32>
        %select_n3A_623 = arith.select %eq3A_622, %broadcast_in_dim3A_3, %broadcast_in_dim3A_1 : vector<16xi1>, vector<16xi32>
        %add3A_624 = arith.addi %add3A_621, %select_n3A_623 : vector<16xi32>
        %eq3A_625 = arith.cmpi eq, %shift_right_logical3A_539, %shift_right_logical3A_513 : vector<16xi32>
        %select_n3A_626 = arith.select %eq3A_625, %broadcast_in_dim3A_3, %broadcast_in_dim3A_1 : vector<16xi1>, vector<16xi32>
        %add3A_627 = arith.addi %add3A_624, %select_n3A_626 : vector<16xi32>
        %eq3A_628 = arith.cmpi eq, %shift_right_logical3A_539, %shift_right_logical3A_526 : vector<16xi32>
        %select_n3A_629 = arith.select %eq3A_628, %broadcast_in_dim3A_3, %broadcast_in_dim3A_1 : vector<16xi1>, vector<16xi32>
        %add3A_630 = arith.addi %add3A_627, %select_n3A_629 : vector<16xi32>
        %add3A_631 = arith.addi %gather3A_540, %add3A_630 : vector<16xi32>
        %shift_right_arithmetic3A = arith.constant 31 : i32
        %shift_right_arithmetic3A_632 = vector.broadcast %shift_right_arithmetic3A : i32 to vector<16xi32>
        %shift_right_arithmetic3A_633 = arith.shrsi %bitcast3A_444, %shift_right_arithmetic3A_632 : vector<16xi32>
        %and3A_634 = arith.constant 2147483647 : i32
        %and3A_635 = vector.broadcast %and3A_634 : i32 to vector<16xi32>
        %and3A_636 = arith.andi %shift_right_arithmetic3A_633, %and3A_635 : vector<16xi32>
        %xor3A_637 = arith.xori %bitcast3A_444, %and3A_636 : vector<16xi32>
        %bitcast3A_638 = vector.bitcast %xor3A_637 : vector<16xi32> to vector<16xf32>
        %add3A_639 = arith.constant 4096 : i32
        %add3A_640 = vector.broadcast %add3A_639 : i32 to vector<16xi32>
        %add3A_641 = arith.addi %gather3A, %add3A_640 : vector<16xi32>
        tpu.vector_store_idx %arg4[%add3A_641, %iota3A], %bitcast3A_638 : memref<4608x16xf32, #tpu.memory_space<vmem>>[vector<16xi32>, vector<16xi32>], vector<16xf32>,
        %shift_right_arithmetic3A_642 = arith.constant 31 : i32
        %shift_right_arithmetic3A_643 = vector.broadcast %shift_right_arithmetic3A_642 : i32 to vector<16xi32>
        %shift_right_arithmetic3A_644 = arith.shrsi %bitcast3A_455, %shift_right_arithmetic3A_643 : vector<16xi32>
        %and3A_645 = arith.constant 2147483647 : i32
        %and3A_646 = vector.broadcast %and3A_645 : i32 to vector<16xi32>
        %and3A_647 = arith.andi %shift_right_arithmetic3A_644, %and3A_646 : vector<16xi32>
        %xor3A_648 = arith.xori %bitcast3A_455, %and3A_647 : vector<16xi32>
        %bitcast3A_649 = vector.bitcast %xor3A_648 : vector<16xi32> to vector<16xf32>
        %add3A_650 = arith.constant 4096 : i32
        %add3A_651 = vector.broadcast %add3A_650 : i32 to vector<16xi32>
        %add3A_652 = arith.addi %add3A_544, %add3A_651 : vector<16xi32>
        tpu.vector_store_idx %arg4[%add3A_652, %iota3A], %bitcast3A_649 : memref<4608x16xf32, #tpu.memory_space<vmem>>[vector<16xi32>, vector<16xi32>], vector<16xf32>,
        %shift_right_arithmetic3A_653 = arith.constant 31 : i32
        %shift_right_arithmetic3A_654 = vector.broadcast %shift_right_arithmetic3A_653 : i32 to vector<16xi32>
        %shift_right_arithmetic3A_655 = arith.shrsi %bitcast3A_468, %shift_right_arithmetic3A_654 : vector<16xi32>
        %and3A_656 = arith.constant 2147483647 : i32
        %and3A_657 = vector.broadcast %and3A_656 : i32 to vector<16xi32>
        %and3A_658 = arith.andi %shift_right_arithmetic3A_655, %and3A_657 : vector<16xi32>
        %xor3A_659 = arith.xori %bitcast3A_468, %and3A_658 : vector<16xi32>
        %bitcast3A_660 = vector.bitcast %xor3A_659 : vector<16xi32> to vector<16xf32>
        %add3A_661 = arith.constant 4096 : i32
        %add3A_662 = vector.broadcast %add3A_661 : i32 to vector<16xi32>
        %add3A_663 = arith.addi %add3A_551, %add3A_662 : vector<16xi32>
        tpu.vector_store_idx %arg4[%add3A_663, %iota3A], %bitcast3A_660 : memref<4608x16xf32, #tpu.memory_space<vmem>>[vector<16xi32>, vector<16xi32>], vector<16xf32>,
        %shift_right_arithmetic3A_664 = arith.constant 31 : i32
        %shift_right_arithmetic3A_665 = vector.broadcast %shift_right_arithmetic3A_664 : i32 to vector<16xi32>
        %shift_right_arithmetic3A_666 = arith.shrsi %bitcast3A_481, %shift_right_arithmetic3A_665 : vector<16xi32>
        %and3A_667 = arith.constant 2147483647 : i32
        %and3A_668 = vector.broadcast %and3A_667 : i32 to vector<16xi32>
        %and3A_669 = arith.andi %shift_right_arithmetic3A_666, %and3A_668 : vector<16xi32>
        %xor3A_670 = arith.xori %bitcast3A_481, %and3A_669 : vector<16xi32>
        %bitcast3A_671 = vector.bitcast %xor3A_670 : vector<16xi32> to vector<16xf32>
        %add3A_672 = arith.constant 4096 : i32
        %add3A_673 = vector.broadcast %add3A_672 : i32 to vector<16xi32>
        %add3A_674 = arith.addi %add3A_561, %add3A_673 : vector<16xi32>
        tpu.vector_store_idx %arg4[%add3A_674, %iota3A], %bitcast3A_671 : memref<4608x16xf32, #tpu.memory_space<vmem>>[vector<16xi32>, vector<16xi32>], vector<16xf32>,
        %shift_right_arithmetic3A_675 = arith.constant 31 : i32
        %shift_right_arithmetic3A_676 = vector.broadcast %shift_right_arithmetic3A_675 : i32 to vector<16xi32>
        %shift_right_arithmetic3A_677 = arith.shrsi %bitcast3A_494, %shift_right_arithmetic3A_676 : vector<16xi32>
        %and3A_678 = arith.constant 2147483647 : i32
        %and3A_679 = vector.broadcast %and3A_678 : i32 to vector<16xi32>
        %and3A_680 = arith.andi %shift_right_arithmetic3A_677, %and3A_679 : vector<16xi32>
        %xor3A_681 = arith.xori %bitcast3A_494, %and3A_680 : vector<16xi32>
        %bitcast3A_682 = vector.bitcast %xor3A_681 : vector<16xi32> to vector<16xf32>
        %add3A_683 = arith.constant 4096 : i32
        %add3A_684 = vector.broadcast %add3A_683 : i32 to vector<16xi32>
        %add3A_685 = arith.addi %add3A_574, %add3A_684 : vector<16xi32>
        tpu.vector_store_idx %arg4[%add3A_685, %iota3A], %bitcast3A_682 : memref<4608x16xf32, #tpu.memory_space<vmem>>[vector<16xi32>, vector<16xi32>], vector<16xf32>,
        %shift_right_arithmetic3A_686 = arith.constant 31 : i32
        %shift_right_arithmetic3A_687 = vector.broadcast %shift_right_arithmetic3A_686 : i32 to vector<16xi32>
        %shift_right_arithmetic3A_688 = arith.shrsi %bitcast3A_507, %shift_right_arithmetic3A_687 : vector<16xi32>
        %and3A_689 = arith.constant 2147483647 : i32
        %and3A_690 = vector.broadcast %and3A_689 : i32 to vector<16xi32>
        %and3A_691 = arith.andi %shift_right_arithmetic3A_688, %and3A_690 : vector<16xi32>
        %xor3A_692 = arith.xori %bitcast3A_507, %and3A_691 : vector<16xi32>
        %bitcast3A_693 = vector.bitcast %xor3A_692 : vector<16xi32> to vector<16xf32>
        %add3A_694 = arith.constant 4096 : i32
        %add3A_695 = vector.broadcast %add3A_694 : i32 to vector<16xi32>
        %add3A_696 = arith.addi %add3A_590, %add3A_695 : vector<16xi32>
        tpu.vector_store_idx %arg4[%add3A_696, %iota3A], %bitcast3A_693 : memref<4608x16xf32, #tpu.memory_space<vmem>>[vector<16xi32>, vector<16xi32>], vector<16xf32>,
        %shift_right_arithmetic3A_697 = arith.constant 31 : i32
        %shift_right_arithmetic3A_698 = vector.broadcast %shift_right_arithmetic3A_697 : i32 to vector<16xi32>
        %shift_right_arithmetic3A_699 = arith.shrsi %bitcast3A_520, %shift_right_arithmetic3A_698 : vector<16xi32>
        %and3A_700 = arith.constant 2147483647 : i32
        %and3A_701 = vector.broadcast %and3A_700 : i32 to vector<16xi32>
        %and3A_702 = arith.andi %shift_right_arithmetic3A_699, %and3A_701 : vector<16xi32>
        %xor3A_703 = arith.xori %bitcast3A_520, %and3A_702 : vector<16xi32>
        %bitcast3A_704 = vector.bitcast %xor3A_703 : vector<16xi32> to vector<16xf32>
        %add3A_705 = arith.constant 4096 : i32
        %add3A_706 = vector.broadcast %add3A_705 : i32 to vector<16xi32>
        %add3A_707 = arith.addi %add3A_609, %add3A_706 : vector<16xi32>
        tpu.vector_store_idx %arg4[%add3A_707, %iota3A], %bitcast3A_704 : memref<4608x16xf32, #tpu.memory_space<vmem>>[vector<16xi32>, vector<16xi32>], vector<16xf32>,
        %shift_right_arithmetic3A_708 = arith.constant 31 : i32
        %shift_right_arithmetic3A_709 = vector.broadcast %shift_right_arithmetic3A_708 : i32 to vector<16xi32>
        %shift_right_arithmetic3A_710 = arith.shrsi %bitcast3A_533, %shift_right_arithmetic3A_709 : vector<16xi32>
        %and3A_711 = arith.constant 2147483647 : i32
        %and3A_712 = vector.broadcast %and3A_711 : i32 to vector<16xi32>
        %and3A_713 = arith.andi %shift_right_arithmetic3A_710, %and3A_712 : vector<16xi32>
        %xor3A_714 = arith.xori %bitcast3A_533, %and3A_713 : vector<16xi32>
        %bitcast3A_715 = vector.bitcast %xor3A_714 : vector<16xi32> to vector<16xf32>
        %add3A_716 = arith.constant 4096 : i32
        %add3A_717 = vector.broadcast %add3A_716 : i32 to vector<16xi32>
        %add3A_718 = arith.addi %add3A_631, %add3A_717 : vector<16xi32>
        tpu.vector_store_idx %arg4[%add3A_718, %iota3A], %bitcast3A_715 : memref<4608x16xf32, #tpu.memory_space<vmem>>[vector<16xi32>, vector<16xi32>], vector<16xf32>,
        %add3A_719 = arith.addi %gather3A, %broadcast_in_dim3A_3 : vector<16xi32>
        tpu.vector_store_idx %arg6[%shift_right_logical3A_449, %iota3A], %add3A_719 : memref<256x16xi32, #tpu.memory_space<vmem>>[vector<16xi32>, vector<16xi32>], vector<16xi32>,
        %add3A_720 = arith.addi %add3A_544, %broadcast_in_dim3A_3 : vector<16xi32>
        tpu.vector_store_idx %arg6[%shift_right_logical3A_461, %iota3A], %add3A_720 : memref<256x16xi32, #tpu.memory_space<vmem>>[vector<16xi32>, vector<16xi32>], vector<16xi32>,
        %add3A_721 = arith.addi %add3A_551, %broadcast_in_dim3A_3 : vector<16xi32>
        tpu.vector_store_idx %arg6[%shift_right_logical3A_474, %iota3A], %add3A_721 : memref<256x16xi32, #tpu.memory_space<vmem>>[vector<16xi32>, vector<16xi32>], vector<16xi32>,
        %add3A_722 = arith.addi %add3A_561, %broadcast_in_dim3A_3 : vector<16xi32>
        tpu.vector_store_idx %arg6[%shift_right_logical3A_487, %iota3A], %add3A_722 : memref<256x16xi32, #tpu.memory_space<vmem>>[vector<16xi32>, vector<16xi32>], vector<16xi32>,
        %add3A_723 = arith.addi %add3A_574, %broadcast_in_dim3A_3 : vector<16xi32>
        tpu.vector_store_idx %arg6[%shift_right_logical3A_500, %iota3A], %add3A_723 : memref<256x16xi32, #tpu.memory_space<vmem>>[vector<16xi32>, vector<16xi32>], vector<16xi32>,
        %add3A_724 = arith.addi %add3A_590, %broadcast_in_dim3A_3 : vector<16xi32>
        tpu.vector_store_idx %arg6[%shift_right_logical3A_513, %iota3A], %add3A_724 : memref<256x16xi32, #tpu.memory_space<vmem>>[vector<16xi32>, vector<16xi32>], vector<16xi32>,
        %add3A_725 = arith.addi %add3A_609, %broadcast_in_dim3A_3 : vector<16xi32>
        tpu.vector_store_idx %arg6[%shift_right_logical3A_526, %iota3A], %add3A_725 : memref<256x16xi32, #tpu.memory_space<vmem>>[vector<16xi32>, vector<16xi32>], vector<16xi32>,
        %add3A_726 = arith.addi %add3A_631, %broadcast_in_dim3A_3 : vector<16xi32>
        tpu.vector_store_idx %arg6[%shift_right_logical3A_539, %iota3A], %add3A_726 : memref<256x16xi32, #tpu.memory_space<vmem>>[vector<16xi32>, vector<16xi32>], vector<16xi32>,
      }
      %scan3A_436 = arith.constant 64 : i32
      "tpu.region"() ({
        %run_scoped3A = tpu.sem_alloc : memref<!tpu.dma_semaphore, #tpu.memory_space<semaphore_mem>>
        %dma_start3A_437 = arith.constant 4096 : i32
        %dma_start3A_438 = arith.constant 0 : i32
        %dma_start3A_439 = tpu.memref_slice %arg4[%dma_start3A_437, %dma_start3A_438] : memref<4608x16xf32, #tpu.memory_space<vmem>> -> memref<512x16xf32, #tpu.memory_space<vmem>>
        %dma_start3A_440 = arith.constant 0 : i32
        %dma_start3A_441 = tpu.memref_slice %arg3[%select_n3A_142, %dma_start3A_440, %mul3A_160] : memref<4x512x1024xf32, #tpu.memory_space<hbm>> -> memref<1x512x16xf32, #tpu.memory_space<hbm>>
        %dma_start3A_442 = tpu.memref_squeeze %dma_start3A_441 : memref<1x512x16xf32, #tpu.memory_space<hbm>> -> memref<512x16xf32, #tpu.memory_space<hbm>>
        %dma_start3A_443 = arith.constant 0 : i32
        %dma_start3A_444 = tpu.memref_slice %arg3[%select_n3A_142, %dma_start3A_443, %mul3A_160] : memref<4x512x1024xf32, #tpu.memory_space<hbm>> -> memref<1x512x16xf32, #tpu.memory_space<hbm>>
        %dma_start3A_445 = tpu.memref_squeeze %dma_start3A_444 : memref<1x512x16xf32, #tpu.memory_space<hbm>> -> memref<512x16xf32, #tpu.memory_space<hbm>>
        %dma_start3A_446 = arith.constant 4096 : i32
        %dma_start3A_447 = arith.constant 0 : i32
        %dma_start3A_448 = tpu.memref_slice %arg4[%dma_start3A_446, %dma_start3A_447] : memref<4608x16xf32, #tpu.memory_space<vmem>> -> memref<512x16xf32, #tpu.memory_space<vmem>>
        tpu.enqueue_dma source(%dma_start3A_448 : memref<512x16xf32, #tpu.memory_space<vmem>>) target(%dma_start3A_445 : memref<512x16xf32, #tpu.memory_space<hbm>>) target_semaphore(%run_scoped3A : memref<!tpu.dma_semaphore, #tpu.memory_space<semaphore_mem>>)
        %dma_wait3A_449 = arith.constant 4096 : i32
        %dma_wait3A_450 = arith.constant 0 : i32
        %dma_wait3A_451 = tpu.memref_slice %arg4[%dma_wait3A_449, %dma_wait3A_450] : memref<4608x16xf32, #tpu.memory_space<vmem>> -> memref<512x16xf32, #tpu.memory_space<vmem>>
        %dma_wait3A_452 = arith.constant 0 : i32
        %dma_wait3A_453 = tpu.memref_slice %arg3[%select_n3A_142, %dma_wait3A_452, %mul3A_160] : memref<4x512x1024xf32, #tpu.memory_space<hbm>> -> memref<1x512x16xf32, #tpu.memory_space<hbm>>
        %dma_wait3A_454 = tpu.memref_squeeze %dma_wait3A_453 : memref<1x512x16xf32, #tpu.memory_space<hbm>> -> memref<512x16xf32, #tpu.memory_space<hbm>>
        %dma_wait3A_455 = arith.constant 0 : i32
        %dma_wait3A_456 = tpu.memref_slice %arg3[%select_n3A_142, %dma_wait3A_455, %mul3A_160] : memref<4x512x1024xf32, #tpu.memory_space<hbm>> -> memref<1x512x16xf32, #tpu.memory_space<hbm>>
        %dma_wait3A_457 = tpu.memref_squeeze %dma_wait3A_456 : memref<1x512x16xf32, #tpu.memory_space<hbm>> -> memref<512x16xf32, #tpu.memory_space<hbm>>
        %dma_wait3A_458 = arith.constant 4096 : i32
        %dma_wait3A_459 = arith.constant 0 : i32
        %dma_wait3A_460 = tpu.memref_slice %arg4[%dma_wait3A_458, %dma_wait3A_459] : memref<4608x16xf32, #tpu.memory_space<vmem>> -> memref<512x16xf32, #tpu.memory_space<vmem>>
        tpu.wait_dma2 semaphore(%run_scoped3A : memref<!tpu.dma_semaphore, #tpu.memory_space<semaphore_mem>>) src(%dma_wait3A_460 : memref<512x16xf32, #tpu.memory_space<vmem>>) dst(%dma_wait3A_457 : memref<512x16xf32, #tpu.memory_space<hbm>>)
        tpu.yield
      }) : () -> ()
    }
    %scan3A_55 = arith.constant 8 : i32
    %mul3A_56 = arith.constant 8 : i32
    %mul3A_57 = arith.muli %add3A, %mul3A_56 : i32
    %add3A_58 = arith.constant 8 : i32
    %add3A_59 = arith.addi %mul3A_57, %add3A_58 : i32
    %sub3A_60 = arith.constant 1 : i32
    %sub3A_61 = arith.subi %add3A_59, %sub3A_60 : i32
    %jit3A_62 = arith.constant 64 : i32
    %div3A_63 = arith.divsi %sub3A_61, %jit3A_62 : i32
    %sign3A_64 = arith.constant 0 : i32
    %sign3A_65 = arith.cmpi sgt, %sub3A_61, %sign3A_64 : i32
    %sign3A_66 = arith.extui %sign3A_65 : i1 to i32
    %sign3A_67 = arith.constant 0 : i32
    %sign3A_68 = arith.cmpi slt, %sub3A_61, %sign3A_67 : i32
    %sign3A_69 = arith.extui %sign3A_68 : i1 to i32
    %sign3A_70 = arith.subi %sign3A_66, %sign3A_69 : i32
    %sign3A_71 = arith.constant 0 : i32
    %sign3A_72 = arith.cmpi sgt, %jit3A_62, %sign3A_71 : i32
    %sign3A_73 = arith.extui %sign3A_72 : i1 to i32
    %sign3A_74 = arith.constant 0 : i32
    %sign3A_75 = arith.cmpi slt, %jit3A_62, %sign3A_74 : i32
    %sign3A_76 = arith.extui %sign3A_75 : i1 to i32
    %sign3A_77 = arith.subi %sign3A_73, %sign3A_76 : i32
    %ne3A_78 = arith.cmpi ne, %sign3A_70, %sign3A_77 : i32
    %rem3A_79 = arith.remsi %sub3A_61, %jit3A_62 : i32
    %ne3A_80 = arith.constant 0 : i32
    %ne3A_81 = arith.cmpi ne, %rem3A_79, %ne3A_80 : i32
    %and3A_82 = arith.andi %ne3A_78, %ne3A_81 : i1
    %sub3A_83 = arith.constant 1 : i32
    %sub3A_84 = arith.subi %div3A_63, %sub3A_83 : i32
    %select_n3A_85 = arith.select %and3A_82, %sub3A_84, %div3A_63 : i32
    %jit3A_86 = arith.constant 64 : i32
    %eq3A_87 = arith.constant 0 : i32
    %eq3A_88 = arith.cmpi eq, %jit3A_86, %eq3A_87 : i32
    %jit3A_89 = arith.constant 1 : i32
    %select_n3A_90 = arith.select %eq3A_88, %jit3A_89, %jit3A_86 : i32
    %rem3A_91 = arith.remsi %sub3A_61, %select_n3A_90 : i32
    %ne3A_92 = arith.constant 0 : i32
    %ne3A_93 = arith.cmpi ne, %rem3A_91, %ne3A_92 : i32
    %lt3A_94 = arith.constant 0 : i32
    %lt3A_95 = arith.cmpi slt, %rem3A_91, %lt3A_94 : i32
    %lt3A_96 = arith.constant 0 : i32
    %lt3A_97 = arith.cmpi slt, %select_n3A_90, %lt3A_96 : i32
    %ne3A_98 = arith.xori %lt3A_95, %lt3A_97 : i1
    %and3A_99 = arith.andi %ne3A_98, %ne3A_93 : i1
    %add3A_100 = arith.addi %rem3A_91, %select_n3A_90 : i32
    %select_n3A_101 = arith.select %and3A_99, %add3A_100, %rem3A_91 : i32
    %mul3A_102 = arith.constant 16 : i32
    %mul3A_103 = arith.muli %select_n3A_101, %mul3A_102 : i32
    %dma_wait3A = arith.constant 0 : i32
    %dma_wait3A_104 = arith.constant 0 : i32
    %dma_wait3A_105 = tpu.memref_slice %arg4[%dma_wait3A, %dma_wait3A_104] : memref<4608x16xf32, #tpu.memory_space<vmem>> -> memref<4096x16xf32, #tpu.memory_space<vmem>>
    %dma_wait3A_106 = arith.constant 0 : i32
    %dma_wait3A_107 = tpu.memref_slice %arg2[%select_n3A_85, %dma_wait3A_106, %mul3A_103] : memref<4x4096x1024xf32, #tpu.memory_space<hbm>> -> memref<1x4096x16xf32, #tpu.memory_space<hbm>>
    %dma_wait3A_108 = tpu.memref_squeeze %dma_wait3A_107 : memref<1x4096x16xf32, #tpu.memory_space<hbm>> -> memref<4096x16xf32, #tpu.memory_space<hbm>>
    %dma_wait3A_109 = arith.constant 0 : i32
    %dma_wait3A_110 = arith.constant 0 : i32
    %dma_wait3A_111 = tpu.memref_slice %arg4[%dma_wait3A_109, %dma_wait3A_110] : memref<4608x16xf32, #tpu.memory_space<vmem>> -> memref<4096x16xf32, #tpu.memory_space<vmem>>
    %dma_wait3A_112 = arith.constant 0 : i32
    %dma_wait3A_113 = tpu.memref_slice %arg2[%select_n3A_85, %dma_wait3A_112, %mul3A_103] : memref<4x4096x1024xf32, #tpu.memory_space<hbm>> -> memref<1x4096x16xf32, #tpu.memory_space<hbm>>
    %dma_wait3A_114 = tpu.memref_squeeze %dma_wait3A_113 : memref<1x4096x16xf32, #tpu.memory_space<hbm>> -> memref<4096x16xf32, #tpu.memory_space<hbm>>
    tpu.wait_dma2 semaphore(%arg8 : memref<!tpu.dma_semaphore, #tpu.memory_space<semaphore_mem>>) src(%dma_wait3A_114 : memref<4096x16xf32, #tpu.memory_space<hbm>>) dst(%dma_wait3A_111 : memref<4096x16xf32, #tpu.memory_space<vmem>>)
    return
  }
}

</mosaic_0001>

<sc_bundles>
// kernel: kernel.3.cloned.1.call-start
scs
__scs_entry_jumppad:
0x0: {  	(pc) =	sbr.rel $0x88, $3  }
0x1: {  	(tag) =	ssettag $0x0;
	lr =	simm.s32 $0x1  }
0x2: {  	[smem:$0x3FA0] =	sst lr;
	_ =	strace $0xD0000000  }
0x3: {  	_ = 	snop  }
0x4: {  	_ = 	snop  }
0x5: {  	_ = 	snop  }
0x6: {  	_ = 	snop  }
0x7: {  	_ = 	snop  }
__scs_overlays_trampoline_lowered:
0x8: {  	[smem:$0x3FAF] =	sst s0  }
0x9: {  	[smem:$0x3FB0] =	sst s1  }
0xa: {  	[smem:$0x3FB1] =	sst s2  }
0xb: {  	[smem:$0x3FB2] =	sst s3  }
0xc: {  	[smem:$0x3FB3] =	sst s4  }
0xd: {  	[smem:$0x3FB4] =	sst s5  }
0xe: {  	[smem:$0x3FB5] =	sst s6  }
0xf: {  	[smem:$0x3FB6] =	sst s7  }
0x10: {  	[smem:$0x3FB7] =	sst s8  }
0x11: {  	[smem:$0x3FB8] =	sst s9;
	s0 =	simm.s32 @!p0 $0x0  }
0x12: {  	s1 =	sld [smem:$0x3F9E];
	s0 =	simm.s32 @p0 $0x1  }
0x13: {  	[smem:$0x3FB9] =	sst s0;
	s0 =	simm.s32 @!p1 $0x0  }
0x14: {  	s2 =	sld [smem:$0x3F9D];
	s0 =	simm.s32 @p1 $0x1  }
0x15: {  	[smem:$0x3FBA] =	sst s0;
	s0 =	simm.s32 @!p2 $0x0  }
0x16: {  	s3 =	sld [smem:$0x3FDB];
	s0 =	simm.s32 @p2 $0x1  }
0x17: {  	s4 =	simm.s32 $0x1BF5;
	[smem:$0x3FBC] =	sst s0  }
0x18: {  	s0 =	sld [smem:$0x3F9F];
	_ =	swait.ge [sflag:s4], $0x0  }
0x19: {  	s7 =	sld [smem:$0x3FA0]  }
0x1a: {  	s8 =	sadd.s32 $0xFFFFE003, lr  }
0x1b: {  	s9 =	sadd.s32 $0xFFFFFEF7, lr;
	s5 =	simm.s32 $0xFFFFFFFF;
	p2 =	slt.u32 s8, $0xFFFFF086  }
0x1c: {  	p1 =	slt.u32 s9, $0xF7A;
	s5 =	simm.s32 @!p2 $0x0  }
0x1d: {  	s5 =	simm.s32 @p1 $0x1;
	p0 =	seq.s32 s7, s2  }
0x1e: {  	s7 =	smul.u32 @!p0 $0xF7A, s2;
	p2 =	seq.s32 @!p0 s5, $0x0  }
0x1f: {  	s9 =	smul.u32 $0xF7A, s1;
	s8 =	simm.s32 @!p0 $0x1BF5;
	p2 =	por !p2, p0  }
0x20: {  	[sflag:s8] =	ssyncset.s32 @!p0 $0xFFFFF086;
	s6 =	sadd.s32 @!p0 s3, s7;
	s7 =	simm.s32 @!p0 $0x108  }
0x21: {  	s3 =	sadd.s32 s3, s9;
	s6 =	sadd.s32 @!p0 $0x88, s6;
	s7 =	simm.s32 @p2 $0x1082  }
0x22: {  	[simem:s7], [sflag:s8] =	dma.local @!p0 [hbm:s6], $0xF7A  }
0x23: {  	s9 =	sor.u32 $0xD0000000, s2;
	s6 =	simm.s32 $0x108;
	_ =	swait.ge @!p0 [sflag:s8], $0x0  }
0x24: {  	s3 =	sadd.s32 $0x88, s3;
	s6 =	simm.s32 @!p1 $0x1082;
	[sflag:s4] =	ssyncset.s32 $0xFFFFF086  }
0x25: {  	[simem:s6], [sflag:s4] =	dma.local [hbm:s3], $0xF7A  }
0x26: {  	[smem:$0x3FA0] =	sst s1;
	(tag) =	ssettag s2;
	_ =	strace s9  }
0x27: {  	s1 =	sld [smem:$0x3FB0]  }
0x28: {  	s2 =	sld [smem:$0x3FB1]  }
0x29: {  	s4 =	sld [smem:$0x3FB3]  }
0x2a: {  	p0 =	seq.s32 s5, $0x0;
	s5 =	sld [smem:$0x3FB4]  }
0x2b: {  	s6 =	sld [smem:$0x3FB5]  }
0x2c: {  	s7 =	sld [smem:$0x3FB6]  }
0x2d: {  	s3 =	simm.s32 $0x108;
	s8 =	sld [smem:$0x3FB7]  }
0x2e: {  	s3 =	simm.s32 @!p0 $0x1082;
	s9 =	sld [smem:$0x3FB8]  }
0x2f: {  	lr =	sadd.s32 s0, s3;
	s0 =	sld [smem:$0x3FAF]  }
0x30: {  	s3 =	sld [smem:$0x3FB2]  }
0x31: {  	[smem:$0x3FBB] =	sst s10  }
0x32: {  	s10 =	sld [smem:$0x3FB9];
	_ =	sdelay $0x3  }
0x33: {  	p0 =	seq.s32 s10, $0x1;
	s10 =	sld [smem:$0x3FBB];
	_ =	sdelay $0x3  }
0x34: {  	[smem:$0x3FBB] =	sst s10  }
0x35: {  	s10 =	sld [smem:$0x3FBA];
	_ =	sdelay $0x3  }
0x36: {  	p1 =	seq.s32 s10, $0x1;
	s10 =	sld [smem:$0x3FBB];
	_ =	sdelay $0x3  }
0x37: {  	[smem:$0x3FBB] =	sst s10  }
0x38: {  	s10 =	sld [smem:$0x3FBC]  }
0x39: {  	_ = 	snop;
	(pc) =	sbr.ind lr, $3  }
0x3a: {  	_ = 	snop  }
0x3b: {  	_ = 	snop  }
0x3c: {  	p2 =	seq.s32 s10, $0x1;
	s10 =	sld [smem:$0x3FBB]  }
0x3d: {  	_ =	shalt  }
0x3e: {  	_ =	shalt  }
0x3f: {  	_ =	shalt  }
0x40: {  	_ =	shalt  }
0x41: {  	_ =	shalt  }
0x42: {  	_ =	shalt  }
0x43: {  	_ =	shalt  }
0x44: {  	_ =	shalt  }
0x45: {  	_ =	shalt  }
0x46: {  	_ =	shalt  }
0x47: {  	_ =	shalt  }
0x48: {  	_ =	shalt  }
0x49: {  	_ =	shalt  }
0x4a: {  	_ =	shalt  }
0x4b: {  	_ =	shalt  }
0x4c: {  	_ =	shalt  }
0x4d: {  	_ =	shalt  }
0x4e: {  	_ =	shalt  }
0x4f: {  	_ =	shalt  }
0x50: {  	_ =	shalt  }
0x51: {  	_ =	shalt  }
0x52: {  	_ =	shalt  }
0x53: {  	_ =	shalt  }
0x54: {  	_ =	shalt  }
0x55: {  	_ =	shalt  }
0x56: {  	_ =	shalt  }
0x57: {  	_ =	shalt  }
0x58: {  	_ =	shalt  }
0x59: {  	_ =	shalt  }
0x5a: {  	_ =	shalt  }
0x5b: {  	_ =	shalt  }
0x5c: {  	_ =	shalt  }
0x5d: {  	_ =	shalt  }
0x5e: {  	_ =	shalt  }
0x5f: {  	_ =	shalt  }
0x60: {  	_ =	shalt  }
0x61: {  	_ =	shalt  }
0x62: {  	_ =	shalt  }
0x63: {  	_ =	shalt  }
0x64: {  	_ =	shalt  }
0x65: {  	_ =	shalt  }
0x66: {  	_ =	shalt  }
0x67: {  	_ =	shalt  }
0x68: {  	_ =	shalt  }
0x69: {  	_ =	shalt  }
0x6a: {  	_ =	shalt  }
0x6b: {  	_ =	shalt  }
0x6c: {  	_ =	shalt  }
0x6d: {  	_ =	shalt  }
0x6e: {  	_ =	shalt  }
0x6f: {  	_ =	shalt  }
0x70: {  	_ =	shalt  }
0x71: {  	_ =	shalt  }
0x72: {  	_ =	shalt  }
0x73: {  	_ =	shalt  }
0x74: {  	_ =	shalt  }
0x75: {  	_ =	shalt  }
0x76: {  	_ =	shalt  }
0x77: {  	_ =	shalt  }
0x78: {  	_ =	shalt  }
0x79: {  	_ =	shalt  }
0x7a: {  	_ =	shalt  }
0x7b: {  	_ =	shalt  }
0x7c: {  	_ =	shalt  }
0x7d: {  	_ =	shalt  }
0x7e: {  	_ =	shalt  }
0x7f: {  	_ =	shalt  }
0x80: {  	_ =	shalt  }
0x81: {  	_ =	shalt  }
0x82: {  	_ =	shalt  }
0x83: {  	_ =	shalt  }
0x84: {  	_ =	shalt  }
0x85: {  	_ =	shalt  }
0x86: {  	_ =	shalt  }
0x87: {  	_ =	shalt  }
.Lfunc_end0:
.L_simem_size_0:
called_computation.1_lowered:
.L_overlay_start_0:
0x88: {  	s2 =	sld [smem:$0x3FD9]  }
0x89: {  	s3 =	sld [smem:$0x3FFE];
	_ =	sdelay $0x1  }
0x8a: {  	s1 =	srdreg.scid  }
0x8b: {  	s0 =	sand.u32 $0x1, s1  }
0x8c: {  	s16 =	sshll.u32 s0, $0xA;
	s2 =	sadd.s32 s3, s2  }
0x8d: {  	s2 =	sadd.s32 s2, s16  }
0x8e: {  	[smem:$0x3FC7] =	sst s2  }
0x8f: {  	_ = 	snop  }
0x90: {  	(tm) =	ssettm $0x1  }
0x91: {  	s17 =	sld [smem:$0x3FFB];
	_ =	sdelay $0x3  }
0x92: {  	_ =	strace s17  }
0x93: {  	s2 =	sld [smem:$0x3FFC];
	_ =	sdelay $0x3  }
0x94: {  	_ =	strace s2  }
0x95: {  	s2 =	sld [smem:$0x3FFD];
	_ =	sdelay $0x3  }
0x96: {  	_ =	strace s2  }
0x97: {  	_ =	strace $0x8FFFFFFF  }
0x98: {  	s18 =	sld [smem:$0x3FDB];
	_ =	sdelay $0x1  }
0x99: {  	s19 =	simm.s32 $_scs_section_size  }
0x9a: {  	s4 =	simm.s32 $_size__tile_overlayer_lowered;
	s5 =	simm.s32 $_tile_overlayer_lowered  }
0x9b: {  	s22 =	simm.s32 $0x1BFF;
	s21 =	sshll.u32 s5, $0x1;
	s2 =	sadd.s32 s19, s18  }
0x9c: {  	s6 =	simm.s32 $0x0;
	s20 =	sshll.u32 s4, $0x1;
	s4 =	sadd.s32 s21, s2  }
0x9d: {  	[timem:s6], [sflag:s22] =	dma.local [hbm:s4], s20  }
0x9e: {  	_ =	swait.ge [sflag:s22], s20  }
0x9f: {  	s3 =	ssub.s32 $0x0, s20;
	[sflag:s22] =	ssyncset.done $0x0  }
0xa0: {  	[sflag:s22] =	ssyncadd.s32 s3;
	_ =	sdelay $0x1  }
0xa1: {  	s23 =	simm.s32 $0x1B8B  }
0xa2: {  	_ =	swait.ge [sflag:s23], $0x1  }
0xa3: {  	[sflag:s23] =	ssyncset.done $0x0  }
0xa4: {  	s25 =	simm.s32 $0x1B8E;
	s24 =	sld [smem:$0x3FFE];
	[sflag:s23] =	ssyncadd.s32 $0xFFFFFFFF  }
0xa5: {  	s26 =	simm.s32 $execute0_lowered;
	[smem:$0x3FD2] =	sst s25  }
0xa6: {  	s4 =	sshll.u32 s26, $0x1;
	_ =	strace $0x80000049;
	[dreg:$0x1] =	wrdreg $0xFFFFFFFF  }
0xa7: {  	s28 =	simm.s32 $_size_execute0_lowered;
	s2 =	sadd.s32 s2, s4;
	[dreg:$0x0] =	wrdreg $0x0  }
0xa8: {  	s4 =	sshll.u32 s28, $0x1;
	[dreg:$0x2] =	wrdreg s2  }
0xa9: {  	[dreg:$0x3] =	wrdreg s4  }
0xaa: {  	[dreg:$0x4] =	wrdreg $0xC0  }
0xab: {  	_ =	task [dreg:s6], $0x5FFFF  }
0xac: {  	[dreg:$0x1] =	wrdreg $0xFFFFFFFF  }
0xad: {  	[dreg:$0x0] =	wrdreg $0x60  }
0xae: {  	[dreg:$0x2] =	wrdreg s24  }
0xaf: {  	[dreg:$0x3] =	wrdreg $0x9  }
0xb0: {  	_ =	task.clear_ibuf [dreg:s6], $0x4FFFF;
	_ =	strace $0x90000049  }
0xb1: {  	s29 =	simm.s32 $0x9;
	_ =	strace $0x8000004B  }
0xb2: {  	_ =	swait.ge [sflag:s29], $0x1  }
0xb3: {  	[sflag:s29] =	ssyncadd.s32 $0xFFFFFFFF  }
0xb4: {  	_ =	strace $0x9000004B  }
0xb5: {  	_ =	sfence  }
0xb6: {  	s30 =	sld [smem:$0x0];
	_ =	sdelay $0x2  }
0xb7: {  	s31 =	sshll.u32 s1, $0xD;
	s1 =	sshrl.u32 s1, $0x2  }
0xb8: {  	s3 =	sand.u32 $0x4000, s31;
	s1 =	sadd.s32 s1, s30  }
0xb9: {  	s0 =	sor.u32 s3, s0;
	s1 =	sshll.u32 s1, $0x11  }
0xba: {  	s0 =	sor.u32 s1, s0  }
0xbb: {  	s0 =	sadd.s32 $0x8F2B, s0  }
0xbc: {  	[sflag:s0] =	ssyncadd.remote.s32 $0x1  }
0xbd: {  	_ =	sfence.sel $0xFFFF  }
0xbe: {  	[dreg:$0x0] =	wrdreg $0xFFFFFFFF;
	(pc) =	sbr.abs _section_cstart, $3  }
0xbf: {  	[dreg:$0x1] =	wrdreg $0xFFFFFFFF  }
0xc0: {  	_ =	task.clear_ibuf [dreg:s6], $0x2FFFF;
	_ =	strace $0x9FFFFFFF  }
0xc1: {  	(tm) =	ssettm $0x7FFFFFFF  }
tec
execute0_lowered:
.L_overlay_start_1:
0x0: {  	(tag) =	ssettag $0x1  }
0x1: {  	s0 =	rddreg [dreg:$0x0];
	s2 =	simm.s32 $0x0  }
0x2: {  	s1 =	stileid.u32;
	s3 =	srdreg.scid;
	s10 =	simm.s32 $0x1  }
0x3: {  	s11 =	simm.s32 $0x12000;
	s12 =	simm.s32 $0x14000;
	s13 =	simm.s32 $0x15000  }
0x4: {  	s14 =	simm.s32 $0x10000;
	s15 =	simm.s32 $0x2;
	s16 =	simm.s32 $0x0  }
0x5: {  	[smem:$0x7FF] =	sst s2;
	s4 =	sshll.u32 s1, $0x11;
	s3 =	sand.u32 $0x1, s3  }
0x6: {  	s5 =	sshll.u32 s1, $0x4;
	s7 =	sshll.u32 s1, $0xE;
	_ =	strace $0x8000004A  }
0x7: {  	s4 =	sand.u32 $0x180000, s4;
	s6 =	sshll.u32 s3, $0x3;
	s29 =	sand.u32 $0x30000, s7  }
0x8: {  	v0 =	vlaneseq.u32;
	s30 =	ssub.s32 $0x2, s3;
	s4 =	sadd.s32 s4, s0;
	s5 =	sor.u32 s6, s5  }
0x9: {  	v1 =	vshrl.u32 v0, $0x3;
	s8 =	sshrl.u32 s30, $0x1;
	s0 =	sadd.s32 s29, s0;
	s31 =	sshll.u32 s5, $0x1  }
0xa: {  	v5 =	vmul.u32 $0x8, v1;
	s3 =	sadd.s32 $0x800, s4;
	s7 =	ssub.s32 s30, s8;
	s5 =	sand.u32 $0x38, s5  }
0xb: {  	v4 =	vimm.s32 $0x1;
	v6 =	vimm.s32 $0x200;
	v3 =	vand.u32 $0x7, v0;
	s6 =	sadd.s32 $0x200800, s0;
	s8 =	simm.s32 $0x10;
	s9 =	sand.u32 $0x70, s31  }
0xc: {  	v1 =	vimm.s32 $0x0;
	v2 =	vor.u32 $0x800, v5;
	v5 =	vor.u32 $0x1800, v5;
	s7 =	smax.u32 s7, $0x1;
	s4 =	sadd.s32 s9, s3;
	s9 =	simm.s32 $0x400  }
.LBB2_1:
0xd: {  	[tilespmem:s2], [sflag:$0x1] =	stream.strided.gather [hbm4b:s4+s8], $0x10000, s9, s8, $0x38;
	[tilespmem:$0x17000] =	vst v63  }
0xe: {  	s0 =	simm.s32 $0x12020  }
0xf: {  	[tilespmem:s0+$0xFFFFFFE0] =	vst v1  }
0x10: {  	[tilespmem:s0+$0x10] =	vst v1  }
0x11: {  	s17 =	simm.s32 $0x0;
	[tilespmem:s0+$0x0] =	vst v1  }
.LBB2_2:
0x12: {  	s17 =	sadd.s32 $0x4, s17  }
0x13: {  	[tilespmem:s0+$0xFFFFFFF0] =	vst v1;
	s0 =	sadd.s32 $0x40, s0;
	p0 =	slt.u32 s17, $0x1FC  }
.Ltmp0:
0x14: {  	[tilespmem:s0+$0xFFFFFFE0] =	vst v1;
	(pc) =	sbr.rel @p0 .LBB2_2-.Ltmp0, $3  }
0x15: {  	_ =	sdelay $0x1  }
0x16: {  	[tilespmem:s0+$0x10] =	vst v1  }
0x17: {  	[tilespmem:s0+$0x0] =	vst v1  }
0x18: {  	[tilespmem:s0+$0xFFFFFFF0] =	vst v1;
	s17 =	simm.s32 $0x0  }
.LBB2_4:
0x19: {  	_ =	swait.ge [sflag:s10], $0x10000  }
0x1a: {  	[sflag:s10] =	ssyncset.done $0x0  }
0x1b: {  	s0 =	simm.s32 $0x40;
	[sflag:s10] =	ssyncadd.s32 $0xFFFF0000  }
0x1c: {  	v7 =	vld [tilespmem:s0+$0x30]  }
0x1d: {  	v8 =	vld [tilespmem:s0+$0xFFFFFFD0]  }
0x1e: {  	v9 =	vld [tilespmem:s0+$0xFFFFFFE0]  }
0x1f: {  	v10 =	vld [tilespmem:s0+$0xFFFFFFF0]  }
0x20: {  	v11 =	vld [tilespmem:s0+$0x0]  }
0x21: {  	v12 =	vld [tilespmem:s0+$0x10]  }
0x22: {  	v15 =	vld [tilespmem:s0+$0x20];
	_ =	sdelay $0x2  }
0x23: {  	v13 =	vshra.s32 v7, $0x1F;
	v14 =	vshra.s32 v8, $0x1F;
	v17 =	vshra.s32 v9, $0x1F  }
0x24: {  	v62 =	vshra.s32 v10, $0x1F;
	v18 =	vshra.s32 v11, $0x1F;
	v19 =	vshra.s32 v12, $0x1F  }
0x25: {  	v20 =	vshra.s32 v15, $0x1F;
	v13 =	vand.u32 $0x7F000000, v13;
	v14 =	vand.u32 $0x7F000000, v14  }
0x26: {  	v16 =	vld [tilespmem:s0+$0xFFFFFFC0];
	v18 =	vand.u32 $0x7F000000, v18;
	v19 =	vand.u32 $0x7F000000, v19;
	v7 =	vxor.u32 v7, v13  }
0x27: {  	v13 =	vand.u32 $0x7F000000, v17;
	v17 =	vand.u32 $0x7F000000, v62;
	v7 =	vshrl.u32 v7, $0x14  }
0x28: {  	v8 =	vxor.u32 v8, v14;
	v14 =	vand.u32 $0x7F000000, v20;
	v7 =	vand.u32 $0xFF0, v7  }
0x29: {  	v11 =	vxor.u32 v11, v18;
	v12 =	vxor.u32 v12, v19;
	v7 =	vxor.u32 v5, v7  }
0x2a: {  	v9 =	vxor.u32 v9, v13;
	v10 =	vxor.u32 v10, v17;
	v21 =	vor.u32 v3, v7  }
0x2b: {  	v63 =	vshrl.u32 v8, $0x14;
	v8 =	vxor.u32 v15, v14;
	v7 =	vshra.s32 v16, $0x1F  }
0x2c: {  	v15 =	vshrl.u32 v9, $0x14;
	v17 =	vshrl.u32 v10, $0x14;
	v7 =	vand.u32 $0x7F000000, v7  }
0x2d: {  	v9 =	vshrl.u32 v12, $0x14;
	v8 =	vshrl.u32 v8, $0x14;
	v7 =	vxor.u32 v16, v7  }
0x2e: {  	s20 =	simm.s32 $0x0;
	v14 =	vand.u32 $0xFF0, v63;
	v12 =	vand.u32 $0xFF0, v17;
	v13 =	vshrl.u32 v7, $0x14  }
0x2f: {  	s19 =	simm.s32 $0xFF;
	s18 =	simm.s32 $0x13FC0;
	s21 =	simm.s32 $0xC0;
	v7 =	vshrl.u32 v11, $0x14;
	v10 =	vand.u32 $0xFF0, v13;
	v13 =	vand.u32 $0xFF0, v15;
	[tilespmem:v21+s11+$0x0] =	vst.idx.add.s32.msk $0xffff, v4  }
.LBB2_5:
0x30: {  	v15 =	vld [tilespmem:s21+$0x30];
	s20 =	sadd.s32 $0x8, s20;
	v7 =	vand.u32 $0xFF0, v7;
	v9 =	vand.u32 $0xFF0, v9;
	v8 =	vand.u32 $0xFF0, v8  }
0x31: {  	v10 =	vxor.u32 v2, v10;
	v11 =	vxor.u32 v5, v14;
	v13 =	vxor.u32 v2, v13;
	v16 =	vld [tilespmem:s21+$0xFFFFFFD0];
	p0 =	slt.u32 s20, $0xFF8  }
0x32: {  	v12 =	vxor.u32 v5, v12;
	v7 =	vxor.u32 v2, v7;
	v9 =	vxor.u32 v5, v9;
	v14 =	vld [tilespmem:s21+$0xFFFFFFE0]  }
0x33: {  	v10 =	vor.u32 v3, v10;
	v18 =	vor.u32 v3, v11;
	v8 =	vxor.u32 v2, v8;
	v17 =	vld [tilespmem:s21+$0xFFFFFFF0]  }
0x34: {  	v13 =	vor.u32 v3, v13;
	v12 =	vor.u32 v3, v12;
	v7 =	vor.u32 v3, v7;
	v19 =	vld [tilespmem:s21+$0x0]  }
0x35: {  	v9 =	vor.u32 v3, v9;
	v8 =	vor.u32 v3, v8;
	v20 =	vld [tilespmem:s21+$0x10];
	v21 =	vshra.s32 v15, $0x1F  }
0x36: {  	v11 =	vimm.s32 $0x0;
	v22 =	vshra.s32 v16, $0x1F;
	v23 =	vld [tilespmem:s21+$0x20];
	v21 =	vand.u32 $0x7F000000, v21  }
0x37: {  	v24 =	vld [tilespmem:s21+$0xFFFFFFC0];
	v22 =	vand.u32 $0x7F000000, v22;
	v25 =	vshra.s32 v14, $0x1F;
	v15 =	vxor.u32 v15, v21  }
0x38: {  	v21 =	vand.u32 $0x7F000000, v25;
	v25 =	vshra.s32 v17, $0x1F;
	v15 =	vshrl.u32 v15, $0x14;
	[tilespmem:v10+s11+$0x0] =	vst.idx.add.s32.msk $0xffff, v4  }
0x39: {  	v10 =	vand.u32 $0x7F000000, v25;
	v25 =	vshra.s32 v19, $0x1F;
	v15 =	vand.u32 $0xFF0, v15;
	[tilespmem:v18+s11+$0x0] =	vst.idx.add.s32.msk $0xffff, v4  }
0x3a: {  	v18 =	vand.u32 $0x7F000000, v25;
	v25 =	vshra.s32 v20, $0x1F;
	v15 =	vxor.u32 v5, v15;
	[tilespmem:v13+s11+$0x0] =	vst.idx.add.s32.msk $0xffff, v4  }
0x3b: {  	v13 =	vand.u32 $0x7F000000, v25;
	v25 =	vshra.s32 v23, $0x1F;
	v15 =	vor.u32 v3, v15;
	[tilespmem:v12+s11+$0x0] =	vst.idx.add.s32.msk $0xffff, v4  }
0x3c: {  	v16 =	vxor.u32 v16, v22;
	v12 =	vshra.s32 v24, $0x1F;
	v22 =	vand.u32 $0x7F000000, v25;
	[tilespmem:v7+s11+$0x0] =	vst.idx.add.s32.msk $0xffff, v4  }
0x3d: {  	v10 =	vxor.u32 v17, v10;
	v7 =	vand.u32 $0x7F000000, v12;
	v12 =	vxor.u32 v14, v21;
	[tilespmem:v9+s11+$0x0] =	vst.idx.add.s32.msk $0xffff, v4  }
.Ltmp1:
0x3e: {  	v13 =	vxor.u32 v20, v13;
	v9 =	vxor.u32 v19, v18;
	v7 =	vxor.u32 v24, v7;
	(pc) =	sbr.rel @p0 .LBB2_5-.Ltmp1, $4  }
0x3f: {  	v16 =	vshrl.u32 v16, $0x14;
	v17 =	vxor.u32 v23, v22;
	v14 =	vshrl.u32 v7, $0x14;
	[tilespmem:v8+s11+$0x0] =	vst.idx.add.s32.msk $0xffff, v4  }
0x40: {  	v18 =	vshrl.u32 v10, $0x14;
	v12 =	vshrl.u32 v12, $0x14;
	v7 =	vshrl.u32 v9, $0x14;
	[tilespmem:v15+s11+$0x0] =	vst.idx.add.s32.msk $0xffff, v4  }
0x41: {  	v9 =	vshrl.u32 v13, $0x14;
	v8 =	vshrl.u32 v17, $0x14;
	v10 =	vand.u32 $0xFF0, v14  }
0x42: {  	s21 =	sadd.s32 $0x80, s21;
	v13 =	vand.u32 $0xFF0, v12;
	v12 =	vand.u32 $0xFF0, v18;
	v14 =	vand.u32 $0xFF0, v16  }
0x43: {  	v10 =	vxor.u32 v2, v10  }
0x44: {  	v14 =	vxor.u32 v5, v14;
	v10 =	vor.u32 v3, v10  }
0x45: {  	v13 =	vxor.u32 v2, v13;
	v14 =	vor.u32 v3, v14  }
0x46: {  	v7 =	vand.u32 $0xFF0, v7;
	v12 =	vxor.u32 v5, v12;
	v13 =	vor.u32 v3, v13  }
0x47: {  	v9 =	vand.u32 $0xFF0, v9;
	v7 =	vxor.u32 v2, v7;
	v12 =	vor.u32 v3, v12  }
0x48: {  	v8 =	vand.u32 $0xFF0, v8;
	v9 =	vxor.u32 v5, v9;
	v7 =	vor.u32 v3, v7  }
0x49: {  	v8 =	vxor.u32 v2, v8;
	v9 =	vor.u32 v3, v9;
	[tilespmem:v10+s11+$0x0] =	vst.idx.add.s32.msk $0xffff, v4  }
0x4a: {  	v8 =	vor.u32 v3, v8;
	[tilespmem:v14+s11+$0x0] =	vst.idx.add.s32.msk $0xffff, v4  }
0x4b: {  	[tilespmem:v13+s11+$0x0] =	vst.idx.add.s32.msk $0xffff, v4  }
0x4c: {  	[tilespmem:v12+s11+$0x0] =	vst.idx.add.s32.msk $0xffff, v4  }
0x4d: {  	[tilespmem:v7+s11+$0x0] =	vst.idx.add.s32.msk $0xffff, v4  }
0x4e: {  	[tilespmem:v9+s11+$0x0] =	vst.idx.add.s32.msk $0xffff, v4  }
0x4f: {  	[tilespmem:v8+s11+$0x0] =	vst.idx.add.s32.msk $0xffff, v4  }
0x50: {  	v7 =	vld [tilespmem:s18+$0xFFFFF030]  }
0x51: {  	v9 =	vld [tilespmem:s18+$0x30]  }
0x52: {  	v8 =	vld [tilespmem:s18+$0xFFFFF020]  }
0x53: {  	v10 =	vld [tilespmem:s18+$0x20]  }
0x54: {  	v12 =	vld [tilespmem:s18+$0xFFFFF010]  }
0x55: {  	v13 =	vld [tilespmem:s18+$0x10];
	v7 =	vadd.s32 v11, v7  }
0x56: {  	v7 =	vadd.s32 v9, v7  }
0x57: {  	vm0 =	vgt.s32 v6, v11;
	s20 =	simm.s32 $0x13F80;
	[tilespmem:s18+$0xFFFFF030] =	vst v11;
	v9 =	vld [tilespmem:s18+$0xFFFFF000];
	v8 =	vadd.s32 v8, v7  }
0x58: {  	[tilespmem:s18+$0xFFFFF020] =	vst v11;
	v14 =	vld [tilespmem:s20+$0xFFFFF030];
	vm1 =	vgt.s32 v7, $0x1FF;
	v17 =	vsub.s32 $0x200, v7;
	v8 =	vadd.s32 v10, v8  }
0x59: {  	[tilespmem:s18+$0xFFFFF010] =	vst v11;
	vm0 =	vmand vm0, vm1;
	v10 =	vld [tilespmem:s18+$0x0];
	vm1 =	vgt.s32 v6, v7;
	v12 =	vadd.s32 v12, v8  }
0x5a: {  	[tilespmem:s20+$0xFFFFF030] =	vst v11;
	v15 =	vld [tilespmem:s20+$0xFFFFF020];
	vm2 =	vgt.s32 v8, $0x1FF;
	v12 =	vadd.s32 v13, v12;
	v13 =	vsub.s32 $0x200, v11  }
0x5b: {  	v16 =	vld [tilespmem:s20+$0x30];
	[tilespmem:s20+$0xFFFFF020] =	vst v11;
	vm1 =	vmand vm1, vm2;
	vm2 =	vgt.s32 v6, v8;
	v13 =	vsel vm0, v13, v11  }
0x5c: {  	v18 =	vld [tilespmem:s20+$0x20];
	[tilespmem:s18+$0x30] =	vst v11;
	v7 =	vsub.s32 $0x200, v12;
	v9 =	vadd.s32 v9, v12;
	v13 =	vsel vm1, v17, v13  }
0x5d: {  	s0 =	simm.s32 $0xFE;
	v19 =	vld [tilespmem:s20+$0xFFFFF010];
	[tilespmem:s20+$0xFFFFF010] =	vst v11;
	v17 =	vsub.s32 $0x200, v8;
	v8 =	vsel vm0, s19, v11;
	vm0 =	vgt.s32 v6, v12  }
0x5e: {  	[tilespmem:s18+$0x20] =	vst v11;
	v20 =	vsel vm1, s0, v8;
	vm1 =	vgt.s32 v12, $0x1FF;
	v8 =	vadd.s32 v10, v9  }
0x5f: {  	[tilespmem:s18+$0x10] =	vst v11;
	v9 =	vadd.s32 v8, v14;
	vm3 =	vgt.s32 v6, v8;
	v14 =	vld [tilespmem:s20+$0x10];
	vm4 =	vgt.s32 v8, $0x1FF  }
0x60: {  	[tilespmem:s20+$0x30] =	vst v11;
	vm1 =	vmand vm2, vm1;
	v9 =	vadd.s32 v16, v9;
	vm2 =	vmand vm0, vm4  }
0x61: {  	s30 =	simm.s32 $0xFD;
	[tilespmem:s20+$0x20] =	vst v11;
	v16 =	vsel vm1, v17, v13;
	vm0 =	vgt.s32 v9, $0x1FF;
	v10 =	vadd.s32 v15, v9  }
0x62: {  	[tilespmem:s18+$0xFFFFF000] =	vst v11;
	v15 =	vsel vm1, s30, v20;
	vm1 =	vgt.s32 v6, v9;
	v10 =	vadd.s32 v18, v10  }
0x63: {  	s31 =	simm.s32 $0xFC;
	v12 =	vld [tilespmem:s20+$0xFFFFF000];
	[tilespmem:s20+$0xFFFFF000] =	vst v11;
	vm0 =	vmand vm3, vm0;
	vm3 =	vgt.s32 v10, $0x1FF;
	v13 =	vadd.s32 v19, v10  }
0x64: {  	s21 =	simm.s32 $0x4;
	s22 =	simm.s32 $0x13F40;
	[tilespmem:s20+$0x10] =	vst v11;
	v15 =	vsel vm2, s31, v15;
	vm1 =	vmand vm1, vm3;
	v13 =	vadd.s32 v14, v13;
	v14 =	vld [tilespmem:s20+$0x0]  }
.LBB2_7:
0x65: {  	v17 =	vld [tilespmem:s22+$0xFFFFF030];
	s21 =	sadd.s32 $0x4, s21;
	v8 =	vsub.s32 $0x200, v8;
	[tilespmem:s18+$0x0] =	vst v11;
	v7 =	vsel vm2, v7, v16;
	s19 =	sadd.s32 $0xFFFFFFFC, s19  }
0x66: {  	v9 =	vsub.s32 $0x200, v9;
	s18 =	smov.u32 s20;
	s20 =	smov.u32 s22;
	[tilespmem:s22+$0xFFFFF030] =	vst v11;
	v16 =	vld [tilespmem:s22+$0x30];
	p0 =	slt.u32 s21, $0xFC;
	v8 =	vsel vm0, v8, v7;
	v7 =	vsub.s32 $0x200, v13  }
0x67: {  	vm2 =	vgt.s32 v6, v10;
	v20 =	vsub.s32 $0x200, v10;
	[tilespmem:s22+$0x30] =	vst v11;
	v18 =	vld [tilespmem:s22+$0xFFFFF020];
	v19 =	vsel vm1, v9, v8  }
0x68: {  	s0 =	sadd.s32 $0xFFFFFFFF, s19;
	v8 =	vsel vm0, s19, v15;
	vm0 =	vgt.s32 v6, v13;
	[tilespmem:s22+$0xFFFFF020] =	vst v11;
	v10 =	vld [tilespmem:s22+$0x20];
	v9 =	vadd.s32 v12, v13  }
0x69: {  	v15 =	vsel vm1, s0, v8;
	vm1 =	vgt.s32 v13, $0x1FF;
	[tilespmem:s22+$0x20] =	vst v11;
	v12 =	vld [tilespmem:s22+$0xFFFFF010];
	v8 =	vadd.s32 v14, v9  }
0x6a: {  	v9 =	vadd.s32 v8, v17;
	vm3 =	vgt.s32 v6, v8;
	[tilespmem:s22+$0xFFFFF010] =	vst v11;
	v13 =	vld [tilespmem:s22+$0x10];
	vm4 =	vgt.s32 v8, $0x1FF  }
.Ltmp2:
0x6b: {  	s0 =	sadd.s32 $0xFFFFFFFE, s19;
	vm1 =	vmand vm2, vm1;
	v9 =	vadd.s32 v16, v9;
	[tilespmem:s22+$0x10] =	vst v11;
	vm2 =	vmand vm0, vm4;
	(pc) =	sbr.rel @p0 .LBB2_7-.Ltmp2, $4  }
0x6c: {  	v15 =	vsel vm1, s0, v15;
	vm0 =	vgt.s32 v9, $0x1FF;
	v14 =	vadd.s32 v18, v9  }
0x6d: {  	v16 =	vsel vm1, v20, v19;
	vm0 =	vmand vm3, vm0;
	v10 =	vadd.s32 v10, v14  }
0x6e: {  	s0 =	sadd.s32 $0xFFFFFFFD, s19;
	vm1 =	vgt.s32 v6, v9;
	vm3 =	vgt.s32 v10, $0x1FF;
	v14 =	vadd.s32 v12, v10;
	v12 =	vld [tilespmem:s22+$0xFFFFF000]  }
0x6f: {  	v15 =	vsel vm2, s0, v15;
	s22 =	sadd.s32 $0xFFFFFFC0, s22;
	vm1 =	vmand vm1, vm3;
	v13 =	vadd.s32 v13, v14;
	[tilespmem:s20+$0xFFFFF000] =	vst v11;
	v14 =	vld [tilespmem:s20+$0x0]  }
0x70: {  	[tilespmem:s18+$0x0] =	vst v11  }
0x71: {  	s18 =	simm.s32 $0x40;
	[tilespmem:s20+$0x0] =	vst v11  }
0x72: {  	v17 =	vld [tilespmem:s18+$0x30]  }
0x73: {  	v21 =	vld [tilespmem:s18+$0x10]  }
0x74: {  	v8 =	vsub.s32 $0x200, v8;
	v7 =	vsel vm2, v7, v16;
	vm2 =	vgt.s32 v6, v10;
	v18 =	vld [tilespmem:s18+$0x0]  }
0x75: {  	v10 =	vsub.s32 $0x200, v10;
	vm3 =	vgt.s32 v13, $0x1FF;
	v19 =	vadd.s32 $0x1000, v11;
	v22 =	vld [tilespmem:s18+$0xFFFFFFE0]  }
0x76: {  	s0 =	sadd.s32 $0xFFFFFFFC, s19;
	v7 =	vsel vm0, v8, v7;
	v8 =	vsub.s32 $0x200, v9;
	v9 =	vsub.s32 $0x200, v13;
	v23 =	vld [tilespmem:s18+$0xFFFFFFC0]  }
0x77: {  	v20 =	vld [tilespmem:s18+$0x20];
	v15 =	vsel vm0, s0, v15;
	vm0 =	vgt.s32 v6, v13;
	v12 =	vadd.s32 v12, v13  }
0x78: {  	s19 =	sadd.s32 $0xFFFFFFFF, s0;
	vm2 =	vmand vm2, vm3;
	v7 =	vsel vm1, v8, v7;
	v8 =	vld [tilespmem:s18+$0xFFFFFFF0];
	v12 =	vadd.s32 v14, v12  }
0x79: {  	s31 =	sadd.s32 $0xFFFFFFFE, s0;
	v13 =	vld [tilespmem:s18+$0xFFFFFFD0];
	v10 =	vsel vm2, v10, v7;
	v14 =	vsel vm1, s19, v15;
	vm1 =	vgt.s32 v12, $0x1FF  }
0x7a: {  	v12 =	vsel vm2, s31, v14;
	vm0 =	vmand vm0, vm1;
	v15 =	vshra.s32 v18, $0x1F  }
0x7b: {  	s0 =	sadd.s32 $0xFFFFFFFD, s0;
	v16 =	vshra.s32 v21, $0x1F;
	v24 =	vshra.s32 v23, $0x1F;
	v26 =	vshra.s32 v22, $0x1F  }
0x7c: {  	v7 =	vsel vm0, s0, v12;
	v9 =	vsel vm0, v9, v10;
	v10 =	vshra.s32 v20, $0x1F  }
0x7d: {  	v12 =	vshra.s32 v17, $0x1F;
	v14 =	vshra.s32 v8, $0x1F;
	v27 =	vand.u32 $0x7FFFFFFF, v16  }
0x7e: {  	v26 =	vand.u32 $0x7FFFFFFF, v26;
	v24 =	vand.u32 $0x7FFFFFFF, v24;
	v25 =	vshra.s32 v13, $0x1F  }
0x7f: {  	v10 =	vand.u32 $0x7FFFFFFF, v10;
	v12 =	vand.u32 $0x7FFFFFFF, v12;
	v28 =	vand.u32 $0x7FFFFFFF, v14  }
0x80: {  	v14 =	vand.u32 $0x7FFFFFFF, v15;
	v15 =	vand.u32 $0x7FFFFFFF, v25;
	v16 =	vxor.u32 v17, v12  }
0x81: {  	v18 =	vxor.u32 v18, v14;
	v14 =	vxor.u32 v21, v27;
	v17 =	vxor.u32 v20, v10  }
0x82: {  	v12 =	vxor.u32 v22, v26;
	v20 =	vxor.u32 v13, v15;
	v15 =	vxor.u32 v8, v28  }
0x83: {  	v13 =	vxor.u32 v23, v24;
	v8 =	vshrl.u32 v17, $0x18;
	v10 =	vshrl.u32 v16, $0x18  }
0x84: {  	v26 =	vshrl.u32 v18, $0x18;
	v21 =	vshrl.u32 v14, $0x18;
	v23 =	vshrl.u32 v12, $0x18  }
0x85: {  	v25 =	vshrl.u32 v15, $0x18;
	v28 =	vshrl.u32 v13, $0x18;
	v29 =	vshrl.u32 v20, $0x18  }
0x86: {  	v21 =	vxor.u32 $0x80, v21;
	v22 =	vxor.u32 $0x80, v8;
	v24 =	vxor.u32 $0x80, v10  }
0x87: {  	v23 =	vxor.u32 $0x80, v23;
	v27 =	vxor.u32 $0x80, v26;
	v25 =	vxor.u32 $0x80, v25  }
0x88: {  	v26 =	vxor.u32 $0x80, v28;
	v28 =	vxor.u32 $0x80, v29;
	vm8 =	veq.s32 v24, v7  }
0x89: {  	vm9 =	veq.s32 v21, v7;
	vm10 =	veq.s32 v22, v7;
	vm1 =	vgt.s32 v24, v7  }
0x8a: {  	vm11 =	veq.s32 v27, v7;
	vm0 =	vgt.s32 v21, v7;
	vm4 =	vgt.s32 v22, v7  }
0x8b: {  	vm12 =	veq.s32 v23, v7;
	vm3 =	vgt.s32 v27, v7;
	vm2 =	vgt.s32 v23, v7  }
0x8c: {  	vm13 =	veq.s32 v25, v7;
	vm14 =	veq.s32 v28, v7;
	vm7 =	vgt.s32 v25, v7  }
0x8d: {  	vm5 =	vgt.s32 v26, v7;
	vm15 =	veq.s32 v26, v7;
	vm6 =	vgt.s32 v28, v7  }
0x8e: {  	v8 =	vsel vm9, $0x1, v1;
	v10 =	vsel vm10, $0x1, v1;
	v37 =	vsel vm1, $0x1, v1  }
0x8f: {  	v31 =	vsel vm12, $0x1, v1;
	v33 =	vsel vm11, $0x1, v1;
	v60 =	vsel vm2, $0x1, v1  }
0x90: {  	v62 =	vsel vm3, $0x1, v1;
	v63 =	vsel vm0, $0x1, v1;
	v32 =	vsel vm13, $0x1, v1  }
0x91: {  	v29 =	vsel vm5, $0x1, v1;
	v30 =	vsel vm15, $0x1, v1;
	v34 =	vsel vm14, $0x1, v1  }
0x92: {  	v39 =	vadd.s32 v29, v11;
	v29 =	vadd.s32 v30, v11;
	v30 =	vsel vm6, $0x1, v1  }
0x93: {  	v61 =	vsel vm7, $0x1, v1;
	v40 =	vadd.s32 v30, v39;
	v30 =	vadd.s32 v34, v29  }
0x94: {  	v39 =	vadd.s32 $0x1000, v39;
	v42 =	vadd.s32 v60, v40;
	v31 =	vadd.s32 v31, v30  }
0x95: {  	v40 =	vadd.s32 $0x1000, v40;
	v38 =	vadd.s32 v61, v42;
	v32 =	vadd.s32 v32, v31  }
0x96: {  	v42 =	vadd.s32 $0x1000, v42;
	v41 =	vadd.s32 v62, v38;
	v33 =	vadd.s32 v33, v32  }
0x97: {  	v43 =	vadd.s32 v63, v41;
	v34 =	vadd.s32 v8, v33;
	v8 =	vsel vm4, $0x1, v1  }
0x98: {  	v8 =	vadd.s32 v8, v43;
	v35 =	vadd.s32 v10, v34;
	v10 =	vsel vm8, $0x1, v1  }
0x99: {  	v36 =	vadd.s32 $0x1000, v8;
	v8 =	vadd.s32 v37, v8;
	v10 =	vadd.s32 v10, v35  }
0x9a: {  	s19 =	simm.s32 $0x0;
	v37 =	vadd.s32 $0x1000, v38;
	v38 =	vadd.s32 $0x1000, v41;
	v41 =	vadd.s32 $0x1000, v43  }
.LBB2_9:
0x9b: {  	v43 =	vadd.s32 $0x1000, v8;
	v34 =	vsel vm4, v41, v34;
	v35 =	vsel vm1, v36, v35;
	s18 =	sadd.s32 $0x80, s18  }
0x9c: {  	v31 =	vsel vm7, v42, v31;
	v32 =	vsel vm3, v37, v32;
	v33 =	vsel vm0, v38, v33;
	v36 =	vld [tilespmem:s18+$0x30]  }
0x9d: {  	v38 =	vsel vm5, v19, v11;
	v29 =	vsel vm6, v39, v29;
	v30 =	vsel vm2, v40, v30;
	v19 =	vmovc v43;
	v37 =	vld [tilespmem:s18+$0x20]  }
0x9e: {  	v11 =	vmovc v10;
	v33 =	vshll.u32 v33, $0x4;
	v34 =	vshll.u32 v34, $0x4;
	v35 =	vshll.u32 v35, $0x4;
	v39 =	vld [tilespmem:s18+$0x10]  }
0x9f: {  	v30 =	vshll.u32 v30, $0x4;
	v31 =	vshll.u32 v31, $0x4;
	v32 =	vshll.u32 v32, $0x4;
	v40 =	vld [tilespmem:s18+$0x0]  }
0xa0: {  	v38 =	vshll.u32 v38, $0x4;
	v29 =	vshll.u32 v29, $0x4;
	v35 =	vor.u32 v0, v35;
	v41 =	vld [tilespmem:s18+$0xFFFFFFF0]  }
0xa1: {  	v32 =	vor.u32 v0, v32;
	v33 =	vor.u32 v0, v33;
	v34 =	vor.u32 v0, v34;
	v42 =	vld [tilespmem:s18+$0xFFFFFFE0]  }
0xa2: {  	v29 =	vor.u32 v0, v29;
	v30 =	vor.u32 v0, v30;
	v31 =	vor.u32 v0, v31;
	v43 =	vld [tilespmem:s18+$0xFFFFFFD0]  }
0xa3: {  	vm0 =	vge.s32 v26, v7;
	vm5 =	vge.s32 v28, v7;
	v26 =	vor.u32 v0, v38;
	v44 =	vld [tilespmem:s18+$0xFFFFFFC0]  }
0xa4: {  	vm1 =	vge.s32 v23, v7;
	vm2 =	vge.s32 v25, v7;
	vm6 =	vge.s32 v27, v7  }
0xa5: {  	vm3 =	vge.s32 v21, v7;
	vm4 =	vge.s32 v22, v7;
	vm7 =	vge.s32 v24, v7  }
0xa6: {  	v22 =	vshra.s32 v36, $0x1F;
	v21 =	vshra.s32 v37, $0x1F  }
0xa7: {  	v25 =	vshra.s32 v39, $0x1F;
	v24 =	vshra.s32 v40, $0x1F;
	v23 =	vshra.s32 v41, $0x1F  }
0xa8: {  	s19 =	sadd.s32 $0x8, s19;
	v38 =	vshra.s32 v42, $0x1F;
	v28 =	vshra.s32 v43, $0x1F;
	v27 =	vshra.s32 v44, $0x1F  }
0xa9: {  	p0 =	slt.u32 s19, $0xFF8;
	v22 =	vand.u32 $0x7FFFFFFF, v22;
	v21 =	vand.u32 $0x7FFFFFFF, v21;
	v25 =	vand.u32 $0x7FFFFFFF, v25;
	[tilespmem:v29+s2+$0x0] =	vst.idx.msk vm5, v20  }
0xaa: {  	v23 =	vand.u32 $0x7FFFFFFF, v23;
	v29 =	vand.u32 $0x7FFFFFFF, v38;
	v20 =	vand.u32 $0x7FFFFFFF, v24;
	[tilespmem:v32+s2+$0x0] =	vst.idx.msk vm6, v18  }
0xab: {  	v24 =	vand.u32 $0x7FFFFFFF, v27;
	v27 =	vand.u32 $0x7FFFFFFF, v28;
	[tilespmem:v35+s2+$0x0] =	vst.idx.msk vm7, v16;
	v16 =	vxor.u32 v36, v22  }
0xac: {  	v21 =	vxor.u32 v37, v21;
	v18 =	vxor.u32 v40, v20;
	v22 =	vxor.u32 v39, v25  }
0xad: {  	v23 =	vxor.u32 v41, v23;
	v20 =	vxor.u32 v43, v27;
	v25 =	vxor.u32 v42, v29  }
0xae: {  	v28 =	vxor.u32 v44, v24;
	v24 =	vshrl.u32 v21, $0x18;
	v27 =	vshrl.u32 v16, $0x18;
	[tilespmem:v34+s2+$0x0] =	vst.idx.msk vm4, v17;
	v17 =	vmovc v21  }
0xaf: {  	v29 =	vshrl.u32 v23, $0x18;
	v32 =	vshrl.u32 v18, $0x18;
	v21 =	vshrl.u32 v22, $0x18;
	[tilespmem:v33+s2+$0x0] =	vst.idx.msk vm3, v14;
	v14 =	vmovc v22  }
0xb0: {  	v35 =	vshrl.u32 v25, $0x18;
	v34 =	vshrl.u32 v20, $0x18;
	v33 =	vshrl.u32 v28, $0x18;
	[tilespmem:v31+s2+$0x0] =	vst.idx.msk vm2, v15;
	v15 =	vmovc v23  }
0xb1: {  	v21 =	vxor.u32 $0x80, v21;
	v22 =	vxor.u32 $0x80, v24;
	v24 =	vxor.u32 $0x80, v27;
	[tilespmem:v30+s2+$0x0] =	vst.idx.msk vm1, v12;
	v12 =	vmovc v25  }
0xb2: {  	v27 =	vxor.u32 $0x80, v32;
	v23 =	vxor.u32 $0x80, v35;
	v25 =	vxor.u32 $0x80, v29;
	[tilespmem:v26+s2+$0x0] =	vst.idx.msk vm0, v13;
	v13 =	vmovc v28  }
0xb3: {  	vm8 =	veq.s32 v24, v7;
	v26 =	vxor.u32 $0x80, v33;
	v28 =	vxor.u32 $0x80, v34  }
0xb4: {  	vm9 =	veq.s32 v21, v7;
	vm10 =	veq.s32 v22, v7;
	vm1 =	vgt.s32 v24, v7  }
0xb5: {  	vm11 =	veq.s32 v27, v7;
	vm4 =	vgt.s32 v22, v7;
	vm0 =	vgt.s32 v21, v7  }
0xb6: {  	vm3 =	vgt.s32 v27, v7;
	vm12 =	veq.s32 v23, v7;
	vm13 =	veq.s32 v25, v7  }
0xb7: {  	vm2 =	vgt.s32 v23, v7;
	vm7 =	vgt.s32 v25, v7;
	vm14 =	veq.s32 v28, v7  }
0xb8: {  	vm5 =	vgt.s32 v26, v7;
	vm15 =	veq.s32 v26, v7;
	vm6 =	vgt.s32 v28, v7  }
0xb9: {  	v35 =	vsel vm10, $0x1, v1;
	v34 =	vsel vm9, $0x1, v1;
	v37 =	vsel vm1, $0x1, v1  }
0xba: {  	v31 =	vsel vm12, $0x1, v1;
	v33 =	vsel vm11, $0x1, v1;
	v32 =	vsel vm13, $0x1, v1  }
0xbb: {  	v29 =	vsel vm5, $0x1, v1;
	v30 =	vsel vm15, $0x1, v1;
	v36 =	vsel vm14, $0x1, v1  }
0xbc: {  	v39 =	vadd.s32 v29, v8;
	v29 =	vadd.s32 v30, v10;
	v8 =	vsel vm6, $0x1, v1  }
0xbd: {  	v40 =	vadd.s32 v8, v39;
	v30 =	vadd.s32 v36, v29;
	v8 =	vsel vm2, $0x1, v1  }
0xbe: {  	v42 =	vadd.s32 v8, v40;
	v31 =	vadd.s32 v31, v30;
	v8 =	vsel vm7, $0x1, v1  }
0xbf: {  	v38 =	vadd.s32 v8, v42;
	v32 =	vadd.s32 v32, v31;
	v8 =	vsel vm3, $0x1, v1  }
0xc0: {  	v41 =	vadd.s32 v8, v38;
	v33 =	vadd.s32 v33, v32;
	v8 =	vsel vm0, $0x1, v1  }
.Ltmp3:
0xc1: {  	v43 =	vadd.s32 v8, v41;
	v34 =	vadd.s32 v34, v33;
	v8 =	vsel vm4, $0x1, v1;
	(pc) =	sbr.rel @p0 .LBB2_9-.Ltmp3, $4  }
0xc2: {  	v10 =	vsel vm8, $0x1, v1;
	v8 =	vadd.s32 v8, v43;
	v35 =	vadd.s32 v35, v34  }
0xc3: {  	v36 =	vadd.s32 $0x1000, v8;
	v8 =	vadd.s32 v37, v8;
	v10 =	vadd.s32 v10, v35  }
0xc4: {  	v37 =	vadd.s32 $0x1000, v38;
	v38 =	vadd.s32 $0x1000, v41;
	v41 =	vadd.s32 $0x1000, v43  }
0xc5: {  	v39 =	vadd.s32 $0x1000, v39;
	v40 =	vadd.s32 $0x1000, v40;
	v42 =	vadd.s32 $0x1000, v42  }
0xc6: {  	v43 =	vxor.u32 $0x80000000, v10  }
0xc7: {  	(xrf0) =	vmax.scan.msk.u32 $0xffff, v43;
	_ =	sdelay $0x5  }
0xc8: {  	v43, _, _ =	vpop (xrf0)  }
0xc9: {  	(v2sf) =	vpush v43, $0xF;
	_ =	sdelay $0x9  }
0xca: {  	v34 =	vsel vm4, v41, v34  }
0xcb: {  	v35 =	vsel vm1, v36, v35;
	v31 =	vsel vm7, v42, v31;
	v32 =	vsel vm3, v37, v32  }
0xcc: {  	v33 =	vsel vm0, v38, v33;
	v11 =	vsel vm5, v19, v11;
	v55 =	vsel vm6, v39, v29  }
0xcd: {  	v56 =	vsel vm2, v40, v30;
	vm15 =	vge.s32 v28, v7;
	v19 =	vshll.u32 v55, $0x4  }
0xce: {  	vm9 =	vge.s32 v27, v7;
	v57 =	vshll.u32 v32, $0x4;
	v19 =	vor.u32 v0, v19  }
0xcf: {  	vm10 =	vge.s32 v24, v7;
	v58 =	vshll.u32 v35, $0x4;
	v28 =	vor.u32 v0, v57;
	s18 =	spop (v2sf)  }
0xd0: {  	vm11 =	vge.s32 v22, v7;
	v59 =	vshll.u32 v34, $0x4;
	v27 =	vor.u32 v0, v58;
	s19 =	sxor.u32 $0x80000000, s18  }
0xd1: {  	vm12 =	vge.s32 v21, v7;
	v60 =	vshll.u32 v33, $0x4;
	v24 =	vor.u32 v0, v59;
	s0 =	sshra.s32 s19, $0x1F  }
0xd2: {  	vm13 =	vge.s32 v25, v7;
	v61 =	vshll.u32 v31, $0x4;
	v22 =	vor.u32 v0, v60;
	s0 =	sshrl.u32 s0, $0x1E  }
0xd3: {  	vm14 =	vge.s32 v23, v7;
	v62 =	vshll.u32 v56, $0x4;
	v21 =	vor.u32 v0, v61;
	[tilespmem:v19+s2+$0x0] =	vst.idx.msk vm15, v20;
	s0 =	sadd.s32 s0, s19  }
0xd4: {  	v11 =	vshll.u32 v11, $0x4;
	v63 =	vor.u32 v0, v62;
	vm15 =	vge.s32 v26, v7;
	[tilespmem:v28+s2+$0x0] =	vst.idx.msk vm9, v18;
	s20 =	sand.u32 $0xFFFFFFFC, s0  }
0xd5: {  	v11 =	vor.u32 v0, v11;
	[tilespmem:v27+s2+$0x0] =	vst.idx.msk vm10, v16;
	p0 =	slt.s32 s20, $0x1  }
.Ltmp4:
0xd6: {  	[tilespmem:v24+s2+$0x0] =	vst.idx.msk vm11, v17;
	(pc) =	sbr.rel @p0 .LBB2_14-.Ltmp4, $4  }
0xd7: {  	[tilespmem:v22+s2+$0x0] =	vst.idx.msk vm12, v14  }
0xd8: {  	[tilespmem:v21+s2+$0x0] =	vst.idx.msk vm13, v15  }
0xd9: {  	[tilespmem:v63+s2+$0x0] =	vst.idx.msk vm14, v12  }
0xda: {  	[tilespmem:v11+s2+$0x0] =	vst.idx.msk vm15, v13  }
0xdb: {  	s0 =	simm.s32 $0x20  }
0xdc: {  	v15 =	vld [tilespmem:s0+$0x0]  }
0xdd: {  	v12 =	vld [tilespmem:s0+$0x10]  }
0xde: {  	v14 =	vld [tilespmem:s0+$0xFFFFFFF0];
	_ =	sdelay $0x1  }
0xdf: {  	s21 =	simm.s32 $0x0;
	p1 =	sgt.s32 s20, $0x4  }
.Ltmp5:
0xe0: {  	s22 =	simm.s32 $0x1;
	s31 =	simm.s32 $0x3;
	v11 =	vmov s21;
	v18 =	vshrl.u32 v15, $0xC;
	v15 =	vld [tilespmem:s0+$0xFFFFFFE0];
	(pc) =	sbr.rel @!p1 .LBB2_13-.Ltmp5, $4  }
0xe1: {  	v16 =	vmov s22;
	v17 =	vmov s31;
	v12 =	vshrl.u32 v12, $0xC  }
0xe2: {  	s30 =	simm.s32 $0x2;
	vm0 =	vlt.s32 v17, v10;
	v14 =	vshrl.u32 v14, $0xC;
	v12 =	vand.u32 $0xFF0, v12  }
0xe3: {  	v13 =	vmov s30;
	v17 =	vand.u32 $0xFF0, v14;
	v14 =	vor.u32 v0, v12  }
0xe4: {  	s21 =	simm.s32 $0x4;
	vm1 =	vlt.s32 v16, v10;
	s0 =	simm.s32 $0x60;
	v16 =	vand.u32 $0xFF0, v18;
	v12 =	vor.u32 v0, v17  }
.LBB2_12:
0xe5: {  	v17 =	vld [tilespmem:s0+$0x10];
	v15 =	vshrl.u32 v15, $0xC;
	vm2 =	vlt.s32 v13, v10;
	v16 =	vor.u32 v0, v16;
	s22 =	smov.u32 s21;
	s21 =	sadd.s32 $0x4, s21  }
0xe6: {  	vm3 =	vlt.s32 v11, v10;
	v18 =	vld [tilespmem:s0+$0xFFFFFFF0];
	p1 =	slt.s32 s21, s20;
	v11 =	vand.u32 $0xFF0, v15  }
0xe7: {  	v19 =	vld [tilespmem:s0+$0x0];
	v20 =	vor.u32 v0, v11  }
0xe8: {  	s23 =	sadd.s32 $0x1, s22;
	[tilespmem:v14+s11+$0x0] =	vst.idx.add.s32.msk vm0, v4  }
.Ltmp6:
0xe9: {  	v11 =	vmov s22;
	v21 =	vmov s23;
	s23 =	sadd.s32 $0x2, s22;
	s22 =	sadd.s32 $0x3, s22;
	v15 =	vld [tilespmem:s0+$0xFFFFFFE0];
	(pc) =	sbr.rel @p1 .LBB2_12-.Ltmp6, $4  }
0xea: {  	v13 =	vmov s23;
	v14 =	vmov s22;
	v17 =	vshrl.u32 v17, $0xC;
	[tilespmem:v12+s11+$0x0] =	vst.idx.add.s32.msk vm1, v4  }
0xeb: {  	vm0 =	vlt.s32 v14, v10;
	v12 =	vshrl.u32 v18, $0xC;
	v14 =	vand.u32 $0xFF0, v17;
	[tilespmem:v16+s11+$0x0] =	vst.idx.add.s32.msk vm2, v4  }
0xec: {  	v12 =	vand.u32 $0xFF0, v12;
	v16 =	vshrl.u32 v19, $0xC;
	v14 =	vor.u32 v0, v14;
	[tilespmem:v20+s11+$0x0] =	vst.idx.add.s32.msk vm3, v4  }
0xed: {  	s0 =	sadd.s32 $0x40, s0;
	vm1 =	vlt.s32 v21, v10;
	v12 =	vor.u32 v0, v12;
	v16 =	vand.u32 $0xFF0, v16  }
.LBB2_13:
0xee: {  	_ = 	snop  }
0xef: {  	v15 =	vshrl.u32 v15, $0xC;
	vm2 =	vlt.s32 v13, v10  }
0xf0: {  	v63 =	vor.u32 v0, v16;
	vm3 =	vlt.s32 v11, v10;
	v11 =	vand.u32 $0xFF0, v15  }
0xf1: {  	v11 =	vor.u32 v0, v11;
	_ =	sdelay $0x1  }
0xf2: {  	[tilespmem:v14+s11+$0x0] =	vst.idx.add.s32.msk vm0, v4  }
0xf3: {  	[tilespmem:v12+s11+$0x0] =	vst.idx.add.s32.msk vm1, v4  }
0xf4: {  	[tilespmem:v63+s11+$0x0] =	vst.idx.add.s32.msk vm2, v4  }
0xf5: {  	[tilespmem:v11+s11+$0x0] =	vst.idx.add.s32.msk vm3, v4  }
.LBB2_14:
0xf6: {  	p1 =	slt.s32 s20, s19  }
.Ltmp7:
0xf7: {  	_ = 	snop;
	(pc) =	sbr.rel @!p1 .LBB2_15-.Ltmp7, $4  }
0xf8: {  	_ = 	snop  }
0xf9: {  	s0 =	ssub.s32 s19, s20  }
0xfa: {  	s18 =	sshll.u32 s18, $0x6;
	s22 =	sshll.u32 s0, $0x6  }
0xfb: {  	s21 =	ssub.s32 $0x0, s0;
	s22 =	ssub.s32 s18, s22  }
0xfc: {  	s0 =	ssub.s32 $0x0, s0;
	s18 =	sshra.s32 s22, $0x2  }
.LBB2_78:
0xfd: {  	v11 =	vld [tilespmem:s18+$0x0];
	_ =	sdelay $0x3  }
0xfe: {  	s23 =	sadd.s32 s0, s19  }
0xff: {  	v12 =	vmov s23;
	v11 =	vshrl.u32 v11, $0xC  }
0x100: {  	s0 =	sadd.s32 $0x1, s0;
	vm0 =	vlt.s32 v12, v10;
	v11 =	vand.u32 $0xFF0, v11  }
0x101: {  	p1 =	seq.s32 s0, $0x0;
	v11 =	vor.u32 v0, v11  }
.Ltmp8:
0x102: {  	_ = 	snop;
	(pc) =	sbr.rel @!p1 .LBB2_78-.Ltmp8, $2  }
0x103: {  	_ =	sdelay $0x2  }
0x104: {  	s18 =	sadd.s32 $0x10, s18;
	[tilespmem:v11+s11+$0x0] =	vst.idx.add.s32.msk vm0, v4  }
.LBB2_15:
0x105: {  	s23 =	simm.s32 $0x12FF0  }
0x106: {  	v12 =	vld [tilespmem:s23+$0x0]  }
0x107: {  	v13 =	vld [tilespmem:s23+$0xFFFFFFF0]  }
0x108: {  	v14 =	vld [tilespmem:s23+$0xFFFFFFE0];
	_ =	sdelay $0x1  }
0x109: {  	v11 =	vimm.s32 $0x0;
	v15 =	vld [tilespmem:s23+$0xFFFFFFD0]  }
0x10a: {  	v16 =	vsub.s32 v9, v11;
	v12 =	vadd.s32 v11, v12  }
0x10b: {  	vm0 =	vgt.s32 v9, v11;
	v13 =	vadd.s32 v12, v13;
	vm1 =	vle.s32 v9, v12  }
0x10c: {  	v14 =	vadd.s32 v13, v14;
	vm2 =	vgt.s32 v9, v13;
	vm0 =	vmand vm0, vm1  }
0x10d: {  	s0 =	simm.s32 $0xFF;
	s24 =	simm.s32 $0x12FB0;
	vm4 =	vle.s32 v9, v13;
	v13 =	vsub.s32 v9, v13;
	vm3 =	vle.s32 v9, v14  }
0x10e: {  	v17 =	vld [tilespmem:s24+$0x0];
	v15 =	vadd.s32 v14, v15;
	v18 =	vsel vm0, s0, v11;
	v11 =	vsel vm0, v16, v11  }
0x10f: {  	v19 =	vld [tilespmem:s24+$0xFFFFFFF0];
	vm1 =	vmand vm2, vm3;
	vm2 =	vgt.s32 v9, v14;
	vm3 =	vgt.s32 v9, v12  }
0x110: {  	v16 =	vld [tilespmem:s24+$0xFFFFFFE0];
	vm5 =	vge.s32 v15, v9;
	v12 =	vsub.s32 v9, v12;
	v14 =	vsub.s32 v9, v14  }
0x111: {  	s29 =	simm.s32 $0xFE;
	v20 =	vld [tilespmem:s24+$0xFFFFFFD0];
	vm3 =	vmand vm3, vm4;
	vm0 =	vmand vm2, vm5;
	vm2 =	vgt.s32 v9, v15  }
0x112: {  	s30 =	simm.s32 $0xFD;
	[tilespmem:s23+$0x0] =	vst v1;
	v18 =	vsel vm3, s29, v18;
	v12 =	vsel vm3, v12, v11;
	v11 =	vsub.s32 v9, v15  }
0x113: {  	[tilespmem:s23+$0xFFFFFFE0] =	vst v1;
	v12 =	vsel vm1, v13, v12;
	v13 =	vadd.s32 v15, v17;
	v17 =	vsel vm1, s30, v18  }
0x114: {  	s31 =	simm.s32 $0xFC;
	[tilespmem:s23+$0xFFFFFFD0] =	vst v1;
	v15 =	vsel vm0, v14, v12;
	vm3 =	vle.s32 v9, v13;
	v14 =	vadd.s32 v13, v19  }
0x115: {  	[tilespmem:s24+$0x0] =	vst v1;
	v17 =	vsel vm0, s31, v17;
	vm3 =	vmand vm2, vm3;
	v12 =	vadd.s32 v14, v16  }
0x116: {  	s18 =	sadd.s32 s5, s17;
	[tilespmem:s24+$0xFFFFFFD0] =	vst v1;
	vm1 =	vgt.s32 v9, v14;
	vm2 =	vle.s32 v9, v12;
	v16 =	vadd.s32 v12, v20  }
0x117: {  	s26 =	simm.s32 $0x4;
	s25 =	simm.s32 $0xFB;
	s28 =	simm.s32 $0x12F70;
	[tilespmem:s24+$0xFFFFFFE0] =	vst v1;
	vm0 =	vmand vm1, vm2;
	vm1 =	vgt.s32 v9, v12;
	vm2 =	vge.s32 v16, v9  }
.LBB2_16:
0x118: {  	v18 =	vld [tilespmem:s28+$0x0];
	s26 =	sadd.s32 $0x4, s26;
	v17 =	vsel vm3, s25, v17;
	vm4 =	vgt.s32 v9, v13;
	vm5 =	vle.s32 v9, v14;
	[tilespmem:s23+$0xFFFFFFF0] =	vst v1;
	s23 =	smov.u32 s24;
	s24 =	smov.u32 s28  }
0x119: {  	v11 =	vsel vm3, v11, v15;
	s0 =	sadd.s32 $0xFFFFFFFF, s25;
	v13 =	vsub.s32 v9, v13;
	[tilespmem:s28+$0x0] =	vst v1;
	v19 =	vld [tilespmem:s28+$0xFFFFFFF0];
	p1 =	slt.u32 s26, $0xFC;
	vm3 =	vmand vm4, vm5  }
0x11a: {  	v14 =	vsub.s32 v9, v14;
	v20 =	vld [tilespmem:s28+$0xFFFFFFE0];
	v17 =	vsel vm3, s0, v17;
	v13 =	vsel vm3, v13, v11  }
0x11b: {  	v11 =	vsub.s32 v9, v16;
	[tilespmem:s28+$0xFFFFFFE0] =	vst v1;
	v21 =	vld [tilespmem:s28+$0xFFFFFFD0];
	v14 =	vsel vm0, v14, v13  }
0x11c: {  	vm1 =	vmand vm1, vm2;
	v12 =	vsub.s32 v9, v12;
	[tilespmem:s28+$0xFFFFFFD0] =	vst v1  }
.Ltmp9:
0x11d: {  	vm2 =	vgt.s32 v9, v16;
	s0 =	sadd.s32 $0xFFFFFFFE, s25;
	v15 =	vsel vm1, v12, v14;
	v13 =	vadd.s32 v16, v18;
	(pc) =	sbr.rel @p1 .LBB2_16-.Ltmp9, $4  }
0x11e: {  	v17 =	vsel vm0, s0, v17;
	s0 =	sadd.s32 $0xFFFFFFFD, s25;
	vm3 =	vle.s32 v9, v13;
	v14 =	vadd.s32 v13, v19  }
0x11f: {  	s25 =	sadd.s32 $0xFFFFFFFC, s25;
	vm3 =	vmand vm2, vm3;
	v12 =	vadd.s32 v14, v20;
	vm0 =	vgt.s32 v9, v14  }
0x120: {  	v17 =	vsel vm1, s0, v17;
	vm2 =	vle.s32 v9, v12;
	v16 =	vadd.s32 v12, v21  }
0x121: {  	s28 =	sadd.s32 $0xFFFFFFC0, s28;
	vm1 =	vgt.s32 v9, v12;
	vm0 =	vmand vm0, vm2;
	vm2 =	vge.s32 v16, v9  }
0x122: {  	vm4 =	vgt.s32 v9, v13  }
.Ltmp10:
0x123: {  	vm5 =	vle.s32 v9, v14;
	v11 =	vsel vm3, v11, v15;
	v13 =	vsub.s32 v9, v13;
	(pc) =	sbr.rel @p0 .LBB2_18-.Ltmp10, $4  }
0x124: {  	v15 =	vsel vm3, s25, v17;
	s0 =	sadd.s32 $0xFFFFFFFF, s25;
	vm1 =	vmand vm1, vm2;
	vm4 =	vmand vm4, vm5  }
0x125: {  	s30 =	sadd.s32 $0xFFFFFFFE, s25;
	v11 =	vsel vm4, v13, v11;
	v13 =	vsub.s32 v9, v14;
	v14 =	vsel vm4, s0, v15  }
0x126: {  	[tilespmem:s23+$0xFFFFFFF0] =	vst v1;
	s31 =	sadd.s32 $0xFFFFFFFD, s25;
	v9 =	vsub.s32 v9, v12;
	v11 =	vsel vm0, v13, v11;
	v13 =	vsel vm0, s30, v14  }
0x127: {  	[tilespmem:s24+$0xFFFFFFF0] =	vst v1;
	v12 =	vsel vm1, v9, v11;
	v9 =	vsel vm1, s31, v13  }
0x128: {  	s23 =	simm.s32 $0x20  }
0x129: {  	v16 =	vld [tilespmem:s23+$0x10]  }
0x12a: {  	v14 =	vld [tilespmem:s23+$0x0]  }
0x12b: {  	v15 =	vld [tilespmem:s23+$0xFFFFFFF0]  }
0x12c: {  	s0 =	simm.s32 $0x0;
	v13 =	vld [tilespmem:s23+$0xFFFFFFE0]  }
0x12d: {  	v17 =	vimm.s32 $0x0;
	v18 =	vadd.s32 $0x1000, v8;
	s24 =	simm.s32 $0x3;
	s25 =	simm.s32 $0x1;
	v11 =	vmov s0  }
0x12e: {  	s31 =	simm.s32 $0x2;
	v19 =	vmov s24;
	v20 =	vmov s25;
	vm6 =	vlt.s32 v11, v10  }
0x12f: {  	v11 =	vmov s31;
	vm2 =	vlt.s32 v19, v10;
	vm5 =	vlt.s32 v20, v10  }
0x130: {  	vm7 =	vlt.s32 v11, v10;
	v11 =	vshrl.u32 v14, $0x10;
	v19 =	vshrl.u32 v16, $0x10  }
0x131: {  	v20 =	vshrl.u32 v13, $0x10;
	v21 =	vshrl.u32 v15, $0x10;
	v19 =	vand.u32 $0xFF, v19  }
0x132: {  	v20 =	vand.u32 $0xFF, v20;
	v21 =	vand.u32 $0xFF, v21;
	v11 =	vand.u32 $0xFF, v11  }
0x133: {  	vm3 =	veq.s32 v11, v9;
	vm4 =	vgt.s32 v19, v9;
	vm0 =	veq.s32 v19, v9  }
0x134: {  	vm8 =	veq.s32 v20, v9;
	vm1 =	veq.s32 v21, v9;
	vm9 =	vgt.s32 v11, v9  }
0x135: {  	vm10 =	vgt.s32 v20, v9;
	vm11 =	vgt.s32 v21, v9;
	vm0 =	vmand vm2, vm0  }
0x136: {  	vm1 =	vmand vm5, vm1;
	vm3 =	vmand vm7, vm3;
	vm2 =	vmand vm2, vm4  }
0x137: {  	vm4 =	vmand vm6, vm8;
	vm5 =	vmand vm5, vm11;
	vm7 =	vmand vm7, vm9  }
0x138: {  	p0 =	sgt.s32 s20, $0x4;
	vm6 =	vmand vm6, vm10;
	v11 =	vsel vm3, $0x1, v1;
	v25 =	vsel vm2, $0x1, v1  }
.Ltmp11:
0x139: {  	v19 =	vsel vm6, $0x1, v1;
	v21 =	vsel vm4, $0x1, v1;
	v23 =	vsel vm1, $0x1, v1;
	(pc) =	sbr.rel @!p0 .LBB2_81-.Ltmp11, $4  }
0x13a: {  	v20 =	vadd.s32 v19, v8;
	v19 =	vadd.s32 v21, v17;
	v8 =	vsel vm5, $0x1, v1  }
0x13b: {  	v22 =	vadd.s32 v8, v20;
	v21 =	vadd.s32 v23, v19;
	v8 =	vsel vm7, $0x1, v1  }
0x13c: {  	v8 =	vadd.s32 v8, v22;
	v23 =	vadd.s32 v11, v21;
	v11 =	vsel vm0, $0x1, v1  }
0x13d: {  	s24 =	simm.s32 $0x4;
	v24 =	vadd.s32 $0x1000, v8;
	v8 =	vadd.s32 v25, v8;
	v11 =	vadd.s32 v11, v23  }
.LBB2_80:
0x13e: {  	v25 =	vadd.s32 $0x1000, v8;
	v20 =	vadd.s32 $0x1000, v20;
	v22 =	vadd.s32 $0x1000, v22;
	s0 =	smov.u32 s24  }
0x13f: {  	s24 =	sadd.s32 $0x4, s24;
	s23 =	sadd.s32 $0x40, s23;
	v19 =	vsel vm5, v20, v19;
	v20 =	vsel vm7, v22, v21;
	v21 =	vsel vm2, v24, v23  }
0x140: {  	p0 =	slt.s32 s24, s20;
	v23 =	vsel vm6, v18, v17;
	v18 =	vmovc v25;
	v17 =	vmovc v11;
	v22 =	vld [tilespmem:s23+$0x10];
	v20 =	vshll.u32 v20, $0x4;
	v21 =	vshll.u32 v21, $0x4  }
0x141: {  	v23 =	vshll.u32 v23, $0x4;
	v19 =	vshll.u32 v19, $0x4;
	v24 =	vld [tilespmem:s23+$0x0];
	v21 =	vor.u32 v0, v21  }
0x142: {  	v23 =	vor.u32 v0, v23;
	v19 =	vor.u32 v0, v19;
	v20 =	vor.u32 v0, v20;
	v25 =	vld [tilespmem:s23+$0xFFFFFFF0]  }
0x143: {  	vm3 =	vmor vm7, vm3;
	vm6 =	vmor vm6, vm4;
	vm4 =	vmor vm5, vm1;
	v26 =	vld [tilespmem:s23+$0xFFFFFFE0]  }
0x144: {  	v27 =	vmov s0;
	s25 =	sadd.s32 $0x2, s0;
	s26 =	sadd.s32 $0x3, s0;
	vm1 =	vmor vm2, vm0  }
0x145: {  	s0 =	sadd.s32 $0x1, s0;
	vm8 =	vlt.s32 v27, v10;
	v27 =	vmov s25;
	v28 =	vmov s26  }
0x146: {  	v29 =	vmov s0;
	vm7 =	vlt.s32 v27, v10;
	vm2 =	vlt.s32 v28, v10  }
0x147: {  	vm5 =	vlt.s32 v29, v10;
	v28 =	vshrl.u32 v22, $0x10;
	v27 =	vshrl.u32 v24, $0x10  }
0x148: {  	v28 =	vand.u32 $0xFF, v28;
	v30 =	vshrl.u32 v25, $0x10;
	v29 =	vshrl.u32 v26, $0x10  }
0x149: {  	v27 =	vand.u32 $0xFF, v27;
	v30 =	vand.u32 $0xFF, v30;
	v29 =	vand.u32 $0xFF, v29;
	[tilespmem:v20+s2+$0x0] =	vst.idx.msk vm3, v14;
	v14 =	vmovc v24  }
0x14a: {  	vm9 =	vgt.s32 v28, v9;
	vm0 =	veq.s32 v28, v9;
	vm3 =	veq.s32 v27, v9  }
0x14b: {  	vm12 =	vgt.s32 v27, v9;
	vm11 =	veq.s32 v30, v9;
	vm10 =	veq.s32 v29, v9  }
0x14c: {  	vm0 =	vmand vm2, vm0;
	vm14 =	vgt.s32 v30, v9;
	vm13 =	vgt.s32 v29, v9;
	[tilespmem:v21+s2+$0x0] =	vst.idx.msk vm1, v16  }
0x14d: {  	vm2 =	vmand vm2, vm9;
	vm3 =	vmand vm7, vm3;
	vm1 =	vmand vm5, vm11;
	v16 =	vmovc v22;
	[tilespmem:v19+s2+$0x0] =	vst.idx.msk vm4, v15;
	v15 =	vmovc v25  }
0x14e: {  	vm7 =	vmand vm7, vm12;
	vm5 =	vmand vm5, vm14;
	vm4 =	vmand vm8, vm10;
	[tilespmem:v23+s2+$0x0] =	vst.idx.msk vm6, v13;
	v13 =	vmovc v26  }
0x14f: {  	v25 =	vsel vm2, $0x1, v1;
	vm6 =	vmand vm8, vm13;
	v23 =	vsel vm3, $0x1, v1  }
.Ltmp12:
0x150: {  	v24 =	vsel vm1, $0x1, v1;
	v21 =	vsel vm4, $0x1, v1;
	v19 =	vsel vm6, $0x1, v1;
	(pc) =	sbr.rel @p0 .LBB2_80-.Ltmp12, $4  }
0x151: {  	v20 =	vadd.s32 v19, v8;
	v19 =	vadd.s32 v21, v11;
	v8 =	vsel vm5, $0x1, v1  }
0x152: {  	v22 =	vadd.s32 v8, v20;
	v21 =	vadd.s32 v24, v19;
	v8 =	vsel vm7, $0x1, v1  }
0x153: {  	v11 =	vsel vm0, $0x1, v1;
	v8 =	vadd.s32 v8, v22;
	v23 =	vadd.s32 v23, v21  }
0x154: {  	v24 =	vadd.s32 $0x1000, v8;
	v8 =	vadd.s32 v25, v8;
	v11 =	vadd.s32 v11, v23  }
.LBB2_81:
0x155: {  	v20 =	vadd.s32 $0x1000, v20;
	v22 =	vadd.s32 $0x1000, v22  }
0x156: {  	v61 =	vsel vm2, v24, v23;
	v17 =	vsel vm6, v18, v17;
	vm0 =	vmor vm2, vm0  }
0x157: {  	vm15 =	vmor vm6, vm4;
	v19 =	vsel vm5, v20, v19;
	v63 =	vshll.u32 v61, $0x4  }
0x158: {  	v60 =	vsel vm7, v22, v21;
	v17 =	vshll.u32 v17, $0x4;
	v20 =	vor.u32 v0, v63  }
0x159: {  	vm3 =	vmor vm7, vm3;
	v62 =	vshll.u32 v60, $0x4;
	v17 =	vor.u32 v0, v17  }
0x15a: {  	vm1 =	vmor vm5, vm1;
	v19 =	vshll.u32 v19, $0x4;
	v18 =	vor.u32 v0, v62  }
0x15b: {  	v19 =	vor.u32 v0, v19  }
.Ltmp13:
0x15c: {  	_ = 	snop;
	(pc) =	sbr.rel .LBB2_19-.Ltmp13, $4  }
0x15d: {  	[tilespmem:v20+s2+$0x0] =	vst.idx.msk vm0, v16  }
0x15e: {  	[tilespmem:v17+s2+$0x0] =	vst.idx.msk vm15, v13  }
0x15f: {  	[tilespmem:v18+s2+$0x0] =	vst.idx.msk vm3, v14  }
0x160: {  	[tilespmem:v19+s2+$0x0] =	vst.idx.msk vm1, v15  }
.LBB2_18:
0x161: {  	v11 =	vimm.s32 $0x0  }
.LBB2_19:
0x162: {  	p0 =	sge.s32 s20, s19  }
.Ltmp14:
0x163: {  	_ = 	snop;
	(pc) =	sbr.rel @p0 .LBB2_22-.Ltmp14, $1  }
0x164: {  	_ =	sdelay $0x3  }
0x165: {  	s0 =	sshra.s32 s22, $0x2  }
.LBB2_21:
0x166: {  	v13 =	vld [tilespmem:s0+$0x0];
	_ =	sdelay $0x4  }
0x167: {  	s20 =	sadd.s32 s21, s19;
	v14 =	vshrl.u32 v13, $0x10  }
0x168: {  	v15 =	vmov s20;
	v14 =	vand.u32 $0xFF, v14  }
0x169: {  	vm0 =	vlt.s32 v15, v10;
	vm1 =	vgt.s32 v14, v9  }
0x16a: {  	vm2 =	veq.s32 v14, v9;
	v14 =	vadd.s32 $0x1000, v8;
	vm1 =	vmand vm0, vm1  }
0x16b: {  	vm0 =	vmand vm0, vm2;
	v14 =	vsel vm1, v14, v11  }
0x16c: {  	s21 =	sadd.s32 $0x1, s21;
	vm2 =	vmor vm1, vm0;
	v14 =	vshll.u32 v14, $0x4  }
0x16d: {  	p0 =	seq.s32 s21, $0x0;
	v14 =	vor.u32 v0, v14  }
.Ltmp15:
0x16e: {  	_ = 	snop;
	(pc) =	sbr.rel @!p0 .LBB2_21-.Ltmp15, $3  }
0x16f: {  	_ =	sdelay $0x1  }
0x170: {  	v15 =	vsel vm1, $0x1, v1;
	v16 =	vsel vm0, $0x1, v1  }
0x171: {  	s0 =	sadd.s32 $0x10, s0;
	v8 =	vadd.s32 v15, v8;
	v11 =	vadd.s32 v16, v11;
	[tilespmem:v14+s2+$0x0] =	vst.idx.msk vm2, v13  }
.LBB2_22:
0x172: {  	v10 =	vxor.u32 $0x80000000, v11  }
0x173: {  	(xrf0) =	vmax.scan.msk.u32 $0xffff, v10;
	_ =	sdelay $0x5  }
0x174: {  	v10, _, _ =	vpop (xrf0)  }
0x175: {  	(v2sf) =	vpush v10, $0xF;
	_ =	sdelay $0xe  }
0x176: {  	s21 =	spop (v2sf)  }
0x177: {  	s19 =	sxor.u32 $0x80000000, s21  }
0x178: {  	s0 =	sshra.s32 s19, $0x1F  }
0x179: {  	s0 =	sshrl.u32 s0, $0x1E  }
0x17a: {  	s0 =	sadd.s32 s0, s19  }
0x17b: {  	s20 =	sand.u32 $0xFFFFFFFC, s0  }
0x17c: {  	p0 =	slt.s32 s20, $0x1  }
.Ltmp16:
0x17d: {  	_ = 	snop;
	(pc) =	sbr.rel @p0 .LBB2_26-.Ltmp16, $1  }
0x17e: {  	_ =	sdelay $0x3  }
0x17f: {  	s0 =	simm.s32 $0x20  }
0x180: {  	v16 =	vld [tilespmem:s0+$0x0]  }
0x181: {  	v13 =	vld [tilespmem:s0+$0x10]  }
0x182: {  	v15 =	vld [tilespmem:s0+$0xFFFFFFF0];
	_ =	sdelay $0x1  }
0x183: {  	s22 =	simm.s32 $0x0;
	p1 =	sgt.s32 s20, $0x4  }
.Ltmp17:
0x184: {  	s23 =	simm.s32 $0x1;
	s31 =	simm.s32 $0x3;
	v10 =	vmov s22;
	v19 =	vshrl.u32 v16, $0x4;
	v16 =	vld [tilespmem:s0+$0xFFFFFFE0];
	(pc) =	sbr.rel @!p1 .LBB2_25-.Ltmp17, $4  }
0x185: {  	v17 =	vmov s23;
	v18 =	vmov s31;
	v13 =	vshrl.u32 v13, $0x4  }
0x186: {  	s30 =	simm.s32 $0x2;
	vm0 =	vlt.s32 v18, v11;
	v15 =	vshrl.u32 v15, $0x4;
	v13 =	vand.u32 $0xFF0, v13  }
0x187: {  	v14 =	vmov s30;
	v18 =	vand.u32 $0xFF0, v15;
	v15 =	vor.u32 v0, v13  }
0x188: {  	s22 =	simm.s32 $0x4;
	vm1 =	vlt.s32 v17, v11;
	s0 =	simm.s32 $0x60;
	v17 =	vand.u32 $0xFF0, v19;
	v13 =	vor.u32 v0, v18  }
.LBB2_24:
0x189: {  	v18 =	vld [tilespmem:s0+$0x10];
	v16 =	vshrl.u32 v16, $0x4;
	vm2 =	vlt.s32 v14, v11;
	v17 =	vor.u32 v0, v17;
	s23 =	smov.u32 s22;
	s22 =	sadd.s32 $0x4, s22  }
0x18a: {  	vm3 =	vlt.s32 v10, v11;
	v19 =	vld [tilespmem:s0+$0xFFFFFFF0];
	p1 =	slt.s32 s22, s20;
	v10 =	vand.u32 $0xFF0, v16  }
0x18b: {  	v20 =	vld [tilespmem:s0+$0x0];
	v21 =	vor.u32 v0, v10  }
0x18c: {  	s24 =	sadd.s32 $0x1, s23;
	[tilespmem:v15+s11+$0x0] =	vst.idx.add.s32.msk vm0, v4  }
.Ltmp18:
0x18d: {  	v10 =	vmov s23;
	v22 =	vmov s24;
	s24 =	sadd.s32 $0x2, s23;
	s23 =	sadd.s32 $0x3, s23;
	v16 =	vld [tilespmem:s0+$0xFFFFFFE0];
	(pc) =	sbr.rel @p1 .LBB2_24-.Ltmp18, $4  }
0x18e: {  	v14 =	vmov s24;
	v15 =	vmov s23;
	v18 =	vshrl.u32 v18, $0x4;
	[tilespmem:v13+s11+$0x0] =	vst.idx.add.s32.msk vm1, v4  }
0x18f: {  	vm0 =	vlt.s32 v15, v11;
	v13 =	vshrl.u32 v19, $0x4;
	v15 =	vand.u32 $0xFF0, v18;
	[tilespmem:v17+s11+$0x0] =	vst.idx.add.s32.msk vm2, v4  }
0x190: {  	v13 =	vand.u32 $0xFF0, v13;
	v17 =	vshrl.u32 v20, $0x4;
	v15 =	vor.u32 v0, v15;
	[tilespmem:v21+s11+$0x0] =	vst.idx.add.s32.msk vm3, v4  }
0x191: {  	s0 =	sadd.s32 $0x40, s0;
	vm1 =	vlt.s32 v22, v11;
	v13 =	vor.u32 v0, v13;
	v17 =	vand.u32 $0xFF0, v17  }
.LBB2_25:
0x192: {  	_ = 	snop  }
0x193: {  	v16 =	vshrl.u32 v16, $0x4;
	vm2 =	vlt.s32 v14, v11  }
0x194: {  	v14 =	vor.u32 v0, v17;
	vm3 =	vlt.s32 v10, v11;
	v10 =	vand.u32 $0xFF0, v16  }
0x195: {  	v10 =	vor.u32 v0, v10;
	_ =	sdelay $0x1  }
0x196: {  	[tilespmem:v15+s11+$0x0] =	vst.idx.add.s32.msk vm0, v4  }
0x197: {  	[tilespmem:v13+s11+$0x0] =	vst.idx.add.s32.msk vm1, v4  }
0x198: {  	[tilespmem:v14+s11+$0x0] =	vst.idx.add.s32.msk vm2, v4  }
0x199: {  	[tilespmem:v10+s11+$0x0] =	vst.idx.add.s32.msk vm3, v4  }
.LBB2_26:
0x19a: {  	p1 =	slt.s32 s20, s19  }
.Ltmp19:
0x19b: {  	_ = 	snop;
	(pc) =	sbr.rel @!p1 .LBB2_27-.Ltmp19, $4  }
0x19c: {  	_ = 	snop  }
0x19d: {  	s0 =	ssub.s32 s19, s20  }
0x19e: {  	s22 =	sshll.u32 s21, $0x6;
	s23 =	sshll.u32 s0, $0x6  }
0x19f: {  	s21 =	ssub.s32 $0x0, s0;
	s22 =	ssub.s32 s22, s23  }
0x1a0: {  	s0 =	ssub.s32 $0x0, s0;
	s23 =	sshra.s32 s22, $0x2  }
.LBB2_83:
0x1a1: {  	v10 =	vld [tilespmem:s23+$0x0];
	_ =	sdelay $0x3  }
0x1a2: {  	s24 =	sadd.s32 s0, s19  }
0x1a3: {  	v13 =	vmov s24;
	v10 =	vshrl.u32 v10, $0x4  }
0x1a4: {  	s0 =	sadd.s32 $0x1, s0;
	vm0 =	vlt.s32 v13, v11;
	v10 =	vand.u32 $0xFF0, v10  }
0x1a5: {  	p1 =	seq.s32 s0, $0x0;
	v10 =	vor.u32 v0, v10  }
.Ltmp20:
0x1a6: {  	_ = 	snop;
	(pc) =	sbr.rel @!p1 .LBB2_83-.Ltmp20, $2  }
0x1a7: {  	_ =	sdelay $0x2  }
0x1a8: {  	s23 =	sadd.s32 $0x10, s23;
	[tilespmem:v10+s11+$0x0] =	vst.idx.add.s32.msk vm0, v4  }
.LBB2_27:
0x1a9: {  	s23 =	simm.s32 $0x12FF0  }
0x1aa: {  	v13 =	vld [tilespmem:s23+$0x0]  }
0x1ab: {  	v14 =	vld [tilespmem:s23+$0xFFFFFFF0]  }
0x1ac: {  	v15 =	vld [tilespmem:s23+$0xFFFFFFE0];
	_ =	sdelay $0x1  }
0x1ad: {  	v10 =	vimm.s32 $0x0;
	v16 =	vld [tilespmem:s23+$0xFFFFFFD0]  }
0x1ae: {  	v17 =	vsub.s32 v12, v10;
	v13 =	vadd.s32 v10, v13  }
0x1af: {  	vm0 =	vgt.s32 v12, v10;
	v14 =	vadd.s32 v13, v14;
	vm1 =	vle.s32 v12, v13  }
0x1b0: {  	v15 =	vadd.s32 v14, v15;
	vm2 =	vgt.s32 v12, v14;
	vm0 =	vmand vm0, vm1  }
0x1b1: {  	s0 =	simm.s32 $0xFF;
	s24 =	simm.s32 $0x12FB0;
	vm4 =	vle.s32 v12, v14;
	v14 =	vsub.s32 v12, v14;
	vm3 =	vle.s32 v12, v15  }
0x1b2: {  	v18 =	vld [tilespmem:s24+$0x0];
	v16 =	vadd.s32 v15, v16;
	v19 =	vsel vm0, s0, v10;
	v10 =	vsel vm0, v17, v10  }
0x1b3: {  	v20 =	vld [tilespmem:s24+$0xFFFFFFF0];
	vm1 =	vmand vm2, vm3;
	vm2 =	vgt.s32 v12, v15;
	vm3 =	vgt.s32 v12, v13  }
0x1b4: {  	v17 =	vld [tilespmem:s24+$0xFFFFFFE0];
	vm5 =	vge.s32 v16, v12;
	v13 =	vsub.s32 v12, v13;
	v15 =	vsub.s32 v12, v15  }
0x1b5: {  	s29 =	simm.s32 $0xFE;
	v21 =	vld [tilespmem:s24+$0xFFFFFFD0];
	vm3 =	vmand vm3, vm4;
	vm0 =	vmand vm2, vm5;
	vm2 =	vgt.s32 v12, v16  }
0x1b6: {  	s30 =	simm.s32 $0xFD;
	[tilespmem:s23+$0x0] =	vst v1;
	v19 =	vsel vm3, s29, v19;
	v13 =	vsel vm3, v13, v10;
	v10 =	vsub.s32 v12, v16  }
0x1b7: {  	[tilespmem:s23+$0xFFFFFFE0] =	vst v1;
	v13 =	vsel vm1, v14, v13;
	v14 =	vadd.s32 v16, v18;
	v18 =	vsel vm1, s30, v19  }
0x1b8: {  	s31 =	simm.s32 $0xFC;
	[tilespmem:s23+$0xFFFFFFD0] =	vst v1;
	v16 =	vsel vm0, v15, v13;
	vm3 =	vle.s32 v12, v14;
	v15 =	vadd.s32 v14, v20  }
0x1b9: {  	[tilespmem:s24+$0x0] =	vst v1;
	v18 =	vsel vm0, s31, v18;
	vm3 =	vmand vm2, vm3;
	v13 =	vadd.s32 v15, v17  }
0x1ba: {  	[tilespmem:s24+$0xFFFFFFD0] =	vst v1;
	vm1 =	vgt.s32 v12, v15;
	vm2 =	vle.s32 v12, v13;
	v17 =	vadd.s32 v13, v21  }
0x1bb: {  	s26 =	simm.s32 $0x4;
	s25 =	simm.s32 $0xFB;
	s28 =	simm.s32 $0x12F70;
	[tilespmem:s24+$0xFFFFFFE0] =	vst v1;
	vm0 =	vmand vm1, vm2;
	vm1 =	vgt.s32 v12, v13;
	vm2 =	vge.s32 v17, v12  }
.LBB2_28:
0x1bc: {  	v19 =	vld [tilespmem:s28+$0x0];
	s26 =	sadd.s32 $0x4, s26;
	v18 =	vsel vm3, s25, v18;
	vm4 =	vgt.s32 v12, v14;
	vm5 =	vle.s32 v12, v15;
	[tilespmem:s23+$0xFFFFFFF0] =	vst v1;
	s23 =	smov.u32 s24;
	s24 =	smov.u32 s28  }
0x1bd: {  	v10 =	vsel vm3, v10, v16;
	s0 =	sadd.s32 $0xFFFFFFFF, s25;
	v14 =	vsub.s32 v12, v14;
	[tilespmem:s28+$0x0] =	vst v1;
	v20 =	vld [tilespmem:s28+$0xFFFFFFF0];
	p1 =	slt.u32 s26, $0xFC;
	vm3 =	vmand vm4, vm5  }
0x1be: {  	v15 =	vsub.s32 v12, v15;
	v21 =	vld [tilespmem:s28+$0xFFFFFFE0];
	v18 =	vsel vm3, s0, v18;
	v14 =	vsel vm3, v14, v10  }
0x1bf: {  	v10 =	vsub.s32 v12, v17;
	[tilespmem:s28+$0xFFFFFFE0] =	vst v1;
	v22 =	vld [tilespmem:s28+$0xFFFFFFD0];
	v15 =	vsel vm0, v15, v14  }
0x1c0: {  	vm1 =	vmand vm1, vm2;
	v13 =	vsub.s32 v12, v13;
	[tilespmem:s28+$0xFFFFFFD0] =	vst v1  }
.Ltmp21:
0x1c1: {  	vm2 =	vgt.s32 v12, v17;
	s0 =	sadd.s32 $0xFFFFFFFE, s25;
	v16 =	vsel vm1, v13, v15;
	v14 =	vadd.s32 v17, v19;
	(pc) =	sbr.rel @p1 .LBB2_28-.Ltmp21, $4  }
0x1c2: {  	v18 =	vsel vm0, s0, v18;
	s0 =	sadd.s32 $0xFFFFFFFD, s25;
	vm3 =	vle.s32 v12, v14;
	v15 =	vadd.s32 v14, v20  }
0x1c3: {  	s25 =	sadd.s32 $0xFFFFFFFC, s25;
	vm3 =	vmand vm2, vm3;
	v13 =	vadd.s32 v15, v21;
	vm0 =	vgt.s32 v12, v15  }
0x1c4: {  	v18 =	vsel vm1, s0, v18;
	vm2 =	vle.s32 v12, v13;
	v17 =	vadd.s32 v13, v22  }
0x1c5: {  	s28 =	sadd.s32 $0xFFFFFFC0, s28;
	vm1 =	vgt.s32 v12, v13;
	vm0 =	vmand vm0, vm2;
	vm2 =	vge.s32 v17, v12  }
0x1c6: {  	vm4 =	vgt.s32 v12, v14  }
.Ltmp22:
0x1c7: {  	vm5 =	vle.s32 v12, v15;
	v10 =	vsel vm3, v10, v16;
	v14 =	vsub.s32 v12, v14;
	(pc) =	sbr.rel @p0 .LBB2_30-.Ltmp22, $4  }
0x1c8: {  	v63 =	vsel vm3, s25, v18;
	s0 =	sadd.s32 $0xFFFFFFFF, s25;
	vm1 =	vmand vm1, vm2;
	vm4 =	vmand vm4, vm5  }
0x1c9: {  	s30 =	sadd.s32 $0xFFFFFFFE, s25;
	v10 =	vsel vm4, v14, v10;
	v14 =	vsub.s32 v12, v15;
	v15 =	vsel vm4, s0, v63  }
0x1ca: {  	[tilespmem:s23+$0xFFFFFFF0] =	vst v1;
	s31 =	sadd.s32 $0xFFFFFFFD, s25;
	v12 =	vsub.s32 v12, v13;
	v10 =	vsel vm0, v14, v10;
	v14 =	vsel vm0, s30, v15  }
0x1cb: {  	[tilespmem:s24+$0xFFFFFFF0] =	vst v1;
	v13 =	vsel vm1, v12, v10;
	v10 =	vsel vm1, s31, v14  }
0x1cc: {  	s23 =	simm.s32 $0x20  }
0x1cd: {  	v17 =	vld [tilespmem:s23+$0x10]  }
0x1ce: {  	v15 =	vld [tilespmem:s23+$0x0]  }
0x1cf: {  	v16 =	vld [tilespmem:s23+$0xFFFFFFF0]  }
0x1d0: {  	s0 =	simm.s32 $0x0;
	v14 =	vld [tilespmem:s23+$0xFFFFFFE0]  }
0x1d1: {  	v18 =	vimm.s32 $0x0;
	v19 =	vadd.s32 $0x1000, v8;
	s24 =	simm.s32 $0x3;
	s25 =	simm.s32 $0x1;
	v12 =	vmov s0  }
0x1d2: {  	s31 =	simm.s32 $0x2;
	v20 =	vmov s24;
	v21 =	vmov s25;
	vm6 =	vlt.s32 v12, v11  }
0x1d3: {  	v12 =	vmov s31;
	vm2 =	vlt.s32 v20, v11;
	vm5 =	vlt.s32 v21, v11  }
0x1d4: {  	vm7 =	vlt.s32 v12, v11;
	v12 =	vshrl.u32 v15, $0x8;
	v20 =	vshrl.u32 v17, $0x8  }
0x1d5: {  	v21 =	vshrl.u32 v14, $0x8;
	v22 =	vshrl.u32 v16, $0x8;
	v20 =	vand.u32 $0xFF, v20  }
0x1d6: {  	v21 =	vand.u32 $0xFF, v21;
	v22 =	vand.u32 $0xFF, v22;
	v12 =	vand.u32 $0xFF, v12  }
0x1d7: {  	vm3 =	veq.s32 v12, v10;
	vm4 =	vgt.s32 v20, v10;
	vm0 =	veq.s32 v20, v10  }
0x1d8: {  	vm8 =	veq.s32 v21, v10;
	vm1 =	veq.s32 v22, v10;
	vm9 =	vgt.s32 v12, v10  }
0x1d9: {  	vm10 =	vgt.s32 v21, v10;
	vm11 =	vgt.s32 v22, v10;
	vm0 =	vmand vm2, vm0  }
0x1da: {  	vm1 =	vmand vm5, vm1;
	vm3 =	vmand vm7, vm3;
	vm2 =	vmand vm2, vm4  }
0x1db: {  	vm4 =	vmand vm6, vm8;
	vm5 =	vmand vm5, vm11;
	vm7 =	vmand vm7, vm9  }
0x1dc: {  	p0 =	sgt.s32 s20, $0x4;
	vm6 =	vmand vm6, vm10;
	v12 =	vsel vm3, $0x1, v1;
	v26 =	vsel vm2, $0x1, v1  }
.Ltmp23:
0x1dd: {  	v20 =	vsel vm6, $0x1, v1;
	v22 =	vsel vm4, $0x1, v1;
	v24 =	vsel vm1, $0x1, v1;
	(pc) =	sbr.rel @!p0 .LBB2_86-.Ltmp23, $4  }
0x1de: {  	v21 =	vadd.s32 v20, v8;
	v20 =	vadd.s32 v22, v18;
	v8 =	vsel vm5, $0x1, v1  }
0x1df: {  	v23 =	vadd.s32 v8, v21;
	v22 =	vadd.s32 v24, v20;
	v8 =	vsel vm7, $0x1, v1  }
0x1e0: {  	v8 =	vadd.s32 v8, v23;
	v24 =	vadd.s32 v12, v22;
	v12 =	vsel vm0, $0x1, v1  }
0x1e1: {  	s24 =	simm.s32 $0x4;
	v25 =	vadd.s32 $0x1000, v8;
	v8 =	vadd.s32 v26, v8;
	v12 =	vadd.s32 v12, v24  }
.LBB2_85:
0x1e2: {  	v26 =	vadd.s32 $0x1000, v8;
	v21 =	vadd.s32 $0x1000, v21;
	v23 =	vadd.s32 $0x1000, v23;
	s0 =	smov.u32 s24  }
0x1e3: {  	s24 =	sadd.s32 $0x4, s24;
	s23 =	sadd.s32 $0x40, s23;
	v20 =	vsel vm5, v21, v20;
	v21 =	vsel vm7, v23, v22;
	v22 =	vsel vm2, v25, v24  }
0x1e4: {  	p0 =	slt.s32 s24, s20;
	v24 =	vsel vm6, v19, v18;
	v19 =	vmovc v26;
	v18 =	vmovc v12;
	v23 =	vld [tilespmem:s23+$0x10];
	v21 =	vshll.u32 v21, $0x4;
	v22 =	vshll.u32 v22, $0x4  }
0x1e5: {  	v24 =	vshll.u32 v24, $0x4;
	v20 =	vshll.u32 v20, $0x4;
	v25 =	vld [tilespmem:s23+$0x0];
	v22 =	vor.u32 v0, v22  }
0x1e6: {  	v24 =	vor.u32 v0, v24;
	v20 =	vor.u32 v0, v20;
	v21 =	vor.u32 v0, v21;
	v26 =	vld [tilespmem:s23+$0xFFFFFFF0]  }
0x1e7: {  	vm3 =	vmor vm7, vm3;
	vm6 =	vmor vm6, vm4;
	vm4 =	vmor vm5, vm1;
	v27 =	vld [tilespmem:s23+$0xFFFFFFE0]  }
0x1e8: {  	v28 =	vmov s0;
	s25 =	sadd.s32 $0x2, s0;
	s26 =	sadd.s32 $0x3, s0;
	vm1 =	vmor vm2, vm0  }
0x1e9: {  	s0 =	sadd.s32 $0x1, s0;
	vm8 =	vlt.s32 v28, v11;
	v28 =	vmov s25;
	v29 =	vmov s26  }
0x1ea: {  	v30 =	vmov s0;
	vm7 =	vlt.s32 v28, v11;
	vm2 =	vlt.s32 v29, v11  }
0x1eb: {  	vm5 =	vlt.s32 v30, v11;
	v29 =	vshrl.u32 v23, $0x8;
	v28 =	vshrl.u32 v25, $0x8  }
0x1ec: {  	v29 =	vand.u32 $0xFF, v29;
	v31 =	vshrl.u32 v26, $0x8;
	v30 =	vshrl.u32 v27, $0x8  }
0x1ed: {  	v28 =	vand.u32 $0xFF, v28;
	v31 =	vand.u32 $0xFF, v31;
	v30 =	vand.u32 $0xFF, v30;
	[tilespmem:v21+s2+$0x0] =	vst.idx.msk vm3, v15;
	v15 =	vmovc v25  }
0x1ee: {  	vm9 =	vgt.s32 v29, v10;
	vm0 =	veq.s32 v29, v10;
	vm3 =	veq.s32 v28, v10  }
0x1ef: {  	vm12 =	vgt.s32 v28, v10;
	vm11 =	veq.s32 v31, v10;
	vm10 =	veq.s32 v30, v10  }
0x1f0: {  	vm0 =	vmand vm2, vm0;
	vm14 =	vgt.s32 v31, v10;
	vm13 =	vgt.s32 v30, v10;
	[tilespmem:v22+s2+$0x0] =	vst.idx.msk vm1, v17  }
0x1f1: {  	vm2 =	vmand vm2, vm9;
	vm3 =	vmand vm7, vm3;
	vm1 =	vmand vm5, vm11;
	v17 =	vmovc v23;
	[tilespmem:v20+s2+$0x0] =	vst.idx.msk vm4, v16;
	v16 =	vmovc v26  }
0x1f2: {  	vm7 =	vmand vm7, vm12;
	vm5 =	vmand vm5, vm14;
	vm4 =	vmand vm8, vm10;
	[tilespmem:v24+s2+$0x0] =	vst.idx.msk vm6, v14;
	v14 =	vmovc v27  }
0x1f3: {  	v26 =	vsel vm2, $0x1, v1;
	vm6 =	vmand vm8, vm13;
	v24 =	vsel vm3, $0x1, v1  }
.Ltmp24:
0x1f4: {  	v25 =	vsel vm1, $0x1, v1;
	v22 =	vsel vm4, $0x1, v1;
	v20 =	vsel vm6, $0x1, v1;
	(pc) =	sbr.rel @p0 .LBB2_85-.Ltmp24, $4  }
0x1f5: {  	v21 =	vadd.s32 v20, v8;
	v20 =	vadd.s32 v22, v12;
	v8 =	vsel vm5, $0x1, v1  }
0x1f6: {  	v23 =	vadd.s32 v8, v21;
	v22 =	vadd.s32 v25, v20;
	v8 =	vsel vm7, $0x1, v1  }
0x1f7: {  	v12 =	vsel vm0, $0x1, v1;
	v8 =	vadd.s32 v8, v23;
	v24 =	vadd.s32 v24, v22  }
0x1f8: {  	v25 =	vadd.s32 $0x1000, v8;
	v8 =	vadd.s32 v26, v8;
	v12 =	vadd.s32 v12, v24  }
.LBB2_86:
0x1f9: {  	v21 =	vadd.s32 $0x1000, v21;
	v23 =	vadd.s32 $0x1000, v23  }
0x1fa: {  	v61 =	vsel vm2, v25, v24;
	v18 =	vsel vm6, v19, v18;
	vm0 =	vmor vm2, vm0  }
0x1fb: {  	vm15 =	vmor vm6, vm4;
	v20 =	vsel vm5, v21, v20;
	v63 =	vshll.u32 v61, $0x4  }
0x1fc: {  	v60 =	vsel vm7, v23, v22;
	v18 =	vshll.u32 v18, $0x4;
	v21 =	vor.u32 v0, v63  }
0x1fd: {  	vm3 =	vmor vm7, vm3;
	v62 =	vshll.u32 v60, $0x4;
	v18 =	vor.u32 v0, v18  }
0x1fe: {  	vm1 =	vmor vm5, vm1;
	v20 =	vshll.u32 v20, $0x4;
	v19 =	vor.u32 v0, v62  }
0x1ff: {  	v20 =	vor.u32 v0, v20  }
.Ltmp25:
0x200: {  	_ = 	snop;
	(pc) =	sbr.rel .LBB2_31-.Ltmp25, $4  }
0x201: {  	[tilespmem:v21+s2+$0x0] =	vst.idx.msk vm0, v17  }
0x202: {  	[tilespmem:v18+s2+$0x0] =	vst.idx.msk vm15, v14  }
0x203: {  	[tilespmem:v19+s2+$0x0] =	vst.idx.msk vm3, v15  }
0x204: {  	[tilespmem:v20+s2+$0x0] =	vst.idx.msk vm1, v16  }
.LBB2_30:
0x205: {  	v12 =	vimm.s32 $0x0  }
.LBB2_31:
0x206: {  	p0 =	sge.s32 s20, s19  }
.Ltmp26:
0x207: {  	_ = 	snop;
	(pc) =	sbr.rel @p0 .LBB2_34-.Ltmp26, $1  }
0x208: {  	_ =	sdelay $0x3  }
0x209: {  	s0 =	sshra.s32 s22, $0x2  }
.LBB2_33:
0x20a: {  	v14 =	vld [tilespmem:s0+$0x0];
	_ =	sdelay $0x4  }
0x20b: {  	s20 =	sadd.s32 s21, s19;
	v15 =	vshrl.u32 v14, $0x8  }
0x20c: {  	v16 =	vmov s20;
	v15 =	vand.u32 $0xFF, v15  }
0x20d: {  	vm0 =	vlt.s32 v16, v11;
	vm1 =	vgt.s32 v15, v10  }
0x20e: {  	vm2 =	veq.s32 v15, v10;
	v15 =	vadd.s32 $0x1000, v8;
	vm1 =	vmand vm0, vm1  }
0x20f: {  	vm0 =	vmand vm0, vm2;
	v15 =	vsel vm1, v15, v12  }
0x210: {  	s21 =	sadd.s32 $0x1, s21;
	vm2 =	vmor vm1, vm0;
	v15 =	vshll.u32 v15, $0x4  }
0x211: {  	p0 =	seq.s32 s21, $0x0;
	v15 =	vor.u32 v0, v15  }
.Ltmp27:
0x212: {  	_ = 	snop;
	(pc) =	sbr.rel @!p0 .LBB2_33-.Ltmp27, $3  }
0x213: {  	_ =	sdelay $0x1  }
0x214: {  	v63 =	vsel vm1, $0x1, v1;
	v17 =	vsel vm0, $0x1, v1  }
0x215: {  	s0 =	sadd.s32 $0x10, s0;
	v8 =	vadd.s32 v63, v8;
	v12 =	vadd.s32 v17, v12;
	[tilespmem:v15+s2+$0x0] =	vst.idx.msk vm2, v14  }
.LBB2_34:
0x216: {  	v11 =	vxor.u32 $0x80000000, v12  }
0x217: {  	(xrf0) =	vmax.scan.msk.u32 $0xffff, v11;
	_ =	sdelay $0x5  }
0x218: {  	v11, _, _ =	vpop (xrf0)  }
0x219: {  	(v2sf) =	vpush v11, $0xF;
	_ =	sdelay $0xe  }
0x21a: {  	s21 =	spop (v2sf)  }
0x21b: {  	s19 =	sxor.u32 $0x80000000, s21  }
0x21c: {  	s0 =	sshra.s32 s19, $0x1F  }
0x21d: {  	s0 =	sshrl.u32 s0, $0x1E  }
0x21e: {  	s0 =	sadd.s32 s0, s19  }
0x21f: {  	s20 =	sand.u32 $0xFFFFFFFC, s0  }
0x220: {  	p0 =	slt.s32 s20, $0x1  }
.Ltmp28:
0x221: {  	_ = 	snop;
	(pc) =	sbr.rel @p0 .LBB2_38-.Ltmp28, $1  }
0x222: {  	_ =	sdelay $0x3  }
0x223: {  	s0 =	simm.s32 $0x20  }
0x224: {  	v17 =	vld [tilespmem:s0+$0x0]  }
0x225: {  	v14 =	vld [tilespmem:s0+$0x10]  }
0x226: {  	v16 =	vld [tilespmem:s0+$0xFFFFFFF0];
	_ =	sdelay $0x1  }
0x227: {  	s22 =	simm.s32 $0x0;
	p1 =	sgt.s32 s20, $0x4  }
.Ltmp29:
0x228: {  	s23 =	simm.s32 $0x1;
	s31 =	simm.s32 $0x3;
	v11 =	vmov s22;
	v20 =	vshll.u32 v17, $0x4;
	v17 =	vld [tilespmem:s0+$0xFFFFFFE0];
	(pc) =	sbr.rel @!p1 .LBB2_37-.Ltmp29, $4  }
0x229: {  	v18 =	vmov s23;
	v19 =	vmov s31;
	v14 =	vshll.u32 v14, $0x4  }
0x22a: {  	s30 =	simm.s32 $0x2;
	vm0 =	vlt.s32 v19, v12;
	v16 =	vshll.u32 v16, $0x4;
	v14 =	vand.u32 $0xFF0, v14  }
0x22b: {  	v15 =	vmov s30;
	v19 =	vand.u32 $0xFF0, v16;
	v16 =	vor.u32 v0, v14  }
0x22c: {  	s22 =	simm.s32 $0x4;
	vm1 =	vlt.s32 v18, v12;
	s0 =	simm.s32 $0x60;
	v18 =	vand.u32 $0xFF0, v20;
	v14 =	vor.u32 v0, v19  }
.LBB2_36:
0x22d: {  	v19 =	vld [tilespmem:s0+$0x10];
	v17 =	vshll.u32 v17, $0x4;
	vm2 =	vlt.s32 v15, v12;
	v18 =	vor.u32 v0, v18;
	s23 =	smov.u32 s22;
	s22 =	sadd.s32 $0x4, s22  }
0x22e: {  	vm3 =	vlt.s32 v11, v12;
	v20 =	vld [tilespmem:s0+$0xFFFFFFF0];
	p1 =	slt.s32 s22, s20;
	v11 =	vand.u32 $0xFF0, v17  }
0x22f: {  	v21 =	vld [tilespmem:s0+$0x0];
	v22 =	vor.u32 v0, v11  }
0x230: {  	s24 =	sadd.s32 $0x1, s23;
	[tilespmem:v16+s11+$0x0] =	vst.idx.add.s32.msk vm0, v4  }
.Ltmp30:
0x231: {  	v11 =	vmov s23;
	v23 =	vmov s24;
	s24 =	sadd.s32 $0x2, s23;
	s23 =	sadd.s32 $0x3, s23;
	v17 =	vld [tilespmem:s0+$0xFFFFFFE0];
	(pc) =	sbr.rel @p1 .LBB2_36-.Ltmp30, $4  }
0x232: {  	v15 =	vmov s24;
	v16 =	vmov s23;
	v19 =	vshll.u32 v19, $0x4;
	[tilespmem:v14+s11+$0x0] =	vst.idx.add.s32.msk vm1, v4  }
0x233: {  	vm0 =	vlt.s32 v16, v12;
	v14 =	vshll.u32 v20, $0x4;
	v16 =	vand.u32 $0xFF0, v19;
	[tilespmem:v18+s11+$0x0] =	vst.idx.add.s32.msk vm2, v4  }
0x234: {  	v14 =	vand.u32 $0xFF0, v14;
	v18 =	vshll.u32 v21, $0x4;
	v16 =	vor.u32 v0, v16;
	[tilespmem:v22+s11+$0x0] =	vst.idx.add.s32.msk vm3, v4  }
0x235: {  	s0 =	sadd.s32 $0x40, s0;
	vm1 =	vlt.s32 v23, v12;
	v14 =	vor.u32 v0, v14;
	v18 =	vand.u32 $0xFF0, v18  }
.LBB2_37:
0x236: {  	_ = 	snop  }
0x237: {  	v17 =	vshll.u32 v17, $0x4;
	vm2 =	vlt.s32 v15, v12  }
0x238: {  	v15 =	vor.u32 v0, v18;
	vm3 =	vlt.s32 v11, v12;
	v11 =	vand.u32 $0xFF0, v17  }
0x239: {  	v11 =	vor.u32 v0, v11;
	_ =	sdelay $0x1  }
0x23a: {  	[tilespmem:v16+s11+$0x0] =	vst.idx.add.s32.msk vm0, v4  }
0x23b: {  	[tilespmem:v14+s11+$0x0] =	vst.idx.add.s32.msk vm1, v4  }
0x23c: {  	[tilespmem:v15+s11+$0x0] =	vst.idx.add.s32.msk vm2, v4  }
0x23d: {  	[tilespmem:v11+s11+$0x0] =	vst.idx.add.s32.msk vm3, v4  }
.LBB2_38:
0x23e: {  	p1 =	slt.s32 s20, s19  }
.Ltmp31:
0x23f: {  	_ = 	snop;
	(pc) =	sbr.rel @!p1 .LBB2_39-.Ltmp31, $4  }
0x240: {  	_ = 	snop  }
0x241: {  	s0 =	ssub.s32 s19, s20  }
0x242: {  	s22 =	sshll.u32 s21, $0x6;
	s23 =	sshll.u32 s0, $0x6  }
0x243: {  	s21 =	ssub.s32 $0x0, s0;
	s22 =	ssub.s32 s22, s23  }
0x244: {  	s0 =	ssub.s32 $0x0, s0;
	s23 =	sshra.s32 s22, $0x2  }
.LBB2_88:
0x245: {  	v11 =	vld [tilespmem:s23+$0x0];
	_ =	sdelay $0x3  }
0x246: {  	s24 =	sadd.s32 s0, s19  }
0x247: {  	v14 =	vmov s24;
	v11 =	vshll.u32 v11, $0x4  }
0x248: {  	s0 =	sadd.s32 $0x1, s0;
	vm0 =	vlt.s32 v14, v12;
	v11 =	vand.u32 $0xFF0, v11  }
0x249: {  	p1 =	seq.s32 s0, $0x0;
	v11 =	vor.u32 v0, v11  }
.Ltmp32:
0x24a: {  	_ = 	snop;
	(pc) =	sbr.rel @!p1 .LBB2_88-.Ltmp32, $2  }
0x24b: {  	_ =	sdelay $0x2  }
0x24c: {  	s23 =	sadd.s32 $0x10, s23;
	[tilespmem:v11+s11+$0x0] =	vst.idx.add.s32.msk vm0, v4  }
.LBB2_39:
0x24d: {  	s23 =	simm.s32 $0x12FF0  }
0x24e: {  	v11 =	vld [tilespmem:s23+$0x0]  }
0x24f: {  	v15 =	vld [tilespmem:s23+$0xFFFFFFF0];
	_ =	sdelay $0x1  }
0x250: {  	v16 =	vld [tilespmem:s23+$0xFFFFFFE0]  }
0x251: {  	v14 =	vimm.s32 $0x0;
	s25 =	simm.s32 $0x12FB0;
	v17 =	vld [tilespmem:s23+$0xFFFFFFD0]  }
0x252: {  	v18 =	vld [tilespmem:s25+$0x0];
	v11 =	vadd.s32 v14, v11  }
0x253: {  	v20 =	vld [tilespmem:s25+$0xFFFFFFF0];
	vm3 =	vlt.s32 v14, v13;
	v19 =	vadd.s32 v11, v15  }
0x254: {  	[tilespmem:s23+$0x0] =	vst v1;
	vm1 =	vge.s32 v11, v13;
	vm2 =	vlt.s32 v11, v13;
	vm0 =	vlt.s32 v19, v13  }
0x255: {  	s24 =	simm.s32 $0xFF;
	[tilespmem:s23+$0xFFFFFFE0] =	vst v1;
	v15 =	vadd.s32 v19, v16;
	vm1 =	vmand vm3, vm1;
	vm3 =	vge.s32 v19, v13  }
0x256: {  	s0 =	simm.s32 $0xFE;
	[tilespmem:s25+$0x0] =	vst v1;
	v11 =	vld [tilespmem:s25+$0xFFFFFFE0];
	v14 =	vsel vm1, s24, v14;
	vm1 =	vmand vm2, vm3;
	v16 =	vadd.s32 v15, v17  }
0x257: {  	s29 =	simm.s32 $0xFD;
	s28 =	simm.s32 $0xFB;
	s26 =	simm.s32 $0xF9;
	[tilespmem:s23+$0xFFFFFFF0] =	vst v1;
	vm3 =	vlt.s32 v15, v13;
	v19 =	vadd.s32 v16, v18;
	v17 =	vsel vm1, s0, v14  }
0x258: {  	s30 =	simm.s32 $0x4;
	s31 =	simm.s32 $0xF7;
	[tilespmem:s25+$0xFFFFFFE0] =	vst v1;
	vm2 =	vge.s32 v16, v13;
	v14 =	vld [tilespmem:s25+$0xFFFFFFD0];
	s0 =	simm.s32 $0x12F70;
	vm1 =	vge.s32 v19, v13;
	v18 =	vadd.s32 v19, v20  }
.LBB2_40:
0x259: {  	v20 =	vld [tilespmem:s0+$0x0];
	s1 =	sadd.s32 $0xFFFFFFFE, s31;
	s30 =	sadd.s32 $0x4, s30;
	vm4 =	vge.s32 v15, v13;
	[tilespmem:s23+$0xFFFFFFD0] =	vst v1;
	vm5 =	vmmov vm0;
	vm0 =	vlt.s32 v18, v13;
	s23 =	smov.u32 s25  }
0x25a: {  	vm6 =	vlt.s32 v19, v13;
	s25 =	sadd.s32 $0xFFFFFFFD, s24;
	vm2 =	vmand vm3, vm2;
	s24 =	smov.u32 s28;
	[tilespmem:s0+$0x0] =	vst v1;
	v21 =	vld [tilespmem:s0+$0xFFFFFFF0];
	p1 =	slt.u32 s30, $0xFC;
	vm4 =	vmand vm5, vm4  }
.Ltmp33:
0x25b: {  	vm3 =	vlt.s32 v16, v13;
	v15 =	vadd.s32 v18, v11;
	v11 =	vsel vm4, s29, v17;
	s29 =	smov.u32 s26;
	s26 =	smov.u32 s1;
	(pc) =	sbr.rel @p1 .LBB2_40-.Ltmp33, $4  }
0x25c: {  	s28 =	smov.u32 s31;
	vm1 =	vmand vm3, vm1;
	vm3 =	vge.s32 v18, v13;
	v16 =	vsel vm2, s25, v11;
	s25 =	smov.u32 s0  }
0x25d: {  	s1 =	sadd.s32 $0xFFFFFFFF, s24;
	v11 =	vld [tilespmem:s0+$0xFFFFFFE0];
	v17 =	vsel vm1, s24, v16;
	vm1 =	vmand vm6, vm3;
	v16 =	vadd.s32 v15, v14  }
0x25e: {  	v19 =	vadd.s32 v16, v20;
	[tilespmem:s0+$0xFFFFFFE0] =	vst v1;
	v17 =	vsel vm1, s1, v17;
	vm2 =	vge.s32 v16, v13  }
0x25f: {  	s31 =	sadd.s32 $0xFFFFFFFC, s31;
	vm3 =	vlt.s32 v15, v13;
	s0 =	sadd.s32 $0xFFFFFFC0, s0;
	vm1 =	vge.s32 v19, v13;
	v18 =	vadd.s32 v19, v21;
	v14 =	vld [tilespmem:s25+$0xFFFFFFD0];
	[tilespmem:s23+$0xFFFFFFF0] =	vst v1  }
0x260: {  	vm4 =	vlt.s32 v18, v13;
	vm5 =	vge.s32 v15, v13;
	vm0 =	vmmov vm0  }
0x261: {  	vm6 =	vlt.s32 v19, v13;
	vm2 =	vmand vm3, vm2;
	vm7 =	vlt.s32 v16, v13  }
0x262: {  	vm9 =	vge.s32 v18, v13;
	vm0 =	vmand vm0, vm5;
	vm8 =	vmand vm7, vm1  }
0x263: {  	s0 =	sadd.s32 $0xFFFFFFFD, s24;
	vm10 =	vmand vm6, vm9;
	v11 =	vadd.s32 v18, v11;
	v15 =	vsel vm0, s29, v17  }
.Ltmp34:
0x264: {  	vm12 =	vmmov vm4;
	v15 =	vsel vm2, s0, v15;
	vm11 =	vge.s32 v11, v13;
	(pc) =	sbr.rel @p0 .LBB2_42-.Ltmp34, $4  }
0x265: {  	s30 =	sadd.s32 $0xFFFFFFFF, s28;
	vm14 =	vlt.s32 v11, v13;
	v15 =	vsel vm8, s28, v15;
	v14 =	vadd.s32 v11, v14  }
0x266: {  	[tilespmem:s23+$0xFFFFFFD0] =	vst v1;
	vm0 =	vmand vm12, vm11;
	v15 =	vsel vm10, s30, v15;
	vm13 =	vge.s32 v14, v13  }
0x267: {  	[tilespmem:s25+$0xFFFFFFF0] =	vst v1;
	s31 =	sadd.s32 $0xFFFFFFFD, s28;
	vm15 =	vmand vm14, vm13;
	v11 =	vsel vm0, s26, v15  }
0x268: {  	[tilespmem:s25+$0xFFFFFFD0] =	vst v1;
	v11 =	vsel vm15, s31, v11  }
0x269: {  	s23 =	simm.s32 $0x20  }
0x26a: {  	v16 =	vld [tilespmem:s23+$0x10]  }
0x26b: {  	v15 =	vld [tilespmem:s23+$0x0]  }
0x26c: {  	v13 =	vld [tilespmem:s23+$0xFFFFFFF0]  }
0x26d: {  	v14 =	vld [tilespmem:s23+$0xFFFFFFE0]  }
0x26e: {  	s0 =	simm.s32 $0x0;
	v17 =	vimm.s32 $0x0;
	v18 =	vadd.s32 $0x1000, v8;
	s1 =	simm.s32 $0x2;
	s24 =	simm.s32 $0x3  }
0x26f: {  	s31 =	simm.s32 $0x1;
	v19 =	vmov s0;
	v20 =	vmov s1;
	v21 =	vmov s24  }
0x270: {  	vm7 =	vlt.s32 v19, v12;
	v19 =	vmov s31;
	vm3 =	vlt.s32 v21, v12  }
0x271: {  	vm6 =	vlt.s32 v20, v12;
	vm5 =	vlt.s32 v19, v12;
	v19 =	vand.u32 $0xFF, v16  }
0x272: {  	v20 =	vand.u32 $0xFF, v14;
	v21 =	vand.u32 $0xFF, v13;
	v22 =	vand.u32 $0xFF, v15  }
0x273: {  	vm2 =	veq.s32 v22, v11;
	vm4 =	vgt.s32 v19, v11;
	vm0 =	veq.s32 v19, v11  }
0x274: {  	vm8 =	veq.s32 v20, v11;
	vm1 =	veq.s32 v21, v11;
	vm9 =	vgt.s32 v22, v11  }
0x275: {  	vm10 =	vgt.s32 v20, v11;
	vm11 =	vgt.s32 v21, v11;
	vm0 =	vmand vm3, vm0  }
0x276: {  	vm1 =	vmand vm5, vm1;
	vm2 =	vmand vm6, vm2;
	vm3 =	vmand vm3, vm4  }
0x277: {  	vm4 =	vmand vm7, vm8;
	vm5 =	vmand vm5, vm11;
	vm6 =	vmand vm6, vm9  }
0x278: {  	p0 =	sgt.s32 s20, $0x4;
	vm7 =	vmand vm7, vm10;
	v19 =	vsel vm2, $0x1, v1;
	v26 =	vsel vm3, $0x1, v1  }
.Ltmp35:
0x279: {  	v20 =	vsel vm7, $0x1, v1;
	v22 =	vsel vm4, $0x1, v1;
	v24 =	vsel vm1, $0x1, v1;
	(pc) =	sbr.rel @!p0 .LBB2_91-.Ltmp35, $4  }
0x27a: {  	v21 =	vadd.s32 v20, v8;
	v20 =	vadd.s32 v22, v17;
	v8 =	vsel vm5, $0x1, v1  }
0x27b: {  	v23 =	vadd.s32 v8, v21;
	v22 =	vadd.s32 v24, v20;
	v8 =	vsel vm6, $0x1, v1  }
0x27c: {  	v8 =	vadd.s32 v8, v23;
	v24 =	vadd.s32 v19, v22;
	v19 =	vsel vm0, $0x1, v1  }
0x27d: {  	s24 =	simm.s32 $0x4;
	v25 =	vadd.s32 $0x1000, v8;
	v8 =	vadd.s32 v26, v8;
	v19 =	vadd.s32 v19, v24  }
.LBB2_90:
0x27e: {  	v26 =	vadd.s32 $0x1000, v8;
	v21 =	vadd.s32 $0x1000, v21;
	v23 =	vadd.s32 $0x1000, v23;
	s0 =	smov.u32 s24  }
0x27f: {  	s24 =	sadd.s32 $0x4, s24;
	s23 =	sadd.s32 $0x40, s23;
	v20 =	vsel vm5, v21, v20;
	v21 =	vsel vm6, v23, v22;
	v22 =	vsel vm3, v25, v24  }
0x280: {  	p0 =	slt.s32 s24, s20;
	v24 =	vsel vm7, v18, v17;
	v18 =	vmovc v26;
	v17 =	vmovc v19;
	v23 =	vld [tilespmem:s23+$0x10];
	v21 =	vshll.u32 v21, $0x4;
	v22 =	vshll.u32 v22, $0x4  }
0x281: {  	v24 =	vshll.u32 v24, $0x4;
	v20 =	vshll.u32 v20, $0x4;
	v25 =	vld [tilespmem:s23+$0x0];
	v22 =	vor.u32 v0, v22  }
0x282: {  	v24 =	vor.u32 v0, v24;
	v20 =	vor.u32 v0, v20;
	v21 =	vor.u32 v0, v21;
	v26 =	vld [tilespmem:s23+$0xFFFFFFF0]  }
0x283: {  	vm8 =	vmor vm7, vm4;
	vm4 =	vmor vm6, vm2;
	vm7 =	vmor vm5, vm1;
	v27 =	vld [tilespmem:s23+$0xFFFFFFE0]  }
0x284: {  	s1 =	sadd.s32 $0x2, s0;
	s25 =	sadd.s32 $0x3, s0;
	vm1 =	vmor vm3, vm0  }
0x285: {  	v28 =	vmov s0;
	s0 =	sadd.s32 $0x1, s0;
	v29 =	vmov s1;
	v30 =	vmov s25  }
0x286: {  	vm9 =	vlt.s32 v28, v12;
	v28 =	vmov s0;
	vm3 =	vlt.s32 v30, v12  }
0x287: {  	vm5 =	vlt.s32 v28, v12;
	vm6 =	vlt.s32 v29, v12;
	v28 =	vand.u32 $0xFF, v23  }
0x288: {  	v31 =	vand.u32 $0xFF, v25;
	v30 =	vand.u32 $0xFF, v26;
	v29 =	vand.u32 $0xFF, v27  }
0x289: {  	vm10 =	vgt.s32 v28, v11;
	vm0 =	veq.s32 v28, v11;
	vm2 =	veq.s32 v31, v11  }
0x28a: {  	vm13 =	vgt.s32 v31, v11;
	vm12 =	veq.s32 v30, v11;
	vm11 =	veq.s32 v29, v11  }
0x28b: {  	vm0 =	vmand vm3, vm0;
	vm15 =	vgt.s32 v30, v11;
	vm14 =	vgt.s32 v29, v11;
	[tilespmem:v22+s2+$0x0] =	vst.idx.msk vm1, v16  }
0x28c: {  	vm3 =	vmand vm3, vm10;
	vm2 =	vmand vm6, vm2;
	vm1 =	vmand vm5, vm12;
	v16 =	vmovc v23;
	[tilespmem:v21+s2+$0x0] =	vst.idx.msk vm4, v15;
	v15 =	vmovc v25  }
0x28d: {  	vm6 =	vmand vm6, vm13;
	vm5 =	vmand vm5, vm15;
	vm4 =	vmand vm9, vm11;
	[tilespmem:v20+s2+$0x0] =	vst.idx.msk vm7, v13;
	v13 =	vmovc v26  }
0x28e: {  	v25 =	vsel vm2, $0x1, v1;
	vm7 =	vmand vm9, vm14;
	v26 =	vsel vm3, $0x1, v1;
	[tilespmem:v24+s2+$0x0] =	vst.idx.msk vm8, v14;
	v14 =	vmovc v27  }
.Ltmp36:
0x28f: {  	v22 =	vsel vm4, $0x1, v1;
	v20 =	vsel vm7, $0x1, v1;
	v24 =	vsel vm1, $0x1, v1;
	(pc) =	sbr.rel @p0 .LBB2_90-.Ltmp36, $4  }
0x290: {  	v21 =	vadd.s32 v20, v8;
	v20 =	vadd.s32 v22, v19;
	v8 =	vsel vm5, $0x1, v1  }
0x291: {  	v23 =	vadd.s32 v8, v21;
	v22 =	vadd.s32 v24, v20;
	v8 =	vsel vm6, $0x1, v1  }
0x292: {  	v19 =	vsel vm0, $0x1, v1;
	v8 =	vadd.s32 v8, v23;
	v24 =	vadd.s32 v25, v22  }
0x293: {  	v25 =	vadd.s32 $0x1000, v8;
	v8 =	vadd.s32 v26, v8;
	v19 =	vadd.s32 v19, v24  }
.LBB2_91:
0x294: {  	v21 =	vadd.s32 $0x1000, v21;
	v23 =	vadd.s32 $0x1000, v23  }
0x295: {  	v63 =	vsel vm3, v25, v24;
	v17 =	vsel vm7, v18, v17;
	vm0 =	vmor vm3, vm0  }
0x296: {  	vm2 =	vmor vm6, vm2;
	vm15 =	vmor vm7, vm4;
	v18 =	vshll.u32 v63, $0x4  }
0x297: {  	v62 =	vsel vm6, v23, v22;
	v17 =	vshll.u32 v17, $0x4;
	v18 =	vor.u32 v0, v18  }
0x298: {  	v20 =	vsel vm5, v21, v20;
	v21 =	vshll.u32 v62, $0x4;
	v17 =	vor.u32 v0, v17  }
0x299: {  	vm1 =	vmor vm5, vm1;
	v20 =	vshll.u32 v20, $0x4;
	v21 =	vor.u32 v0, v21  }
0x29a: {  	v20 =	vor.u32 v0, v20  }
.Ltmp37:
0x29b: {  	_ = 	snop;
	(pc) =	sbr.rel .LBB2_43-.Ltmp37, $4  }
0x29c: {  	[tilespmem:v18+s2+$0x0] =	vst.idx.msk vm0, v16  }
0x29d: {  	[tilespmem:v17+s2+$0x0] =	vst.idx.msk vm15, v14  }
0x29e: {  	[tilespmem:v21+s2+$0x0] =	vst.idx.msk vm2, v15  }
0x29f: {  	[tilespmem:v20+s2+$0x0] =	vst.idx.msk vm1, v13  }
.LBB2_42:
0x2a0: {  	v19 =	vimm.s32 $0x0  }
.LBB2_43:
0x2a1: {  	p0 =	sge.s32 s20, s19  }
.Ltmp38:
0x2a2: {  	_ = 	snop;
	(pc) =	sbr.rel @p0 .LBB2_46-.Ltmp38, $1  }
0x2a3: {  	_ =	sdelay $0x3  }
0x2a4: {  	s0 =	sshra.s32 s22, $0x2  }
.LBB2_45:
0x2a5: {  	v13 =	vld [tilespmem:s0+$0x0];
	_ =	sdelay $0x3  }
0x2a6: {  	s1 =	sadd.s32 s21, s19  }
0x2a7: {  	v15 =	vmov s1;
	v14 =	vand.u32 $0xFF, v13  }
0x2a8: {  	vm0 =	vlt.s32 v15, v12;
	vm1 =	vgt.s32 v14, v11  }
0x2a9: {  	vm2 =	veq.s32 v14, v11;
	v14 =	vadd.s32 $0x1000, v8;
	vm1 =	vmand vm0, vm1  }
0x2aa: {  	vm0 =	vmand vm0, vm2;
	v14 =	vsel vm1, v14, v19  }
0x2ab: {  	s21 =	sadd.s32 $0x1, s21;
	vm2 =	vmor vm1, vm0;
	v14 =	vshll.u32 v14, $0x4  }
0x2ac: {  	p0 =	seq.s32 s21, $0x0;
	v14 =	vor.u32 v0, v14  }
.Ltmp39:
0x2ad: {  	_ = 	snop;
	(pc) =	sbr.rel @!p0 .LBB2_45-.Ltmp39, $3  }
0x2ae: {  	_ =	sdelay $0x1  }
0x2af: {  	v15 =	vsel vm1, $0x1, v1;
	v16 =	vsel vm0, $0x1, v1  }
0x2b0: {  	s0 =	sadd.s32 $0x10, s0;
	v8 =	vadd.s32 v15, v8;
	v19 =	vadd.s32 v16, v19;
	[tilespmem:v14+s2+$0x0] =	vst.idx.msk vm2, v13  }
.LBB2_46:
0x2b1: {  	v12 =	vxor.u32 $0x80000000, v8  }
0x2b2: {  	(xrf0) =	vmin.scan.msk.u32 $0xffff, v12;
	_ =	sdelay $0x5  }
0x2b3: {  	v12, _, _ =	vpop (xrf0)  }
0x2b4: {  	(v2sf) =	vpush v12, $0xF;
	_ =	sdelay $0xe  }
0x2b5: {  	s0 =	spop (v2sf)  }
0x2b6: {  	s0 =	sxor.u32 $0x80000000, s0  }
0x2b7: {  	p0 =	sgt.s32 s0, $0x1FF  }
.Ltmp40:
0x2b8: {  	_ = 	snop;
	(pc) =	sbr.rel @p0 .LBB2_50-.Ltmp40, $1  }
0x2b9: {  	_ =	sdelay $0x3  }
0x2ba: {  	p0 =	sne.s32 s0, $0x1FF  }
.Ltmp41:
0x2bb: {  	v7 =	vshll.u32 v7, $0x18;
	v9 =	vshll.u32 v9, $0x10;
	(pc) =	sbr.rel @!p0 .LBB2_49-.Ltmp41, $4  }
0x2bc: {  	v7 =	vadd.s32 v7, v9;
	v9 =	vshll.u32 v10, $0x8  }
0x2bd: {  	v10 =	vmov s0;
	v7 =	vadd.s32 v9, v7;
	v9 =	vor.u32 $0x10000, v0  }
0x2be: {  	vm0 =	vge.s32 v10, v8;
	v7 =	vadd.s32 v11, v7;
	v11 =	vshll.u32 v10, $0x4  }
0x2bf: {  	s0 =	sadd.s32 $0x1, s0;
	v7 =	vxor.u32 $0x80000000, v7;
	v10 =	vadd.s32 v9, v11  }
.LBB2_48:
0x2c0: {  	p0 =	sne.s32 s0, $0x1FF  }
.Ltmp42:
0x2c1: {  	_ = 	snop;
	(pc) =	sbr.rel @p0 .LBB2_48-.Ltmp42, $4  }
0x2c2: {  	_ = 	snop  }
0x2c3: {  	v11 =	vmov s0;
	s0 =	sadd.s32 $0x1, s0  }
0x2c4: {  	v12 =	vshll.u32 v11, $0x4;
	[tilespmem:v10+s2+$0x0] =	vst.idx.msk vm0, v7;
	vm0 =	vge.s32 v11, v8  }
0x2c5: {  	v10 =	vadd.s32 v9, v12  }
.LBB2_49:
0x2c6: {  	_ =	sdelay $0x4  }
0x2c7: {  	[tilespmem:v10+s2+$0x0] =	vst.idx.msk vm0, v7  }
.LBB2_50:
0x2c8: {  	s17 =	sadd.s32 $0x1, s17  }
0x2c9: {  	p0 =	slt.s32 s17, $0x7;
	s0 =	smov.u32 s17  }
0x2ca: {  	s0 =	simm.s32 @!p0 $0x7  }
0x2cb: {  	s0 =	sor.u32 s5, s0  }
0x2cc: {  	s0 =	sshll.u32 s0, $0x1  }
0x2cd: {  	s31 =	simm.s32 $0x10070;
	s0 =	sadd.s32 s0, s3  }
0x2ce: {  	[tilespmem:s2], [sflag:$0x1] =	stream.strided.gather [hbm4b:s0+s8], $0x10000, s9, s8, $0x38;
	[tilespmem:$0x17000] =	vst v63  }
0x2cf: {  	v7 =	vld [tilespmem:s31+$0x0]  }
0x2d0: {  	v8 =	vld [tilespmem:s31+$0xFFFFFFA0]  }
0x2d1: {  	v9 =	vld [tilespmem:s31+$0xFFFFFFB0]  }
0x2d2: {  	v10 =	vld [tilespmem:s31+$0xFFFFFFC0];
	_ =	sdelay $0x1  }
0x2d3: {  	v11 =	vld [tilespmem:s31+$0xFFFFFFD0];
	v7 =	vshll.u32 v7, $0x4  }
0x2d4: {  	v12 =	vld [tilespmem:s31+$0xFFFFFFE0];
	v8 =	vshll.u32 v8, $0x4;
	v7 =	vand.u32 $0xFF0, v7  }
0x2d5: {  	v15 =	vld [tilespmem:s31+$0xFFFFFF90];
	v9 =	vshll.u32 v9, $0x4;
	v8 =	vand.u32 $0xFF0, v8;
	v14 =	vor.u32 v0, v7  }
0x2d6: {  	v13 =	vld [tilespmem:s31+$0xFFFFFFF0];
	v8 =	vor.u32 v0, v8;
	v7 =	vand.u32 $0xFF0, v9;
	v9 =	vshll.u32 v10, $0x4  }
0x2d7: {  	v10 =	vor.u32 v0, v7;
	v7 =	vand.u32 $0xFF0, v9  }
0x2d8: {  	v16 =	vor.u32 v0, v7  }
0x2d9: {  	v9 =	vshll.u32 v11, $0x4  }
0x2da: {  	v63 =	vshll.u32 v15, $0x4;
	v7 =	vand.u32 $0xFF0, v9;
	v9 =	vshll.u32 v12, $0x4;
	[tilespmem:v14+s11+$0x0] =	vst.idx.add.s32.msk $0xffff, v4  }
0x2db: {  	v11 =	vshll.u32 v13, $0x4;
	v7 =	vor.u32 v0, v7;
	v9 =	vand.u32 $0xFF0, v9;
	[tilespmem:v8+s11+$0x0] =	vst.idx.add.s32.msk $0xffff, v4  }
0x2dc: {  	v8 =	vor.u32 v0, v9;
	v9 =	vand.u32 $0xFF0, v11;
	v11 =	vand.u32 $0xFF0, v63;
	[tilespmem:v10+s11+$0x0] =	vst.idx.add.s32.msk $0xffff, v4  }
0x2dd: {  	s20 =	simm.s32 $0x0;
	s19 =	simm.s32 $0x14FF0;
	s21 =	simm.s32 $0x100F0;
	v9 =	vor.u32 v0, v9;
	v11 =	vor.u32 v0, v11;
	[tilespmem:v16+s11+$0x0] =	vst.idx.add.s32.msk $0xffff, v4  }
.LBB2_51:
0x2de: {  	v10 =	vld [tilespmem:s21+$0x0];
	s20 =	sadd.s32 $0x8, s20  }
0x2df: {  	v12 =	vld [tilespmem:s21+$0xFFFFFFA0];
	p0 =	slt.u32 s20, $0x1F8  }
0x2e0: {  	v13 =	vld [tilespmem:s21+$0xFFFFFFB0]  }
0x2e1: {  	v14 =	vld [tilespmem:s21+$0xFFFFFFC0]  }
0x2e2: {  	v15 =	vld [tilespmem:s21+$0xFFFFFFD0]  }
0x2e3: {  	v16 =	vld [tilespmem:s21+$0xFFFFFFE0];
	v10 =	vshll.u32 v10, $0x4  }
0x2e4: {  	v12 =	vshll.u32 v12, $0x4;
	v17 =	vld [tilespmem:s21+$0xFFFFFFF0];
	v18 =	vand.u32 $0xFF0, v10;
	v10 =	vimm.s32 $0x0  }
0x2e5: {  	v19 =	vld [tilespmem:s21+$0xFFFFFF90];
	v12 =	vand.u32 $0xFF0, v12;
	v13 =	vshll.u32 v13, $0x4;
	v18 =	vor.u32 v0, v18  }
0x2e6: {  	v12 =	vor.u32 v0, v12;
	v13 =	vand.u32 $0xFF0, v13;
	v14 =	vshll.u32 v14, $0x4;
	[tilespmem:v11+s11+$0x0] =	vst.idx.add.s32.msk $0xffff, v4  }
0x2e7: {  	v13 =	vor.u32 v0, v13;
	v11 =	vand.u32 $0xFF0, v14;
	v14 =	vshll.u32 v15, $0x4;
	[tilespmem:v7+s11+$0x0] =	vst.idx.add.s32.msk $0xffff, v4  }
0x2e8: {  	v15 =	vor.u32 v0, v11;
	v7 =	vand.u32 $0xFF0, v14;
	v11 =	vshll.u32 v16, $0x4;
	[tilespmem:v8+s11+$0x0] =	vst.idx.add.s32.msk $0xffff, v4  }
.Ltmp43:
0x2e9: {  	v7 =	vor.u32 v0, v7;
	v8 =	vand.u32 $0xFF0, v11;
	v11 =	vshll.u32 v17, $0x4;
	[tilespmem:v9+s11+$0x0] =	vst.idx.add.s32.msk $0xffff, v4;
	(pc) =	sbr.rel @p0 .LBB2_51-.Ltmp43, $4  }
0x2ea: {  	s0 =	simm.s32 $0x12FF0;
	v9 =	vshll.u32 v19, $0x4;
	v8 =	vor.u32 v0, v8;
	v11 =	vand.u32 $0xFF0, v11;
	[tilespmem:v18+s11+$0x0] =	vst.idx.add.s32.msk $0xffff, v4  }
0x2eb: {  	v14 =	vand.u32 $0xFF0, v9;
	[tilespmem:v12+s11+$0x0] =	vst.idx.add.s32.msk $0xffff, v4;
	v9 =	vor.u32 v0, v11  }
0x2ec: {  	v11 =	vor.u32 v0, v14;
	[tilespmem:v13+s11+$0x0] =	vst.idx.add.s32.msk $0xffff, v4  }
0x2ed: {  	s21 =	sadd.s32 $0x80, s21;
	[tilespmem:v15+s11+$0x0] =	vst.idx.add.s32.msk $0xffff, v4  }
0x2ee: {  	_ =	sdelay $0x3  }
0x2ef: {  	[tilespmem:v11+s11+$0x0] =	vst.idx.add.s32.msk $0xffff, v4  }
0x2f0: {  	[tilespmem:v7+s11+$0x0] =	vst.idx.add.s32.msk $0xffff, v4  }
0x2f1: {  	[tilespmem:v8+s11+$0x0] =	vst.idx.add.s32.msk $0xffff, v4  }
0x2f2: {  	[tilespmem:v9+s11+$0x0] =	vst.idx.add.s32.msk $0xffff, v4  }
0x2f3: {  	v8 =	vld [tilespmem:s0+$0x0]  }
0x2f4: {  	[tilespmem:s0+$0x0] =	vst v1;
	v9 =	vld [tilespmem:s0+$0xFFFFFFF0]  }
0x2f5: {  	v11 =	vld [tilespmem:s0+$0xFFFFFFE0];
	[tilespmem:s0+$0xFFFFFFE0] =	vst v1  }
0x2f6: {  	v7 =	vld [tilespmem:s0+$0xFFFFFFD0];
	[tilespmem:s0+$0xFFFFFFD0] =	vst v1  }
0x2f7: {  	[tilespmem:s0+$0xFFFFFFF0] =	vst v1  }
0x2f8: {  	[tilespmem:s19+$0x0] =	vst v10;
	v8 =	vadd.s32 v10, v8  }
0x2f9: {  	[tilespmem:s19+$0xFFFFFFF0] =	vst v8;
	v8 =	vadd.s32 v8, v9  }
0x2fa: {  	s20 =	simm.s32 $0x12FB0;
	s0 =	simm.s32 $0x0;
	[tilespmem:s19+$0xFFFFFFE0] =	vst v8;
	v8 =	vadd.s32 v8, v11  }
.LBB2_53:
0x2fb: {  	v9 =	vld [tilespmem:s20+$0x0];
	s0 =	sadd.s32 $0x4, s0;
	[tilespmem:s19+$0xFFFFFFD0] =	vst v8;
	v8 =	vadd.s32 v8, v7  }
0x2fc: {  	s19 =	sadd.s32 $0xFFFFFFC0, s19;
	[tilespmem:s20+$0x0] =	vst v1;
	v10 =	vld [tilespmem:s20+$0xFFFFFFF0];
	p0 =	slt.u32 s0, $0xFC  }
0x2fd: {  	[tilespmem:s19+$0x0] =	vst v8;
	v11 =	vld [tilespmem:s20+$0xFFFFFFE0]  }
.Ltmp44:
0x2fe: {  	[tilespmem:s20+$0xFFFFFFE0] =	vst v1;
	v7 =	vld [tilespmem:s20+$0xFFFFFFD0];
	(pc) =	sbr.rel @p0 .LBB2_53-.Ltmp44, $4  }
0x2ff: {  	[tilespmem:s20+$0xFFFFFFD0] =	vst v1  }
0x300: {  	v8 =	vadd.s32 v8, v9;
	[tilespmem:s20+$0xFFFFFFF0] =	vst v1  }
0x301: {  	[tilespmem:s19+$0xFFFFFFF0] =	vst v8;
	v8 =	vadd.s32 v8, v10  }
0x302: {  	s20 =	sadd.s32 $0xFFFFFFC0, s20;
	[tilespmem:s19+$0xFFFFFFE0] =	vst v8;
	v8 =	vadd.s32 v8, v11  }
0x303: {  	[tilespmem:s19+$0xFFFFFFD0] =	vst v8;
	s0 =	simm.s32 $0x0  }
0x304: {  	v8 =	vld [tilespmem:s0+$0x10060]  }
0x305: {  	v11 =	vld [tilespmem:s0+$0x10020]  }
0x306: {  	v16 =	vld [tilespmem:s0+$0x10010]  }
0x307: {  	v18 =	vld [tilespmem:s0+$0x10000]  }
0x308: {  	v10 =	vld [tilespmem:s0+$0x10040]  }
0x309: {  	v12 =	vld [tilespmem:s0+$0x10030]  }
0x30a: {  	v13 =	vld [tilespmem:s0+$0x10050]  }
0x30b: {  	v9 =	vld [tilespmem:s0+$0x10070];
	_ =	sdelay $0x2  }
0x30c: {  	v35 =	vand.u32 $0xFF, v8;
	v21 =	vand.u32 $0xFF, v11  }
0x30d: {  	v36 =	vand.u32 $0xFF, v16;
	v22 =	vand.u32 $0xFF, v18;
	v23 =	vand.u32 $0xFF, v10  }
0x30e: {  	v24 =	vand.u32 $0xFF, v12;
	v26 =	vand.u32 $0xFF, v13;
	v30 =	vand.u32 $0xFF, v9  }
0x30f: {  	v7 =	vshll.u32 v35, $0x4;
	v14 =	vshll.u32 v21, $0x4;
	v15 =	vshll.u32 v36, $0x4  }
0x310: {  	vm0 =	veq.s32 v21, v36;
	v19 =	vshll.u32 v22, $0x4;
	vm1 =	veq.s32 v35, v21  }
0x311: {  	vm2 =	veq.s32 v21, v22;
	vm8 =	veq.s32 v23, v22;
	vm3 =	veq.s32 v26, v21  }
0x312: {  	vm5 =	veq.s32 v30, v21;
	v20 =	vshll.u32 v26, $0x4;
	vm4 =	veq.s32 v30, v35  }
0x313: {  	vm7 =	veq.s32 v35, v22;
	vm6 =	veq.s32 v35, v26;
	vm9 =	veq.s32 v35, v36  }
0x314: {  	v7 =	vor.u32 v0, v7;
	v14 =	vor.u32 v0, v14;
	v17 =	vor.u32 v0, v15  }
0x315: {  	v38 =	vsel vm3, $0x1, v1;
	vm3 =	veq.s32 v30, v23;
	v19 =	vor.u32 v0, v19  }
0x316: {  	v32 =	vsel vm0, $0x1, v1;
	vm0 =	veq.s32 v30, v36;
	v15 =	vshll.u32 v30, $0x4  }
0x317: {  	v39 =	vsel vm2, $0x1, v1;
	vm2 =	veq.s32 v24, v21;
	v40 =	vsel vm5, $0x1, v1  }
0x318: {  	vm5 =	veq.s32 v26, v22;
	v20 =	vor.u32 v0, v20;
	v33 =	vsel vm1, $0x1, v1  }
0x319: {  	v25 =	vsel vm2, $0x1, v1;
	vm2 =	veq.s32 v36, v22;
	v15 =	vor.u32 v0, v15  }
0x31a: {  	v41 =	vsel vm5, $0x1, v1;
	vm5 =	veq.s32 v26, v23;
	v42 =	vsel vm0, $0x1, v1  }
0x31b: {  	vm0 =	veq.s32 v30, v22;
	v46 =	vsel vm3, $0x1, v1;
	vm3 =	veq.s32 v35, v23  }
0x31c: {  	v37 =	vsel vm2, $0x1, v1;
	vm2 =	veq.s32 v24, v36;
	v29 =	vsel vm5, $0x1, v1  }
0x31d: {  	vm5 =	veq.s32 v30, v26;
	v44 =	vsel vm0, $0x1, v1;
	vm0 =	veq.s32 v26, v36;
	v43 =	vld.idx.msk [tilespmem:v17+s12+$0x0], $0xffff  }
0x31e: {  	v27 =	vsel vm3, $0x1, v1;
	vm3 =	veq.s32 v23, v21;
	v28 =	vsel vm2, $0x1, v1;
	v45 =	vld.idx.msk [tilespmem:v14+s12+$0x0], $0xffff  }
0x31f: {  	vm2 =	veq.s32 v30, v24;
	v47 =	vsel vm0, $0x1, v1;
	vm0 =	veq.s32 v26, v24;
	v26 =	vld.idx.msk [tilespmem:v20+s12+$0x0], $0xffff  }
0x320: {  	v31 =	vsel vm5, $0x1, v1;
	v30 =	vshll.u32 v24, $0x4;
	vm5 =	veq.s32 v23, v24;
	v21 =	vld.idx.msk [tilespmem:v19+s12+$0x0], $0xffff  }
0x321: {  	v49 =	vsel vm2, $0x1, v1;
	v50 =	vsel vm0, $0x1, v1;
	vm0 =	veq.s32 v35, v24;
	v48 =	vld.idx.msk [tilespmem:v15+s12+$0x0], $0xffff  }
0x322: {  	vm2 =	veq.s32 v24, v22;
	v24 =	vshll.u32 v23, $0x4;
	v34 =	vsel vm0, $0x1, v1  }
0x323: {  	vm0 =	veq.s32 v23, v36;
	v23 =	vor.u32 v0, v30;
	v24 =	vor.u32 v0, v24  }
0x324: {  	v22 =	vadd.s32 v37, v43;
	v57 =	vadd.s32 v32, v45;
	v32 =	vsel vm4, $0x1, v1  }
0x325: {  	v37 =	vsel vm7, $0x1, v1;
	v58 =	vadd.s32 v47, v26;
	v61 =	vshll.u32 v21, $0x4  }
0x326: {  	v42 =	vadd.s32 v42, v48;
	v30 =	vshll.u32 v22, $0x4;
	v26 =	vadd.s32 v39, v57  }
0x327: {  	v60 =	vadd.s32 v41, v58;
	v39 =	vor.u32 v0, v61;
	v44 =	vadd.s32 v44, v42  }
0x328: {  	v36 =	vld.idx.msk [tilespmem:v7+s12+$0x0], $0xffff;
	v30 =	vor.u32 v0, v30;
	v42 =	vsel vm0, $0x1, v1;
	v62 =	vadd.s32 v40, v44  }
0x329: {  	v59 =	vshll.u32 v26, $0x4;
	v35 =	vadd.s32 v38, v60;
	v40 =	vld.idx.msk [tilespmem:v23+s12+$0x0], $0xffff;
	v63 =	vadd.s32 v49, v62  }
0x32a: {  	s19 =	simm.s32 $0x200;
	v41 =	vld.idx.msk [tilespmem:v24+s12+$0x0], $0xffff;
	v43 =	vadd.s32 v50, v35;
	v38 =	vor.u32 v0, v59;
	v35 =	vadd.s32 v46, v63  }
.LBB2_55:
0x32b: {  	_ =	sdelay $0x1  }
0x32c: {  	v44 =	vsel vm8, $0x1, v1;
	v45 =	vsel vm3, $0x1, v1  }
0x32d: {  	v46 =	vsel vm5, $0x1, v1;
	v47 =	vsel vm2, $0x1, v1;
	v28 =	vadd.s32 v28, v40  }
0x32e: {  	v60 =	vsel vm9, $0x1, v1;
	[tilespmem:v39+s13+$0x0] =	vst.idx.msk $0xffff, v18;
	v59 =	vadd.s32 v42, v41;
	v28 =	vadd.s32 v47, v28  }
0x32f: {  	v18 =	vadd.s32 v25, v28;
	v25 =	vadd.s32 v44, v59;
	v28 =	vadd.s32 v60, v36  }
0x330: {  	[tilespmem:v30+s13+$0x0] =	vst.idx.msk $0xffff, v16;
	v25 =	vadd.s32 v45, v25;
	v28 =	vadd.s32 v37, v28;
	v16 =	vshll.u32 v18, $0x4  }
0x331: {  	v25 =	vadd.s32 v46, v25;
	v28 =	vadd.s32 v33, v28;
	v16 =	vor.u32 v0, v16  }
0x332: {  	v29 =	vadd.s32 v29, v43;
	[tilespmem:v38+s13+$0x0] =	vst.idx.msk $0xffff, v11;
	v28 =	vadd.s32 v34, v28;
	v11 =	vshll.u32 v25, $0x4  }
0x333: {  	v30 =	vsel vm6, $0x1, v1;
	v27 =	vadd.s32 v27, v28;
	v11 =	vor.u32 v0, v11  }
0x334: {  	v28 =	vshll.u32 v29, $0x4;
	v27 =	vadd.s32 v30, v27;
	v30 =	vadd.s32 v31, v35  }
0x335: {  	v28 =	vor.u32 v0, v28;
	v30 =	vadd.s32 v32, v30;
	v31 =	vshll.u32 v27, $0x4  }
0x336: {  	[tilespmem:v16+s13+$0x0] =	vst.idx.msk $0xffff, v12;
	v12 =	vor.u32 v0, v31;
	v16 =	vshll.u32 v30, $0x4  }
0x337: {  	v16 =	vor.u32 v0, v16;
	_ =	sdelay $0x1  }
0x338: {  	[tilespmem:v11+s13+$0x0] =	vst.idx.msk $0xffff, v10  }
0x339: {  	[tilespmem:v28+s13+$0x0] =	vst.idx.msk $0xffff, v13  }
0x33a: {  	[tilespmem:v12+s13+$0x0] =	vst.idx.msk $0xffff, v8  }
0x33b: {  	v8 =	vadd.s32 $0x1, v21;
	[tilespmem:v16+s13+$0x0] =	vst.idx.msk $0xffff, v9  }
0x33c: {  	v9 =	vadd.s32 $0x1, v22;
	[tilespmem:v19+s12+$0x0] =	vst.idx.msk $0xffff, v8  }
0x33d: {  	v8 =	vadd.s32 $0x1, v26;
	[tilespmem:v17+s12+$0x0] =	vst.idx.msk $0xffff, v9  }
0x33e: {  	v9 =	vadd.s32 $0x1, v18;
	[tilespmem:v14+s12+$0x0] =	vst.idx.msk $0xffff, v8  }
0x33f: {  	v8 =	vadd.s32 $0x1, v25;
	[tilespmem:v23+s12+$0x0] =	vst.idx.msk $0xffff, v9  }
0x340: {  	[tilespmem:v24+s12+$0x0] =	vst.idx.msk $0xffff, v8;
	v8 =	vadd.s32 $0x1, v29  }
0x341: {  	v9 =	vadd.s32 $0x1, v27;
	[tilespmem:v20+s12+$0x0] =	vst.idx.msk $0xffff, v8  }
0x342: {  	s20 =	smov.u32 s19;
	[tilespmem:v7+s12+$0x0] =	vst.idx.msk $0xffff, v9;
	v7 =	vadd.s32 $0x1, v30  }
0x343: {  	s0 =	sshra.s32 s20, $0x2;
	[tilespmem:v15+s12+$0x0] =	vst.idx.msk $0xffff, v7  }
0x344: {  	v8 =	vld [tilespmem:s0+$0x10060]  }
0x345: {  	v11 =	vld [tilespmem:s0+$0x10020]  }
0x346: {  	v16 =	vld [tilespmem:s0+$0x10010]  }
0x347: {  	v18 =	vld [tilespmem:s0+$0x10000]  }
0x348: {  	v10 =	vld [tilespmem:s0+$0x10040]  }
0x349: {  	v9 =	vld [tilespmem:s0+$0x10070]  }
0x34a: {  	v12 =	vld [tilespmem:s0+$0x10030]  }
0x34b: {  	v13 =	vld [tilespmem:s0+$0x10050];
	_ =	sdelay $0x1  }
0x34c: {  	v17 =	vimm.s32 $0x0;
	v25 =	vimm.s32 $0x0  }
0x34d: {  	v31 =	vand.u32 $0xFF, v8;
	v21 =	vand.u32 $0xFF, v11;
	v32 =	vand.u32 $0xFF, v16  }
0x34e: {  	v22 =	vand.u32 $0xFF, v18;
	v34 =	vand.u32 $0xFF, v10;
	v61 =	vand.u32 $0xFF, v12  }
0x34f: {  	v23 =	vand.u32 $0xFF, v9;
	v26 =	vand.u32 $0xFF, v13;
	v7 =	vshll.u32 v31, $0x4  }
0x350: {  	v14 =	vshll.u32 v21, $0x4;
	v15 =	vshll.u32 v32, $0x4;
	vm1 =	veq.s32 v21, v32  }
0x351: {  	v19 =	vshll.u32 v22, $0x4;
	vm5 =	veq.s32 v31, v21;
	vm2 =	veq.s32 v21, v22  }
0x352: {  	vm0 =	veq.s32 v34, v22;
	vm13 =	veq.s32 v23, v21;
	vm10 =	veq.s32 v23, v34  }
0x353: {  	v24 =	vshll.u32 v61, $0x4;
	vm12 =	veq.s32 v23, v32;
	vm15 =	veq.s32 v32, v22  }
0x354: {  	v20 =	vshll.u32 v26, $0x4;
	vm14 =	veq.s32 v61, v32;
	vm9 =	veq.s32 v23, v61  }
0x355: {  	vm3 =	veq.s32 v23, v26;
	vm11 =	veq.s32 v26, v61;
	vm7 =	veq.s32 v23, v31  }
0x356: {  	vm4 =	veq.s32 v26, v34;
	vm8 =	veq.s32 v31, v22;
	vm6 =	veq.s32 v31, v26  }
0x357: {  	v7 =	vor.u32 v0, v7;
	v17 =	vsel vm0, $0xFFFFFFFF, v17;
	vm0 =	veq.s32 v34, v32  }
0x358: {  	v14 =	vor.u32 v0, v14;
	v19 =	vor.u32 v0, v19;
	[tilespmem:$0x1FFE0] =	vst v17;
	v17 =	vimm.s32 $0x0  }
0x359: {  	v25 =	vsel vm3, $0xFFFFFFFF, v25;
	v20 =	vor.u32 v0, v20;
	v17 =	vsel vm0, $0xFFFFFFFF, v17  }
0x35a: {  	v30 =	vsel vm1, $0x1, v1;
	[tilespmem:$0x1FFF0] =	vst v17;
	v17 =	vor.u32 v0, v15;
	v15 =	vshll.u32 v23, $0x4  }
0x35b: {  	v63 =	vsel vm2, $0x1, v1;
	vm2 =	veq.s32 v61, v22;
	v15 =	vor.u32 v0, v15  }
0x35c: {  	vm1 =	veq.s32 v61, v21;
	vm3 =	veq.s32 v34, v21;
	vm0 =	veq.s32 v26, v21  }
0x35d: {  	v28 =	vsel vm15, $0x1, v1;
	v62 =	vsel vm0, $0x1, v1;
	vm0 =	veq.s32 v23, v22;
	v23 =	vld.idx.msk [tilespmem:v14+s12+$0x0], $0xffff  }
0x35e: {  	vm15 =	veq.s32 v26, v22;
	v49 =	vsel vm13, $0x1, v1;
	v29 =	vsel vm4, $0x1, v1;
	v38 =	vld.idx.msk [tilespmem:v20+s12+$0x0], $0xffff  }
0x35f: {  	v53 =	vsel vm10, $0x1, v1;
	v57 =	vsel vm9, $0x1, v1;
	v58 =	vsel vm11, $0x1, v1;
	v27 =	vld.idx.msk [tilespmem:v17+s12+$0x0], $0xffff  }
0x360: {  	v33 =	vsel vm5, $0x1, v1;
	vm5 =	veq.s32 v34, v61;
	vm9 =	veq.s32 v31, v32;
	v48 =	vld.idx.msk [tilespmem:v15+s12+$0x0], $0xffff  }
0x361: {  	[tilespmem:$0x1FFD0] =	vst v25;
	v25 =	vsel vm1, $0x1, v1;
	vm1 =	veq.s32 v26, v32;
	v50 =	vsel vm15, $0x1, v1  }
0x362: {  	v32 =	vsel vm7, $0x1, v1;
	v26 =	vshll.u32 v34, $0x4;
	v55 =	vsel vm1, $0x1, v1;
	v21 =	vld.idx.msk [tilespmem:v19+s12+$0x0], $0xffff  }
0x363: {  	v52 =	vsel vm0, $0x1, v1;
	vm0 =	veq.s32 v31, v34;
	v54 =	vadd.s32 v30, v23  }
0x364: {  	v23 =	vor.u32 v0, v24;
	v22 =	vadd.s32 v28, v27;
	v27 =	vsel vm12, $0x1, v1  }
0x365: {  	v24 =	vor.u32 v0, v26;
	v38 =	vadd.s32 v55, v38;
	v27 =	vadd.s32 v27, v48  }
0x366: {  	v56 =	vadd.s32 v52, v27;
	v27 =	vsel vm0, $0x1, v1;
	vm0 =	veq.s32 v31, v61;
	v31 =	vld [tilespmem:$0x1FFD0]  }
0x367: {  	v60 =	vshll.u32 v21, $0x4;
	v26 =	vadd.s32 v63, v54;
	v38 =	vadd.s32 v50, v38;
	v63 =	vld [tilespmem:$0x1FFF0]  }
0x368: {  	p0 =	sne.s32 s19, $0x7E00;
	v39 =	vor.u32 v0, v60;
	v59 =	vshll.u32 v26, $0x4;
	v37 =	vadd.s32 v62, v38;
	v62 =	vld [tilespmem:$0x1FFE0]  }
.Ltmp45:
0x369: {  	v28 =	vsel vm14, $0x1, v1;
	v43 =	vadd.s32 v58, v37;
	v51 =	vshll.u32 v22, $0x4;
	(pc) =	sbr.rel @p0 .LBB2_55-.Ltmp45, $4  }
0x36a: {  	v37 =	vsel vm8, $0x1, v1;
	v38 =	vor.u32 v0, v59;
	v30 =	vor.u32 v0, v51  }
0x36b: {  	v36 =	vld.idx.msk [tilespmem:v7+s12+$0x0], $0xffff;
	v61 =	vadd.s32 v49, v56;
	v34 =	vsel vm0, $0x1, v1;
	vm0 =	vnez.u8 v31  }
0x36c: {  	v40 =	vld.idx.msk [tilespmem:v23+s12+$0x0], $0xffff;
	v35 =	vadd.s32 v57, v61;
	v31 =	vsel vm0, $0x1, v1;
	vm0 =	vnez.u8 v63  }
0x36d: {  	s19 =	sadd.s32 $0x200, s19;
	v41 =	vld.idx.msk [tilespmem:v24+s12+$0x0], $0xffff;
	vm8 =	vnez.u8 v62;
	v35 =	vadd.s32 v53, v35;
	v42 =	vsel vm0, $0x1, v1  }
0x36e: {  	_ = 	snop  }
0x36f: {  	v44 =	vsel vm8, $0x1, v1;
	v45 =	vsel vm3, $0x1, v1  }
0x370: {  	v46 =	vsel vm5, $0x1, v1;
	v47 =	vsel vm2, $0x1, v1;
	v29 =	vadd.s32 v29, v43  }
0x371: {  	v49 =	vsel vm9, $0x1, v1;
	v54 =	vsel vm6, $0x1, v1;
	v31 =	vadd.s32 v31, v35  }
0x372: {  	v36 =	vadd.s32 v49, v36;
	v28 =	vadd.s32 v28, v40;
	v48 =	vadd.s32 v42, v41  }
0x373: {  	v36 =	vadd.s32 v37, v36;
	v28 =	vadd.s32 v47, v28;
	v40 =	vadd.s32 v44, v48  }
0x374: {  	v33 =	vadd.s32 v33, v36;
	v25 =	vadd.s32 v25, v28;
	v50 =	vadd.s32 v45, v40  }
0x375: {  	v33 =	vadd.s32 v34, v33;
	v51 =	vshll.u32 v25, $0x4;
	v28 =	vadd.s32 v46, v50  }
0x376: {  	v27 =	vadd.s32 v27, v33;
	v52 =	vor.u32 v0, v51;
	v53 =	vshll.u32 v28, $0x4  }
0x377: {  	v56 =	vshll.u32 v29, $0x4;
	v27 =	vadd.s32 v54, v27;
	v55 =	vor.u32 v0, v53  }
0x378: {  	[tilespmem:v39+s13+$0x0] =	vst.idx.msk $0xffff, v18;
	v31 =	vadd.s32 v32, v31;
	v57 =	vor.u32 v0, v56;
	v58 =	vshll.u32 v27, $0x4  }
0x379: {  	[tilespmem:v30+s13+$0x0] =	vst.idx.msk $0xffff, v16;
	v60 =	vshll.u32 v31, $0x4;
	v59 =	vor.u32 v0, v58  }
0x37a: {  	[tilespmem:v38+s13+$0x0] =	vst.idx.msk $0xffff, v11;
	v11 =	vor.u32 v0, v60  }
0x37b: {  	[tilespmem:v52+s13+$0x0] =	vst.idx.msk $0xffff, v12  }
0x37c: {  	[tilespmem:v55+s13+$0x0] =	vst.idx.msk $0xffff, v10  }
0x37d: {  	[tilespmem:v57+s13+$0x0] =	vst.idx.msk $0xffff, v13  }
0x37e: {  	[tilespmem:v59+s13+$0x0] =	vst.idx.msk $0xffff, v8  }
0x37f: {  	v8 =	vadd.s32 $0x1, v21;
	[tilespmem:v11+s13+$0x0] =	vst.idx.msk $0xffff, v9  }
0x380: {  	v9 =	vadd.s32 $0x1, v22;
	[tilespmem:v19+s12+$0x0] =	vst.idx.msk $0xffff, v8  }
0x381: {  	v8 =	vadd.s32 $0x1, v26;
	[tilespmem:v17+s12+$0x0] =	vst.idx.msk $0xffff, v9  }
0x382: {  	v9 =	vadd.s32 $0x1, v25;
	[tilespmem:v14+s12+$0x0] =	vst.idx.msk $0xffff, v8  }
0x383: {  	v8 =	vadd.s32 $0x1, v28;
	[tilespmem:v23+s12+$0x0] =	vst.idx.msk $0xffff, v9  }
0x384: {  	[tilespmem:v24+s12+$0x0] =	vst.idx.msk $0xffff, v8;
	v8 =	vadd.s32 $0x1, v29  }
0x385: {  	v9 =	vadd.s32 $0x1, v27;
	[tilespmem:v20+s12+$0x0] =	vst.idx.msk $0xffff, v8  }
0x386: {  	[tilespmem:v7+s12+$0x0] =	vst.idx.msk $0xffff, v9;
	v7 =	vadd.s32 $0x1, v31  }
0x387: {  	s0 =	simm.s32 $0x15040;
	[tilespmem:v15+s12+$0x0] =	vst.idx.msk $0xffff, v7  }
0x388: {  	v7 =	vld [tilespmem:s0+$0x30]  }
0x389: {  	v8 =	vld [tilespmem:s0+$0xFFFFFFD0]  }
0x38a: {  	v9 =	vld [tilespmem:s0+$0xFFFFFFE0]  }
0x38b: {  	v10 =	vld [tilespmem:s0+$0xFFFFFFF0];
	_ =	sdelay $0x1  }
0x38c: {  	v11 =	vld [tilespmem:s0+$0x0];
	v7 =	vshrl.u32 v7, $0x4  }
0x38d: {  	v12 =	vld [tilespmem:s0+$0x10];
	v8 =	vshrl.u32 v8, $0x4;
	v7 =	vand.u32 $0xFF0, v7  }
0x38e: {  	v15 =	vld [tilespmem:s0+$0xFFFFFFC0];
	v9 =	vshrl.u32 v9, $0x4;
	v8 =	vand.u32 $0xFF0, v8;
	v61 =	vor.u32 v0, v7  }
0x38f: {  	v13 =	vld [tilespmem:s0+$0x20];
	v8 =	vor.u32 v0, v8;
	v7 =	vand.u32 $0xFF0, v9;
	v9 =	vshrl.u32 v10, $0x4  }
0x390: {  	v10 =	vor.u32 v0, v7;
	v7 =	vand.u32 $0xFF0, v9  }
0x391: {  	v62 =	vor.u32 v0, v7  }
0x392: {  	v9 =	vshrl.u32 v11, $0x4  }
0x393: {  	v63 =	vshrl.u32 v15, $0x4;
	v7 =	vand.u32 $0xFF0, v9;
	v9 =	vshrl.u32 v12, $0x4;
	[tilespmem:v61+s11+$0x0] =	vst.idx.add.s32.msk $0xffff, v4  }
0x394: {  	v11 =	vshrl.u32 v13, $0x4;
	v7 =	vor.u32 v0, v7;
	v9 =	vand.u32 $0xFF0, v9;
	[tilespmem:v8+s11+$0x0] =	vst.idx.add.s32.msk $0xffff, v4  }
0x395: {  	v8 =	vor.u32 v0, v9;
	v9 =	vand.u32 $0xFF0, v11;
	v11 =	vand.u32 $0xFF0, v63;
	[tilespmem:v10+s11+$0x0] =	vst.idx.add.s32.msk $0xffff, v4  }
0x396: {  	s19 =	simm.s32 $0x0;
	s21 =	simm.s32 $0x150C0;
	v9 =	vor.u32 v0, v9;
	v11 =	vor.u32 v0, v11;
	[tilespmem:v62+s11+$0x0] =	vst.idx.add.s32.msk $0xffff, v4  }
.LBB2_57:
0x397: {  	v10 =	vld [tilespmem:s21+$0x30];
	s19 =	sadd.s32 $0x8, s19  }
0x398: {  	v12 =	vld [tilespmem:s21+$0xFFFFFFD0];
	p0 =	slt.u32 s19, $0x1F8  }
0x399: {  	v13 =	vld [tilespmem:s21+$0xFFFFFFE0]  }
0x39a: {  	v14 =	vld [tilespmem:s21+$0xFFFFFFF0]  }
0x39b: {  	v15 =	vld [tilespmem:s21+$0x0]  }
0x39c: {  	v16 =	vld [tilespmem:s21+$0x10];
	v10 =	vshrl.u32 v10, $0x4  }
0x39d: {  	v12 =	vshrl.u32 v12, $0x4;
	v17 =	vld [tilespmem:s21+$0x20];
	v18 =	vand.u32 $0xFF0, v10;
	v10 =	vimm.s32 $0x0  }
0x39e: {  	v19 =	vld [tilespmem:s21+$0xFFFFFFC0];
	v12 =	vand.u32 $0xFF0, v12;
	v13 =	vshrl.u32 v13, $0x4;
	v18 =	vor.u32 v0, v18  }
0x39f: {  	v12 =	vor.u32 v0, v12;
	v13 =	vand.u32 $0xFF0, v13;
	v14 =	vshrl.u32 v14, $0x4;
	[tilespmem:v11+s11+$0x0] =	vst.idx.add.s32.msk $0xffff, v4  }
0x3a0: {  	v13 =	vor.u32 v0, v13;
	v11 =	vand.u32 $0xFF0, v14;
	v14 =	vshrl.u32 v15, $0x4;
	[tilespmem:v7+s11+$0x0] =	vst.idx.add.s32.msk $0xffff, v4  }
0x3a1: {  	v15 =	vor.u32 v0, v11;
	v7 =	vand.u32 $0xFF0, v14;
	v11 =	vshrl.u32 v16, $0x4;
	[tilespmem:v8+s11+$0x0] =	vst.idx.add.s32.msk $0xffff, v4  }
.Ltmp46:
0x3a2: {  	v7 =	vor.u32 v0, v7;
	v8 =	vand.u32 $0xFF0, v11;
	v11 =	vshrl.u32 v17, $0x4;
	[tilespmem:v9+s11+$0x0] =	vst.idx.add.s32.msk $0xffff, v4;
	(pc) =	sbr.rel @p0 .LBB2_57-.Ltmp46, $4  }
0x3a3: {  	s20 =	simm.s32 $0x14FF0;
	s0 =	simm.s32 $0x12FF0;
	v9 =	vshrl.u32 v19, $0x4;
	v8 =	vor.u32 v0, v8;
	v11 =	vand.u32 $0xFF0, v11;
	[tilespmem:v18+s11+$0x0] =	vst.idx.add.s32.msk $0xffff, v4  }
0x3a4: {  	v14 =	vand.u32 $0xFF0, v9;
	[tilespmem:v12+s11+$0x0] =	vst.idx.add.s32.msk $0xffff, v4;
	v9 =	vor.u32 v0, v11  }
0x3a5: {  	v11 =	vor.u32 v0, v14;
	[tilespmem:v13+s11+$0x0] =	vst.idx.add.s32.msk $0xffff, v4  }
0x3a6: {  	s21 =	sadd.s32 $0x80, s21;
	[tilespmem:v15+s11+$0x0] =	vst.idx.add.s32.msk $0xffff, v4  }
0x3a7: {  	_ =	sdelay $0x3  }
0x3a8: {  	[tilespmem:v11+s11+$0x0] =	vst.idx.add.s32.msk $0xffff, v4  }
0x3a9: {  	[tilespmem:v7+s11+$0x0] =	vst.idx.add.s32.msk $0xffff, v4  }
0x3aa: {  	[tilespmem:v8+s11+$0x0] =	vst.idx.add.s32.msk $0xffff, v4  }
0x3ab: {  	[tilespmem:v9+s11+$0x0] =	vst.idx.add.s32.msk $0xffff, v4  }
0x3ac: {  	v8 =	vld [tilespmem:s0+$0x0]  }
0x3ad: {  	[tilespmem:s0+$0x0] =	vst v1;
	v9 =	vld [tilespmem:s0+$0xFFFFFFF0]  }
0x3ae: {  	v11 =	vld [tilespmem:s0+$0xFFFFFFE0];
	[tilespmem:s0+$0xFFFFFFE0] =	vst v1  }
0x3af: {  	v7 =	vld [tilespmem:s0+$0xFFFFFFD0];
	[tilespmem:s0+$0xFFFFFFD0] =	vst v1  }
0x3b0: {  	[tilespmem:s0+$0xFFFFFFF0] =	vst v1  }
0x3b1: {  	[tilespmem:s20+$0x0] =	vst v10;
	v8 =	vadd.s32 v10, v8  }
0x3b2: {  	[tilespmem:s20+$0xFFFFFFF0] =	vst v8;
	v8 =	vadd.s32 v8, v9  }
0x3b3: {  	s19 =	simm.s32 $0x12FB0;
	s0 =	simm.s32 $0x0;
	[tilespmem:s20+$0xFFFFFFE0] =	vst v8;
	v8 =	vadd.s32 v8, v11  }
.LBB2_59:
0x3b4: {  	v9 =	vld [tilespmem:s19+$0x0];
	s0 =	sadd.s32 $0x4, s0;
	[tilespmem:s20+$0xFFFFFFD0] =	vst v8;
	v8 =	vadd.s32 v8, v7  }
0x3b5: {  	s20 =	sadd.s32 $0xFFFFFFC0, s20;
	[tilespmem:s19+$0x0] =	vst v1;
	v10 =	vld [tilespmem:s19+$0xFFFFFFF0];
	p0 =	slt.u32 s0, $0xFC  }
0x3b6: {  	[tilespmem:s20+$0x0] =	vst v8;
	v11 =	vld [tilespmem:s19+$0xFFFFFFE0]  }
.Ltmp47:
0x3b7: {  	[tilespmem:s19+$0xFFFFFFE0] =	vst v1;
	v7 =	vld [tilespmem:s19+$0xFFFFFFD0];
	(pc) =	sbr.rel @p0 .LBB2_59-.Ltmp47, $4  }
0x3b8: {  	[tilespmem:s19+$0xFFFFFFD0] =	vst v1  }
0x3b9: {  	v8 =	vadd.s32 v8, v9;
	[tilespmem:s19+$0xFFFFFFF0] =	vst v1  }
0x3ba: {  	[tilespmem:s20+$0xFFFFFFF0] =	vst v8;
	v8 =	vadd.s32 v8, v10  }
0x3bb: {  	s19 =	sadd.s32 $0xFFFFFFC0, s19;
	[tilespmem:s20+$0xFFFFFFE0] =	vst v8;
	v8 =	vadd.s32 v8, v11  }
0x3bc: {  	[tilespmem:s20+$0xFFFFFFD0] =	vst v8;
	s19 =	simm.s32 $0x0  }
.LBB2_61:
0x3bd: {  	s0 =	sshra.s32 s19, $0x2  }
0x3be: {  	v15 =	vld [tilespmem:s0+$0x15000]  }
0x3bf: {  	v12 =	vld [tilespmem:s0+$0x15010]  }
0x3c0: {  	v10 =	vld [tilespmem:s0+$0x15020]  }
0x3c1: {  	v8 =	vld [tilespmem:s0+$0x15030]  }
0x3c2: {  	v9 =	vld [tilespmem:s0+$0x15040]  }
0x3c3: {  	v11 =	vld [tilespmem:s0+$0x15050]  }
0x3c4: {  	v20 =	vld [tilespmem:s0+$0x15060];
	_ =	sdelay $0x2  }
0x3c5: {  	v7 =	vshrl.u32 v15, $0x8  }
0x3c6: {  	v13 =	vshrl.u32 v12, $0x8;
	v14 =	vshrl.u32 v10, $0x8;
	v45 =	vshrl.u32 v8, $0x8  }
0x3c7: {  	v46 =	vshrl.u32 v9, $0x8;
	v18 =	vshrl.u32 v11, $0x8;
	v27 =	vshrl.u32 v20, $0x8  }
0x3c8: {  	v7 =	vand.u32 $0xFF, v7;
	v21 =	vand.u32 $0xFF, v13;
	v22 =	vand.u32 $0xFF, v14  }
0x3c9: {  	v23 =	vand.u32 $0xFF, v45;
	v24 =	vand.u32 $0xFF, v46;
	v25 =	vand.u32 $0xFF, v18  }
0x3ca: {  	v27 =	vand.u32 $0xFF, v27;
	v16 =	vshll.u32 v7, $0x4;
	v44 =	vshll.u32 v21, $0x4  }
0x3cb: {  	v17 =	vshll.u32 v22, $0x4;
	v19 =	vshll.u32 v23, $0x4;
	v47 =	vshll.u32 v24, $0x4  }
0x3cc: {  	v26 =	vshll.u32 v25, $0x4;
	vm0 =	veq.s32 v21, v7;
	vm13 =	veq.s32 v22, v7  }
0x3cd: {  	vm14 =	veq.s32 v22, v21;
	v30 =	vshll.u32 v27, $0x4;
	vm15 =	veq.s32 v23, v7  }
0x3ce: {  	vm4 =	veq.s32 v23, v21;
	vm5 =	veq.s32 v23, v22;
	vm6 =	veq.s32 v24, v7  }
0x3cf: {  	vm7 =	veq.s32 v24, v21;
	vm8 =	veq.s32 v24, v22;
	vm9 =	veq.s32 v24, v23  }
0x3d0: {  	vm10 =	veq.s32 v25, v7;
	vm11 =	veq.s32 v25, v21;
	vm12 =	veq.s32 v25, v22  }
0x3d1: {  	v13 =	vor.u32 v0, v16;
	v16 =	vor.u32 v0, v44;
	v14 =	vor.u32 v0, v17  }
0x3d2: {  	v17 =	vor.u32 v0, v19;
	v19 =	vor.u32 v0, v47;
	v18 =	vor.u32 v0, v26  }
0x3d3: {  	v28 =	vsel vm0, $0x1, v1;
	v29 =	vsel vm13, $0x1, v1;
	v31 =	vsel vm14, $0x1, v1  }
0x3d4: {  	v30 =	vor.u32 v0, v30;
	v33 =	vsel vm15, $0x1, v1;
	v36 =	vsel vm4, $0x1, v1  }
0x3d5: {  	v37 =	vsel vm5, $0x1, v1;
	v40 =	vsel vm6, $0x1, v1;
	v41 =	vsel vm7, $0x1, v1  }
0x3d6: {  	v26 =	vld [tilespmem:s0+$0x15070];
	v48 =	vsel vm8, $0x1, v1;
	v49 =	vsel vm9, $0x1, v1;
	v50 =	vsel vm10, $0x1, v1  }
0x3d7: {  	v51 =	vsel vm11, $0x1, v1;
	v52 =	vsel vm12, $0x1, v1;
	vm13 =	veq.s32 v25, v23  }
0x3d8: {  	vm14 =	veq.s32 v25, v24;
	vm15 =	veq.s32 v27, v7;
	vm4 =	veq.s32 v27, v21  }
0x3d9: {  	vm5 =	veq.s32 v27, v22;
	vm6 =	veq.s32 v27, v23;
	vm7 =	veq.s32 v27, v24  }
0x3da: {  	vm8 =	veq.s32 v27, v25;
	v53 =	vsel vm13, $0x1, v1;
	v54 =	vsel vm14, $0x1, v1;
	v32 =	vld.idx.msk [tilespmem:v16+s12+$0x0], $0xffff  }
0x3db: {  	v55 =	vsel vm15, $0x1, v1;
	v56 =	vsel vm4, $0x1, v1;
	v34 =	vld.idx.msk [tilespmem:v14+s12+$0x0], $0xffff;
	v35 =	vshrl.u32 v26, $0x8  }
0x3dc: {  	v57 =	vsel vm5, $0x1, v1;
	v58 =	vsel vm6, $0x1, v1;
	v38 =	vld.idx.msk [tilespmem:v17+s12+$0x0], $0xffff;
	v35 =	vand.u32 $0xFF, v35  }
0x3dd: {  	v59 =	vsel vm7, $0x1, v1;
	v60 =	vsel vm8, $0x1, v1;
	v42 =	vld.idx.msk [tilespmem:v19+s12+$0x0], $0xffff;
	v39 =	vshll.u32 v35, $0x4  }
0x3de: {  	v43 =	vld.idx.msk [tilespmem:v18+s12+$0x0], $0xffff;
	vm9 =	veq.s32 v35, v7;
	vm10 =	veq.s32 v35, v21;
	vm11 =	veq.s32 v35, v22  }
0x3df: {  	v44 =	vld.idx.msk [tilespmem:v30+s12+$0x0], $0xffff;
	vm12 =	veq.s32 v35, v23;
	vm13 =	veq.s32 v35, v24;
	vm14 =	veq.s32 v35, v25  }
0x3e0: {  	vm15 =	veq.s32 v35, v27;
	v39 =	vor.u32 v0, v39;
	v61 =	vsel vm9, $0x1, v1  }
0x3e1: {  	v63 =	vsel vm10, $0x1, v1;
	v45 =	vsel vm11, $0x1, v1;
	v47 =	vsel vm12, $0x1, v1  }
0x3e2: {  	v24 =	vsel vm13, $0x1, v1;
	v25 =	vsel vm14, $0x1, v1;
	v35 =	vsel vm15, $0x1, v1  }
0x3e3: {  	v28 =	vadd.s32 v28, v32;
	v31 =	vadd.s32 v31, v34;
	v36 =	vadd.s32 v36, v38  }
0x3e4: {  	v21 =	vld.idx.msk [tilespmem:v13+s12+$0x0], $0xffff;
	v41 =	vadd.s32 v41, v42;
	v38 =	vadd.s32 v51, v43;
	v62 =	vadd.s32 v56, v44  }
0x3e5: {  	v29 =	vadd.s32 v29, v31;
	v33 =	vadd.s32 v33, v36;
	v40 =	vadd.s32 v40, v41;
	v44 =	vld.idx.msk [tilespmem:v39+s12+$0x0], $0xffff  }
0x3e6: {  	v31 =	vadd.s32 v50, v38;
	v51 =	vshll.u32 v28, $0x4;
	v33 =	vadd.s32 v37, v33  }
0x3e7: {  	v32 =	vadd.s32 v48, v40;
	v31 =	vadd.s32 v52, v31;
	v37 =	vadd.s32 v55, v62  }
0x3e8: {  	v52 =	vshll.u32 v29, $0x4;
	v32 =	vadd.s32 v49, v32;
	v46 =	vadd.s32 v57, v37  }
0x3e9: {  	v7 =	vadd.s32 v53, v31;
	v49 =	vshll.u32 v21, $0x4;
	v23 =	vadd.s32 v58, v46  }
0x3ea: {  	v48 =	vadd.s32 v54, v7;
	v7 =	vor.u32 $0x10000, v0;
	v22 =	vadd.s32 v63, v44  }
0x3eb: {  	v54 =	vshll.u32 v33, $0x4;
	v50 =	vadd.s32 v7, v49;
	v22 =	vadd.s32 v61, v22  }
0x3ec: {  	v56 =	vshll.u32 v32, $0x4;
	v36 =	vadd.s32 v7, v51;
	v22 =	vadd.s32 v45, v22  }
0x3ed: {  	v23 =	vadd.s32 v59, v23;
	v53 =	vadd.s32 v7, v52;
	v22 =	vadd.s32 v47, v22  }
0x3ee: {  	v55 =	vadd.s32 v7, v54;
	v57 =	vadd.s32 v7, v56;
	v22 =	vadd.s32 v24, v22  }
0x3ef: {  	v58 =	vshll.u32 v48, $0x4;
	v23 =	vadd.s32 v60, v23;
	v22 =	vadd.s32 v25, v22  }
0x3f0: {  	v59 =	vadd.s32 v7, v58;
	v60 =	vshll.u32 v23, $0x4;
	[tilespmem:v50+s2+$0x0] =	vst.idx.msk $0xffff, v15;
	v22 =	vadd.s32 v35, v22  }
0x3f1: {  	v61 =	vadd.s32 v7, v60;
	[tilespmem:v36+s2+$0x0] =	vst.idx.msk $0xffff, v12;
	v62 =	vshll.u32 v22, $0x4  }
0x3f2: {  	[tilespmem:v53+s2+$0x0] =	vst.idx.msk $0xffff, v10;
	v63 =	vadd.s32 v7, v62  }
0x3f3: {  	[tilespmem:v55+s2+$0x0] =	vst.idx.msk $0xffff, v8  }
0x3f4: {  	[tilespmem:v57+s2+$0x0] =	vst.idx.msk $0xffff, v9  }
0x3f5: {  	[tilespmem:v59+s2+$0x0] =	vst.idx.msk $0xffff, v11  }
0x3f6: {  	[tilespmem:v61+s2+$0x0] =	vst.idx.msk $0xffff, v20  }
0x3f7: {  	v8 =	vadd.s32 $0x1, v21;
	[tilespmem:v63+s2+$0x0] =	vst.idx.msk $0xffff, v26  }
0x3f8: {  	[tilespmem:v13+s12+$0x0] =	vst.idx.msk $0xffff, v8;
	v8 =	vadd.s32 $0x1, v28  }
0x3f9: {  	[tilespmem:v16+s12+$0x0] =	vst.idx.msk $0xffff, v8;
	v8 =	vadd.s32 $0x1, v29  }
0x3fa: {  	p0 =	sne.s32 s19, $0x7E00;
	[tilespmem:v14+s12+$0x0] =	vst.idx.msk $0xffff, v8;
	v8 =	vadd.s32 $0x1, v33  }
.Ltmp48:
0x3fb: {  	[tilespmem:v17+s12+$0x0] =	vst.idx.msk $0xffff, v8;
	v8 =	vadd.s32 $0x1, v32;
	(pc) =	sbr.rel @p0 .LBB2_61-.Ltmp48, $4  }
0x3fc: {  	[tilespmem:v19+s12+$0x0] =	vst.idx.msk $0xffff, v8;
	v8 =	vadd.s32 $0x1, v48  }
0x3fd: {  	[tilespmem:v18+s12+$0x0] =	vst.idx.msk $0xffff, v8;
	v8 =	vadd.s32 $0x1, v23  }
0x3fe: {  	[tilespmem:v30+s12+$0x0] =	vst.idx.msk $0xffff, v8;
	v8 =	vadd.s32 $0x1, v22  }
0x3ff: {  	s19 =	sadd.s32 $0x200, s19;
	[tilespmem:v39+s12+$0x0] =	vst.idx.msk $0xffff, v8  }
0x400: {  	s0 =	simm.s32 $0x10070  }
0x401: {  	v8 =	vld [tilespmem:s0+$0x0]  }
0x402: {  	v9 =	vld [tilespmem:s0+$0xFFFFFFA0]  }
0x403: {  	v10 =	vld [tilespmem:s0+$0xFFFFFFB0]  }
0x404: {  	v11 =	vld [tilespmem:s0+$0xFFFFFFC0];
	_ =	sdelay $0x1  }
0x405: {  	v12 =	vld [tilespmem:s0+$0xFFFFFFD0];
	v8 =	vshrl.u32 v8, $0xC  }
0x406: {  	v13 =	vld [tilespmem:s0+$0xFFFFFFE0];
	v9 =	vshrl.u32 v9, $0xC;
	v8 =	vand.u32 $0xFF0, v8  }
0x407: {  	v14 =	vld [tilespmem:s0+$0xFFFFFFF0];
	v10 =	vshrl.u32 v10, $0xC;
	v9 =	vand.u32 $0xFF0, v9;
	v15 =	vor.u32 v0, v8  }
0x408: {  	v16 =	vld [tilespmem:s0+$0xFFFFFF90];
	v9 =	vor.u32 v0, v9;
	v8 =	vand.u32 $0xFF0, v10;
	v10 =	vshrl.u32 v11, $0xC  }
0x409: {  	v11 =	vor.u32 v0, v8;
	v8 =	vand.u32 $0xFF0, v10  }
0x40a: {  	v17 =	vor.u32 v0, v8  }
0x40b: {  	v10 =	vshrl.u32 v12, $0xC  }
0x40c: {  	v12 =	vshrl.u32 v14, $0xC;
	v8 =	vand.u32 $0xFF0, v10;
	v10 =	vshrl.u32 v13, $0xC;
	[tilespmem:v15+s11+$0x0] =	vst.idx.add.s32.msk $0xffff, v4  }
0x40d: {  	v13 =	vshrl.u32 v16, $0xC;
	v8 =	vor.u32 v0, v8;
	v10 =	vand.u32 $0xFF0, v10;
	[tilespmem:v9+s11+$0x0] =	vst.idx.add.s32.msk $0xffff, v4  }
0x40e: {  	v9 =	vor.u32 v0, v10;
	v10 =	vand.u32 $0xFF0, v12;
	v12 =	vand.u32 $0xFF0, v13;
	[tilespmem:v11+s11+$0x0] =	vst.idx.add.s32.msk $0xffff, v4  }
0x40f: {  	s19 =	simm.s32 $0x0;
	s21 =	simm.s32 $0x100F0;
	v10 =	vor.u32 v0, v10;
	v12 =	vor.u32 v0, v12;
	[tilespmem:v17+s11+$0x0] =	vst.idx.add.s32.msk $0xffff, v4  }
.LBB2_63:
0x410: {  	v11 =	vld [tilespmem:s21+$0x0];
	s19 =	sadd.s32 $0x8, s19  }
0x411: {  	v13 =	vld [tilespmem:s21+$0xFFFFFFA0];
	p0 =	slt.u32 s19, $0x1F8  }
0x412: {  	v14 =	vld [tilespmem:s21+$0xFFFFFFB0]  }
0x413: {  	v15 =	vld [tilespmem:s21+$0xFFFFFFC0]  }
0x414: {  	v16 =	vld [tilespmem:s21+$0xFFFFFFD0]  }
0x415: {  	v17 =	vld [tilespmem:s21+$0xFFFFFFE0];
	v11 =	vshrl.u32 v11, $0xC  }
0x416: {  	v13 =	vshrl.u32 v13, $0xC;
	v18 =	vld [tilespmem:s21+$0xFFFFFFF0];
	v19 =	vand.u32 $0xFF0, v11;
	v11 =	vimm.s32 $0x0  }
0x417: {  	v20 =	vld [tilespmem:s21+$0xFFFFFF90];
	v13 =	vand.u32 $0xFF0, v13;
	v14 =	vshrl.u32 v14, $0xC;
	v19 =	vor.u32 v0, v19  }
0x418: {  	v13 =	vor.u32 v0, v13;
	v14 =	vand.u32 $0xFF0, v14;
	v15 =	vshrl.u32 v15, $0xC;
	[tilespmem:v12+s11+$0x0] =	vst.idx.add.s32.msk $0xffff, v4  }
0x419: {  	v14 =	vor.u32 v0, v14;
	v12 =	vand.u32 $0xFF0, v15;
	v15 =	vshrl.u32 v16, $0xC;
	[tilespmem:v8+s11+$0x0] =	vst.idx.add.s32.msk $0xffff, v4  }
0x41a: {  	v16 =	vor.u32 v0, v12;
	v8 =	vand.u32 $0xFF0, v15;
	v12 =	vshrl.u32 v17, $0xC;
	[tilespmem:v9+s11+$0x0] =	vst.idx.add.s32.msk $0xffff, v4  }
.Ltmp49:
0x41b: {  	v8 =	vor.u32 v0, v8;
	v9 =	vand.u32 $0xFF0, v12;
	v12 =	vshrl.u32 v18, $0xC;
	[tilespmem:v10+s11+$0x0] =	vst.idx.add.s32.msk $0xffff, v4;
	(pc) =	sbr.rel @p0 .LBB2_63-.Ltmp49, $4  }
0x41c: {  	s20 =	simm.s32 $0x14FF0;
	s0 =	simm.s32 $0x12FF0;
	v10 =	vshrl.u32 v20, $0xC;
	v9 =	vor.u32 v0, v9;
	v12 =	vand.u32 $0xFF0, v12;
	[tilespmem:v19+s11+$0x0] =	vst.idx.add.s32.msk $0xffff, v4  }
0x41d: {  	v15 =	vand.u32 $0xFF0, v10;
	[tilespmem:v13+s11+$0x0] =	vst.idx.add.s32.msk $0xffff, v4;
	v10 =	vor.u32 v0, v12  }
0x41e: {  	v12 =	vor.u32 v0, v15;
	[tilespmem:v14+s11+$0x0] =	vst.idx.add.s32.msk $0xffff, v4  }
0x41f: {  	s21 =	sadd.s32 $0x80, s21;
	[tilespmem:v16+s11+$0x0] =	vst.idx.add.s32.msk $0xffff, v4  }
0x420: {  	_ =	sdelay $0x3  }
0x421: {  	[tilespmem:v12+s11+$0x0] =	vst.idx.add.s32.msk $0xffff, v4  }
0x422: {  	[tilespmem:v8+s11+$0x0] =	vst.idx.add.s32.msk $0xffff, v4  }
0x423: {  	[tilespmem:v9+s11+$0x0] =	vst.idx.add.s32.msk $0xffff, v4  }
0x424: {  	[tilespmem:v10+s11+$0x0] =	vst.idx.add.s32.msk $0xffff, v4  }
0x425: {  	v9 =	vld [tilespmem:s0+$0x0]  }
0x426: {  	[tilespmem:s0+$0x0] =	vst v1;
	v10 =	vld [tilespmem:s0+$0xFFFFFFF0]  }
0x427: {  	v12 =	vld [tilespmem:s0+$0xFFFFFFE0];
	[tilespmem:s0+$0xFFFFFFE0] =	vst v1  }
0x428: {  	v8 =	vld [tilespmem:s0+$0xFFFFFFD0];
	[tilespmem:s0+$0xFFFFFFD0] =	vst v1  }
0x429: {  	[tilespmem:s0+$0xFFFFFFF0] =	vst v1  }
0x42a: {  	[tilespmem:s20+$0x0] =	vst v11;
	v9 =	vadd.s32 v11, v9  }
0x42b: {  	[tilespmem:s20+$0xFFFFFFF0] =	vst v9;
	v9 =	vadd.s32 v9, v10  }
0x42c: {  	s19 =	simm.s32 $0x12FB0;
	s0 =	simm.s32 $0x0;
	[tilespmem:s20+$0xFFFFFFE0] =	vst v9;
	v9 =	vadd.s32 v9, v12  }
.LBB2_65:
0x42d: {  	v10 =	vld [tilespmem:s19+$0x0];
	s0 =	sadd.s32 $0x4, s0;
	[tilespmem:s20+$0xFFFFFFD0] =	vst v9;
	v9 =	vadd.s32 v9, v8  }
0x42e: {  	s20 =	sadd.s32 $0xFFFFFFC0, s20;
	[tilespmem:s19+$0x0] =	vst v1;
	v11 =	vld [tilespmem:s19+$0xFFFFFFF0];
	p0 =	slt.u32 s0, $0xFC  }
0x42f: {  	[tilespmem:s20+$0x0] =	vst v9;
	v12 =	vld [tilespmem:s19+$0xFFFFFFE0]  }
.Ltmp50:
0x430: {  	[tilespmem:s19+$0xFFFFFFE0] =	vst v1;
	v8 =	vld [tilespmem:s19+$0xFFFFFFD0];
	(pc) =	sbr.rel @p0 .LBB2_65-.Ltmp50, $4  }
0x431: {  	[tilespmem:s19+$0xFFFFFFD0] =	vst v1  }
0x432: {  	v9 =	vadd.s32 v9, v10;
	[tilespmem:s19+$0xFFFFFFF0] =	vst v1  }
0x433: {  	[tilespmem:s20+$0xFFFFFFF0] =	vst v9;
	v9 =	vadd.s32 v9, v11  }
0x434: {  	s19 =	sadd.s32 $0xFFFFFFC0, s19;
	[tilespmem:s20+$0xFFFFFFE0] =	vst v9;
	v9 =	vadd.s32 v9, v12  }
0x435: {  	[tilespmem:s20+$0xFFFFFFD0] =	vst v9;
	s19 =	simm.s32 $0x0  }
.LBB2_67:
0x436: {  	s0 =	sshra.s32 s19, $0x2  }
0x437: {  	v14 =	vld [tilespmem:s0+$0x10000]  }
0x438: {  	v12 =	vld [tilespmem:s0+$0x10010]  }
0x439: {  	v9 =	vld [tilespmem:s0+$0x10020]  }
0x43a: {  	v8 =	vld [tilespmem:s0+$0x10030]  }
0x43b: {  	v10 =	vld [tilespmem:s0+$0x10040]  }
0x43c: {  	v13 =	vld [tilespmem:s0+$0x10050]  }
0x43d: {  	v17 =	vld [tilespmem:s0+$0x10060]  }
0x43e: {  	v28 =	vld [tilespmem:s0+$0x10070];
	_ =	sdelay $0x2  }
0x43f: {  	v11 =	vshrl.u32 v14, $0x10;
	v45 =	vshrl.u32 v12, $0x10;
	v16 =	vshrl.u32 v9, $0x10  }
0x440: {  	v18 =	vshrl.u32 v8, $0x10;
	v47 =	vshrl.u32 v10, $0x10;
	v20 =	vshrl.u32 v13, $0x10  }
0x441: {  	v21 =	vshrl.u32 v17, $0x10;
	v34 =	vshrl.u32 v28, $0x10;
	v22 =	vand.u32 $0xFF, v11  }
0x442: {  	v23 =	vand.u32 $0xFF, v45;
	v24 =	vand.u32 $0xFF, v16;
	v25 =	vand.u32 $0xFF, v18  }
0x443: {  	v26 =	vand.u32 $0xFF, v47;
	v27 =	vand.u32 $0xFF, v20;
	v29 =	vand.u32 $0xFF, v21  }
0x444: {  	v34 =	vand.u32 $0xFF, v34;
	v15 =	vshll.u32 v22, $0x4;
	v46 =	vshll.u32 v23, $0x4  }
0x445: {  	v16 =	vshll.u32 v24, $0x4;
	v19 =	vshll.u32 v25, $0x4;
	v48 =	vshll.u32 v26, $0x4  }
0x446: {  	v20 =	vshll.u32 v27, $0x4;
	vm0 =	veq.s32 v23, v22;
	v21 =	vshll.u32 v29, $0x4  }
0x447: {  	vm13 =	veq.s32 v24, v22;
	vm14 =	veq.s32 v24, v23;
	vm15 =	veq.s32 v25, v22  }
0x448: {  	vm4 =	veq.s32 v25, v23;
	v38 =	vshll.u32 v34, $0x4;
	vm5 =	veq.s32 v25, v24  }
0x449: {  	vm6 =	veq.s32 v26, v22;
	vm7 =	veq.s32 v26, v23;
	vm8 =	veq.s32 v26, v24  }
0x44a: {  	vm9 =	veq.s32 v26, v25;
	vm10 =	veq.s32 v27, v22;
	vm11 =	veq.s32 v27, v23  }
0x44b: {  	vm12 =	veq.s32 v27, v24;
	v11 =	vor.u32 v0, v15;
	v15 =	vor.u32 v0, v46  }
0x44c: {  	v16 =	vor.u32 v0, v16;
	v18 =	vor.u32 v0, v19;
	v19 =	vor.u32 v0, v48  }
0x44d: {  	v20 =	vor.u32 v0, v20;
	v30 =	vsel vm0, $0x1, v1;
	v21 =	vor.u32 v0, v21  }
0x44e: {  	v32 =	vsel vm13, $0x1, v1;
	v35 =	vsel vm14, $0x1, v1;
	v36 =	vsel vm15, $0x1, v1  }
0x44f: {  	v39 =	vsel vm4, $0x1, v1;
	v38 =	vor.u32 v0, v38;
	v40 =	vsel vm5, $0x1, v1  }
0x450: {  	v49 =	vsel vm6, $0x1, v1;
	v50 =	vsel vm7, $0x1, v1;
	v51 =	vsel vm8, $0x1, v1  }
0x451: {  	v52 =	vsel vm9, $0x1, v1;
	v53 =	vsel vm10, $0x1, v1;
	v54 =	vsel vm11, $0x1, v1  }
0x452: {  	v55 =	vsel vm12, $0x1, v1;
	vm13 =	veq.s32 v27, v25;
	vm14 =	veq.s32 v27, v26  }
0x453: {  	vm15 =	veq.s32 v29, v22;
	vm4 =	veq.s32 v29, v23;
	vm5 =	veq.s32 v29, v24;
	v31 =	vld.idx.msk [tilespmem:v15+s12+$0x0], $0xffff  }
0x454: {  	vm6 =	veq.s32 v29, v25;
	vm7 =	veq.s32 v29, v26;
	vm8 =	veq.s32 v29, v27;
	v33 =	vld.idx.msk [tilespmem:v16+s12+$0x0], $0xffff  }
0x455: {  	vm9 =	veq.s32 v34, v22;
	vm10 =	veq.s32 v34, v23;
	vm11 =	veq.s32 v34, v24;
	v37 =	vld.idx.msk [tilespmem:v18+s12+$0x0], $0xffff  }
0x456: {  	vm12 =	veq.s32 v34, v25;
	v56 =	vsel vm13, $0x1, v1;
	v57 =	vsel vm14, $0x1, v1;
	v41 =	vld.idx.msk [tilespmem:v19+s12+$0x0], $0xffff  }
0x457: {  	v58 =	vsel vm15, $0x1, v1;
	v59 =	vsel vm4, $0x1, v1;
	v60 =	vsel vm5, $0x1, v1;
	v22 =	vld.idx.msk [tilespmem:v11+s12+$0x0], $0xffff  }
0x458: {  	v61 =	vsel vm6, $0x1, v1;
	v62 =	vsel vm7, $0x1, v1;
	v63 =	vsel vm8, $0x1, v1;
	v46 =	vld.idx.msk [tilespmem:v38+s12+$0x0], $0xffff  }
0x459: {  	v45 =	vsel vm9, $0x1, v1;
	v47 =	vsel vm10, $0x1, v1;
	v25 =	vsel vm12, $0x1, v1  }
0x45a: {  	vm13 =	veq.s32 v34, v26;
	vm14 =	veq.s32 v34, v27;
	vm15 =	veq.s32 v34, v29  }
0x45b: {  	v26 =	vsel vm13, $0x1, v1;
	v27 =	vsel vm14, $0x1, v1;
	v29 =	vsel vm15, $0x1, v1;
	v42 =	vld.idx.msk [tilespmem:v20+s12+$0x0], $0xffff  }
0x45c: {  	v43 =	vld.idx.msk [tilespmem:v21+s12+$0x0], $0xffff;
	v30 =	vadd.s32 v30, v31;
	v33 =	vadd.s32 v35, v33;
	v37 =	vadd.s32 v39, v37  }
0x45d: {  	v35 =	vadd.s32 v50, v41;
	v23 =	vadd.s32 v47, v46;
	v50 =	vshll.u32 v22, $0x4  }
0x45e: {  	v32 =	vadd.s32 v32, v33;
	v36 =	vadd.s32 v36, v37;
	v31 =	vadd.s32 v49, v35  }
0x45f: {  	v49 =	vsel vm11, $0x1, v1;
	v23 =	vadd.s32 v45, v23;
	v34 =	vor.u32 v0, v50  }
0x460: {  	v36 =	vadd.s32 v40, v36;
	v31 =	vadd.s32 v51, v31;
	v40 =	vadd.s32 v54, v42  }
0x461: {  	v42 =	vadd.s32 v59, v43;
	v51 =	vshll.u32 v30, $0x4;
	v23 =	vadd.s32 v49, v23  }
0x462: {  	v31 =	vadd.s32 v52, v31;
	v37 =	vadd.s32 v53, v40;
	v39 =	vadd.s32 v58, v42  }
0x463: {  	v52 =	vshll.u32 v32, $0x4;
	v23 =	vadd.s32 v25, v23;
	v37 =	vadd.s32 v55, v37  }
0x464: {  	v54 =	vshll.u32 v36, $0x4;
	v48 =	vadd.s32 v60, v39;
	v35 =	vadd.s32 v56, v37  }
0x465: {  	v53 =	vor.u32 v0, v52;
	v33 =	vadd.s32 v57, v35;
	v35 =	vor.u32 v0, v51  }
0x466: {  	v23 =	vadd.s32 v26, v23;
	v55 =	vor.u32 v0, v54;
	v24 =	vadd.s32 v61, v48  }
0x467: {  	v56 =	vshll.u32 v31, $0x4;
	v23 =	vadd.s32 v27, v23;
	v24 =	vadd.s32 v62, v24  }
0x468: {  	v57 =	vor.u32 v0, v56;
	v24 =	vadd.s32 v63, v24;
	v58 =	vshll.u32 v33, $0x4  }
0x469: {  	v23 =	vadd.s32 v29, v23;
	[tilespmem:v34+s13+$0x0] =	vst.idx.msk $0xffff, v14;
	v59 =	vor.u32 v0, v58;
	v60 =	vshll.u32 v24, $0x4  }
0x46a: {  	v62 =	vshll.u32 v23, $0x4;
	v61 =	vor.u32 v0, v60;
	[tilespmem:v35+s13+$0x0] =	vst.idx.msk $0xffff, v12  }
0x46b: {  	v63 =	vor.u32 v0, v62;
	[tilespmem:v53+s13+$0x0] =	vst.idx.msk $0xffff, v9  }
0x46c: {  	[tilespmem:v55+s13+$0x0] =	vst.idx.msk $0xffff, v8  }
0x46d: {  	[tilespmem:v57+s13+$0x0] =	vst.idx.msk $0xffff, v10  }
0x46e: {  	[tilespmem:v59+s13+$0x0] =	vst.idx.msk $0xffff, v13  }
0x46f: {  	[tilespmem:v61+s13+$0x0] =	vst.idx.msk $0xffff, v17  }
0x470: {  	v8 =	vadd.s32 $0x1, v22;
	[tilespmem:v63+s13+$0x0] =	vst.idx.msk $0xffff, v28  }
0x471: {  	[tilespmem:v11+s12+$0x0] =	vst.idx.msk $0xffff, v8;
	v8 =	vadd.s32 $0x1, v30  }
0x472: {  	[tilespmem:v15+s12+$0x0] =	vst.idx.msk $0xffff, v8;
	v8 =	vadd.s32 $0x1, v32  }
0x473: {  	p0 =	sne.s32 s19, $0x7E00;
	[tilespmem:v16+s12+$0x0] =	vst.idx.msk $0xffff, v8;
	v8 =	vadd.s32 $0x1, v36  }
.Ltmp51:
0x474: {  	[tilespmem:v18+s12+$0x0] =	vst.idx.msk $0xffff, v8;
	v8 =	vadd.s32 $0x1, v31;
	(pc) =	sbr.rel @p0 .LBB2_67-.Ltmp51, $4  }
0x475: {  	[tilespmem:v19+s12+$0x0] =	vst.idx.msk $0xffff, v8;
	v8 =	vadd.s32 $0x1, v33  }
0x476: {  	[tilespmem:v20+s12+$0x0] =	vst.idx.msk $0xffff, v8;
	v8 =	vadd.s32 $0x1, v24  }
0x477: {  	[tilespmem:v21+s12+$0x0] =	vst.idx.msk $0xffff, v8;
	v8 =	vadd.s32 $0x1, v23  }
0x478: {  	s19 =	sadd.s32 $0x200, s19;
	[tilespmem:v38+s12+$0x0] =	vst.idx.msk $0xffff, v8  }
0x479: {  	s0 =	simm.s32 $0x15040  }
0x47a: {  	v9 =	vld [tilespmem:s0+$0x20]  }
0x47b: {  	v10 =	vld [tilespmem:s0+$0xFFFFFFC0]  }
0x47c: {  	v11 =	vld [tilespmem:s0+$0x10]  }
0x47d: {  	v8 =	vld [tilespmem:s0+$0xFFFFFFD0]  }
0x47e: {  	v15 =	vld [tilespmem:s0+$0x30]  }
0x47f: {  	v9 =	vshrl.u32 v9, $0x14  }
0x480: {  	v10 =	vshrl.u32 v10, $0x14;
	v9 =	vand.u32 $0xFF0, v9  }
0x481: {  	v16 =	vxor.u32 v2, v9;
	v9 =	vshrl.u32 v11, $0x14;
	v11 =	vand.u32 $0xFF0, v10;
	v10 =	vld [tilespmem:s0+$0xFFFFFFF0]  }
0x482: {  	v8 =	vshrl.u32 v8, $0x14;
	v9 =	vand.u32 $0xFF0, v9  }
0x483: {  	v14 =	vld [tilespmem:s0+$0x0];
	v15 =	vshrl.u32 v15, $0x14;
	v8 =	vand.u32 $0xFF0, v8;
	v12 =	vxor.u32 v2, v9  }
0x484: {  	v8 =	vxor.u32 v2, v8;
	v11 =	vxor.u32 v2, v11;
	v12 =	vor.u32 v3, v12  }
0x485: {  	s19 =	simm.s32 $0x0;
	s20 =	simm.s32 $0x150C0;
	v13 =	vld [tilespmem:s0+$0xFFFFFFE0];
	v8 =	vor.u32 v3, v8;
	v9 =	vor.u32 v3, v11;
	v11 =	vor.u32 v3, v16  }
.LBB2_69:
0x486: {  	v16 =	vld [tilespmem:s20+$0xFFFFFFD0];
	s19 =	sadd.s32 $0x8, s19;
	v10 =	vshrl.u32 v10, $0x14;
	v15 =	vand.u32 $0xFF0, v15  }
0x487: {  	v17 =	vld [tilespmem:s20+$0xFFFFFFC0];
	p0 =	slt.u32 s19, $0x1F8;
	v10 =	vand.u32 $0xFF0, v10;
	v15 =	vxor.u32 v2, v15  }
0x488: {  	v18 =	vld [tilespmem:s20+$0x20];
	v10 =	vxor.u32 v2, v10;
	v14 =	vshrl.u32 v14, $0x14  }
0x489: {  	v19 =	vor.u32 v3, v10;
	v10 =	vand.u32 $0xFF0, v14;
	[tilespmem:v12+s11+$0x0] =	vst.idx.add.s32.msk $0xffff, v4;
	v12 =	vor.u32 v3, v15  }
0x48a: {  	v13 =	vshrl.u32 v13, $0x14;
	v10 =	vxor.u32 v2, v10;
	[tilespmem:v11+s11+$0x0] =	vst.idx.add.s32.msk $0xffff, v4  }
0x48b: {  	v11 =	vld [tilespmem:s20+$0x10];
	v13 =	vand.u32 $0xFF0, v13;
	v14 =	vor.u32 v3, v10  }
0x48c: {  	[tilespmem:v9+s11+$0x0] =	vst.idx.add.s32.msk $0xffff, v4;
	v9 =	vxor.u32 v2, v13  }
0x48d: {  	v10 =	vshrl.u32 v18, $0x14;
	v15 =	vld [tilespmem:s20+$0x30];
	v9 =	vor.u32 v3, v9  }
0x48e: {  	v13 =	vshrl.u32 v16, $0x14;
	v16 =	vand.u32 $0xFF0, v10;
	[tilespmem:v8+s11+$0x0] =	vst.idx.add.s32.msk $0xffff, v4  }
0x48f: {  	v8 =	vand.u32 $0xFF0, v13;
	v10 =	vld [tilespmem:s20+$0xFFFFFFF0];
	v16 =	vxor.u32 v2, v16  }
0x490: {  	v8 =	vxor.u32 v2, v8;
	v11 =	vshrl.u32 v11, $0x14;
	[tilespmem:v14+s11+$0x0] =	vst.idx.add.s32.msk $0xffff, v4  }
.Ltmp52:
0x491: {  	v13 =	vshrl.u32 v17, $0x14;
	v8 =	vor.u32 v3, v8;
	v11 =	vand.u32 $0xFF0, v11;
	[tilespmem:v12+s11+$0x0] =	vst.idx.add.s32.msk $0xffff, v4;
	(pc) =	sbr.rel @p0 .LBB2_69-.Ltmp52, $4  }
0x492: {  	v12 =	vand.u32 $0xFF0, v13;
	v11 =	vxor.u32 v2, v11;
	[tilespmem:v9+s11+$0x0] =	vst.idx.add.s32.msk $0xffff, v4  }
0x493: {  	v9 =	vxor.u32 v2, v12;
	v14 =	vld [tilespmem:s20+$0x0]  }
0x494: {  	v9 =	vor.u32 v3, v9;
	v12 =	vor.u32 v3, v11;
	[tilespmem:v19+s11+$0x0] =	vst.idx.add.s32.msk $0xffff, v4  }
0x495: {  	s21 =	simm.s32 $0x12FF0;
	v15 =	vshrl.u32 v15, $0x14;
	v11 =	vor.u32 v3, v16;
	v13 =	vld [tilespmem:s20+$0xFFFFFFE0];
	s20 =	sadd.s32 $0x80, s20  }
0x496: {  	_ = 	snop  }
0x497: {  	v15 =	vand.u32 $0xFF0, v15  }
0x498: {  	v10 =	vshrl.u32 v10, $0x14;
	v15 =	vxor.u32 v2, v15  }
0x499: {  	v10 =	vand.u32 $0xFF0, v10;
	v14 =	vshrl.u32 v14, $0x14;
	v63 =	vor.u32 v3, v15  }
0x49a: {  	v10 =	vxor.u32 v2, v10;
	v14 =	vand.u32 $0xFF0, v14;
	v13 =	vshrl.u32 v13, $0x14  }
0x49b: {  	[tilespmem:v12+s11+$0x0] =	vst.idx.add.s32.msk $0xffff, v4;
	v10 =	vor.u32 v3, v10;
	v14 =	vxor.u32 v2, v14;
	v13 =	vand.u32 $0xFF0, v13  }
0x49c: {  	[tilespmem:v11+s11+$0x0] =	vst.idx.add.s32.msk $0xffff, v4;
	v14 =	vor.u32 v3, v14;
	v13 =	vxor.u32 v2, v13  }
0x49d: {  	[tilespmem:v9+s11+$0x0] =	vst.idx.add.s32.msk $0xffff, v4;
	v11 =	vor.u32 v3, v13  }
0x49e: {  	[tilespmem:v8+s11+$0x0] =	vst.idx.add.s32.msk $0xffff, v4  }
0x49f: {  	[tilespmem:v63+s11+$0x0] =	vst.idx.add.s32.msk $0xffff, v4  }
0x4a0: {  	[tilespmem:v10+s11+$0x0] =	vst.idx.add.s32.msk $0xffff, v4  }
0x4a1: {  	[tilespmem:v14+s11+$0x0] =	vst.idx.add.s32.msk $0xffff, v4  }
0x4a2: {  	[tilespmem:v11+s11+$0x0] =	vst.idx.add.s32.msk $0xffff, v4  }
0x4a3: {  	v9 =	vld [tilespmem:s21+$0x0]  }
0x4a4: {  	[tilespmem:s21+$0x0] =	vst v1;
	v11 =	vld [tilespmem:s21+$0xFFFFFFF0]  }
0x4a5: {  	v12 =	vld [tilespmem:s21+$0xFFFFFFE0];
	[tilespmem:s21+$0xFFFFFFE0] =	vst v1  }
0x4a6: {  	v8 =	vld [tilespmem:s21+$0xFFFFFFD0];
	[tilespmem:s21+$0xFFFFFFD0] =	vst v1  }
0x4a7: {  	s0 =	simm.s32 $0x14FF0;
	v10 =	vimm.s32 $0x0;
	[tilespmem:s21+$0xFFFFFFF0] =	vst v1  }
0x4a8: {  	[tilespmem:s0+$0x0] =	vst v10;
	v9 =	vadd.s32 v10, v9  }
0x4a9: {  	[tilespmem:s0+$0xFFFFFFF0] =	vst v9;
	v9 =	vadd.s32 v9, v11  }
0x4aa: {  	s19 =	simm.s32 $0x0;
	s20 =	simm.s32 $0x12FB0;
	[tilespmem:s0+$0xFFFFFFE0] =	vst v9;
	v9 =	vadd.s32 v9, v12  }
.LBB2_71:
0x4ab: {  	v10 =	vld [tilespmem:s20+$0x0];
	s19 =	sadd.s32 $0x4, s19;
	[tilespmem:s0+$0xFFFFFFD0] =	vst v9;
	v9 =	vadd.s32 v9, v8  }
0x4ac: {  	s0 =	sadd.s32 $0xFFFFFFC0, s0;
	[tilespmem:s20+$0x0] =	vst v1;
	v11 =	vld [tilespmem:s20+$0xFFFFFFF0];
	p0 =	slt.u32 s19, $0xFC  }
0x4ad: {  	[tilespmem:s0+$0x0] =	vst v9;
	v12 =	vld [tilespmem:s20+$0xFFFFFFE0]  }
.Ltmp53:
0x4ae: {  	[tilespmem:s20+$0xFFFFFFE0] =	vst v1;
	v8 =	vld [tilespmem:s20+$0xFFFFFFD0];
	(pc) =	sbr.rel @p0 .LBB2_71-.Ltmp53, $4  }
0x4af: {  	[tilespmem:s20+$0xFFFFFFD0] =	vst v1  }
0x4b0: {  	v9 =	vadd.s32 v9, v10;
	[tilespmem:s20+$0xFFFFFFF0] =	vst v1  }
0x4b1: {  	[tilespmem:s0+$0xFFFFFFF0] =	vst v9;
	v9 =	vadd.s32 v9, v11  }
0x4b2: {  	s20 =	sadd.s32 $0xFFFFFFC0, s20;
	[tilespmem:s0+$0xFFFFFFE0] =	vst v9;
	v9 =	vadd.s32 v9, v12  }
0x4b3: {  	[tilespmem:s0+$0xFFFFFFD0] =	vst v9;
	s31 =	simm.s32 $0x0  }
0x4b4: {  	v11 =	vld [tilespmem:s31+$0x15070]  }
0x4b5: {  	v10 =	vld [tilespmem:s31+$0x15060]  }
0x4b6: {  	v16 =	vld [tilespmem:s31+$0x15020]  }
0x4b7: {  	v33 =	vld [tilespmem:s31+$0x15010]  }
0x4b8: {  	v23 =	vld [tilespmem:s31+$0x15000]  }
0x4b9: {  	v14 =	vld [tilespmem:s31+$0x15040]  }
0x4ba: {  	v17 =	vld [tilespmem:s31+$0x15050]  }
0x4bb: {  	v25 =	vld [tilespmem:s31+$0x15030]  }
0x4bc: {  	v13 =	vor.u32 $0x800, v0;
	v26 =	vshrl.u32 v11, $0x18  }
0x4bd: {  	v12 =	vshra.s32 v11, $0x1F;
	v27 =	vshrl.u32 v10, $0x18;
	v32 =	vshrl.u32 v33, $0x18  }
0x4be: {  	v37 =	vshrl.u32 v23, $0x18;
	v38 =	vshrl.u32 v16, $0x18;
	v21 =	vshra.s32 v16, $0x1F  }
0x4bf: {  	v34 =	vshrl.u32 v14, $0x18;
	v45 =	vshra.s32 v33, $0x1F;
	v42 =	vshrl.u32 v17, $0x18  }
0x4c0: {  	v39 =	vshrl.u32 v25, $0x18;
	v28 =	vshra.s32 v23, $0x1F;
	v8 =	vshll.u32 v26, $0x4  }
0x4c1: {  	v9 =	vshll.u32 v27, $0x4;
	vm0 =	veq.s32 v26, v27;
	v15 =	vshll.u32 v32, $0x4  }
0x4c2: {  	v18 =	vshll.u32 v37, $0x4;
	v19 =	vshll.u32 v38, $0x4;
	vm1 =	veq.s32 v27, v37  }
0x4c3: {  	vm3 =	veq.s32 v26, v38;
	v24 =	vshll.u32 v42, $0x4;
	v30 =	vshll.u32 v39, $0x4  }
0x4c4: {  	vm6 =	veq.s32 v27, v39;
	v28 =	vand.u32 $0x7FFFFFFF, v28;
	vm7 =	veq.s32 v39, v32  }
0x4c5: {  	vm2 =	veq.s32 v34, v38;
	vm4 =	veq.s32 v26, v37;
	vm8 =	veq.s32 v26, v32  }
0x4c6: {  	v40 =	vshll.u32 v34, $0x4;
	vm9 =	veq.s32 v32, v37;
	vm5 =	veq.s32 v26, v42  }
0x4c7: {  	vm14 =	veq.s32 v38, v32;
	vm15 =	veq.s32 v39, v37;
	vm12 =	veq.s32 v42, v34  }
0x4c8: {  	vm10 =	veq.s32 v26, v34;
	vm11 =	veq.s32 v42, v37;
	vm13 =	veq.s32 v38, v37  }
0x4c9: {  	v45 =	vand.u32 $0x7FFFFFFF, v45;
	v8 =	vxor.u32 v13, v8;
	v9 =	vxor.u32 v13, v9  }
0x4ca: {  	v22 =	vsel vm0, $0x1, v1;
	v15 =	vxor.u32 v13, v15;
	v20 =	vxor.u32 v13, v18  }
0x4cb: {  	v19 =	vxor.u32 v13, v19;
	vm0 =	veq.s32 v34, v37;
	v18 =	vxor.u32 v13, v24  }
0x4cc: {  	v47 =	vxor.u32 v23, v28;
	v29 =	vsel vm2, $0x1, v1;
	v28 =	vsel vm1, $0x1, v1  }
0x4cd: {  	v48 =	vsel vm4, $0x1, v1;
	vm1 =	veq.s32 v34, v39;
	vm4 =	veq.s32 v27, v32  }
0x4ce: {  	vm2 =	veq.s32 v34, v32;
	v36 =	vsel vm9, $0x1, v1;
	v41 =	vsel vm8, $0x1, v1  }
0x4cf: {  	v23 =	vxor.u32 v13, v30;
	v49 =	vsel vm14, $0x1, v1;
	v30 =	vsel vm6, $0x1, v1  }
0x4d0: {  	vm9 =	veq.s32 v27, v34;
	v44 =	vsel vm15, $0x1, v1;
	v31 =	vsel vm12, $0x1, v1  }
0x4d1: {  	vm6 =	veq.s32 v27, v42;
	v46 =	vsel vm7, $0x1, v1;
	vm7 =	veq.s32 v27, v38;
	v24 =	vld.idx.msk [tilespmem:v20+s12+$0x0], $0xffff  }
0x4d2: {  	vm8 =	veq.s32 v42, v39;
	vm12 =	veq.s32 v42, v32;
	vm14 =	veq.s32 v26, v39;
	v43 =	vld.idx.msk [tilespmem:v15+s12+$0x0], $0xffff  }
0x4d3: {  	v26 =	vxor.u32 v13, v40;
	vm15 =	veq.s32 v39, v38;
	v39 =	vsel vm11, $0x1, v1;
	v50 =	vld.idx.msk [tilespmem:v8+s12+$0x0], $0xffff  }
0x4d4: {  	v55 =	vsel vm3, $0x1, v1;
	v58 =	vsel vm13, $0x1, v1;
	v40 =	vsel vm5, $0x1, v1;
	v63 =	vld.idx.msk [tilespmem:v23+s12+$0x0], $0xffff  }
0x4d5: {  	vm3 =	veq.s32 v42, v38;
	v45 =	vxor.u32 v33, v45;
	v35 =	vsel vm8, $0x1, v1;
	v52 =	vld.idx.msk [tilespmem:v19+s12+$0x0], $0xffff  }
0x4d6: {  	v34 =	vsel vm9, $0x1, v1;
	v53 =	vsel vm12, $0x1, v1;
	v56 =	vsel vm14, $0x1, v1;
	v57 =	vld.idx.msk [tilespmem:v18+s12+$0x0], $0xffff  }
0x4d7: {  	v38 =	vsel vm6, $0x1, v1;
	v42 =	vsel vm3, $0x1, v1;
	v27 =	vshll.u32 v24, $0x4  }
0x4d8: {  	v54 =	vadd.s32 v41, v50;
	v51 =	vadd.s32 v7, v27;
	v27 =	vadd.s32 v36, v43  }
0x4d9: {  	v37 =	vld.idx.msk [tilespmem:v9+s12+$0x0], $0xffff;
	v41 =	vsel vm10, $0x1, v1;
	v32 =	vadd.s32 v46, v63;
	v60 =	vshll.u32 v27, $0x4  }
0x4da: {  	v50 =	vsel vm4, $0x1, v1;
	v46 =	vadd.s32 v44, v32;
	v44 =	vadd.s32 v7, v60  }
0x4db: {  	v61 =	vadd.s32 v49, v52;
	v49 =	vadd.s32 v53, v57;
	v62 =	vadd.s32 v48, v54;
	v48 =	vld.idx.msk [tilespmem:v26+s12+$0x0], $0xffff  }
0x4dc: {  	v36 =	vsel vm7, $0x1, v1;
	v32 =	vadd.s32 v58, v61;
	v63 =	vadd.s32 v55, v62  }
0x4dd: {  	s19 =	simm.s32 $0x200;
	v43 =	vsel vm15, $0x1, v1;
	v33 =	vshll.u32 v32, $0x4;
	[tilespmem:v51+s2+$0x0] =	vst.idx.msk $0xffff, v47;
	v47 =	vadd.s32 v56, v63  }
.LBB2_73:
0x4de: {  	p0 =	sne.s32 s19, $0x7E00;
	v51 =	vsel vm2, $0x1, v1;
	v37 =	vadd.s32 v50, v37;
	v50 =	vshra.s32 v25, $0x1F;
	s20 =	smov.u32 s19;
	s19 =	sadd.s32 $0x200, s19  }
0x4df: {  	v43 =	vadd.s32 v43, v46;
	v46 =	vsel vm0, $0x1, v1;
	[tilespmem:v44+s2+$0x0] =	vst.idx.msk $0xffff, v45;
	v44 =	vand.u32 $0x7FFFFFFF, v50  }
0x4e0: {  	v45 =	vadd.s32 v51, v48;
	v25 =	vxor.u32 v25, v44;
	v44 =	vshll.u32 v43, $0x4  }
0x4e1: {  	v48 =	vsel vm1, $0x1, v1;
	v45 =	vadd.s32 v46, v45;
	v44 =	vadd.s32 v7, v44  }
0x4e2: {  	v39 =	vadd.s32 v39, v49;
	v28 =	vadd.s32 v28, v37;
	v29 =	vadd.s32 v29, v45  }
0x4e3: {  	v37 =	vadd.s32 v42, v39;
	v39 =	vadd.s32 v41, v47;
	v29 =	vadd.s32 v48, v29  }
0x4e4: {  	v35 =	vadd.s32 v35, v37;
	v28 =	vadd.s32 v36, v28;
	v36 =	vshll.u32 v29, $0x4  }
0x4e5: {  	v31 =	vadd.s32 v31, v35;
	v28 =	vadd.s32 v30, v28;
	v30 =	vadd.s32 v40, v39  }
0x4e6: {  	v28 =	vadd.s32 v34, v28;
	v22 =	vadd.s32 v22, v30;
	v30 =	vadd.s32 v7, v33  }
0x4e7: {  	v28 =	vadd.s32 v38, v28;
	v34 =	vshll.u32 v22, $0x4;
	v33 =	vadd.s32 v7, v36  }
0x4e8: {  	v35 =	vshll.u32 v31, $0x4;
	v36 =	vshll.u32 v28, $0x4;
	v34 =	vadd.s32 v7, v34  }
0x4e9: {  	v21 =	vand.u32 $0x7FFFFFFF, v21;
	v37 =	vshra.s32 v17, $0x1F;
	v35 =	vadd.s32 v7, v35  }
0x4ea: {  	v16 =	vxor.u32 v16, v21;
	v21 =	vshra.s32 v14, $0x1F;
	v37 =	vand.u32 $0x7FFFFFFF, v37  }
0x4eb: {  	v17 =	vxor.u32 v17, v37;
	[tilespmem:v30+s2+$0x0] =	vst.idx.msk $0xffff, v16;
	v16 =	vand.u32 $0x7FFFFFFF, v21;
	v21 =	vadd.s32 v7, v36  }
0x4ec: {  	v12 =	vand.u32 $0x7FFFFFFF, v12;
	[tilespmem:v44+s2+$0x0] =	vst.idx.msk $0xffff, v25;
	v14 =	vxor.u32 v14, v16;
	v16 =	vshra.s32 v10, $0x1F  }
0x4ed: {  	v11 =	vxor.u32 v11, v12;
	v12 =	vadd.s32 $0x1, v24;
	[tilespmem:v33+s2+$0x0] =	vst.idx.msk $0xffff, v14;
	v14 =	vand.u32 $0x7FFFFFFF, v16  }
0x4ee: {  	[tilespmem:v35+s2+$0x0] =	vst.idx.msk $0xffff, v17;
	v10 =	vxor.u32 v10, v14;
	v14 =	vadd.s32 $0x1, v27;
	_ =	sdelay $0x1  }
0x4ef: {  	[tilespmem:v21+s2+$0x0] =	vst.idx.msk $0xffff, v10  }
0x4f0: {  	[tilespmem:v34+s2+$0x0] =	vst.idx.msk $0xffff, v11  }
0x4f1: {  	[tilespmem:v20+s12+$0x0] =	vst.idx.msk $0xffff, v12  }
0x4f2: {  	v10 =	vadd.s32 $0x1, v32;
	[tilespmem:v15+s12+$0x0] =	vst.idx.msk $0xffff, v14  }
0x4f3: {  	v11 =	vadd.s32 $0x1, v22;
	[tilespmem:v19+s12+$0x0] =	vst.idx.msk $0xffff, v10;
	v10 =	vadd.s32 $0x1, v43  }
0x4f4: {  	[tilespmem:v23+s12+$0x0] =	vst.idx.msk $0xffff, v10;
	v10 =	vadd.s32 $0x1, v29  }
0x4f5: {  	[tilespmem:v26+s12+$0x0] =	vst.idx.msk $0xffff, v10;
	v10 =	vadd.s32 $0x1, v31  }
0x4f6: {  	[tilespmem:v18+s12+$0x0] =	vst.idx.msk $0xffff, v10;
	v10 =	vadd.s32 $0x1, v28  }
0x4f7: {  	[tilespmem:v9+s12+$0x0] =	vst.idx.msk $0xffff, v10  }
0x4f8: {  	s0 =	sshra.s32 s20, $0x2;
	[tilespmem:v8+s12+$0x0] =	vst.idx.msk $0xffff, v11  }
0x4f9: {  	v11 =	vld [tilespmem:s0+$0x15070]  }
0x4fa: {  	v10 =	vld [tilespmem:s0+$0x15060]  }
0x4fb: {  	v16 =	vld [tilespmem:s0+$0x15020]  }
0x4fc: {  	v33 =	vld [tilespmem:s0+$0x15010]  }
0x4fd: {  	v23 =	vld [tilespmem:s0+$0x15000]  }
0x4fe: {  	v14 =	vld [tilespmem:s0+$0x15040];
	v26 =	vshrl.u32 v11, $0x18;
	v12 =	vshra.s32 v11, $0x1F  }
0x4ff: {  	v27 =	vshrl.u32 v10, $0x18;
	v8 =	vshll.u32 v26, $0x4  }
0x500: {  	v17 =	vld [tilespmem:s0+$0x15050];
	v9 =	vshll.u32 v27, $0x4;
	v8 =	vxor.u32 v13, v8;
	vm0 =	veq.s32 v26, v27  }
0x501: {  	v32 =	vshrl.u32 v33, $0x18;
	v25 =	vld [tilespmem:s0+$0x15030];
	v9 =	vxor.u32 v13, v9;
	v22 =	vsel vm0, $0x1, v1  }
0x502: {  	v42 =	vshrl.u32 v16, $0x18;
	v38 =	vshrl.u32 v23, $0x18;
	v15 =	vshll.u32 v32, $0x4  }
0x503: {  	v21 =	vshra.s32 v16, $0x1F;
	v18 =	vshll.u32 v38, $0x4;
	v15 =	vxor.u32 v13, v15  }
0x504: {  	v19 =	vshll.u32 v42, $0x4;
	v45 =	vshra.s32 v33, $0x1F;
	v34 =	vshrl.u32 v14, $0x18  }
0x505: {  	vm3 =	veq.s32 v26, v42;
	vm1 =	veq.s32 v27, v38;
	v44 =	vshrl.u32 v17, $0x18;
	v40 =	vld.idx.msk [tilespmem:v8+s12+$0x0], $0xffff  }
0x506: {  	v28 =	vshra.s32 v23, $0x1F;
	v39 =	vshrl.u32 v25, $0x18;
	v24 =	vshll.u32 v44, $0x4  }
0x507: {  	v19 =	vxor.u32 v13, v19;
	v20 =	vxor.u32 v13, v18;
	vm0 =	veq.s32 v34, v38;
	v37 =	vld.idx.msk [tilespmem:v9+s12+$0x0], $0xffff  }
0x508: {  	v28 =	vand.u32 $0x7FFFFFFF, v28;
	v30 =	vshll.u32 v39, $0x4;
	vm6 =	veq.s32 v27, v39;
	v36 =	vld.idx.msk [tilespmem:v15+s12+$0x0], $0xffff  }
0x509: {  	v47 =	vxor.u32 v23, v28;
	v18 =	vxor.u32 v13, v24;
	vm7 =	veq.s32 v39, v32  }
0x50a: {  	vm8 =	veq.s32 v26, v32;
	vm4 =	veq.s32 v26, v38;
	vm2 =	veq.s32 v34, v42  }
0x50b: {  	v28 =	vsel vm1, $0x1, v1;
	v49 =	vsel vm4, $0x1, v1;
	v29 =	vsel vm2, $0x1, v1  }
0x50c: {  	v41 =	vshll.u32 v34, $0x4;
	vm4 =	veq.s32 v27, v32;
	vm1 =	veq.s32 v34, v39;
	v24 =	vld.idx.msk [tilespmem:v20+s12+$0x0], $0xffff  }
0x50d: {  	vm9 =	veq.s32 v32, v38;
	vm2 =	veq.s32 v34, v32;
	vm5 =	veq.s32 v26, v44;
	v51 =	vld.idx.msk [tilespmem:v19+s12+$0x0], $0xffff  }
0x50e: {  	v46 =	vsel vm8, $0x1, v1;
	v43 =	vsel vm9, $0x1, v1;
	vm9 =	veq.s32 v42, v32  }
0x50f: {  	v53 =	vsel vm9, $0x1, v1;
	v23 =	vxor.u32 v13, v30;
	v30 =	vsel vm6, $0x1, v1;
	v52 =	vld.idx.msk [tilespmem:v18+s12+$0x0], $0xffff  }
0x510: {  	vm9 =	veq.s32 v27, v34;
	vm8 =	veq.s32 v44, v34;
	vm6 =	veq.s32 v39, v38  }
0x511: {  	v31 =	vsel vm8, $0x1, v1;
	v48 =	vsel vm6, $0x1, v1;
	vm6 =	veq.s32 v27, v44  }
0x512: {  	v50 =	vsel vm7, $0x1, v1;
	vm7 =	veq.s32 v27, v42;
	v27 =	vshll.u32 v24, $0x4  }
0x513: {  	vm10 =	veq.s32 v26, v34;
	vm8 =	veq.s32 v44, v39;
	v54 =	vadd.s32 v7, v27  }
0x514: {  	vm11 =	veq.s32 v44, v38;
	vm12 =	veq.s32 v44, v32;
	v35 =	vsel vm8, $0x1, v1;
	v55 =	vld.idx.msk [tilespmem:v23+s12+$0x0], $0xffff  }
0x515: {  	v34 =	vsel vm9, $0x1, v1;
	v27 =	vadd.s32 v43, v36;
	v36 =	vsel vm7, $0x1, v1  }
0x516: {  	vm8 =	veq.s32 v26, v39;
	vm7 =	veq.s32 v42, v38;
	v32 =	vshll.u32 v27, $0x4  }
0x517: {  	vm9 =	veq.s32 v39, v42;
	v26 =	vxor.u32 v13, v41;
	v39 =	vsel vm11, $0x1, v1  }
0x518: {  	v56 =	vsel vm12, $0x1, v1;
	v57 =	vadd.s32 v46, v40;
	v43 =	vsel vm9, $0x1, v1  }
0x519: {  	v58 =	vsel vm3, $0x1, v1;
	v41 =	vsel vm10, $0x1, v1;
	v59 =	vsel vm8, $0x1, v1  }
0x51a: {  	v40 =	vsel vm5, $0x1, v1;
	v60 =	vsel vm7, $0x1, v1;
	v38 =	vadd.s32 v50, v55  }
.Ltmp54:
0x51b: {  	vm3 =	veq.s32 v44, v42;
	v46 =	vadd.s32 v48, v38;
	v38 =	vsel vm6, $0x1, v1;
	(pc) =	sbr.rel @p0 .LBB2_73-.Ltmp54, $4  }
0x51c: {  	v42 =	vsel vm3, $0x1, v1;
	v44 =	vadd.s32 v7, v32;
	v50 =	vsel vm4, $0x1, v1;
	v48 =	vld.idx.msk [tilespmem:v26+s12+$0x0], $0xffff  }
0x51d: {  	v45 =	vand.u32 $0x7FFFFFFF, v45;
	v49 =	vadd.s32 v49, v57;
	v32 =	vadd.s32 v53, v51;
	[tilespmem:v54+s2+$0x0] =	vst.idx.msk $0xffff, v47  }
0x51e: {  	v45 =	vxor.u32 v33, v45;
	v32 =	vadd.s32 v60, v32;
	v47 =	vadd.s32 v58, v49  }
0x51f: {  	v33 =	vshll.u32 v32, $0x4;
	v49 =	vadd.s32 v56, v52;
	v47 =	vadd.s32 v59, v47  }
0x520: {  	v13 =	vsel vm2, $0x1, v1  }
0x521: {  	v37 =	vadd.s32 v50, v37;
	v59 =	vshra.s32 v25, $0x1F;
	v43 =	vadd.s32 v43, v46  }
0x522: {  	v60 =	vsel vm0, $0x1, v1;
	v63 =	vsel vm1, $0x1, v1;
	v39 =	vadd.s32 v39, v49  }
0x523: {  	v33 =	vadd.s32 v7, v33;
	v21 =	vand.u32 $0x7FFFFFFF, v21;
	v53 =	vshra.s32 v14, $0x1F  }
0x524: {  	v50 =	vand.u32 $0x7FFFFFFF, v59;
	v13 =	vadd.s32 v13, v48;
	v62 =	vshll.u32 v43, $0x4  }
0x525: {  	v28 =	vadd.s32 v28, v37;
	v16 =	vxor.u32 v16, v21;
	v13 =	vadd.s32 v60, v13  }
0x526: {  	v48 =	vadd.s32 v7, v62;
	v28 =	vadd.s32 v36, v28;
	v13 =	vadd.s32 v29, v13  }
0x527: {  	v29 =	vadd.s32 v42, v39;
	v42 =	vadd.s32 v41, v47;
	v28 =	vadd.s32 v30, v28  }
0x528: {  	v13 =	vadd.s32 v63, v13;
	v29 =	vadd.s32 v35, v29;
	v47 =	vadd.s32 v40, v42  }
0x529: {  	v28 =	vadd.s32 v34, v28;
	v46 =	vshll.u32 v13, $0x4;
	v29 =	vadd.s32 v31, v29  }
0x52a: {  	v28 =	vadd.s32 v38, v28;
	v49 =	vadd.s32 v7, v46;
	v51 =	vshll.u32 v29, $0x4  }
0x52b: {  	v22 =	vadd.s32 v22, v47;
	v52 =	vshll.u32 v28, $0x4;
	v34 =	vadd.s32 v7, v51  }
0x52c: {  	[tilespmem:v44+s2+$0x0] =	vst.idx.msk $0xffff, v45;
	v61 =	vxor.u32 v25, v50;
	v50 =	vshll.u32 v22, $0x4;
	v35 =	vadd.s32 v7, v52  }
0x52d: {  	v54 =	vshra.s32 v17, $0x1F;
	v55 =	vand.u32 $0x7FFFFFFF, v53;
	[tilespmem:v33+s2+$0x0] =	vst.idx.msk $0xffff, v16;
	v7 =	vadd.s32 v7, v50  }
0x52e: {  	v58 =	vshra.s32 v10, $0x1F;
	v56 =	vand.u32 $0x7FFFFFFF, v54;
	v57 =	vxor.u32 v14, v55;
	[tilespmem:v48+s2+$0x0] =	vst.idx.msk $0xffff, v61  }
0x52f: {  	v59 =	vxor.u32 v17, v56;
	v60 =	vand.u32 $0x7FFFFFFF, v58;
	[tilespmem:v49+s2+$0x0] =	vst.idx.msk $0xffff, v57  }
0x530: {  	v12 =	vand.u32 $0x7FFFFFFF, v12;
	v61 =	vxor.u32 v10, v60;
	[tilespmem:v34+s2+$0x0] =	vst.idx.msk $0xffff, v59  }
0x531: {  	v11 =	vxor.u32 v11, v12;
	[tilespmem:v35+s2+$0x0] =	vst.idx.msk $0xffff, v61  }
0x532: {  	v62 =	vadd.s32 $0x1, v24;
	[tilespmem:v7+s2+$0x0] =	vst.idx.msk $0xffff, v11  }
0x533: {  	v7 =	vadd.s32 $0x1, v27;
	[tilespmem:v20+s12+$0x0] =	vst.idx.msk $0xffff, v62  }
0x534: {  	[tilespmem:v15+s12+$0x0] =	vst.idx.msk $0xffff, v7;
	v7 =	vadd.s32 $0x1, v32  }
0x535: {  	[tilespmem:v19+s12+$0x0] =	vst.idx.msk $0xffff, v7;
	v7 =	vadd.s32 $0x1, v43  }
0x536: {  	[tilespmem:v23+s12+$0x0] =	vst.idx.msk $0xffff, v7;
	v7 =	vadd.s32 $0x1, v13  }
0x537: {  	[tilespmem:v26+s12+$0x0] =	vst.idx.msk $0xffff, v7;
	v7 =	vadd.s32 $0x1, v29  }
0x538: {  	[tilespmem:v18+s12+$0x0] =	vst.idx.msk $0xffff, v7;
	v7 =	vadd.s32 $0x1, v28  }
0x539: {  	s0 =	sshll.u32 s18, $0x1;
	p0 =	sne.s32 s17, $0x8;
	v63 =	vadd.s32 $0x1, v22;
	[tilespmem:v9+s12+$0x0] =	vst.idx.msk $0xffff, v7  }
.Ltmp55:
0x53a: {  	s0 =	sadd.s32 s0, s6;
	[tilespmem:v8+s12+$0x0] =	vst.idx.msk $0xffff, v63;
	(pc) =	sbr.rel @p0 .LBB2_4-.Ltmp55, $4  }
0x53b: {  	[hbm4b:s0+s8] =	stream.strided.scatter [tilespmem:s14], [sflag:$0x2], $0x2000, s9, s8, $0x38;
	[tilespmem:$0x17000] =	vst v63  }
0x53c: {  	_ =	swait.ge [sflag:s15], $0x2000  }
0x53d: {  	[sflag:s15] =	ssyncset.done $0x0  }
0x53e: {  	[sflag:s15] =	ssyncadd.s32 $0xFFFFE000  }
0x53f: {  	s16 =	sadd.s32 $0x1, s16  }
0x540: {  	p0 =	sne.s32 s16, s7  }
.Ltmp56:
0x541: {  	_ = 	snop;
	(pc) =	sbr.rel @p0 .LBB2_1-.Ltmp56, $4  }
0x542: {  	_ = 	snop  }
0x543: {  	_ =	swait.ge [sflag:s10], $0x10000  }
0x544: {  	[sflag:s10] =	ssyncset.done $0x0  }
0x545: {  	[sflag:s10] =	ssyncadd.s32 $0xFFFF0000  }
0x546: {  	_ =	sfence.sel $0x180000  }
0x547: {  	[bflag:$0x0] =	sbarrier.arrive $0xFFFF  }
0x548: {  	_ =	strace $0x9000004A  }
0x549: {  	s0 =	stileid.u32;
	[bflag:$0x2] =	sbarrier.arrive $0xFFFF  }
0x54a: {  	p0 =	sne.s32 s0, $0x0;
	s0 =	rddreg [dreg:$0x1]  }
0x54b: {  	s0 =	sadd.s32 @!p0 $0x100000, s0  }
0x54c: {  	[sflag:s0] =	ssyncadd.tile.s32 @!p0 $0x1;
	_ =	shalt  }
.Lfunc_end2:
_tile_overlayer_lowered:
.L_overlay_start_2:
0x54d: {  	(tag) =	ssettag $0x2  }
0x54e: {  	s0 =	rddreg [dreg:$0x0];
	s2 =	stileid.u32  }
0x54f: {  	s1 =	rddreg [dreg:$0x1];
	p0 =	sne.s32 s2, $0x0  }
0x550: {  	s3 =	rddreg [dreg:$0x2];
	[bflag:$0x3] =	sbarrier.arrive $0xFFFF;
	s2 =	simm.s32 @!p0 $0x1C02  }
0x551: {  	[timem:s3], [sflag:s2] =	dma.local @!p0 [hbm:s0], s1  }
0x552: {  	s0 =	simm.s32 @!p0 $0x2  }
0x553: {  	_ =	swait.ge @!p0 [sflag:s0], s1  }
0x554: {  	s1 =	ssub.s32 @!p0 $0x0, s1;
	[sflag:s0] =	ssyncset.done @!p0 $0x0  }
0x555: {  	[sflag:s0] =	ssyncadd.s32 @!p0 s1  }
0x556: {  	[bflag:$0x3] =	sbarrier.arrive $0xFFFF  }
0x557: {  	_ =	shalt  }

// kernel: sparse-core-data-format-call.cloned.1.call-start
scs
called_computation_lowered:
.L_overlay_start_0:
0x0: {  	s2 =	sld [smem:$0x3FD9]  }
0x1: {  	s3 =	sld [smem:$0x3FFE];
	_ =	sdelay $0x1  }
0x2: {  	s1 =	srdreg.scid  }
0x3: {  	s0 =	sand.u32 $0x1, s1  }
0x4: {  	s18 =	sshll.u32 s0, $0xA;
	s2 =	sadd.s32 s3, s2  }
0x5: {  	s2 =	sadd.s32 s2, s18  }
0x6: {  	[smem:$0x3FC7] =	sst s2  }
0x7: {  	_ = 	snop  }
0x8: {  	s2 =	sld [smem:$0x3FC9];
	(tm) =	ssettm $0x1  }
0x9: {  	s19 =	sld [smem:$0x3FFB];
	_ =	sdelay $0x3  }
0xa: {  	_ =	strace s19  }
0xb: {  	s3 =	sld [smem:$0x3FFC];
	_ =	sdelay $0x3  }
0xc: {  	_ =	strace s3  }
0xd: {  	s3 =	sld [smem:$0x3FFD];
	_ =	sdelay $0x3  }
0xe: {  	_ =	strace s3  }
0xf: {  	_ =	strace $0x8FFFFFFF  }
0x10: {  	s20 =	sld [smem:$0x3FDB];
	_ =	sdelay $0x1  }
0x11: {  	s4 =	simm.s32 $_scs_section_size  }
0x12: {  	s5 =	simm.s32 $_size__tile_overlayer_lowered;
	s6 =	simm.s32 $_tile_overlayer_lowered  }
0x13: {  	s23 =	simm.s32 $0x1BFF;
	s22 =	sshll.u32 s6, $0x1;
	s3 =	sadd.s32 s4, s20  }
0x14: {  	s7 =	simm.s32 $0x0;
	s21 =	sshll.u32 s5, $0x1;
	s5 =	sadd.s32 s22, s3  }
0x15: {  	[timem:s7], [sflag:s23] =	dma.local [hbm:s5], s21  }
0x16: {  	_ =	swait.ge [sflag:s23], s21  }
0x17: {  	s4 =	ssub.s32 $0x0, s21;
	[sflag:s23] =	ssyncset.done $0x0  }
0x18: {  	[sflag:s23] =	ssyncadd.s32 s4;
	_ =	sdelay $0x1  }
0x19: {  	s24 =	simm.s32 $0x1B8B  }
0x1a: {  	_ =	swait.ge [sflag:s24], $0x1  }
0x1b: {  	[sflag:s24] =	ssyncset.done $0x0  }
0x1c: {  	s26 =	simm.s32 $0x1B8E;
	s25 =	sld [smem:$0x3FFE];
	[sflag:s24] =	ssyncadd.s32 $0xFFFFFFFF  }
0x1d: {  	s27 =	simm.s32 $execute0_lowered;
	[smem:$0x3FD2] =	sst s26  }
0x1e: {  	s5 =	sshll.u32 s27, $0x1;
	_ =	strace $0x80000046;
	[dreg:$0x1] =	wrdreg $0xFFFFFFFF  }
0x1f: {  	s28 =	simm.s32 $_size_execute0_lowered;
	s3 =	sadd.s32 s3, s5;
	[dreg:$0x0] =	wrdreg $0x0  }
0x20: {  	s5 =	sshll.u32 s28, $0x1;
	[dreg:$0x2] =	wrdreg s3  }
0x21: {  	[dreg:$0x3] =	wrdreg s5  }
0x22: {  	[dreg:$0x4] =	wrdreg $0xC0  }
0x23: {  	_ =	task [dreg:s7], $0x5FFFF  }
0x24: {  	[dreg:$0x1] =	wrdreg $0xFFFFFFFF  }
0x25: {  	[dreg:$0x0] =	wrdreg $0x60  }
0x26: {  	[dreg:$0x2] =	wrdreg s2  }
0x27: {  	[dreg:$0x3] =	wrdreg s25  }
0x28: {  	[dreg:$0x4] =	wrdreg $0x9  }
0x29: {  	_ =	task.clear_ibuf [dreg:s7], $0x5FFFF;
	_ =	strace $0x90000046  }
0x2a: {  	s29 =	simm.s32 $0x9;
	_ =	strace $0x80000048  }
0x2b: {  	_ =	swait.ge [sflag:s29], $0x1  }
0x2c: {  	[sflag:s29] =	ssyncadd.s32 $0xFFFFFFFF  }
0x2d: {  	_ =	strace $0x90000048  }
0x2e: {  	_ =	sfence  }
0x2f: {  	s30 =	sld [smem:$0x0];
	_ =	sdelay $0x2  }
0x30: {  	s31 =	sshll.u32 s1, $0xD;
	s1 =	sshrl.u32 s1, $0x2  }
0x31: {  	s3 =	sand.u32 $0x4000, s31;
	s1 =	sadd.s32 s1, s30  }
0x32: {  	s0 =	sor.u32 s3, s0;
	s1 =	sshll.u32 s1, $0x11  }
0x33: {  	s0 =	sor.u32 s1, s0  }
0x34: {  	s0 =	sadd.s32 $0x8F2B, s0  }
0x35: {  	[sflag:s0] =	ssyncadd.remote.s32 $0x1  }
0x36: {  	_ =	sfence.sel $0xFFFF  }
0x37: {  	[dreg:$0x0] =	wrdreg $0xFFFFFFFF;
	(pc) =	sbr.abs _section_cstart, $3  }
0x38: {  	[dreg:$0x1] =	wrdreg $0xFFFFFFFF  }
0x39: {  	_ =	task.clear_ibuf [dreg:s7], $0x2FFFF;
	_ =	strace $0x9FFFFFFF  }
0x3a: {  	(tm) =	ssettm $0x7FFFFFFF  }
0x3b: {  	_ =	shalt  }
tec
execute0_lowered:
.L_overlay_start_1:
0x0: {  	(tag) =	ssettag $0x1  }
0x1: {  	s0 =	srdreg.scid  }
0x2: {  	s1 =	sshll.u32 s0, $0x4  }
0x3: {  	s2 =	rddreg [dreg:$0x0];
	s0 =	stileid.u32;
	s1 =	sand.u32 $0x10, s1  }
0x4: {  	s4 =	rddreg [dreg:$0x1];
	s7 =	simm.s32 $0x1;
	s1 =	sor.u32 s0, s1  }
0x5: {  	s8 =	simm.s32 $0x2;
	s9 =	simm.s32 $0x0;
	s3 =	sshll.u32 s1, $0x1  }
0x6: {  	s12 =	simm.s32 $0x0;
	s11 =	simm.s32 $0x0;
	s6 =	ssub.s32 $0x800, s3  }
.Ltmp0:
0x7: {  	s4 =	sadd.s32 $0x800, s4;
	s5 =	sand.u32 $0x3E, s6;
	(pc) =	sbr.rel .LBB1_1-.Ltmp0, $4  }
0x8: {  	s1 =	rddreg [dreg:$0x2];
	_ =	strace $0x80000047;
	p0 =	sne.s32 s5, $0x0  }
0x9: {  	s6 =	sshrl.u32 s6, $0x6;
	s5 =	simm.s32 $0x1;
	s7 =	simm.s32 @!p0 $0x0  }
0xa: {  	s10 =	smov.u32 s3;
	[sflag:s5] =	ssyncpa.u1 $0x0;
	s6 =	sadd.s32 s7, s6  }
0xb: {  	[sflag:s8] =	ssyncpa.u1 $0x0;
	s8 =	simm.s32 $0x0;
	s7 =	sadd.s32 $0x1, s6  }
.LBB1_9:
0xc: {  	s14 =	sadd.s32 $0x40, s10  }
0xd: {  	p1 =	sgt.s32 s14, $0x7FF  }
0xe: {  	s14 =	smov.u32 @p1 s3;
	p1 =	sne.s32 s11, s7  }
.Ltmp1:
0xf: {  	p0 =	slt.u32 s11, $0x2;
	(pc) =	sbr.rel @!p1 .LBB1_10-.Ltmp1, $4  }
0x10: {  	s13 =	simm.s32 @!p0 $0x2  }
0x11: {  	s15 =	sadd.s32 $0x1, s11;
	_ =	swait.ge @!p0 [sflag:s13], $0x4000  }
0x12: {  	s12 =	smov.u32 s10;
	s9 =	sadd.s32 $0x4000, s9;
	[sflag:s13] =	ssyncset.done @!p0 $0x0  }
0x13: {  	s11 =	smov.u32 s15;
	s10 =	smov.u32 s14;
	[sflag:s13] =	ssyncadd.s32 @!p0 $0xFFFFC000  }
.LBB1_1:
0x14: {  	p0 =	sge.u32 s11, s6  }
0x15: {  	s13 =	sxor.u32 @!p0 $0xFFFFFFFF, s11  }
0x16: {  	s31 =	sadd.s32 $0xFFFFFFFF, s11;
	s14 =	sshll.u32 @!p0 s10, $0xA;
	s13 =	sshll.u32 @!p0 s13, $0xE  }
0x17: {  	s15 =	simm.s32 @!p0 $0x0;
	s14 =	sadd.s32 @!p0 s2, s14;
	s13 =	sand.u32 @!p0 $0x4000, s13  }
0x18: {  	[tilespmem:s13], [sflag:$0x1] =	stream.linear.gather @!p0 [hbm4b:s14+s15], $0x4000, $0x38;
	[tilespmem:$0x10000] =	vst v63  }
0x19: {  	p0 =	sge.u32 s31, s6  }
.Ltmp2:
0x1a: {  	_ = 	snop;
	(pc) =	sbr.rel @p0 .LBB1_9-.Ltmp2, $1  }
0x1b: {  	_ =	sdelay $0x3  }
0x1c: {  	s13 =	sshll.u32 s9, $0x2  }
0x1d: {  	_ =	swait.ge [sflag:s5], $0x4000;
	s14 =	sshll.u32 s11, $0xE;
	s16 =	simm.s32 $0x0  }
0x1e: {  	p1 =	por $0x1, $0x1;
	s13 =	sand.u32 $0x10000, s13;
	[sflag:s5] =	ssyncset.done $0x0  }
0x1f: {  	s14 =	sand.u32 $0x4000, s14;
	s15 =	sshrl.u32 s13, $0x2;
	[sflag:s5] =	ssyncadd.s32 $0xFFFFC000  }
0x20: {  	s13 =	sor.u32 $0x8000, s14;
	s14 =	sadd.s32 $0x8040, s15;
	s15 =	sadd.s32 $0x40, s15  }
.LBB1_3:
0x21: {  	s16 =	sshll.u32 s16, $0x2  }
0x22: {  	p0 =	por p1, p1;
	s17 =	sshra.s32 s16, $0x2  }
0x23: {  	s18 =	simm.s32 $0x0;
	s16 =	sadd.s32 s17, s14;
	s17 =	sadd.s32 s17, s15  }
.LBB1_4:
0x24: {  	v0 =	vmov s17;
	_ =	sdelay $0x3  }
0x25: {  	s20 =	simm.s32 $0x0  }
0x26: {  	v6 =	vld.idx.msk [tilespmem:v0+s20+$0x30 ss:$0x1], $0xffff  }
0x27: {  	v7 =	vld.idx.msk [tilespmem:v0+s20+$0xFFFFFFC0 ss:$0x1], $0xffff  }
0x28: {  	v5 =	vld.idx.msk [tilespmem:v0+s20+$0xFFFFFFD0 ss:$0x1], $0xffff  }
0x29: {  	v4 =	vld.idx.msk [tilespmem:v0+s20+$0xFFFFFFE0 ss:$0x1], $0xffff  }
0x2a: {  	v3 =	vld.idx.msk [tilespmem:v0+s20+$0xFFFFFFF0 ss:$0x1], $0xffff  }
0x2b: {  	v1 =	vld.idx.msk [tilespmem:v0+s20+$0x0 ss:$0x1], $0xffff  }
0x2c: {  	v2 =	vld.idx.msk [tilespmem:v0+s20+$0x10 ss:$0x1], $0xffff;
	[tilespmem:s16+$0x30] =	vst v6  }
0x2d: {  	s19 =	simm.s32 $0x80;
	s21 =	simm.s32 $0x400;
	[tilespmem:s16+$0xFFFFFFC0] =	vst v7;
	v6 =	vld.idx.msk [tilespmem:v0+s20+$0x20 ss:$0x1], $0xffff;
	s20 =	smov.u32 s16  }
.LBB1_5:
0x2e: {  	p1 =	sne.s32 s21, $0xE00;
	v7 =	vld.idx.msk [tilespmem:v0+s19+$0x30 ss:$0x1], $0xffff;
	[tilespmem:s20+$0xFFFFFFD0] =	vst v5  }
0x2f: {  	v8 =	vld.idx.msk [tilespmem:v0+s19+$0xFFFFFFC0 ss:$0x1], $0xffff;
	[tilespmem:s20+$0xFFFFFFE0] =	vst v4  }
0x30: {  	v5 =	vld.idx.msk [tilespmem:v0+s19+$0xFFFFFFD0 ss:$0x1], $0xffff;
	[tilespmem:s20+$0xFFFFFFF0] =	vst v3  }
.Ltmp3:
0x31: {  	v4 =	vld.idx.msk [tilespmem:v0+s19+$0xFFFFFFE0 ss:$0x1], $0xffff;
	[tilespmem:s20+$0x0] =	vst v1;
	(pc) =	sbr.rel @p1 .LBB1_5-.Ltmp3, $4  }
0x32: {  	v3 =	vld.idx.msk [tilespmem:v0+s19+$0xFFFFFFF0 ss:$0x1], $0xffff;
	[tilespmem:s20+$0x10] =	vst v2  }
0x33: {  	v1 =	vld.idx.msk [tilespmem:v0+s19+$0x0 ss:$0x1], $0xffff;
	[tilespmem:s20+$0x20] =	vst v6;
	s20 =	sadd.s32 $0x400, s20  }
0x34: {  	v2 =	vld.idx.msk [tilespmem:v0+s19+$0x10 ss:$0x1], $0xffff;
	[tilespmem:s20+$0x30] =	vst v7  }
0x35: {  	[tilespmem:s20+$0xFFFFFFC0] =	vst v8;
	v6 =	vld.idx.msk [tilespmem:v0+s19+$0x20 ss:$0x1], $0xffff;
	s19 =	sshra.s32 s21, $0x2;
	s21 =	sadd.s32 $0x200, s21  }
0x36: {  	_ =	sdelay $0x2  }
0x37: {  	[tilespmem:s20+$0xFFFFFFD0] =	vst v5  }
0x38: {  	v56 =	vld.idx.msk [tilespmem:v0+s19+$0x30 ss:$0x1], $0xffff;
	[tilespmem:s20+$0xFFFFFFE0] =	vst v4  }
0x39: {  	v57 =	vld.idx.msk [tilespmem:v0+s19+$0xFFFFFFC0 ss:$0x1], $0xffff;
	[tilespmem:s20+$0xFFFFFFF0] =	vst v3  }
0x3a: {  	v58 =	vld.idx.msk [tilespmem:v0+s19+$0xFFFFFFD0 ss:$0x1], $0xffff;
	[tilespmem:s20+$0x0] =	vst v1  }
0x3b: {  	v59 =	vld.idx.msk [tilespmem:v0+s19+$0xFFFFFFE0 ss:$0x1], $0xffff;
	[tilespmem:s20+$0x10] =	vst v2  }
0x3c: {  	v60 =	vld.idx.msk [tilespmem:v0+s19+$0xFFFFFFF0 ss:$0x1], $0xffff;
	s31 =	sadd.s32 $0x400, s20;
	[tilespmem:s20+$0x20] =	vst v6  }
0x3d: {  	v61 =	vld.idx.msk [tilespmem:v0+s19+$0x0 ss:$0x1], $0xffff;
	[tilespmem:s31+$0x30] =	vst v56  }
0x3e: {  	v62 =	vld.idx.msk [tilespmem:v0+s19+$0x10 ss:$0x1], $0xffff;
	s18 =	sadd.s32 $0x1, s18;
	[tilespmem:s31+$0xFFFFFFC0] =	vst v57  }
0x3f: {  	v63 =	vld.idx.msk [tilespmem:v0+s19+$0x20 ss:$0x1], $0xffff;
	p1 =	sne.s32 s18, $0x8;
	[tilespmem:s31+$0xFFFFFFD0] =	vst v58  }
.Ltmp4:
0x40: {  	[tilespmem:s31+$0xFFFFFFE0] =	vst v59;
	(pc) =	sbr.rel @p1 .LBB1_4-.Ltmp4, $4  }
0x41: {  	[tilespmem:s31+$0xFFFFFFF0] =	vst v60  }
0x42: {  	[tilespmem:s31+$0x0] =	vst v61  }
0x43: {  	[tilespmem:s31+$0x10] =	vst v62  }
0x44: {  	s16 =	sadd.s32 $0x80, s16;
	s17 =	sadd.s32 $0x400, s17;
	[tilespmem:s31+$0x20] =	vst v63  }
.Ltmp5:
0x45: {  	(pc) =	sbr.rel @p0 .LBB1_3-.Ltmp5, $2  }
0x46: {  	_ =	sdelay $0x2  }
0x47: {  	s16 =	simm.s32 $0x2000;
	p1 =	por $0x0, $0x0  }
.Ltmp6:
0x48: {  	(pc) =	sbr.rel .LBB1_9-.Ltmp6, $4  }
0x49: {  	_ = 	snop  }
0x4a: {  	s12 =	sshll.u32 s12, $0xA  }
0x4b: {  	s12 =	sadd.s32 s4, s12  }
0x4c: {  	[hbm4b:s12+s8] =	stream.linear.scatter [tilespmem:s13], [sflag:$0x2], $0x4000, $0x38;
	[tilespmem:$0x10000] =	vst v63  }
.LBB1_10:
0x4d: {  	_ =	sfence.sel $0x180000  }
0x4e: {  	s2 =	simm.s32 $0x1;
	[bflag:$0x0] =	sbarrier.arrive $0xFFFF  }
0x4f: {  	s31 =	simm.s32 $0x2;
	[sflag:s2] =	ssyncpa.u1 $0x1  }
0x50: {  	[sflag:s31] =	ssyncpa.u1 $0x1  }
0x51: {  	p0 =	sne.s32 s0, $0x0;
	_ =	strace $0x90000047  }
0x52: {  	s0 =	sadd.s32 @!p0 $0x100000, s1;
	[bflag:$0x2] =	sbarrier.arrive $0xFFFF  }
0x53: {  	[sflag:s0] =	ssyncadd.tile.s32 @!p0 $0x1;
	_ =	shalt  }
.Lfunc_end1:
_tile_overlayer_lowered:
.L_overlay_start_2:
0x54: {  	(tag) =	ssettag $0x2  }
0x55: {  	s0 =	rddreg [dreg:$0x0];
	s2 =	stileid.u32  }
0x56: {  	s1 =	rddreg [dreg:$0x1];
	p0 =	sne.s32 s2, $0x0  }
0x57: {  	s3 =	rddreg [dreg:$0x2];
	[bflag:$0x3] =	sbarrier.arrive $0xFFFF;
	s2 =	simm.s32 @!p0 $0x1C01  }
0x58: {  	[timem:s3], [sflag:s2] =	dma.local @!p0 [hbm:s0], s1  }
0x59: {  	s0 =	simm.s32 @!p0 $0x1  }
0x5a: {  	_ =	swait.ge @!p0 [sflag:s0], s1  }
0x5b: {  	s1 =	ssub.s32 @!p0 $0x0, s1;
	[sflag:s0] =	ssyncset.done @!p0 $0x0  }
0x5c: {  	[sflag:s0] =	ssyncadd.s32 @!p0 s1  }
0x5d: {  	[bflag:$0x3] =	sbarrier.arrive $0xFFFF  }
0x5e: {  	_ =	shalt  }

</sc_bundles>
